<compile_context>
chip_gen: v7x
topology: tpu7x:2x2x1
jax: 0.10.2.dev20260603
libtpu: 0.0.44.dev20260713+nightly
codegen_flags: <defaults>
</compile_context>

<pallas_src>
import jax
import jax.numpy as jnp
from jax import lax
from jax.experimental import pallas as pl
from jax.experimental.pallas import tpu as pltpu
from jax.experimental.pallas import tpu_sc as plsc

N_NODES = 10000
N_EDGES = 320000
NPAD = 10240
NC, NS = 2, 16
NW = NC * NS
ROWS_PER_TILE = NPAD // NS
CH = 128
TCH = 2560
NBUF = 4

DEG_SPLIT = (88, 72)
W16_SPLIT = (104, 56)
W32_SPLIT = (112, 48)


def _sc_mesh():
    return plsc.VectorSubcoreMesh(core_axis_name="c", subcore_axis_name="s",
                                  num_cores=NC, num_subcores=NS)



def _make_deg_body(split):
    A, B = split

    def body(edge_hbm, out_hbm, idx_v, ones_v, zrow_v, deg_sh):
        c = lax.axis_index("c")
        s = lax.axis_index("s")
        tb = s * ROWS_PER_TILE
        nch = jnp.where(c == 0, A, B)

        def fill_ones(i, _):
            ones_v[pl.ds(i * 16, 16)] = jnp.ones((16,), jnp.float32)
            return 0
        lax.fori_loop(0, CH // 16, fill_ones, 0)

        def fill_zero(i, _):
            zrow_v[pl.ds(i * 16, 16)] = jnp.zeros((16,), jnp.float32)
            return 0
        lax.fori_loop(0, ROWS_PER_TILE // 16, fill_zero, 0)

        @pl.when(c == 0)
        def _():
            pltpu.sync_copy(edge_hbm.at[1].at[pl.ds(s * A, A)],
                            idx_v.at[pl.ds(0, A)])

        @pl.when(c == 1)
        def _():
            pltpu.sync_copy(edge_hbm.at[1].at[pl.ds(NS * A + s * B, B)],
                            idx_v.at[pl.ds(0, B)])

        pltpu.sync_copy(zrow_v, deg_sh.at[pl.ds(tb, ROWS_PER_TILE)])
        plsc.subcore_barrier()

        def step(j, _):
            pltpu.sync_copy(ones_v, deg_sh.at[idx_v.at[j]], add=True)
            return 0
        lax.fori_loop(0, nch, step, 0)

        plsc.subcore_barrier()
        pltpu.sync_copy(deg_sh.at[pl.ds(tb, ROWS_PER_TILE)],
                        out_hbm.at[pl.ds(c * NPAD + tb, ROWS_PER_TILE)])
    return body


def _sc_deg(edges):
    A = DEG_SPLIT[0]
    f = pl.kernel(
        _make_deg_body(DEG_SPLIT),
        out_type=jax.ShapeDtypeStruct((NC * NPAD,), jnp.float32),
        mesh=_sc_mesh(),
        scratch_types=[
            pltpu.VMEM((A, CH), jnp.int32),
            pltpu.VMEM((CH,), jnp.float32),
            pltpu.VMEM((ROWS_PER_TILE,), jnp.float32),
            pltpu.VMEM_SHARED((NPAD,), jnp.float32),
        ],
        name="sc_degree",
    )
    return f(edges)



def _make_scatter_body(W, split):
    A, B = split

    def body(table_hbm, edge_hbm, out_hbm,
             src_v, dst_v, rows_v, zblk_v, acc_sh,
             g0, g1, g2, g3, s0, s1, s2, s3):
        gsems = (g0, g1, g2, g3)
        ssems = (s0, s1, s2, s3)
        c = lax.axis_index("c")
        s = lax.axis_index("s")
        tb = s * ROWS_PER_TILE
        nch = jnp.where(c == 0, A, B)

        for g in range(16):
            for h in range(W // 16):
                zblk_v[g, pl.ds(h * 16, 16)] = jnp.zeros((16,), jnp.float32)

        @pl.when(c == 0)
        def _():
            pltpu.sync_copy(edge_hbm.at[0].at[pl.ds(s * A, A)],
                            src_v.at[pl.ds(0, A)])
            pltpu.sync_copy(edge_hbm.at[1].at[pl.ds(s * A, A)],
                            dst_v.at[pl.ds(0, A)])

        @pl.when(c == 1)
        def _():
            pltpu.sync_copy(edge_hbm.at[0].at[pl.ds(NS * A + s * B, B)],
                            src_v.at[pl.ds(0, B)])
            pltpu.sync_copy(edge_hbm.at[1].at[pl.ds(NS * A + s * B, B)],
                            dst_v.at[pl.ds(0, B)])

        def zstep(i, _):
            pltpu.sync_copy(zblk_v, acc_sh.at[pl.ds(tb + i * 16, 16)])
            return 0
        lax.fori_loop(0, ROWS_PER_TILE // 16, zstep, 0)
        plsc.subcore_barrier()

        def gstart(j, b):
            pltpu.async_copy(table_hbm.at[src_v.at[j]], rows_v.at[b], gsems[b])

        def gwait(j, b):
            pltpu.make_async_copy(table_hbm.at[src_v.at[j]], rows_v.at[b],
                                  gsems[b]).wait()

        def sstart(j, b):
            pltpu.async_copy(rows_v.at[b], acc_sh.at[dst_v.at[j]], ssems[b],
                             add=True)

        def swait(j, b):
            pltpu.make_async_copy(rows_v.at[b], acc_sh.at[dst_v.at[j]],
                                  ssems[b]).wait()

        gstart(0, 0)
        gstart(1, 1)
        gstart(2, 2)

        def step(g, _):
            for b in range(NBUF):
                j = NBUF * g + b
                gwait(j, b)
                sstart(j, b)
                nb = (b + 3) % NBUF
                nxt = j + 3

                @pl.when((nxt < nch) & (j >= 1))
                def _():
                    swait(j - 1, nb)
                    gstart(nxt, nb)

                if b == 0:
                    @pl.when((g == 0) & (3 < nch))
                    def _():
                        gstart(3, 3)
            return 0
        lax.fori_loop(0, nch // NBUF, step, 0)

        for b in range(NBUF):
            swait(nch - NBUF + b, b)

        plsc.subcore_barrier()
        pltpu.sync_copy(acc_sh.at[pl.ds(tb, ROWS_PER_TILE)],
                        out_hbm.at[pl.ds(c * NPAD + tb, ROWS_PER_TILE)])
    return body


def _sc_scatter(table, edges, W, split):
    A = split[0]
    f = pl.kernel(
        _make_scatter_body(W, split),
        out_type=jax.ShapeDtypeStruct((NC * NPAD, W), jnp.float32),
        mesh=_sc_mesh(),
        scratch_types=[
            pltpu.VMEM((A, CH), jnp.int32),
            pltpu.VMEM((A, CH), jnp.int32),
            pltpu.VMEM((NBUF, CH, W), jnp.float32),
            pltpu.VMEM((16, W), jnp.float32),
            pltpu.VMEM_SHARED((NPAD, W), jnp.float32),
            pltpu.SemaphoreType.DMA,
            pltpu.SemaphoreType.DMA,
            pltpu.SemaphoreType.DMA,
            pltpu.SemaphoreType.DMA,
            pltpu.SemaphoreType.DMA,
            pltpu.SemaphoreType.DMA,
            pltpu.SemaphoreType.DMA,
            pltpu.SemaphoreType.DMA,
        ],
        compiler_params=pltpu.CompilerParams(use_tc_tiling_on_sc=False),
        name=f"sc_edge_scatter_w{W}",
    )
    return f(table, edges)



_BM = 1024


def _tc_stage1(x_pad, W1, dega, degb):
    def body(x_ref, w_ref, da_ref, db_ref, h_ref, dinv_ref):
        deg = da_ref[...] + db_ref[...] + 1.0
        dinv = lax.rsqrt(deg)
        h = jnp.dot(x_ref[...], w_ref[...], preferred_element_type=jnp.float32)
        h_ref[...] = h * dinv
        dinv_ref[...] = dinv

    return pl.pallas_call(
        body,
        grid=(NPAD // _BM,),
        in_specs=[pl.BlockSpec((_BM, 128), lambda i: (i, 0)),
                  pl.BlockSpec((128, 16), lambda i: (0, 0)),
                  pl.BlockSpec((_BM, 1), lambda i: (i, 0)),
                  pl.BlockSpec((_BM, 1), lambda i: (i, 0))],
        out_specs=[pl.BlockSpec((_BM, 16), lambda i: (i, 0)),
                   pl.BlockSpec((_BM, 1), lambda i: (i, 0))],
        out_shape=[jax.ShapeDtypeStruct((NPAD, 16), jnp.float32),
                   jax.ShapeDtypeStruct((NPAD, 1), jnp.float32)],
        name="tc_stage1",
    )(x_pad, W1, dega, degb)


def _tc_stage2(S1a, S1b, h1p, dinv, b1, W2):
    def body(sa, sb, hp, dv, b_ref, w_ref, out):
        i = pl.program_id(0)
        g = dv[...] * (sa[...] + sb[...] + hp[...]) + b_ref[...]
        g = jnp.maximum(g, 0.0)
        h2 = jnp.dot(g, w_ref[...], preferred_element_type=jnp.float32) * dv[...]
        rows = i * _BM + lax.broadcasted_iota(jnp.int32, (_BM, 1), 0)
        out[...] = jnp.where(rows < N_NODES, h2, 0.0)

    return pl.pallas_call(
        body,
        grid=(NPAD // _BM,),
        in_specs=[pl.BlockSpec((_BM, 16), lambda i: (i, 0)),
                  pl.BlockSpec((_BM, 16), lambda i: (i, 0)),
                  pl.BlockSpec((_BM, 16), lambda i: (i, 0)),
                  pl.BlockSpec((_BM, 1), lambda i: (i, 0)),
                  pl.BlockSpec((1, 16), lambda i: (0, 0)),
                  pl.BlockSpec((16, 32), lambda i: (0, 0))],
        out_specs=pl.BlockSpec((_BM, 32), lambda i: (i, 0)),
        out_shape=jax.ShapeDtypeStruct((NPAD, 32), jnp.float32),
        name="tc_stage2",
    )(S1a, S1b, h1p, dinv, b1, W2)


def _tc_stage3(S2a, S2b, h2p, dinv, b2):
    def body(sa, sb, hp, dv, b_ref, out):
        o = dv[...] * (sa[...] + sb[...] + hp[...]) + b_ref[...]
        out[...] = jnp.maximum(o, 0.0)

    return pl.pallas_call(
        body,
        grid=(NPAD // _BM,),
        in_specs=[pl.BlockSpec((_BM, 32), lambda i: (i, 0)),
                  pl.BlockSpec((_BM, 32), lambda i: (i, 0)),
                  pl.BlockSpec((_BM, 32), lambda i: (i, 0)),
                  pl.BlockSpec((_BM, 1), lambda i: (i, 0)),
                  pl.BlockSpec((1, 32), lambda i: (0, 0))],
        out_specs=pl.BlockSpec((_BM, 32), lambda i: (i, 0)),
        out_shape=jax.ShapeDtypeStruct((NPAD, 32), jnp.float32),
        name="tc_stage3",
    )(S2a, S2b, h2p, dinv, b2)


def _tc_ddi(DDI, w1, b1, w2, b2, w3, b3):
    def body(x_ref, w1r, b1r, w2r, b2r, w3r, b3r, out):
        d = jnp.dot(x_ref[...], w1r[...], preferred_element_type=jnp.float32)
        d = jnp.maximum(d + b1r[...], 0.0)
        d = jnp.dot(d, w2r[...], preferred_element_type=jnp.float32)
        d = jnp.maximum(d + b2r[...], 0.0)
        d = jnp.dot(d, w3r[...], preferred_element_type=jnp.float32)
        out[...] = jnp.maximum(d + b3r[...], 0.0)

    return pl.pallas_call(
        body,
        out_shape=jax.ShapeDtypeStruct((DDI.shape[0], 1), jnp.float32),
        name="tc_ddi",
    )(DDI, w1, b1, w2, b2, w3, b3)



def kernel(x, edge_index, DDI_features, protein_mask, W1, b1, W2, b2,
           fc1_W, fc1_b, fc2_W, fc2_b, fc3_W, fc3_b):
    edges = jnp.pad(edge_index.astype(jnp.int32),
                    ((0, 0), (0, TCH * CH - N_EDGES)),
                    constant_values=N_NODES).reshape(2, TCH, CH)
    x_pad = jnp.pad(x, ((0, NPAD - N_NODES), (0, 0)))

    deg2 = _sc_deg(edges)
    dega = deg2[:NPAD].reshape(NPAD, 1)
    degb = deg2[NPAD:].reshape(NPAD, 1)

    h1p, dinv = _tc_stage1(x_pad, W1, dega, degb)
    S1 = _sc_scatter(h1p, edges, 16, W16_SPLIT)
    h2p = _tc_stage2(S1[:NPAD], S1[NPAD:], h1p, dinv,
                     b1.reshape(1, 16), W2)
    S2 = _sc_scatter(h2p, edges, 32, W32_SPLIT)
    ppi = _tc_stage3(S2[:NPAD], S2[NPAD:], h2p, dinv, b2.reshape(1, 32))
    PPI_x = ppi[:N_NODES]

    DDI_x = _tc_ddi(DDI_features, fc1_W, fc1_b.reshape(1, 64),
                    fc2_W, fc2_b.reshape(1, 16), fc3_W, fc3_b.reshape(1, 1))
    return (PPI_x, DDI_x)

# --- scband reference (transcript-rebuilt; emitter-appended) ---
"""Pipeline reference for scband-simple-conv-gcn-33835752358234 (READ-ONLY COPY).

The authoritative reference and input builder live on the scoring server;
editing this copy changes nothing except your own understanding.
"""

import jax, jax.numpy as jnp
import numpy as np

N_NODES = 10000
N_EDGES = 320000
D_FEAT = 128
GCN_OUT = 32
DDI_IN = 1000 + 32  # num_drugs + GCN_num_outchannels (fc1 input dim)
B_DDI = 1024


def gcn_conv(x, edge_index, W, b):
    # GCNConv: add self-loops, symmetric normalization D^-1/2 (A+I) D^-1/2, then (X W) propagated + bias
    n = x.shape[0]
    loop = jnp.arange(n, dtype=edge_index.dtype)
    src = jnp.concatenate([edge_index[0], loop])
    dst = jnp.concatenate([edge_index[1], loop])
    deg = jnp.zeros((n,), dtype=x.dtype).at[dst].add(1.0)
    dinv = jnp.where(deg > 0, jax.lax.rsqrt(deg), 0.0)
    norm = dinv[src] * dinv[dst]
    h = x @ W
    msg = h[src] * norm[:, None]
    out = jnp.zeros((n, W.shape[1]), dtype=x.dtype).at[dst].add(msg)
    return out + b


def setup_inputs(seed: int = 0) -> dict:
    key = jax.random.key(seed)
    ks = jax.random.split(key, 14)
    x = jax.random.normal(ks[0], (N_NODES, D_FEAT), dtype=jnp.float32)
    edge_index = jax.random.randint(ks[1], (2, N_EDGES), 0, N_NODES)
    DDI_features = jax.random.normal(ks[2], (B_DDI, DDI_IN), dtype=jnp.float32)
    protein_mask = jnp.zeros((N_NODES,), dtype=bool)
    # conv1: GCNConv(num_features=128 -> 16)
    W1 = jax.random.normal(ks[3], (D_FEAT, 16), dtype=jnp.float32) * 0.05
    b1 = jnp.zeros((16,), dtype=jnp.float32)
    # conv2: GCNConv(16 -> 32)
    W2 = jax.random.normal(ks[4], (16, GCN_OUT), dtype=jnp.float32) * 0.05
    b2 = jnp.zeros((GCN_OUT,), dtype=jnp.float32)
    # fc1: Linear(num_drugs + 32 -> 64), fc2: Linear(64 -> 16), fc3: Linear(16 -> 1)
    fc1_W = jax.random.normal(ks[5], (DDI_IN, 64), dtype=jnp.float32) * 0.05
    fc1_b = jnp.zeros((64,), dtype=jnp.float32)
    fc2_W = jax.random.normal(ks[6], (64, 16), dtype=jnp.float32) * 0.05
    fc2_b = jnp.zeros((16,), dtype=jnp.float32)
    fc3_W = jax.random.normal(ks[7], (16, 1), dtype=jnp.float32) * 0.05
    fc3_b = jnp.zeros((1,), dtype=jnp.float32)
    return {"x": x, "edge_index": edge_index, "DDI_features": DDI_features,
            "protein_mask": protein_mask, "W1": W1, "b1": b1, "W2": W2, "b2": b2,
            "fc1_W": fc1_W, "fc1_b": fc1_b, "fc2_W": fc2_W, "fc2_b": fc2_b,
            "fc3_W": fc3_W, "fc3_b": fc3_b}


def reference(x, edge_index, DDI_features, protein_mask, W1, b1, W2, b2,
              fc1_W, fc1_b, fc2_W, fc2_b, fc3_W, fc3_b):
    # PPI branch: conv1 -> relu -> dropout (identity in eval) -> conv2 -> relu
    h = jax.nn.relu(gcn_conv(x, edge_index, W1, b1))
    h = gcn_conv(h, edge_index, W2, b2)
    PPI_x = jax.nn.relu(h)
    # DDI branch: fc1 -> relu -> fc2 -> relu -> fc3 -> relu
    d = jax.nn.relu(DDI_features @ fc1_W + fc1_b)
    d = jax.nn.relu(d @ fc2_W + fc2_b)
    DDI_x = jax.nn.relu(d @ fc3_W + fc3_b)
    return (PPI_x, DDI_x)

if __name__ == "__main__":
    import jax
    _d = setup_inputs()
    print(jax.jit(kernel)(*tuple(_d.values())))

</pallas_src>

<mosaic_0001>
#map = affine_map<(d0, d1) -> (0, 0)>
#map1 = affine_map<(d0, d1) -> (0, 0, 0)>
module attributes {stable_mosaic.version = 14 : i64} {
  func.func @sc_edge_scatter_w16(%arg0: i32, %arg1: i32, %arg2: memref<10240x16xf32, #tpu.memory_space<hbm>>, %arg3: memref<2x2560x128xi32, #tpu.memory_space<hbm>>, %arg4: memref<20480x16xf32, #tpu.memory_space<hbm>>, %arg5: memref<104x128xi32, #tpu.memory_space<vmem>>, %arg6: memref<104x128xi32, #tpu.memory_space<vmem>>, %arg7: memref<4x128x16xf32, #tpu.memory_space<vmem>>, %arg8: memref<16x16xf32, #tpu.memory_space<vmem>>, %arg9: memref<10240x16xf32, #tpu.memory_space<vmem_shared>>, %arg10: memref<!tpu.dma_semaphore, #tpu.memory_space<semaphore_mem>>, %arg11: memref<!tpu.dma_semaphore, #tpu.memory_space<semaphore_mem>>, %arg12: memref<!tpu.dma_semaphore, #tpu.memory_space<semaphore_mem>>, %arg13: memref<!tpu.dma_semaphore, #tpu.memory_space<semaphore_mem>>, %arg14: memref<!tpu.dma_semaphore, #tpu.memory_space<semaphore_mem>>, %arg15: memref<!tpu.dma_semaphore, #tpu.memory_space<semaphore_mem>>, %arg16: memref<!tpu.dma_semaphore, #tpu.memory_space<semaphore_mem>>, %arg17: memref<!tpu.dma_semaphore, #tpu.memory_space<semaphore_mem>>) attributes {dimension_semantics = [#tpu.dimension_semantics<core_parallel>, #tpu.dimension_semantics<subcore_parallel>], iteration_bounds = array<i64: 2, 16>, scalar_prefetch = 0 : i64, scratch_operands = 13 : i64, tpu.core_type = #tpu.core_type<sc_vector_subcore>, window_params = [{transform_indices = #map}, {transform_indices = #map1}, {transform_indices = #map}]} {
    %mul3A = arith.constant 640 : i32
    %mul3A_0 = arith.muli %arg1, %mul3A : i32
    %eq3A = arith.constant 0 : i32
    %eq3A_1 = arith.cmpi eq, %arg0, %eq3A : i32
    %jit3A = arith.constant 104 : i32
    %jit3A_2 = arith.constant 56 : i32
    %select_n3A = arith.select %eq3A_1, %jit3A, %jit3A_2 : i32
    %broadcast_in_dim3A = arith.constant 0.000000e+00 : f32
    %broadcast_in_dim3A_3 = vector.broadcast %broadcast_in_dim3A : f32 to vector<16xf32>
    %swap3A = arith.constant 0 : i32
    %swap3A_4 = arith.index_cast %swap3A : i32 to index
    %swap3A_5 = arith.constant 0 : index
    %swap3A_6 = tpu.vector_load %arg8[%swap3A_4, %swap3A_5] {strides = array<i32>} : memref<16x16xf32, #tpu.memory_space<vmem>>, vector<1x16xf32>,
    %swap3A_7 = vector.shape_cast %swap3A_6 : vector<1x16xf32> to vector<16xf32>
    %swap3A_8 = vector.shape_cast %broadcast_in_dim3A_3 : vector<16xf32> to vector<1x16xf32>
    tpu.vector_store %arg8[%swap3A_4, %swap3A_5], %swap3A_8 {strides = array<i32>} : memref<16x16xf32, #tpu.memory_space<vmem>>, vector<1x16xf32>,
    %broadcast_in_dim3A_9 = arith.constant 0.000000e+00 : f32
    %broadcast_in_dim3A_10 = vector.broadcast %broadcast_in_dim3A_9 : f32 to vector<16xf32>
    %swap3A_11 = arith.constant 1 : i32
    %swap3A_12 = arith.index_cast %swap3A_11 : i32 to index
    %swap3A_13 = arith.constant 0 : index
    %swap3A_14 = tpu.vector_load %arg8[%swap3A_12, %swap3A_13] {strides = array<i32>} : memref<16x16xf32, #tpu.memory_space<vmem>>, vector<1x16xf32>,
    %swap3A_15 = vector.shape_cast %swap3A_14 : vector<1x16xf32> to vector<16xf32>
    %swap3A_16 = vector.shape_cast %broadcast_in_dim3A_10 : vector<16xf32> to vector<1x16xf32>
    tpu.vector_store %arg8[%swap3A_12, %swap3A_13], %swap3A_16 {strides = array<i32>} : memref<16x16xf32, #tpu.memory_space<vmem>>, vector<1x16xf32>,
    %broadcast_in_dim3A_17 = arith.constant 0.000000e+00 : f32
    %broadcast_in_dim3A_18 = vector.broadcast %broadcast_in_dim3A_17 : f32 to vector<16xf32>
    %swap3A_19 = arith.constant 2 : i32
    %swap3A_20 = arith.index_cast %swap3A_19 : i32 to index
    %swap3A_21 = arith.constant 0 : index
    %swap3A_22 = tpu.vector_load %arg8[%swap3A_20, %swap3A_21] {strides = array<i32>} : memref<16x16xf32, #tpu.memory_space<vmem>>, vector<1x16xf32>,
    %swap3A_23 = vector.shape_cast %swap3A_22 : vector<1x16xf32> to vector<16xf32>
    %swap3A_24 = vector.shape_cast %broadcast_in_dim3A_18 : vector<16xf32> to vector<1x16xf32>
    tpu.vector_store %arg8[%swap3A_20, %swap3A_21], %swap3A_24 {strides = array<i32>} : memref<16x16xf32, #tpu.memory_space<vmem>>, vector<1x16xf32>,
    %broadcast_in_dim3A_25 = arith.constant 0.000000e+00 : f32
    %broadcast_in_dim3A_26 = vector.broadcast %broadcast_in_dim3A_25 : f32 to vector<16xf32>
    %swap3A_27 = arith.constant 3 : i32
    %swap3A_28 = arith.index_cast %swap3A_27 : i32 to index
    %swap3A_29 = arith.constant 0 : index
    %swap3A_30 = tpu.vector_load %arg8[%swap3A_28, %swap3A_29] {strides = array<i32>} : memref<16x16xf32, #tpu.memory_space<vmem>>, vector<1x16xf32>,
    %swap3A_31 = vector.shape_cast %swap3A_30 : vector<1x16xf32> to vector<16xf32>
    %swap3A_32 = vector.shape_cast %broadcast_in_dim3A_26 : vector<16xf32> to vector<1x16xf32>
    tpu.vector_store %arg8[%swap3A_28, %swap3A_29], %swap3A_32 {strides = array<i32>} : memref<16x16xf32, #tpu.memory_space<vmem>>, vector<1x16xf32>,
    %broadcast_in_dim3A_33 = arith.constant 0.000000e+00 : f32
    %broadcast_in_dim3A_34 = vector.broadcast %broadcast_in_dim3A_33 : f32 to vector<16xf32>
    %swap3A_35 = arith.constant 4 : i32
    %swap3A_36 = arith.index_cast %swap3A_35 : i32 to index
    %swap3A_37 = arith.constant 0 : index
    %swap3A_38 = tpu.vector_load %arg8[%swap3A_36, %swap3A_37] {strides = array<i32>} : memref<16x16xf32, #tpu.memory_space<vmem>>, vector<1x16xf32>,
    %swap3A_39 = vector.shape_cast %swap3A_38 : vector<1x16xf32> to vector<16xf32>
    %swap3A_40 = vector.shape_cast %broadcast_in_dim3A_34 : vector<16xf32> to vector<1x16xf32>
    tpu.vector_store %arg8[%swap3A_36, %swap3A_37], %swap3A_40 {strides = array<i32>} : memref<16x16xf32, #tpu.memory_space<vmem>>, vector<1x16xf32>,
    %broadcast_in_dim3A_41 = arith.constant 0.000000e+00 : f32
    %broadcast_in_dim3A_42 = vector.broadcast %broadcast_in_dim3A_41 : f32 to vector<16xf32>
    %swap3A_43 = arith.constant 5 : i32
    %swap3A_44 = arith.index_cast %swap3A_43 : i32 to index
    %swap3A_45 = arith.constant 0 : index
    %swap3A_46 = tpu.vector_load %arg8[%swap3A_44, %swap3A_45] {strides = array<i32>} : memref<16x16xf32, #tpu.memory_space<vmem>>, vector<1x16xf32>,
    %swap3A_47 = vector.shape_cast %swap3A_46 : vector<1x16xf32> to vector<16xf32>
    %swap3A_48 = vector.shape_cast %broadcast_in_dim3A_42 : vector<16xf32> to vector<1x16xf32>
    tpu.vector_store %arg8[%swap3A_44, %swap3A_45], %swap3A_48 {strides = array<i32>} : memref<16x16xf32, #tpu.memory_space<vmem>>, vector<1x16xf32>,
    %broadcast_in_dim3A_49 = arith.constant 0.000000e+00 : f32
    %broadcast_in_dim3A_50 = vector.broadcast %broadcast_in_dim3A_49 : f32 to vector<16xf32>
    %swap3A_51 = arith.constant 6 : i32
    %swap3A_52 = arith.index_cast %swap3A_51 : i32 to index
    %swap3A_53 = arith.constant 0 : index
    %swap3A_54 = tpu.vector_load %arg8[%swap3A_52, %swap3A_53] {strides = array<i32>} : memref<16x16xf32, #tpu.memory_space<vmem>>, vector<1x16xf32>,
    %swap3A_55 = vector.shape_cast %swap3A_54 : vector<1x16xf32> to vector<16xf32>
    %swap3A_56 = vector.shape_cast %broadcast_in_dim3A_50 : vector<16xf32> to vector<1x16xf32>
    tpu.vector_store %arg8[%swap3A_52, %swap3A_53], %swap3A_56 {strides = array<i32>} : memref<16x16xf32, #tpu.memory_space<vmem>>, vector<1x16xf32>,
    %broadcast_in_dim3A_57 = arith.constant 0.000000e+00 : f32
    %broadcast_in_dim3A_58 = vector.broadcast %broadcast_in_dim3A_57 : f32 to vector<16xf32>
    %swap3A_59 = arith.constant 7 : i32
    %swap3A_60 = arith.index_cast %swap3A_59 : i32 to index
    %swap3A_61 = arith.constant 0 : index
    %swap3A_62 = tpu.vector_load %arg8[%swap3A_60, %swap3A_61] {strides = array<i32>} : memref<16x16xf32, #tpu.memory_space<vmem>>, vector<1x16xf32>,
    %swap3A_63 = vector.shape_cast %swap3A_62 : vector<1x16xf32> to vector<16xf32>
    %swap3A_64 = vector.shape_cast %broadcast_in_dim3A_58 : vector<16xf32> to vector<1x16xf32>
    tpu.vector_store %arg8[%swap3A_60, %swap3A_61], %swap3A_64 {strides = array<i32>} : memref<16x16xf32, #tpu.memory_space<vmem>>, vector<1x16xf32>,
    %broadcast_in_dim3A_65 = arith.constant 0.000000e+00 : f32
    %broadcast_in_dim3A_66 = vector.broadcast %broadcast_in_dim3A_65 : f32 to vector<16xf32>
    %swap3A_67 = arith.constant 8 : i32
    %swap3A_68 = arith.index_cast %swap3A_67 : i32 to index
    %swap3A_69 = arith.constant 0 : index
    %swap3A_70 = tpu.vector_load %arg8[%swap3A_68, %swap3A_69] {strides = array<i32>} : memref<16x16xf32, #tpu.memory_space<vmem>>, vector<1x16xf32>,
    %swap3A_71 = vector.shape_cast %swap3A_70 : vector<1x16xf32> to vector<16xf32>
    %swap3A_72 = vector.shape_cast %broadcast_in_dim3A_66 : vector<16xf32> to vector<1x16xf32>
    tpu.vector_store %arg8[%swap3A_68, %swap3A_69], %swap3A_72 {strides = array<i32>} : memref<16x16xf32, #tpu.memory_space<vmem>>, vector<1x16xf32>,
    %broadcast_in_dim3A_73 = arith.constant 0.000000e+00 : f32
    %broadcast_in_dim3A_74 = vector.broadcast %broadcast_in_dim3A_73 : f32 to vector<16xf32>
    %swap3A_75 = arith.constant 9 : i32
    %swap3A_76 = arith.index_cast %swap3A_75 : i32 to index
    %swap3A_77 = arith.constant 0 : index
    %swap3A_78 = tpu.vector_load %arg8[%swap3A_76, %swap3A_77] {strides = array<i32>} : memref<16x16xf32, #tpu.memory_space<vmem>>, vector<1x16xf32>,
    %swap3A_79 = vector.shape_cast %swap3A_78 : vector<1x16xf32> to vector<16xf32>
    %swap3A_80 = vector.shape_cast %broadcast_in_dim3A_74 : vector<16xf32> to vector<1x16xf32>
    tpu.vector_store %arg8[%swap3A_76, %swap3A_77], %swap3A_80 {strides = array<i32>} : memref<16x16xf32, #tpu.memory_space<vmem>>, vector<1x16xf32>,
    %broadcast_in_dim3A_81 = arith.constant 0.000000e+00 : f32
    %broadcast_in_dim3A_82 = vector.broadcast %broadcast_in_dim3A_81 : f32 to vector<16xf32>
    %swap3A_83 = arith.constant 10 : i32
    %swap3A_84 = arith.index_cast %swap3A_83 : i32 to index
    %swap3A_85 = arith.constant 0 : index
    %swap3A_86 = tpu.vector_load %arg8[%swap3A_84, %swap3A_85] {strides = array<i32>} : memref<16x16xf32, #tpu.memory_space<vmem>>, vector<1x16xf32>,
    %swap3A_87 = vector.shape_cast %swap3A_86 : vector<1x16xf32> to vector<16xf32>
    %swap3A_88 = vector.shape_cast %broadcast_in_dim3A_82 : vector<16xf32> to vector<1x16xf32>
    tpu.vector_store %arg8[%swap3A_84, %swap3A_85], %swap3A_88 {strides = array<i32>} : memref<16x16xf32, #tpu.memory_space<vmem>>, vector<1x16xf32>,
    %broadcast_in_dim3A_89 = arith.constant 0.000000e+00 : f32
    %broadcast_in_dim3A_90 = vector.broadcast %broadcast_in_dim3A_89 : f32 to vector<16xf32>
    %swap3A_91 = arith.constant 11 : i32
    %swap3A_92 = arith.index_cast %swap3A_91 : i32 to index
    %swap3A_93 = arith.constant 0 : index
    %swap3A_94 = tpu.vector_load %arg8[%swap3A_92, %swap3A_93] {strides = array<i32>} : memref<16x16xf32, #tpu.memory_space<vmem>>, vector<1x16xf32>,
    %swap3A_95 = vector.shape_cast %swap3A_94 : vector<1x16xf32> to vector<16xf32>
    %swap3A_96 = vector.shape_cast %broadcast_in_dim3A_90 : vector<16xf32> to vector<1x16xf32>
    tpu.vector_store %arg8[%swap3A_92, %swap3A_93], %swap3A_96 {strides = array<i32>} : memref<16x16xf32, #tpu.memory_space<vmem>>, vector<1x16xf32>,
    %broadcast_in_dim3A_97 = arith.constant 0.000000e+00 : f32
    %broadcast_in_dim3A_98 = vector.broadcast %broadcast_in_dim3A_97 : f32 to vector<16xf32>
    %swap3A_99 = arith.constant 12 : i32
    %swap3A_100 = arith.index_cast %swap3A_99 : i32 to index
    %swap3A_101 = arith.constant 0 : index
    %swap3A_102 = tpu.vector_load %arg8[%swap3A_100, %swap3A_101] {strides = array<i32>} : memref<16x16xf32, #tpu.memory_space<vmem>>, vector<1x16xf32>,
    %swap3A_103 = vector.shape_cast %swap3A_102 : vector<1x16xf32> to vector<16xf32>
    %swap3A_104 = vector.shape_cast %broadcast_in_dim3A_98 : vector<16xf32> to vector<1x16xf32>
    tpu.vector_store %arg8[%swap3A_100, %swap3A_101], %swap3A_104 {strides = array<i32>} : memref<16x16xf32, #tpu.memory_space<vmem>>, vector<1x16xf32>,
    %broadcast_in_dim3A_105 = arith.constant 0.000000e+00 : f32
    %broadcast_in_dim3A_106 = vector.broadcast %broadcast_in_dim3A_105 : f32 to vector<16xf32>
    %swap3A_107 = arith.constant 13 : i32
    %swap3A_108 = arith.index_cast %swap3A_107 : i32 to index
    %swap3A_109 = arith.constant 0 : index
    %swap3A_110 = tpu.vector_load %arg8[%swap3A_108, %swap3A_109] {strides = array<i32>} : memref<16x16xf32, #tpu.memory_space<vmem>>, vector<1x16xf32>,
    %swap3A_111 = vector.shape_cast %swap3A_110 : vector<1x16xf32> to vector<16xf32>
    %swap3A_112 = vector.shape_cast %broadcast_in_dim3A_106 : vector<16xf32> to vector<1x16xf32>
    tpu.vector_store %arg8[%swap3A_108, %swap3A_109], %swap3A_112 {strides = array<i32>} : memref<16x16xf32, #tpu.memory_space<vmem>>, vector<1x16xf32>,
    %broadcast_in_dim3A_113 = arith.constant 0.000000e+00 : f32
    %broadcast_in_dim3A_114 = vector.broadcast %broadcast_in_dim3A_113 : f32 to vector<16xf32>
    %swap3A_115 = arith.constant 14 : i32
    %swap3A_116 = arith.index_cast %swap3A_115 : i32 to index
    %swap3A_117 = arith.constant 0 : index
    %swap3A_118 = tpu.vector_load %arg8[%swap3A_116, %swap3A_117] {strides = array<i32>} : memref<16x16xf32, #tpu.memory_space<vmem>>, vector<1x16xf32>,
    %swap3A_119 = vector.shape_cast %swap3A_118 : vector<1x16xf32> to vector<16xf32>
    %swap3A_120 = vector.shape_cast %broadcast_in_dim3A_114 : vector<16xf32> to vector<1x16xf32>
    tpu.vector_store %arg8[%swap3A_116, %swap3A_117], %swap3A_120 {strides = array<i32>} : memref<16x16xf32, #tpu.memory_space<vmem>>, vector<1x16xf32>,
    %broadcast_in_dim3A_121 = arith.constant 0.000000e+00 : f32
    %broadcast_in_dim3A_122 = vector.broadcast %broadcast_in_dim3A_121 : f32 to vector<16xf32>
    %swap3A_123 = arith.constant 15 : i32
    %swap3A_124 = arith.index_cast %swap3A_123 : i32 to index
    %swap3A_125 = arith.constant 0 : index
    %swap3A_126 = tpu.vector_load %arg8[%swap3A_124, %swap3A_125] {strides = array<i32>} : memref<16x16xf32, #tpu.memory_space<vmem>>, vector<1x16xf32>,
    %swap3A_127 = vector.shape_cast %swap3A_126 : vector<1x16xf32> to vector<16xf32>
    %swap3A_128 = vector.shape_cast %broadcast_in_dim3A_122 : vector<16xf32> to vector<1x16xf32>
    tpu.vector_store %arg8[%swap3A_124, %swap3A_125], %swap3A_128 {strides = array<i32>} : memref<16x16xf32, #tpu.memory_space<vmem>>, vector<1x16xf32>,
    %eq3A_129 = arith.constant 0 : i32
    %eq3A_130 = arith.cmpi eq, %arg0, %eq3A_129 : i32
    %convert_element_type3A = arith.extui %eq3A_130 : i1 to i32
    %cond3A = arith.constant 0 : i32
    %cond3A_131 = arith.cmpi ne, %convert_element_type3A, %cond3A : i32
    scf.if %cond3A_131 {
      %mul3A_269 = arith.constant 104 : i32
      %mul3A_270 = arith.muli %arg1, %mul3A_269 : i32
      %run_scoped3A = arith.constant 0 : i32
      "tpu.region"() ({
        %run_scoped3A_274 = tpu.sem_alloc : memref<!tpu.dma_semaphore, #tpu.memory_space<semaphore_mem>>
        %dma_start3A_275 = arith.constant 0 : i32
        %dma_start3A_276 = arith.constant 0 : i32
        %dma_start3A_277 = tpu.memref_slice %arg5[%dma_start3A_275, %dma_start3A_276] : memref<104x128xi32, #tpu.memory_space<vmem>> -> memref<104x128xi32, #tpu.memory_space<vmem>>
        %dma_start3A_278 = arith.constant 0 : i32
        %dma_start3A_279 = arith.constant 0 : i32
        %dma_start3A_280 = tpu.memref_slice %arg3[%run_scoped3A, %dma_start3A_278, %dma_start3A_279] : memref<2x2560x128xi32, #tpu.memory_space<hbm>> -> memref<1x2560x128xi32, #tpu.memory_space<hbm>>
        %dma_start3A_281 = tpu.memref_squeeze %dma_start3A_280 : memref<1x2560x128xi32, #tpu.memory_space<hbm>> -> memref<2560x128xi32, #tpu.memory_space<hbm>>
        %dma_start3A_282 = arith.constant 0 : i32
        %dma_start3A_283 = tpu.memref_slice %dma_start3A_281[%mul3A_270, %dma_start3A_282] : memref<2560x128xi32, #tpu.memory_space<hbm>> -> memref<104x128xi32, #tpu.memory_space<hbm>>
        %dma_start3A_284 = arith.constant 0 : i32
        %dma_start3A_285 = arith.constant 0 : i32
        %dma_start3A_286 = tpu.memref_slice %arg5[%dma_start3A_284, %dma_start3A_285] : memref<104x128xi32, #tpu.memory_space<vmem>> -> memref<104x128xi32, #tpu.memory_space<vmem>>
        %dma_start3A_287 = arith.constant 0 : i32
        %dma_start3A_288 = arith.constant 0 : i32
        %dma_start3A_289 = tpu.memref_slice %arg3[%run_scoped3A, %dma_start3A_287, %dma_start3A_288] : memref<2x2560x128xi32, #tpu.memory_space<hbm>> -> memref<1x2560x128xi32, #tpu.memory_space<hbm>>
        %dma_start3A_290 = tpu.memref_squeeze %dma_start3A_289 : memref<1x2560x128xi32, #tpu.memory_space<hbm>> -> memref<2560x128xi32, #tpu.memory_space<hbm>>
        %dma_start3A_291 = arith.constant 0 : i32
        %dma_start3A_292 = tpu.memref_slice %dma_start3A_290[%mul3A_270, %dma_start3A_291] : memref<2560x128xi32, #tpu.memory_space<hbm>> -> memref<104x128xi32, #tpu.memory_space<hbm>>
        tpu.enqueue_dma source(%dma_start3A_292 : memref<104x128xi32, #tpu.memory_space<hbm>>) target(%dma_start3A_286 : memref<104x128xi32, #tpu.memory_space<vmem>>) target_semaphore(%run_scoped3A_274 : memref<!tpu.dma_semaphore, #tpu.memory_space<semaphore_mem>>)
        %dma_wait3A_293 = arith.constant 0 : i32
        %dma_wait3A_294 = arith.constant 0 : i32
        %dma_wait3A_295 = tpu.memref_slice %arg5[%dma_wait3A_293, %dma_wait3A_294] : memref<104x128xi32, #tpu.memory_space<vmem>> -> memref<104x128xi32, #tpu.memory_space<vmem>>
        %dma_wait3A_296 = arith.constant 0 : i32
        %dma_wait3A_297 = arith.constant 0 : i32
        %dma_wait3A_298 = tpu.memref_slice %arg3[%run_scoped3A, %dma_wait3A_296, %dma_wait3A_297] : memref<2x2560x128xi32, #tpu.memory_space<hbm>> -> memref<1x2560x128xi32, #tpu.memory_space<hbm>>
        %dma_wait3A_299 = tpu.memref_squeeze %dma_wait3A_298 : memref<1x2560x128xi32, #tpu.memory_space<hbm>> -> memref<2560x128xi32, #tpu.memory_space<hbm>>
        %dma_wait3A_300 = arith.constant 0 : i32
        %dma_wait3A_301 = tpu.memref_slice %dma_wait3A_299[%mul3A_270, %dma_wait3A_300] : memref<2560x128xi32, #tpu.memory_space<hbm>> -> memref<104x128xi32, #tpu.memory_space<hbm>>
        %dma_wait3A_302 = arith.constant 0 : i32
        %dma_wait3A_303 = arith.constant 0 : i32
        %dma_wait3A_304 = tpu.memref_slice %arg5[%dma_wait3A_302, %dma_wait3A_303] : memref<104x128xi32, #tpu.memory_space<vmem>> -> memref<104x128xi32, #tpu.memory_space<vmem>>
        %dma_wait3A_305 = arith.constant 0 : i32
        %dma_wait3A_306 = arith.constant 0 : i32
        %dma_wait3A_307 = tpu.memref_slice %arg3[%run_scoped3A, %dma_wait3A_305, %dma_wait3A_306] : memref<2x2560x128xi32, #tpu.memory_space<hbm>> -> memref<1x2560x128xi32, #tpu.memory_space<hbm>>
        %dma_wait3A_308 = tpu.memref_squeeze %dma_wait3A_307 : memref<1x2560x128xi32, #tpu.memory_space<hbm>> -> memref<2560x128xi32, #tpu.memory_space<hbm>>
        %dma_wait3A_309 = arith.constant 0 : i32
        %dma_wait3A_310 = tpu.memref_slice %dma_wait3A_308[%mul3A_270, %dma_wait3A_309] : memref<2560x128xi32, #tpu.memory_space<hbm>> -> memref<104x128xi32, #tpu.memory_space<hbm>>
        tpu.wait_dma2 semaphore(%run_scoped3A_274 : memref<!tpu.dma_semaphore, #tpu.memory_space<semaphore_mem>>) src(%dma_wait3A_310 : memref<104x128xi32, #tpu.memory_space<hbm>>) dst(%dma_wait3A_304 : memref<104x128xi32, #tpu.memory_space<vmem>>)
        tpu.yield
      }) : () -> ()
      %mul3A_271 = arith.constant 104 : i32
      %mul3A_272 = arith.muli %arg1, %mul3A_271 : i32
      %run_scoped3A_273 = arith.constant 1 : i32
      "tpu.region"() ({
        %run_scoped3A_274 = tpu.sem_alloc : memref<!tpu.dma_semaphore, #tpu.memory_space<semaphore_mem>>
        %dma_start3A_275 = arith.constant 0 : i32
        %dma_start3A_276 = arith.constant 0 : i32
        %dma_start3A_277 = tpu.memref_slice %arg6[%dma_start3A_275, %dma_start3A_276] : memref<104x128xi32, #tpu.memory_space<vmem>> -> memref<104x128xi32, #tpu.memory_space<vmem>>
        %dma_start3A_278 = arith.constant 0 : i32
        %dma_start3A_279 = arith.constant 0 : i32
        %dma_start3A_280 = tpu.memref_slice %arg3[%run_scoped3A_273, %dma_start3A_278, %dma_start3A_279] : memref<2x2560x128xi32, #tpu.memory_space<hbm>> -> memref<1x2560x128xi32, #tpu.memory_space<hbm>>
        %dma_start3A_281 = tpu.memref_squeeze %dma_start3A_280 : memref<1x2560x128xi32, #tpu.memory_space<hbm>> -> memref<2560x128xi32, #tpu.memory_space<hbm>>
        %dma_start3A_282 = arith.constant 0 : i32
        %dma_start3A_283 = tpu.memref_slice %dma_start3A_281[%mul3A_272, %dma_start3A_282] : memref<2560x128xi32, #tpu.memory_space<hbm>> -> memref<104x128xi32, #tpu.memory_space<hbm>>
        %dma_start3A_284 = arith.constant 0 : i32
        %dma_start3A_285 = arith.constant 0 : i32
        %dma_start3A_286 = tpu.memref_slice %arg6[%dma_start3A_284, %dma_start3A_285] : memref<104x128xi32, #tpu.memory_space<vmem>> -> memref<104x128xi32, #tpu.memory_space<vmem>>
        %dma_start3A_287 = arith.constant 0 : i32
        %dma_start3A_288 = arith.constant 0 : i32
        %dma_start3A_289 = tpu.memref_slice %arg3[%run_scoped3A_273, %dma_start3A_287, %dma_start3A_288] : memref<2x2560x128xi32, #tpu.memory_space<hbm>> -> memref<1x2560x128xi32, #tpu.memory_space<hbm>>
        %dma_start3A_290 = tpu.memref_squeeze %dma_start3A_289 : memref<1x2560x128xi32, #tpu.memory_space<hbm>> -> memref<2560x128xi32, #tpu.memory_space<hbm>>
        %dma_start3A_291 = arith.constant 0 : i32
        %dma_start3A_292 = tpu.memref_slice %dma_start3A_290[%mul3A_272, %dma_start3A_291] : memref<2560x128xi32, #tpu.memory_space<hbm>> -> memref<104x128xi32, #tpu.memory_space<hbm>>
        tpu.enqueue_dma source(%dma_start3A_292 : memref<104x128xi32, #tpu.memory_space<hbm>>) target(%dma_start3A_286 : memref<104x128xi32, #tpu.memory_space<vmem>>) target_semaphore(%run_scoped3A_274 : memref<!tpu.dma_semaphore, #tpu.memory_space<semaphore_mem>>)
        %dma_wait3A_293 = arith.constant 0 : i32
        %dma_wait3A_294 = arith.constant 0 : i32
        %dma_wait3A_295 = tpu.memref_slice %arg6[%dma_wait3A_293, %dma_wait3A_294] : memref<104x128xi32, #tpu.memory_space<vmem>> -> memref<104x128xi32, #tpu.memory_space<vmem>>
        %dma_wait3A_296 = arith.constant 0 : i32
        %dma_wait3A_297 = arith.constant 0 : i32
        %dma_wait3A_298 = tpu.memref_slice %arg3[%run_scoped3A_273, %dma_wait3A_296, %dma_wait3A_297] : memref<2x2560x128xi32, #tpu.memory_space<hbm>> -> memref<1x2560x128xi32, #tpu.memory_space<hbm>>
        %dma_wait3A_299 = tpu.memref_squeeze %dma_wait3A_298 : memref<1x2560x128xi32, #tpu.memory_space<hbm>> -> memref<2560x128xi32, #tpu.memory_space<hbm>>
        %dma_wait3A_300 = arith.constant 0 : i32
        %dma_wait3A_301 = tpu.memref_slice %dma_wait3A_299[%mul3A_272, %dma_wait3A_300] : memref<2560x128xi32, #tpu.memory_space<hbm>> -> memref<104x128xi32, #tpu.memory_space<hbm>>
        %dma_wait3A_302 = arith.constant 0 : i32
        %dma_wait3A_303 = arith.constant 0 : i32
        %dma_wait3A_304 = tpu.memref_slice %arg6[%dma_wait3A_302, %dma_wait3A_303] : memref<104x128xi32, #tpu.memory_space<vmem>> -> memref<104x128xi32, #tpu.memory_space<vmem>>
        %dma_wait3A_305 = arith.constant 0 : i32
        %dma_wait3A_306 = arith.constant 0 : i32
        %dma_wait3A_307 = tpu.memref_slice %arg3[%run_scoped3A_273, %dma_wait3A_305, %dma_wait3A_306] : memref<2x2560x128xi32, #tpu.memory_space<hbm>> -> memref<1x2560x128xi32, #tpu.memory_space<hbm>>
        %dma_wait3A_308 = tpu.memref_squeeze %dma_wait3A_307 : memref<1x2560x128xi32, #tpu.memory_space<hbm>> -> memref<2560x128xi32, #tpu.memory_space<hbm>>
        %dma_wait3A_309 = arith.constant 0 : i32
        %dma_wait3A_310 = tpu.memref_slice %dma_wait3A_308[%mul3A_272, %dma_wait3A_309] : memref<2560x128xi32, #tpu.memory_space<hbm>> -> memref<104x128xi32, #tpu.memory_space<hbm>>
        tpu.wait_dma2 semaphore(%run_scoped3A_274 : memref<!tpu.dma_semaphore, #tpu.memory_space<semaphore_mem>>) src(%dma_wait3A_310 : memref<104x128xi32, #tpu.memory_space<hbm>>) dst(%dma_wait3A_304 : memref<104x128xi32, #tpu.memory_space<vmem>>)
        tpu.yield
      }) : () -> ()
    } else {
    }
    %eq3A_132 = arith.constant 1 : i32
    %eq3A_133 = arith.cmpi eq, %arg0, %eq3A_132 : i32
    %convert_element_type3A_134 = arith.extui %eq3A_133 : i1 to i32
    %cond3A_135 = arith.constant 0 : i32
    %cond3A_136 = arith.cmpi ne, %convert_element_type3A_134, %cond3A_135 : i32
    scf.if %cond3A_136 {
      %mul3A_269 = arith.constant 56 : i32
      %mul3A_270 = arith.muli %arg1, %mul3A_269 : i32
      %add3A_271 = arith.constant 1664 : i32
      %add3A_272 = arith.addi %add3A_271, %mul3A_270 : i32
      %run_scoped3A = arith.constant 0 : i32
      "tpu.region"() ({
        %run_scoped3A_278 = tpu.sem_alloc : memref<!tpu.dma_semaphore, #tpu.memory_space<semaphore_mem>>
        %dma_start3A_279 = arith.constant 0 : i32
        %dma_start3A_280 = arith.constant 0 : i32
        %dma_start3A_281 = tpu.memref_slice %arg5[%dma_start3A_279, %dma_start3A_280] : memref<104x128xi32, #tpu.memory_space<vmem>> -> memref<56x128xi32, #tpu.memory_space<vmem>>
        %dma_start3A_282 = arith.constant 0 : i32
        %dma_start3A_283 = arith.constant 0 : i32
        %dma_start3A_284 = tpu.memref_slice %arg3[%run_scoped3A, %dma_start3A_282, %dma_start3A_283] : memref<2x2560x128xi32, #tpu.memory_space<hbm>> -> memref<1x2560x128xi32, #tpu.memory_space<hbm>>
        %dma_start3A_285 = tpu.memref_squeeze %dma_start3A_284 : memref<1x2560x128xi32, #tpu.memory_space<hbm>> -> memref<2560x128xi32, #tpu.memory_space<hbm>>
        %dma_start3A_286 = arith.constant 0 : i32
        %dma_start3A_287 = tpu.memref_slice %dma_start3A_285[%add3A_272, %dma_start3A_286] : memref<2560x128xi32, #tpu.memory_space<hbm>> -> memref<56x128xi32, #tpu.memory_space<hbm>>
        %dma_start3A_288 = arith.constant 0 : i32
        %dma_start3A_289 = arith.constant 0 : i32
        %dma_start3A_290 = tpu.memref_slice %arg5[%dma_start3A_288, %dma_start3A_289] : memref<104x128xi32, #tpu.memory_space<vmem>> -> memref<56x128xi32, #tpu.memory_space<vmem>>
        %dma_start3A_291 = arith.constant 0 : i32
        %dma_start3A_292 = arith.constant 0 : i32
        %dma_start3A_293 = tpu.memref_slice %arg3[%run_scoped3A, %dma_start3A_291, %dma_start3A_292] : memref<2x2560x128xi32, #tpu.memory_space<hbm>> -> memref<1x2560x128xi32, #tpu.memory_space<hbm>>
        %dma_start3A_294 = tpu.memref_squeeze %dma_start3A_293 : memref<1x2560x128xi32, #tpu.memory_space<hbm>> -> memref<2560x128xi32, #tpu.memory_space<hbm>>
        %dma_start3A_295 = arith.constant 0 : i32
        %dma_start3A_296 = tpu.memref_slice %dma_start3A_294[%add3A_272, %dma_start3A_295] : memref<2560x128xi32, #tpu.memory_space<hbm>> -> memref<56x128xi32, #tpu.memory_space<hbm>>
        tpu.enqueue_dma source(%dma_start3A_296 : memref<56x128xi32, #tpu.memory_space<hbm>>) target(%dma_start3A_290 : memref<56x128xi32, #tpu.memory_space<vmem>>) target_semaphore(%run_scoped3A_278 : memref<!tpu.dma_semaphore, #tpu.memory_space<semaphore_mem>>)
        %dma_wait3A_297 = arith.constant 0 : i32
        %dma_wait3A_298 = arith.constant 0 : i32
        %dma_wait3A_299 = tpu.memref_slice %arg5[%dma_wait3A_297, %dma_wait3A_298] : memref<104x128xi32, #tpu.memory_space<vmem>> -> memref<56x128xi32, #tpu.memory_space<vmem>>
        %dma_wait3A_300 = arith.constant 0 : i32
        %dma_wait3A_301 = arith.constant 0 : i32
        %dma_wait3A_302 = tpu.memref_slice %arg3[%run_scoped3A, %dma_wait3A_300, %dma_wait3A_301] : memref<2x2560x128xi32, #tpu.memory_space<hbm>> -> memref<1x2560x128xi32, #tpu.memory_space<hbm>>
        %dma_wait3A_303 = tpu.memref_squeeze %dma_wait3A_302 : memref<1x2560x128xi32, #tpu.memory_space<hbm>> -> memref<2560x128xi32, #tpu.memory_space<hbm>>
        %dma_wait3A_304 = arith.constant 0 : i32
        %dma_wait3A_305 = tpu.memref_slice %dma_wait3A_303[%add3A_272, %dma_wait3A_304] : memref<2560x128xi32, #tpu.memory_space<hbm>> -> memref<56x128xi32, #tpu.memory_space<hbm>>
        %dma_wait3A_306 = arith.constant 0 : i32
        %dma_wait3A_307 = arith.constant 0 : i32
        %dma_wait3A_308 = tpu.memref_slice %arg5[%dma_wait3A_306, %dma_wait3A_307] : memref<104x128xi32, #tpu.memory_space<vmem>> -> memref<56x128xi32, #tpu.memory_space<vmem>>
        %dma_wait3A_309 = arith.constant 0 : i32
        %dma_wait3A_310 = arith.constant 0 : i32
        %dma_wait3A_311 = tpu.memref_slice %arg3[%run_scoped3A, %dma_wait3A_309, %dma_wait3A_310] : memref<2x2560x128xi32, #tpu.memory_space<hbm>> -> memref<1x2560x128xi32, #tpu.memory_space<hbm>>
        %dma_wait3A_312 = tpu.memref_squeeze %dma_wait3A_311 : memref<1x2560x128xi32, #tpu.memory_space<hbm>> -> memref<2560x128xi32, #tpu.memory_space<hbm>>
        %dma_wait3A_313 = arith.constant 0 : i32
        %dma_wait3A_314 = tpu.memref_slice %dma_wait3A_312[%add3A_272, %dma_wait3A_313] : memref<2560x128xi32, #tpu.memory_space<hbm>> -> memref<56x128xi32, #tpu.memory_space<hbm>>
        tpu.wait_dma2 semaphore(%run_scoped3A_278 : memref<!tpu.dma_semaphore, #tpu.memory_space<semaphore_mem>>) src(%dma_wait3A_314 : memref<56x128xi32, #tpu.memory_space<hbm>>) dst(%dma_wait3A_308 : memref<56x128xi32, #tpu.memory_space<vmem>>)
        tpu.yield
      }) : () -> ()
      %mul3A_273 = arith.constant 56 : i32
      %mul3A_274 = arith.muli %arg1, %mul3A_273 : i32
      %add3A_275 = arith.constant 1664 : i32
      %add3A_276 = arith.addi %add3A_275, %mul3A_274 : i32
      %run_scoped3A_277 = arith.constant 1 : i32
      "tpu.region"() ({
        %run_scoped3A_278 = tpu.sem_alloc : memref<!tpu.dma_semaphore, #tpu.memory_space<semaphore_mem>>
        %dma_start3A_279 = arith.constant 0 : i32
        %dma_start3A_280 = arith.constant 0 : i32
        %dma_start3A_281 = tpu.memref_slice %arg6[%dma_start3A_279, %dma_start3A_280] : memref<104x128xi32, #tpu.memory_space<vmem>> -> memref<56x128xi32, #tpu.memory_space<vmem>>
        %dma_start3A_282 = arith.constant 0 : i32
        %dma_start3A_283 = arith.constant 0 : i32
        %dma_start3A_284 = tpu.memref_slice %arg3[%run_scoped3A_277, %dma_start3A_282, %dma_start3A_283] : memref<2x2560x128xi32, #tpu.memory_space<hbm>> -> memref<1x2560x128xi32, #tpu.memory_space<hbm>>
        %dma_start3A_285 = tpu.memref_squeeze %dma_start3A_284 : memref<1x2560x128xi32, #tpu.memory_space<hbm>> -> memref<2560x128xi32, #tpu.memory_space<hbm>>
        %dma_start3A_286 = arith.constant 0 : i32
        %dma_start3A_287 = tpu.memref_slice %dma_start3A_285[%add3A_276, %dma_start3A_286] : memref<2560x128xi32, #tpu.memory_space<hbm>> -> memref<56x128xi32, #tpu.memory_space<hbm>>
        %dma_start3A_288 = arith.constant 0 : i32
        %dma_start3A_289 = arith.constant 0 : i32
        %dma_start3A_290 = tpu.memref_slice %arg6[%dma_start3A_288, %dma_start3A_289] : memref<104x128xi32, #tpu.memory_space<vmem>> -> memref<56x128xi32, #tpu.memory_space<vmem>>
        %dma_start3A_291 = arith.constant 0 : i32
        %dma_start3A_292 = arith.constant 0 : i32
        %dma_start3A_293 = tpu.memref_slice %arg3[%run_scoped3A_277, %dma_start3A_291, %dma_start3A_292] : memref<2x2560x128xi32, #tpu.memory_space<hbm>> -> memref<1x2560x128xi32, #tpu.memory_space<hbm>>
        %dma_start3A_294 = tpu.memref_squeeze %dma_start3A_293 : memref<1x2560x128xi32, #tpu.memory_space<hbm>> -> memref<2560x128xi32, #tpu.memory_space<hbm>>
        %dma_start3A_295 = arith.constant 0 : i32
        %dma_start3A_296 = tpu.memref_slice %dma_start3A_294[%add3A_276, %dma_start3A_295] : memref<2560x128xi32, #tpu.memory_space<hbm>> -> memref<56x128xi32, #tpu.memory_space<hbm>>
        tpu.enqueue_dma source(%dma_start3A_296 : memref<56x128xi32, #tpu.memory_space<hbm>>) target(%dma_start3A_290 : memref<56x128xi32, #tpu.memory_space<vmem>>) target_semaphore(%run_scoped3A_278 : memref<!tpu.dma_semaphore, #tpu.memory_space<semaphore_mem>>)
        %dma_wait3A_297 = arith.constant 0 : i32
        %dma_wait3A_298 = arith.constant 0 : i32
        %dma_wait3A_299 = tpu.memref_slice %arg6[%dma_wait3A_297, %dma_wait3A_298] : memref<104x128xi32, #tpu.memory_space<vmem>> -> memref<56x128xi32, #tpu.memory_space<vmem>>
        %dma_wait3A_300 = arith.constant 0 : i32
        %dma_wait3A_301 = arith.constant 0 : i32
        %dma_wait3A_302 = tpu.memref_slice %arg3[%run_scoped3A_277, %dma_wait3A_300, %dma_wait3A_301] : memref<2x2560x128xi32, #tpu.memory_space<hbm>> -> memref<1x2560x128xi32, #tpu.memory_space<hbm>>
        %dma_wait3A_303 = tpu.memref_squeeze %dma_wait3A_302 : memref<1x2560x128xi32, #tpu.memory_space<hbm>> -> memref<2560x128xi32, #tpu.memory_space<hbm>>
        %dma_wait3A_304 = arith.constant 0 : i32
        %dma_wait3A_305 = tpu.memref_slice %dma_wait3A_303[%add3A_276, %dma_wait3A_304] : memref<2560x128xi32, #tpu.memory_space<hbm>> -> memref<56x128xi32, #tpu.memory_space<hbm>>
        %dma_wait3A_306 = arith.constant 0 : i32
        %dma_wait3A_307 = arith.constant 0 : i32
        %dma_wait3A_308 = tpu.memref_slice %arg6[%dma_wait3A_306, %dma_wait3A_307] : memref<104x128xi32, #tpu.memory_space<vmem>> -> memref<56x128xi32, #tpu.memory_space<vmem>>
        %dma_wait3A_309 = arith.constant 0 : i32
        %dma_wait3A_310 = arith.constant 0 : i32
        %dma_wait3A_311 = tpu.memref_slice %arg3[%run_scoped3A_277, %dma_wait3A_309, %dma_wait3A_310] : memref<2x2560x128xi32, #tpu.memory_space<hbm>> -> memref<1x2560x128xi32, #tpu.memory_space<hbm>>
        %dma_wait3A_312 = tpu.memref_squeeze %dma_wait3A_311 : memref<1x2560x128xi32, #tpu.memory_space<hbm>> -> memref<2560x128xi32, #tpu.memory_space<hbm>>
        %dma_wait3A_313 = arith.constant 0 : i32
        %dma_wait3A_314 = tpu.memref_slice %dma_wait3A_312[%add3A_276, %dma_wait3A_313] : memref<2560x128xi32, #tpu.memory_space<hbm>> -> memref<56x128xi32, #tpu.memory_space<hbm>>
        tpu.wait_dma2 semaphore(%run_scoped3A_278 : memref<!tpu.dma_semaphore, #tpu.memory_space<semaphore_mem>>) src(%dma_wait3A_314 : memref<56x128xi32, #tpu.memory_space<hbm>>) dst(%dma_wait3A_308 : memref<56x128xi32, #tpu.memory_space<vmem>>)
        tpu.yield
      }) : () -> ()
    } else {
    }
    %scan3A = arith.constant 0 : i32
    %scan3A_137 = arith.constant 0 : i32
    %scan3A_138 = arith.constant 40 : i32
    %scan3A_139 = arith.addi %scan3A_137, %scan3A_138 : i32
    %scan3A_140 = arith.constant 1 : i32
    %scan3A_141 = scf.for %scan3A_269 = %scan3A_137 to %scan3A_139 step %scan3A_140 iter_args(%scan3A_270 = %scan3A) -> (i32)  : i32 {
      %mul3A_271 = arith.constant 16 : i32
      %mul3A_272 = arith.muli %scan3A_269, %mul3A_271 : i32
      %add3A_273 = arith.addi %mul3A_0, %mul3A_272 : i32
      "tpu.region"() ({
        %run_scoped3A = tpu.sem_alloc : memref<!tpu.dma_semaphore, #tpu.memory_space<semaphore_mem>>
        %dma_start3A_275 = arith.constant 0 : i32
        %dma_start3A_276 = tpu.memref_slice %arg9[%add3A_273, %dma_start3A_275] : memref<10240x16xf32, #tpu.memory_space<vmem_shared>> -> memref<16x16xf32, #tpu.memory_space<vmem_shared>>
        %dma_start3A_277 = arith.constant 0 : i32
        %dma_start3A_278 = tpu.memref_slice %arg9[%add3A_273, %dma_start3A_277] : memref<10240x16xf32, #tpu.memory_space<vmem_shared>> -> memref<16x16xf32, #tpu.memory_space<vmem_shared>>
        tpu.enqueue_dma source(%arg8 : memref<16x16xf32, #tpu.memory_space<vmem>>) target(%dma_start3A_278 : memref<16x16xf32, #tpu.memory_space<vmem_shared>>) target_semaphore(%run_scoped3A : memref<!tpu.dma_semaphore, #tpu.memory_space<semaphore_mem>>)
        %dma_wait3A_279 = arith.constant 0 : i32
        %dma_wait3A_280 = tpu.memref_slice %arg9[%add3A_273, %dma_wait3A_279] : memref<10240x16xf32, #tpu.memory_space<vmem_shared>> -> memref<16x16xf32, #tpu.memory_space<vmem_shared>>
        %dma_wait3A_281 = arith.constant 0 : i32
        %dma_wait3A_282 = tpu.memref_slice %arg9[%add3A_273, %dma_wait3A_281] : memref<10240x16xf32, #tpu.memory_space<vmem_shared>> -> memref<16x16xf32, #tpu.memory_space<vmem_shared>>
        tpu.wait_dma2 semaphore(%run_scoped3A : memref<!tpu.dma_semaphore, #tpu.memory_space<semaphore_mem>>) src(%arg8 : memref<16x16xf32, #tpu.memory_space<vmem>>) dst(%dma_wait3A_282 : memref<16x16xf32, #tpu.memory_space<vmem_shared>>)
        tpu.yield
      }) : () -> ()
      %scan3A_274 = arith.constant 0 : i32
      scf.yield %scan3A_274 : i32
    }
    %scan3A_142 = arith.constant 40 : i32
    %barrier3A = arith.constant 0 : index
    tpu.barrier barrier_id(%barrier3A)
    %dma_start3A = arith.constant 0 : i32
    %dma_start3A_143 = arith.constant 0 : i32
    %dma_start3A_144 = arith.constant 0 : i32
    %dma_start3A_145 = arith.constant 0 : i32
    %dma_start3A_146 = tpu.memref_slice %arg7[%dma_start3A_143, %dma_start3A_144, %dma_start3A_145] : memref<4x128x16xf32, #tpu.memory_space<vmem>> -> memref<1x128x16xf32, #tpu.memory_space<vmem>>
    %dma_start3A_147 = tpu.memref_squeeze %dma_start3A_146 : memref<1x128x16xf32, #tpu.memory_space<vmem>> -> memref<128x16xf32, #tpu.memory_space<vmem>>
    %dma_start3A_148 = arith.constant 0 : i32
    %dma_start3A_149 = tpu.memref_slice %arg5[%dma_start3A, %dma_start3A_148] : memref<104x128xi32, #tpu.memory_space<vmem>> -> memref<1x128xi32, #tpu.memory_space<vmem>>
    %dma_start3A_150 = tpu.memref_squeeze %dma_start3A_149 : memref<1x128xi32, #tpu.memory_space<vmem>> -> memref<128xi32, #tpu.memory_space<vmem>>
    %dma_start3A_151 = arith.constant 0 : i32
    %dma_start3A_152 = arith.constant 0 : i32
    %dma_start3A_153 = tpu.memref_slice %arg2[%dma_start3A_151, %dma_start3A_152] : memref<10240x16xf32, #tpu.memory_space<hbm>> -> memref<10240x16xf32, #tpu.memory_space<hbm>>
    tpu.enqueue_indirect_dma source(%dma_start3A_153 : memref<10240x16xf32, #tpu.memory_space<hbm>>) target(%dma_start3A_147 : memref<128x16xf32, #tpu.memory_space<vmem>>) offsets(%dma_start3A_150 : memref<128xi32, #tpu.memory_space<vmem>>) semaphore(%arg10 : memref<!tpu.dma_semaphore, #tpu.memory_space<semaphore_mem>>)
    %dma_start3A_154 = arith.constant 1 : i32
    %dma_start3A_155 = arith.constant 1 : i32
    %dma_start3A_156 = arith.constant 0 : i32
    %dma_start3A_157 = arith.constant 0 : i32
    %dma_start3A_158 = tpu.memref_slice %arg7[%dma_start3A_155, %dma_start3A_156, %dma_start3A_157] : memref<4x128x16xf32, #tpu.memory_space<vmem>> -> memref<1x128x16xf32, #tpu.memory_space<vmem>>
    %dma_start3A_159 = tpu.memref_squeeze %dma_start3A_158 : memref<1x128x16xf32, #tpu.memory_space<vmem>> -> memref<128x16xf32, #tpu.memory_space<vmem>>
    %dma_start3A_160 = arith.constant 0 : i32
    %dma_start3A_161 = tpu.memref_slice %arg5[%dma_start3A_154, %dma_start3A_160] : memref<104x128xi32, #tpu.memory_space<vmem>> -> memref<1x128xi32, #tpu.memory_space<vmem>>
    %dma_start3A_162 = tpu.memref_squeeze %dma_start3A_161 : memref<1x128xi32, #tpu.memory_space<vmem>> -> memref<128xi32, #tpu.memory_space<vmem>>
    %dma_start3A_163 = arith.constant 0 : i32
    %dma_start3A_164 = arith.constant 0 : i32
    %dma_start3A_165 = tpu.memref_slice %arg2[%dma_start3A_163, %dma_start3A_164] : memref<10240x16xf32, #tpu.memory_space<hbm>> -> memref<10240x16xf32, #tpu.memory_space<hbm>>
    tpu.enqueue_indirect_dma source(%dma_start3A_165 : memref<10240x16xf32, #tpu.memory_space<hbm>>) target(%dma_start3A_159 : memref<128x16xf32, #tpu.memory_space<vmem>>) offsets(%dma_start3A_162 : memref<128xi32, #tpu.memory_space<vmem>>) semaphore(%arg11 : memref<!tpu.dma_semaphore, #tpu.memory_space<semaphore_mem>>)
    %dma_start3A_166 = arith.constant 2 : i32
    %dma_start3A_167 = arith.constant 2 : i32
    %dma_start3A_168 = arith.constant 0 : i32
    %dma_start3A_169 = arith.constant 0 : i32
    %dma_start3A_170 = tpu.memref_slice %arg7[%dma_start3A_167, %dma_start3A_168, %dma_start3A_169] : memref<4x128x16xf32, #tpu.memory_space<vmem>> -> memref<1x128x16xf32, #tpu.memory_space<vmem>>
    %dma_start3A_171 = tpu.memref_squeeze %dma_start3A_170 : memref<1x128x16xf32, #tpu.memory_space<vmem>> -> memref<128x16xf32, #tpu.memory_space<vmem>>
    %dma_start3A_172 = arith.constant 0 : i32
    %dma_start3A_173 = tpu.memref_slice %arg5[%dma_start3A_166, %dma_start3A_172] : memref<104x128xi32, #tpu.memory_space<vmem>> -> memref<1x128xi32, #tpu.memory_space<vmem>>
    %dma_start3A_174 = tpu.memref_squeeze %dma_start3A_173 : memref<1x128xi32, #tpu.memory_space<vmem>> -> memref<128xi32, #tpu.memory_space<vmem>>
    %dma_start3A_175 = arith.constant 0 : i32
    %dma_start3A_176 = arith.constant 0 : i32
    %dma_start3A_177 = tpu.memref_slice %arg2[%dma_start3A_175, %dma_start3A_176] : memref<10240x16xf32, #tpu.memory_space<hbm>> -> memref<10240x16xf32, #tpu.memory_space<hbm>>
    tpu.enqueue_indirect_dma source(%dma_start3A_177 : memref<10240x16xf32, #tpu.memory_space<hbm>>) target(%dma_start3A_171 : memref<128x16xf32, #tpu.memory_space<vmem>>) offsets(%dma_start3A_174 : memref<128xi32, #tpu.memory_space<vmem>>) semaphore(%arg12 : memref<!tpu.dma_semaphore, #tpu.memory_space<semaphore_mem>>)
    %jit3A_178 = arith.constant 4 : i32
    %div3A = arith.divsi %select_n3A, %jit3A_178 : i32
    %sign3A = arith.constant 0 : i32
    %sign3A_179 = arith.cmpi sgt, %select_n3A, %sign3A : i32
    %sign3A_180 = arith.extui %sign3A_179 : i1 to i32
    %sign3A_181 = arith.constant 0 : i32
    %sign3A_182 = arith.cmpi slt, %select_n3A, %sign3A_181 : i32
    %sign3A_183 = arith.extui %sign3A_182 : i1 to i32
    %sign3A_184 = arith.subi %sign3A_180, %sign3A_183 : i32
    %sign3A_185 = arith.constant 0 : i32
    %sign3A_186 = arith.cmpi sgt, %jit3A_178, %sign3A_185 : i32
    %sign3A_187 = arith.extui %sign3A_186 : i1 to i32
    %sign3A_188 = arith.constant 0 : i32
    %sign3A_189 = arith.cmpi slt, %jit3A_178, %sign3A_188 : i32
    %sign3A_190 = arith.extui %sign3A_189 : i1 to i32
    %sign3A_191 = arith.subi %sign3A_187, %sign3A_190 : i32
    %ne3A = arith.cmpi ne, %sign3A_184, %sign3A_191 : i32
    %rem3A = arith.remsi %select_n3A, %jit3A_178 : i32
    %ne3A_192 = arith.constant 0 : i32
    %ne3A_193 = arith.cmpi ne, %rem3A, %ne3A_192 : i32
    %and3A = arith.andi %ne3A, %ne3A_193 : i1
    %sub3A = arith.constant 1 : i32
    %sub3A_194 = arith.subi %div3A, %sub3A : i32
    %select_n3A_195 = arith.select %and3A, %sub3A_194, %div3A : i32
    %while3A = arith.constant 0 : i32
    %while3A_196 = arith.constant 0 : i32
    %while3A_197 = arith.subi %select_n3A_195, %while3A : i32
    %while3A_198 = arith.addi %while3A, %while3A_197 : i32
    %while3A_199 = arith.constant 1 : i32
    %while3A_200 = arith.divsi %while3A_197, %while3A_199 : i32
    %while3A_201 = arith.muli %while3A_200, %while3A_199 : i32
    %while3A_202 = arith.addi %while3A, %while3A_201 : i32
    %while3A_203 = arith.constant 1 : i32
    %while3A_204 = scf.for %while3A_269 = %while3A to %while3A_202 step %while3A_203 iter_args(%while3A_270 = %while3A_196) -> (i32)  : i32 {
      %mul3A_271 = arith.constant 4 : i32
      %mul3A_272 = arith.muli %mul3A_271, %while3A_269 : i32
      %add3A_273 = arith.constant 0 : i32
      %add3A_274 = arith.addi %mul3A_272, %add3A_273 : i32
      %dma_wait3A_275 = arith.constant 0 : i32
      %dma_wait3A_276 = arith.constant 0 : i32
      %dma_wait3A_277 = arith.constant 0 : i32
      %dma_wait3A_278 = tpu.memref_slice %arg7[%dma_wait3A_275, %dma_wait3A_276, %dma_wait3A_277] : memref<4x128x16xf32, #tpu.memory_space<vmem>> -> memref<1x128x16xf32, #tpu.memory_space<vmem>>
      %dma_wait3A_279 = tpu.memref_squeeze %dma_wait3A_278 : memref<1x128x16xf32, #tpu.memory_space<vmem>> -> memref<128x16xf32, #tpu.memory_space<vmem>>
      %dma_wait3A_280 = arith.constant 0 : i32
      %dma_wait3A_281 = tpu.memref_slice %arg5[%add3A_274, %dma_wait3A_280] : memref<104x128xi32, #tpu.memory_space<vmem>> -> memref<1x128xi32, #tpu.memory_space<vmem>>
      %dma_wait3A_282 = tpu.memref_squeeze %dma_wait3A_281 : memref<1x128xi32, #tpu.memory_space<vmem>> -> memref<128xi32, #tpu.memory_space<vmem>>
      %dma_wait3A_283 = arith.constant 0 : i32
      %dma_wait3A_284 = arith.constant 0 : i32
      %dma_wait3A_285 = tpu.memref_slice %arg2[%dma_wait3A_283, %dma_wait3A_284] : memref<10240x16xf32, #tpu.memory_space<hbm>> -> memref<10240x16xf32, #tpu.memory_space<hbm>>
      tpu.wait_indirect_dma semaphore(%arg10 : memref<!tpu.dma_semaphore, #tpu.memory_space<semaphore_mem>>) src(%dma_wait3A_285 : memref<10240x16xf32, #tpu.memory_space<hbm>>) dst(%dma_wait3A_279 : memref<128x16xf32, #tpu.memory_space<vmem>>)
      %dma_start3A_286 = arith.constant 0 : i32
      %dma_start3A_287 = arith.constant 0 : i32
      %dma_start3A_288 = arith.constant 0 : i32
      %dma_start3A_289 = tpu.memref_slice %arg7[%dma_start3A_286, %dma_start3A_287, %dma_start3A_288] : memref<4x128x16xf32, #tpu.memory_space<vmem>> -> memref<1x128x16xf32, #tpu.memory_space<vmem>>
      %dma_start3A_290 = tpu.memref_squeeze %dma_start3A_289 : memref<1x128x16xf32, #tpu.memory_space<vmem>> -> memref<128x16xf32, #tpu.memory_space<vmem>>
      %dma_start3A_291 = arith.constant 0 : i32
      %dma_start3A_292 = tpu.memref_slice %arg6[%add3A_274, %dma_start3A_291] : memref<104x128xi32, #tpu.memory_space<vmem>> -> memref<1x128xi32, #tpu.memory_space<vmem>>
      %dma_start3A_293 = tpu.memref_squeeze %dma_start3A_292 : memref<1x128xi32, #tpu.memory_space<vmem>> -> memref<128xi32, #tpu.memory_space<vmem>>
      %dma_start3A_294 = arith.constant 0 : i32
      %dma_start3A_295 = arith.constant 0 : i32
      %dma_start3A_296 = tpu.memref_slice %arg9[%dma_start3A_294, %dma_start3A_295] : memref<10240x16xf32, #tpu.memory_space<vmem_shared>> -> memref<10240x16xf32, #tpu.memory_space<vmem_shared>>
      tpu.enqueue_indirect_dma source(%dma_start3A_290 : memref<128x16xf32, #tpu.memory_space<vmem>>) target(%dma_start3A_296 : memref<10240x16xf32, #tpu.memory_space<vmem_shared>>) offsets(%dma_start3A_293 : memref<128xi32, #tpu.memory_space<vmem>>) semaphore(%arg14 : memref<!tpu.dma_semaphore, #tpu.memory_space<semaphore_mem>>) {add = true}
      %add3A_297 = arith.constant 3 : i32
      %add3A_298 = arith.addi %add3A_274, %add3A_297 : i32
      %lt3A = arith.cmpi slt, %add3A_298, %select_n3A : i32
      %ge3A = arith.constant 1 : i32
      %ge3A_299 = arith.cmpi sge, %add3A_274, %ge3A : i32
      %and3A_300 = arith.andi %lt3A, %ge3A_299 : i1
      %convert_element_type3A_301 = arith.extui %and3A_300 : i1 to i32
      %cond3A_302 = arith.constant 0 : i32
      %cond3A_303 = arith.cmpi ne, %convert_element_type3A_301, %cond3A_302 : i32
      scf.if %cond3A_303 {
        %sub3A_417 = arith.constant 1 : i32
        %sub3A_418 = arith.subi %add3A_274, %sub3A_417 : i32
        %dma_wait3A_419 = arith.constant 3 : i32
        %dma_wait3A_420 = arith.constant 0 : i32
        %dma_wait3A_421 = arith.constant 0 : i32
        %dma_wait3A_422 = tpu.memref_slice %arg7[%dma_wait3A_419, %dma_wait3A_420, %dma_wait3A_421] : memref<4x128x16xf32, #tpu.memory_space<vmem>> -> memref<1x128x16xf32, #tpu.memory_space<vmem>>
        %dma_wait3A_423 = tpu.memref_squeeze %dma_wait3A_422 : memref<1x128x16xf32, #tpu.memory_space<vmem>> -> memref<128x16xf32, #tpu.memory_space<vmem>>
        %dma_wait3A_424 = arith.constant 0 : i32
        %dma_wait3A_425 = tpu.memref_slice %arg6[%sub3A_418, %dma_wait3A_424] : memref<104x128xi32, #tpu.memory_space<vmem>> -> memref<1x128xi32, #tpu.memory_space<vmem>>
        %dma_wait3A_426 = tpu.memref_squeeze %dma_wait3A_425 : memref<1x128xi32, #tpu.memory_space<vmem>> -> memref<128xi32, #tpu.memory_space<vmem>>
        %dma_wait3A_427 = arith.constant 0 : i32
        %dma_wait3A_428 = arith.constant 0 : i32
        %dma_wait3A_429 = tpu.memref_slice %arg9[%dma_wait3A_427, %dma_wait3A_428] : memref<10240x16xf32, #tpu.memory_space<vmem_shared>> -> memref<10240x16xf32, #tpu.memory_space<vmem_shared>>
        tpu.wait_indirect_dma semaphore(%arg17 : memref<!tpu.dma_semaphore, #tpu.memory_space<semaphore_mem>>) src(%dma_wait3A_423 : memref<128x16xf32, #tpu.memory_space<vmem>>) dst(%dma_wait3A_429 : memref<10240x16xf32, #tpu.memory_space<vmem_shared>>)
        %dma_start3A_430 = arith.constant 3 : i32
        %dma_start3A_431 = arith.constant 0 : i32
        %dma_start3A_432 = arith.constant 0 : i32
        %dma_start3A_433 = tpu.memref_slice %arg7[%dma_start3A_430, %dma_start3A_431, %dma_start3A_432] : memref<4x128x16xf32, #tpu.memory_space<vmem>> -> memref<1x128x16xf32, #tpu.memory_space<vmem>>
        %dma_start3A_434 = tpu.memref_squeeze %dma_start3A_433 : memref<1x128x16xf32, #tpu.memory_space<vmem>> -> memref<128x16xf32, #tpu.memory_space<vmem>>
        %dma_start3A_435 = arith.constant 0 : i32
        %dma_start3A_436 = tpu.memref_slice %arg5[%add3A_298, %dma_start3A_435] : memref<104x128xi32, #tpu.memory_space<vmem>> -> memref<1x128xi32, #tpu.memory_space<vmem>>
        %dma_start3A_437 = tpu.memref_squeeze %dma_start3A_436 : memref<1x128xi32, #tpu.memory_space<vmem>> -> memref<128xi32, #tpu.memory_space<vmem>>
        %dma_start3A_438 = arith.constant 0 : i32
        %dma_start3A_439 = arith.constant 0 : i32
        %dma_start3A_440 = tpu.memref_slice %arg2[%dma_start3A_438, %dma_start3A_439] : memref<10240x16xf32, #tpu.memory_space<hbm>> -> memref<10240x16xf32, #tpu.memory_space<hbm>>
        tpu.enqueue_indirect_dma source(%dma_start3A_440 : memref<10240x16xf32, #tpu.memory_space<hbm>>) target(%dma_start3A_434 : memref<128x16xf32, #tpu.memory_space<vmem>>) offsets(%dma_start3A_437 : memref<128xi32, #tpu.memory_space<vmem>>) semaphore(%arg13 : memref<!tpu.dma_semaphore, #tpu.memory_space<semaphore_mem>>)
      } else {
      }
      %eq3A_304 = arith.constant 0 : i32
      %eq3A_305 = arith.cmpi eq, %while3A_269, %eq3A_304 : i32
      %gt3A = arith.constant 3 : i32
      %gt3A_306 = arith.cmpi sgt, %select_n3A, %gt3A : i32
      %and3A_307 = arith.andi %eq3A_305, %gt3A_306 : i1
      %convert_element_type3A_308 = arith.extui %and3A_307 : i1 to i32
      %cond3A_309 = arith.constant 0 : i32
      %cond3A_310 = arith.cmpi ne, %convert_element_type3A_308, %cond3A_309 : i32
      scf.if %cond3A_310 {
        %dma_start3A_417 = arith.constant 3 : i32
        %dma_start3A_418 = arith.constant 3 : i32
        %dma_start3A_419 = arith.constant 0 : i32
        %dma_start3A_420 = arith.constant 0 : i32
        %dma_start3A_421 = tpu.memref_slice %arg7[%dma_start3A_418, %dma_start3A_419, %dma_start3A_420] : memref<4x128x16xf32, #tpu.memory_space<vmem>> -> memref<1x128x16xf32, #tpu.memory_space<vmem>>
        %dma_start3A_422 = tpu.memref_squeeze %dma_start3A_421 : memref<1x128x16xf32, #tpu.memory_space<vmem>> -> memref<128x16xf32, #tpu.memory_space<vmem>>
        %dma_start3A_423 = arith.constant 0 : i32
        %dma_start3A_424 = tpu.memref_slice %arg5[%dma_start3A_417, %dma_start3A_423] : memref<104x128xi32, #tpu.memory_space<vmem>> -> memref<1x128xi32, #tpu.memory_space<vmem>>
        %dma_start3A_425 = tpu.memref_squeeze %dma_start3A_424 : memref<1x128xi32, #tpu.memory_space<vmem>> -> memref<128xi32, #tpu.memory_space<vmem>>
        %dma_start3A_426 = arith.constant 0 : i32
        %dma_start3A_427 = arith.constant 0 : i32
        %dma_start3A_428 = tpu.memref_slice %arg2[%dma_start3A_426, %dma_start3A_427] : memref<10240x16xf32, #tpu.memory_space<hbm>> -> memref<10240x16xf32, #tpu.memory_space<hbm>>
        tpu.enqueue_indirect_dma source(%dma_start3A_428 : memref<10240x16xf32, #tpu.memory_space<hbm>>) target(%dma_start3A_422 : memref<128x16xf32, #tpu.memory_space<vmem>>) offsets(%dma_start3A_425 : memref<128xi32, #tpu.memory_space<vmem>>) semaphore(%arg13 : memref<!tpu.dma_semaphore, #tpu.memory_space<semaphore_mem>>)
      } else {
      }
      %mul3A_311 = arith.constant 4 : i32
      %mul3A_312 = arith.muli %mul3A_311, %while3A_269 : i32
      %add3A_313 = arith.constant 1 : i32
      %add3A_314 = arith.addi %mul3A_312, %add3A_313 : i32
      %dma_wait3A_315 = arith.constant 1 : i32
      %dma_wait3A_316 = arith.constant 0 : i32
      %dma_wait3A_317 = arith.constant 0 : i32
      %dma_wait3A_318 = tpu.memref_slice %arg7[%dma_wait3A_315, %dma_wait3A_316, %dma_wait3A_317] : memref<4x128x16xf32, #tpu.memory_space<vmem>> -> memref<1x128x16xf32, #tpu.memory_space<vmem>>
      %dma_wait3A_319 = tpu.memref_squeeze %dma_wait3A_318 : memref<1x128x16xf32, #tpu.memory_space<vmem>> -> memref<128x16xf32, #tpu.memory_space<vmem>>
      %dma_wait3A_320 = arith.constant 0 : i32
      %dma_wait3A_321 = tpu.memref_slice %arg5[%add3A_314, %dma_wait3A_320] : memref<104x128xi32, #tpu.memory_space<vmem>> -> memref<1x128xi32, #tpu.memory_space<vmem>>
      %dma_wait3A_322 = tpu.memref_squeeze %dma_wait3A_321 : memref<1x128xi32, #tpu.memory_space<vmem>> -> memref<128xi32, #tpu.memory_space<vmem>>
      %dma_wait3A_323 = arith.constant 0 : i32
      %dma_wait3A_324 = arith.constant 0 : i32
      %dma_wait3A_325 = tpu.memref_slice %arg2[%dma_wait3A_323, %dma_wait3A_324] : memref<10240x16xf32, #tpu.memory_space<hbm>> -> memref<10240x16xf32, #tpu.memory_space<hbm>>
      tpu.wait_indirect_dma semaphore(%arg11 : memref<!tpu.dma_semaphore, #tpu.memory_space<semaphore_mem>>) src(%dma_wait3A_325 : memref<10240x16xf32, #tpu.memory_space<hbm>>) dst(%dma_wait3A_319 : memref<128x16xf32, #tpu.memory_space<vmem>>)
      %dma_start3A_326 = arith.constant 1 : i32
      %dma_start3A_327 = arith.constant 0 : i32
      %dma_start3A_328 = arith.constant 0 : i32
      %dma_start3A_329 = tpu.memref_slice %arg7[%dma_start3A_326, %dma_start3A_327, %dma_start3A_328] : memref<4x128x16xf32, #tpu.memory_space<vmem>> -> memref<1x128x16xf32, #tpu.memory_space<vmem>>
      %dma_start3A_330 = tpu.memref_squeeze %dma_start3A_329 : memref<1x128x16xf32, #tpu.memory_space<vmem>> -> memref<128x16xf32, #tpu.memory_space<vmem>>
      %dma_start3A_331 = arith.constant 0 : i32
      %dma_start3A_332 = tpu.memref_slice %arg6[%add3A_314, %dma_start3A_331] : memref<104x128xi32, #tpu.memory_space<vmem>> -> memref<1x128xi32, #tpu.memory_space<vmem>>
      %dma_start3A_333 = tpu.memref_squeeze %dma_start3A_332 : memref<1x128xi32, #tpu.memory_space<vmem>> -> memref<128xi32, #tpu.memory_space<vmem>>
      %dma_start3A_334 = arith.constant 0 : i32
      %dma_start3A_335 = arith.constant 0 : i32
      %dma_start3A_336 = tpu.memref_slice %arg9[%dma_start3A_334, %dma_start3A_335] : memref<10240x16xf32, #tpu.memory_space<vmem_shared>> -> memref<10240x16xf32, #tpu.memory_space<vmem_shared>>
      tpu.enqueue_indirect_dma source(%dma_start3A_330 : memref<128x16xf32, #tpu.memory_space<vmem>>) target(%dma_start3A_336 : memref<10240x16xf32, #tpu.memory_space<vmem_shared>>) offsets(%dma_start3A_333 : memref<128xi32, #tpu.memory_space<vmem>>) semaphore(%arg15 : memref<!tpu.dma_semaphore, #tpu.memory_space<semaphore_mem>>) {add = true}
      %add3A_337 = arith.constant 3 : i32
      %add3A_338 = arith.addi %add3A_314, %add3A_337 : i32
      %lt3A_339 = arith.cmpi slt, %add3A_338, %select_n3A : i32
      %ge3A_340 = arith.constant 1 : i32
      %ge3A_341 = arith.cmpi sge, %add3A_314, %ge3A_340 : i32
      %and3A_342 = arith.andi %lt3A_339, %ge3A_341 : i1
      %convert_element_type3A_343 = arith.extui %and3A_342 : i1 to i32
      %cond3A_344 = arith.constant 0 : i32
      %cond3A_345 = arith.cmpi ne, %convert_element_type3A_343, %cond3A_344 : i32
      scf.if %cond3A_345 {
        %sub3A_417 = arith.constant 1 : i32
        %sub3A_418 = arith.subi %add3A_314, %sub3A_417 : i32
        %dma_wait3A_419 = arith.constant 0 : i32
        %dma_wait3A_420 = arith.constant 0 : i32
        %dma_wait3A_421 = arith.constant 0 : i32
        %dma_wait3A_422 = tpu.memref_slice %arg7[%dma_wait3A_419, %dma_wait3A_420, %dma_wait3A_421] : memref<4x128x16xf32, #tpu.memory_space<vmem>> -> memref<1x128x16xf32, #tpu.memory_space<vmem>>
        %dma_wait3A_423 = tpu.memref_squeeze %dma_wait3A_422 : memref<1x128x16xf32, #tpu.memory_space<vmem>> -> memref<128x16xf32, #tpu.memory_space<vmem>>
        %dma_wait3A_424 = arith.constant 0 : i32
        %dma_wait3A_425 = tpu.memref_slice %arg6[%sub3A_418, %dma_wait3A_424] : memref<104x128xi32, #tpu.memory_space<vmem>> -> memref<1x128xi32, #tpu.memory_space<vmem>>
        %dma_wait3A_426 = tpu.memref_squeeze %dma_wait3A_425 : memref<1x128xi32, #tpu.memory_space<vmem>> -> memref<128xi32, #tpu.memory_space<vmem>>
        %dma_wait3A_427 = arith.constant 0 : i32
        %dma_wait3A_428 = arith.constant 0 : i32
        %dma_wait3A_429 = tpu.memref_slice %arg9[%dma_wait3A_427, %dma_wait3A_428] : memref<10240x16xf32, #tpu.memory_space<vmem_shared>> -> memref<10240x16xf32, #tpu.memory_space<vmem_shared>>
        tpu.wait_indirect_dma semaphore(%arg14 : memref<!tpu.dma_semaphore, #tpu.memory_space<semaphore_mem>>) src(%dma_wait3A_423 : memref<128x16xf32, #tpu.memory_space<vmem>>) dst(%dma_wait3A_429 : memref<10240x16xf32, #tpu.memory_space<vmem_shared>>)
        %dma_start3A_430 = arith.constant 0 : i32
        %dma_start3A_431 = arith.constant 0 : i32
        %dma_start3A_432 = arith.constant 0 : i32
        %dma_start3A_433 = tpu.memref_slice %arg7[%dma_start3A_430, %dma_start3A_431, %dma_start3A_432] : memref<4x128x16xf32, #tpu.memory_space<vmem>> -> memref<1x128x16xf32, #tpu.memory_space<vmem>>
        %dma_start3A_434 = tpu.memref_squeeze %dma_start3A_433 : memref<1x128x16xf32, #tpu.memory_space<vmem>> -> memref<128x16xf32, #tpu.memory_space<vmem>>
        %dma_start3A_435 = arith.constant 0 : i32
        %dma_start3A_436 = tpu.memref_slice %arg5[%add3A_338, %dma_start3A_435] : memref<104x128xi32, #tpu.memory_space<vmem>> -> memref<1x128xi32, #tpu.memory_space<vmem>>
        %dma_start3A_437 = tpu.memref_squeeze %dma_start3A_436 : memref<1x128xi32, #tpu.memory_space<vmem>> -> memref<128xi32, #tpu.memory_space<vmem>>
        %dma_start3A_438 = arith.constant 0 : i32
        %dma_start3A_439 = arith.constant 0 : i32
        %dma_start3A_440 = tpu.memref_slice %arg2[%dma_start3A_438, %dma_start3A_439] : memref<10240x16xf32, #tpu.memory_space<hbm>> -> memref<10240x16xf32, #tpu.memory_space<hbm>>
        tpu.enqueue_indirect_dma source(%dma_start3A_440 : memref<10240x16xf32, #tpu.memory_space<hbm>>) target(%dma_start3A_434 : memref<128x16xf32, #tpu.memory_space<vmem>>) offsets(%dma_start3A_437 : memref<128xi32, #tpu.memory_space<vmem>>) semaphore(%arg10 : memref<!tpu.dma_semaphore, #tpu.memory_space<semaphore_mem>>)
      } else {
      }
      %mul3A_346 = arith.constant 4 : i32
      %mul3A_347 = arith.muli %mul3A_346, %while3A_269 : i32
      %add3A_348 = arith.constant 2 : i32
      %add3A_349 = arith.addi %mul3A_347, %add3A_348 : i32
      %dma_wait3A_350 = arith.constant 2 : i32
      %dma_wait3A_351 = arith.constant 0 : i32
      %dma_wait3A_352 = arith.constant 0 : i32
      %dma_wait3A_353 = tpu.memref_slice %arg7[%dma_wait3A_350, %dma_wait3A_351, %dma_wait3A_352] : memref<4x128x16xf32, #tpu.memory_space<vmem>> -> memref<1x128x16xf32, #tpu.memory_space<vmem>>
      %dma_wait3A_354 = tpu.memref_squeeze %dma_wait3A_353 : memref<1x128x16xf32, #tpu.memory_space<vmem>> -> memref<128x16xf32, #tpu.memory_space<vmem>>
      %dma_wait3A_355 = arith.constant 0 : i32
      %dma_wait3A_356 = tpu.memref_slice %arg5[%add3A_349, %dma_wait3A_355] : memref<104x128xi32, #tpu.memory_space<vmem>> -> memref<1x128xi32, #tpu.memory_space<vmem>>
      %dma_wait3A_357 = tpu.memref_squeeze %dma_wait3A_356 : memref<1x128xi32, #tpu.memory_space<vmem>> -> memref<128xi32, #tpu.memory_space<vmem>>
      %dma_wait3A_358 = arith.constant 0 : i32
      %dma_wait3A_359 = arith.constant 0 : i32
      %dma_wait3A_360 = tpu.memref_slice %arg2[%dma_wait3A_358, %dma_wait3A_359] : memref<10240x16xf32, #tpu.memory_space<hbm>> -> memref<10240x16xf32, #tpu.memory_space<hbm>>
      tpu.wait_indirect_dma semaphore(%arg12 : memref<!tpu.dma_semaphore, #tpu.memory_space<semaphore_mem>>) src(%dma_wait3A_360 : memref<10240x16xf32, #tpu.memory_space<hbm>>) dst(%dma_wait3A_354 : memref<128x16xf32, #tpu.memory_space<vmem>>)
      %dma_start3A_361 = arith.constant 2 : i32
      %dma_start3A_362 = arith.constant 0 : i32
      %dma_start3A_363 = arith.constant 0 : i32
      %dma_start3A_364 = tpu.memref_slice %arg7[%dma_start3A_361, %dma_start3A_362, %dma_start3A_363] : memref<4x128x16xf32, #tpu.memory_space<vmem>> -> memref<1x128x16xf32, #tpu.memory_space<vmem>>
      %dma_start3A_365 = tpu.memref_squeeze %dma_start3A_364 : memref<1x128x16xf32, #tpu.memory_space<vmem>> -> memref<128x16xf32, #tpu.memory_space<vmem>>
      %dma_start3A_366 = arith.constant 0 : i32
      %dma_start3A_367 = tpu.memref_slice %arg6[%add3A_349, %dma_start3A_366] : memref<104x128xi32, #tpu.memory_space<vmem>> -> memref<1x128xi32, #tpu.memory_space<vmem>>
      %dma_start3A_368 = tpu.memref_squeeze %dma_start3A_367 : memref<1x128xi32, #tpu.memory_space<vmem>> -> memref<128xi32, #tpu.memory_space<vmem>>
      %dma_start3A_369 = arith.constant 0 : i32
      %dma_start3A_370 = arith.constant 0 : i32
      %dma_start3A_371 = tpu.memref_slice %arg9[%dma_start3A_369, %dma_start3A_370] : memref<10240x16xf32, #tpu.memory_space<vmem_shared>> -> memref<10240x16xf32, #tpu.memory_space<vmem_shared>>
      tpu.enqueue_indirect_dma source(%dma_start3A_365 : memref<128x16xf32, #tpu.memory_space<vmem>>) target(%dma_start3A_371 : memref<10240x16xf32, #tpu.memory_space<vmem_shared>>) offsets(%dma_start3A_368 : memref<128xi32, #tpu.memory_space<vmem>>) semaphore(%arg16 : memref<!tpu.dma_semaphore, #tpu.memory_space<semaphore_mem>>) {add = true}
      %add3A_372 = arith.constant 3 : i32
      %add3A_373 = arith.addi %add3A_349, %add3A_372 : i32
      %lt3A_374 = arith.cmpi slt, %add3A_373, %select_n3A : i32
      %ge3A_375 = arith.constant 1 : i32
      %ge3A_376 = arith.cmpi sge, %add3A_349, %ge3A_375 : i32
      %and3A_377 = arith.andi %lt3A_374, %ge3A_376 : i1
      %convert_element_type3A_378 = arith.extui %and3A_377 : i1 to i32
      %cond3A_379 = arith.constant 0 : i32
      %cond3A_380 = arith.cmpi ne, %convert_element_type3A_378, %cond3A_379 : i32
      scf.if %cond3A_380 {
        %sub3A_417 = arith.constant 1 : i32
        %sub3A_418 = arith.subi %add3A_349, %sub3A_417 : i32
        %dma_wait3A_419 = arith.constant 1 : i32
        %dma_wait3A_420 = arith.constant 0 : i32
        %dma_wait3A_421 = arith.constant 0 : i32
        %dma_wait3A_422 = tpu.memref_slice %arg7[%dma_wait3A_419, %dma_wait3A_420, %dma_wait3A_421] : memref<4x128x16xf32, #tpu.memory_space<vmem>> -> memref<1x128x16xf32, #tpu.memory_space<vmem>>
        %dma_wait3A_423 = tpu.memref_squeeze %dma_wait3A_422 : memref<1x128x16xf32, #tpu.memory_space<vmem>> -> memref<128x16xf32, #tpu.memory_space<vmem>>
        %dma_wait3A_424 = arith.constant 0 : i32
        %dma_wait3A_425 = tpu.memref_slice %arg6[%sub3A_418, %dma_wait3A_424] : memref<104x128xi32, #tpu.memory_space<vmem>> -> memref<1x128xi32, #tpu.memory_space<vmem>>
        %dma_wait3A_426 = tpu.memref_squeeze %dma_wait3A_425 : memref<1x128xi32, #tpu.memory_space<vmem>> -> memref<128xi32, #tpu.memory_space<vmem>>
        %dma_wait3A_427 = arith.constant 0 : i32
        %dma_wait3A_428 = arith.constant 0 : i32
        %dma_wait3A_429 = tpu.memref_slice %arg9[%dma_wait3A_427, %dma_wait3A_428] : memref<10240x16xf32, #tpu.memory_space<vmem_shared>> -> memref<10240x16xf32, #tpu.memory_space<vmem_shared>>
        tpu.wait_indirect_dma semaphore(%arg15 : memref<!tpu.dma_semaphore, #tpu.memory_space<semaphore_mem>>) src(%dma_wait3A_423 : memref<128x16xf32, #tpu.memory_space<vmem>>) dst(%dma_wait3A_429 : memref<10240x16xf32, #tpu.memory_space<vmem_shared>>)
        %dma_start3A_430 = arith.constant 1 : i32
        %dma_start3A_431 = arith.constant 0 : i32
        %dma_start3A_432 = arith.constant 0 : i32
        %dma_start3A_433 = tpu.memref_slice %arg7[%dma_start3A_430, %dma_start3A_431, %dma_start3A_432] : memref<4x128x16xf32, #tpu.memory_space<vmem>> -> memref<1x128x16xf32, #tpu.memory_space<vmem>>
        %dma_start3A_434 = tpu.memref_squeeze %dma_start3A_433 : memref<1x128x16xf32, #tpu.memory_space<vmem>> -> memref<128x16xf32, #tpu.memory_space<vmem>>
        %dma_start3A_435 = arith.constant 0 : i32
        %dma_start3A_436 = tpu.memref_slice %arg5[%add3A_373, %dma_start3A_435] : memref<104x128xi32, #tpu.memory_space<vmem>> -> memref<1x128xi32, #tpu.memory_space<vmem>>
        %dma_start3A_437 = tpu.memref_squeeze %dma_start3A_436 : memref<1x128xi32, #tpu.memory_space<vmem>> -> memref<128xi32, #tpu.memory_space<vmem>>
        %dma_start3A_438 = arith.constant 0 : i32
        %dma_start3A_439 = arith.constant 0 : i32
        %dma_start3A_440 = tpu.memref_slice %arg2[%dma_start3A_438, %dma_start3A_439] : memref<10240x16xf32, #tpu.memory_space<hbm>> -> memref<10240x16xf32, #tpu.memory_space<hbm>>
        tpu.enqueue_indirect_dma source(%dma_start3A_440 : memref<10240x16xf32, #tpu.memory_space<hbm>>) target(%dma_start3A_434 : memref<128x16xf32, #tpu.memory_space<vmem>>) offsets(%dma_start3A_437 : memref<128xi32, #tpu.memory_space<vmem>>) semaphore(%arg11 : memref<!tpu.dma_semaphore, #tpu.memory_space<semaphore_mem>>)
      } else {
      }
      %mul3A_381 = arith.constant 4 : i32
      %mul3A_382 = arith.muli %mul3A_381, %while3A_269 : i32
      %add3A_383 = arith.constant 3 : i32
      %add3A_384 = arith.addi %mul3A_382, %add3A_383 : i32
      %dma_wait3A_385 = arith.constant 3 : i32
      %dma_wait3A_386 = arith.constant 0 : i32
      %dma_wait3A_387 = arith.constant 0 : i32
      %dma_wait3A_388 = tpu.memref_slice %arg7[%dma_wait3A_385, %dma_wait3A_386, %dma_wait3A_387] : memref<4x128x16xf32, #tpu.memory_space<vmem>> -> memref<1x128x16xf32, #tpu.memory_space<vmem>>
      %dma_wait3A_389 = tpu.memref_squeeze %dma_wait3A_388 : memref<1x128x16xf32, #tpu.memory_space<vmem>> -> memref<128x16xf32, #tpu.memory_space<vmem>>
      %dma_wait3A_390 = arith.constant 0 : i32
      %dma_wait3A_391 = tpu.memref_slice %arg5[%add3A_384, %dma_wait3A_390] : memref<104x128xi32, #tpu.memory_space<vmem>> -> memref<1x128xi32, #tpu.memory_space<vmem>>
      %dma_wait3A_392 = tpu.memref_squeeze %dma_wait3A_391 : memref<1x128xi32, #tpu.memory_space<vmem>> -> memref<128xi32, #tpu.memory_space<vmem>>
      %dma_wait3A_393 = arith.constant 0 : i32
      %dma_wait3A_394 = arith.constant 0 : i32
      %dma_wait3A_395 = tpu.memref_slice %arg2[%dma_wait3A_393, %dma_wait3A_394] : memref<10240x16xf32, #tpu.memory_space<hbm>> -> memref<10240x16xf32, #tpu.memory_space<hbm>>
      tpu.wait_indirect_dma semaphore(%arg13 : memref<!tpu.dma_semaphore, #tpu.memory_space<semaphore_mem>>) src(%dma_wait3A_395 : memref<10240x16xf32, #tpu.memory_space<hbm>>) dst(%dma_wait3A_389 : memref<128x16xf32, #tpu.memory_space<vmem>>)
      %dma_start3A_396 = arith.constant 3 : i32
      %dma_start3A_397 = arith.constant 0 : i32
      %dma_start3A_398 = arith.constant 0 : i32
      %dma_start3A_399 = tpu.memref_slice %arg7[%dma_start3A_396, %dma_start3A_397, %dma_start3A_398] : memref<4x128x16xf32, #tpu.memory_space<vmem>> -> memref<1x128x16xf32, #tpu.memory_space<vmem>>
      %dma_start3A_400 = tpu.memref_squeeze %dma_start3A_399 : memref<1x128x16xf32, #tpu.memory_space<vmem>> -> memref<128x16xf32, #tpu.memory_space<vmem>>
      %dma_start3A_401 = arith.constant 0 : i32
      %dma_start3A_402 = tpu.memref_slice %arg6[%add3A_384, %dma_start3A_401] : memref<104x128xi32, #tpu.memory_space<vmem>> -> memref<1x128xi32, #tpu.memory_space<vmem>>
      %dma_start3A_403 = tpu.memref_squeeze %dma_start3A_402 : memref<1x128xi32, #tpu.memory_space<vmem>> -> memref<128xi32, #tpu.memory_space<vmem>>
      %dma_start3A_404 = arith.constant 0 : i32
      %dma_start3A_405 = arith.constant 0 : i32
      %dma_start3A_406 = tpu.memref_slice %arg9[%dma_start3A_404, %dma_start3A_405] : memref<10240x16xf32, #tpu.memory_space<vmem_shared>> -> memref<10240x16xf32, #tpu.memory_space<vmem_shared>>
      tpu.enqueue_indirect_dma source(%dma_start3A_400 : memref<128x16xf32, #tpu.memory_space<vmem>>) target(%dma_start3A_406 : memref<10240x16xf32, #tpu.memory_space<vmem_shared>>) offsets(%dma_start3A_403 : memref<128xi32, #tpu.memory_space<vmem>>) semaphore(%arg17 : memref<!tpu.dma_semaphore, #tpu.memory_space<semaphore_mem>>) {add = true}
      %add3A_407 = arith.constant 3 : i32
      %add3A_408 = arith.addi %add3A_384, %add3A_407 : i32
      %lt3A_409 = arith.cmpi slt, %add3A_408, %select_n3A : i32
      %ge3A_410 = arith.constant 1 : i32
      %ge3A_411 = arith.cmpi sge, %add3A_384, %ge3A_410 : i32
      %and3A_412 = arith.andi %lt3A_409, %ge3A_411 : i1
      %convert_element_type3A_413 = arith.extui %and3A_412 : i1 to i32
      %cond3A_414 = arith.constant 0 : i32
      %cond3A_415 = arith.cmpi ne, %convert_element_type3A_413, %cond3A_414 : i32
      scf.if %cond3A_415 {
        %sub3A_417 = arith.constant 1 : i32
        %sub3A_418 = arith.subi %add3A_384, %sub3A_417 : i32
        %dma_wait3A_419 = arith.constant 2 : i32
        %dma_wait3A_420 = arith.constant 0 : i32
        %dma_wait3A_421 = arith.constant 0 : i32
        %dma_wait3A_422 = tpu.memref_slice %arg7[%dma_wait3A_419, %dma_wait3A_420, %dma_wait3A_421] : memref<4x128x16xf32, #tpu.memory_space<vmem>> -> memref<1x128x16xf32, #tpu.memory_space<vmem>>
        %dma_wait3A_423 = tpu.memref_squeeze %dma_wait3A_422 : memref<1x128x16xf32, #tpu.memory_space<vmem>> -> memref<128x16xf32, #tpu.memory_space<vmem>>
        %dma_wait3A_424 = arith.constant 0 : i32
        %dma_wait3A_425 = tpu.memref_slice %arg6[%sub3A_418, %dma_wait3A_424] : memref<104x128xi32, #tpu.memory_space<vmem>> -> memref<1x128xi32, #tpu.memory_space<vmem>>
        %dma_wait3A_426 = tpu.memref_squeeze %dma_wait3A_425 : memref<1x128xi32, #tpu.memory_space<vmem>> -> memref<128xi32, #tpu.memory_space<vmem>>
        %dma_wait3A_427 = arith.constant 0 : i32
        %dma_wait3A_428 = arith.constant 0 : i32
        %dma_wait3A_429 = tpu.memref_slice %arg9[%dma_wait3A_427, %dma_wait3A_428] : memref<10240x16xf32, #tpu.memory_space<vmem_shared>> -> memref<10240x16xf32, #tpu.memory_space<vmem_shared>>
        tpu.wait_indirect_dma semaphore(%arg16 : memref<!tpu.dma_semaphore, #tpu.memory_space<semaphore_mem>>) src(%dma_wait3A_423 : memref<128x16xf32, #tpu.memory_space<vmem>>) dst(%dma_wait3A_429 : memref<10240x16xf32, #tpu.memory_space<vmem_shared>>)
        %dma_start3A_430 = arith.constant 2 : i32
        %dma_start3A_431 = arith.constant 0 : i32
        %dma_start3A_432 = arith.constant 0 : i32
        %dma_start3A_433 = tpu.memref_slice %arg7[%dma_start3A_430, %dma_start3A_431, %dma_start3A_432] : memref<4x128x16xf32, #tpu.memory_space<vmem>> -> memref<1x128x16xf32, #tpu.memory_space<vmem>>
        %dma_start3A_434 = tpu.memref_squeeze %dma_start3A_433 : memref<1x128x16xf32, #tpu.memory_space<vmem>> -> memref<128x16xf32, #tpu.memory_space<vmem>>
        %dma_start3A_435 = arith.constant 0 : i32
        %dma_start3A_436 = tpu.memref_slice %arg5[%add3A_408, %dma_start3A_435] : memref<104x128xi32, #tpu.memory_space<vmem>> -> memref<1x128xi32, #tpu.memory_space<vmem>>
        %dma_start3A_437 = tpu.memref_squeeze %dma_start3A_436 : memref<1x128xi32, #tpu.memory_space<vmem>> -> memref<128xi32, #tpu.memory_space<vmem>>
        %dma_start3A_438 = arith.constant 0 : i32
        %dma_start3A_439 = arith.constant 0 : i32
        %dma_start3A_440 = tpu.memref_slice %arg2[%dma_start3A_438, %dma_start3A_439] : memref<10240x16xf32, #tpu.memory_space<hbm>> -> memref<10240x16xf32, #tpu.memory_space<hbm>>
        tpu.enqueue_indirect_dma source(%dma_start3A_440 : memref<10240x16xf32, #tpu.memory_space<hbm>>) target(%dma_start3A_434 : memref<128x16xf32, #tpu.memory_space<vmem>>) offsets(%dma_start3A_437 : memref<128xi32, #tpu.memory_space<vmem>>) semaphore(%arg12 : memref<!tpu.dma_semaphore, #tpu.memory_space<semaphore_mem>>)
      } else {
      }
      %while3A_416 = arith.constant 0 : i32
      scf.yield %while3A_416 : i32
    }
    %while3A_205 = arith.constant 1 : i32
    %while3A_206 = scf.for %while3A_269 = %while3A_202 to %while3A_198 step %while3A_205 iter_args(%while3A_270 = %while3A_204) -> (i32)  : i32 {
      %mul3A_271 = arith.constant 4 : i32
      %mul3A_272 = arith.muli %mul3A_271, %while3A_269 : i32
      %add3A_273 = arith.constant 0 : i32
      %add3A_274 = arith.addi %mul3A_272, %add3A_273 : i32
      %dma_wait3A_275 = arith.constant 0 : i32
      %dma_wait3A_276 = arith.constant 0 : i32
      %dma_wait3A_277 = arith.constant 0 : i32
      %dma_wait3A_278 = tpu.memref_slice %arg7[%dma_wait3A_275, %dma_wait3A_276, %dma_wait3A_277] : memref<4x128x16xf32, #tpu.memory_space<vmem>> -> memref<1x128x16xf32, #tpu.memory_space<vmem>>
      %dma_wait3A_279 = tpu.memref_squeeze %dma_wait3A_278 : memref<1x128x16xf32, #tpu.memory_space<vmem>> -> memref<128x16xf32, #tpu.memory_space<vmem>>
      %dma_wait3A_280 = arith.constant 0 : i32
      %dma_wait3A_281 = tpu.memref_slice %arg5[%add3A_274, %dma_wait3A_280] : memref<104x128xi32, #tpu.memory_space<vmem>> -> memref<1x128xi32, #tpu.memory_space<vmem>>
      %dma_wait3A_282 = tpu.memref_squeeze %dma_wait3A_281 : memref<1x128xi32, #tpu.memory_space<vmem>> -> memref<128xi32, #tpu.memory_space<vmem>>
      %dma_wait3A_283 = arith.constant 0 : i32
      %dma_wait3A_284 = arith.constant 0 : i32
      %dma_wait3A_285 = tpu.memref_slice %arg2[%dma_wait3A_283, %dma_wait3A_284] : memref<10240x16xf32, #tpu.memory_space<hbm>> -> memref<10240x16xf32, #tpu.memory_space<hbm>>
      tpu.wait_indirect_dma semaphore(%arg10 : memref<!tpu.dma_semaphore, #tpu.memory_space<semaphore_mem>>) src(%dma_wait3A_285 : memref<10240x16xf32, #tpu.memory_space<hbm>>) dst(%dma_wait3A_279 : memref<128x16xf32, #tpu.memory_space<vmem>>)
      %dma_start3A_286 = arith.constant 0 : i32
      %dma_start3A_287 = arith.constant 0 : i32
      %dma_start3A_288 = arith.constant 0 : i32
      %dma_start3A_289 = tpu.memref_slice %arg7[%dma_start3A_286, %dma_start3A_287, %dma_start3A_288] : memref<4x128x16xf32, #tpu.memory_space<vmem>> -> memref<1x128x16xf32, #tpu.memory_space<vmem>>
      %dma_start3A_290 = tpu.memref_squeeze %dma_start3A_289 : memref<1x128x16xf32, #tpu.memory_space<vmem>> -> memref<128x16xf32, #tpu.memory_space<vmem>>
      %dma_start3A_291 = arith.constant 0 : i32
      %dma_start3A_292 = tpu.memref_slice %arg6[%add3A_274, %dma_start3A_291] : memref<104x128xi32, #tpu.memory_space<vmem>> -> memref<1x128xi32, #tpu.memory_space<vmem>>
      %dma_start3A_293 = tpu.memref_squeeze %dma_start3A_292 : memref<1x128xi32, #tpu.memory_space<vmem>> -> memref<128xi32, #tpu.memory_space<vmem>>
      %dma_start3A_294 = arith.constant 0 : i32
      %dma_start3A_295 = arith.constant 0 : i32
      %dma_start3A_296 = tpu.memref_slice %arg9[%dma_start3A_294, %dma_start3A_295] : memref<10240x16xf32, #tpu.memory_space<vmem_shared>> -> memref<10240x16xf32, #tpu.memory_space<vmem_shared>>
      tpu.enqueue_indirect_dma source(%dma_start3A_290 : memref<128x16xf32, #tpu.memory_space<vmem>>) target(%dma_start3A_296 : memref<10240x16xf32, #tpu.memory_space<vmem_shared>>) offsets(%dma_start3A_293 : memref<128xi32, #tpu.memory_space<vmem>>) semaphore(%arg14 : memref<!tpu.dma_semaphore, #tpu.memory_space<semaphore_mem>>) {add = true}
      %add3A_297 = arith.constant 3 : i32
      %add3A_298 = arith.addi %add3A_274, %add3A_297 : i32
      %lt3A = arith.cmpi slt, %add3A_298, %select_n3A : i32
      %ge3A = arith.constant 1 : i32
      %ge3A_299 = arith.cmpi sge, %add3A_274, %ge3A : i32
      %and3A_300 = arith.andi %lt3A, %ge3A_299 : i1
      %convert_element_type3A_301 = arith.extui %and3A_300 : i1 to i32
      %cond3A_302 = arith.constant 0 : i32
      %cond3A_303 = arith.cmpi ne, %convert_element_type3A_301, %cond3A_302 : i32
      scf.if %cond3A_303 {
        %sub3A_417 = arith.constant 1 : i32
        %sub3A_418 = arith.subi %add3A_274, %sub3A_417 : i32
        %dma_wait3A_419 = arith.constant 3 : i32
        %dma_wait3A_420 = arith.constant 0 : i32
        %dma_wait3A_421 = arith.constant 0 : i32
        %dma_wait3A_422 = tpu.memref_slice %arg7[%dma_wait3A_419, %dma_wait3A_420, %dma_wait3A_421] : memref<4x128x16xf32, #tpu.memory_space<vmem>> -> memref<1x128x16xf32, #tpu.memory_space<vmem>>
        %dma_wait3A_423 = tpu.memref_squeeze %dma_wait3A_422 : memref<1x128x16xf32, #tpu.memory_space<vmem>> -> memref<128x16xf32, #tpu.memory_space<vmem>>
        %dma_wait3A_424 = arith.constant 0 : i32
        %dma_wait3A_425 = tpu.memref_slice %arg6[%sub3A_418, %dma_wait3A_424] : memref<104x128xi32, #tpu.memory_space<vmem>> -> memref<1x128xi32, #tpu.memory_space<vmem>>
        %dma_wait3A_426 = tpu.memref_squeeze %dma_wait3A_425 : memref<1x128xi32, #tpu.memory_space<vmem>> -> memref<128xi32, #tpu.memory_space<vmem>>
        %dma_wait3A_427 = arith.constant 0 : i32
        %dma_wait3A_428 = arith.constant 0 : i32
        %dma_wait3A_429 = tpu.memref_slice %arg9[%dma_wait3A_427, %dma_wait3A_428] : memref<10240x16xf32, #tpu.memory_space<vmem_shared>> -> memref<10240x16xf32, #tpu.memory_space<vmem_shared>>
        tpu.wait_indirect_dma semaphore(%arg17 : memref<!tpu.dma_semaphore, #tpu.memory_space<semaphore_mem>>) src(%dma_wait3A_423 : memref<128x16xf32, #tpu.memory_space<vmem>>) dst(%dma_wait3A_429 : memref<10240x16xf32, #tpu.memory_space<vmem_shared>>)
        %dma_start3A_430 = arith.constant 3 : i32
        %dma_start3A_431 = arith.constant 0 : i32
        %dma_start3A_432 = arith.constant 0 : i32
        %dma_start3A_433 = tpu.memref_slice %arg7[%dma_start3A_430, %dma_start3A_431, %dma_start3A_432] : memref<4x128x16xf32, #tpu.memory_space<vmem>> -> memref<1x128x16xf32, #tpu.memory_space<vmem>>
        %dma_start3A_434 = tpu.memref_squeeze %dma_start3A_433 : memref<1x128x16xf32, #tpu.memory_space<vmem>> -> memref<128x16xf32, #tpu.memory_space<vmem>>
        %dma_start3A_435 = arith.constant 0 : i32
        %dma_start3A_436 = tpu.memref_slice %arg5[%add3A_298, %dma_start3A_435] : memref<104x128xi32, #tpu.memory_space<vmem>> -> memref<1x128xi32, #tpu.memory_space<vmem>>
        %dma_start3A_437 = tpu.memref_squeeze %dma_start3A_436 : memref<1x128xi32, #tpu.memory_space<vmem>> -> memref<128xi32, #tpu.memory_space<vmem>>
        %dma_start3A_438 = arith.constant 0 : i32
        %dma_start3A_439 = arith.constant 0 : i32
        %dma_start3A_440 = tpu.memref_slice %arg2[%dma_start3A_438, %dma_start3A_439] : memref<10240x16xf32, #tpu.memory_space<hbm>> -> memref<10240x16xf32, #tpu.memory_space<hbm>>
        tpu.enqueue_indirect_dma source(%dma_start3A_440 : memref<10240x16xf32, #tpu.memory_space<hbm>>) target(%dma_start3A_434 : memref<128x16xf32, #tpu.memory_space<vmem>>) offsets(%dma_start3A_437 : memref<128xi32, #tpu.memory_space<vmem>>) semaphore(%arg13 : memref<!tpu.dma_semaphore, #tpu.memory_space<semaphore_mem>>)
      } else {
      }
      %eq3A_304 = arith.constant 0 : i32
      %eq3A_305 = arith.cmpi eq, %while3A_269, %eq3A_304 : i32
      %gt3A = arith.constant 3 : i32
      %gt3A_306 = arith.cmpi sgt, %select_n3A, %gt3A : i32
      %and3A_307 = arith.andi %eq3A_305, %gt3A_306 : i1
      %convert_element_type3A_308 = arith.extui %and3A_307 : i1 to i32
      %cond3A_309 = arith.constant 0 : i32
      %cond3A_310 = arith.cmpi ne, %convert_element_type3A_308, %cond3A_309 : i32
      scf.if %cond3A_310 {
        %dma_start3A_417 = arith.constant 3 : i32
        %dma_start3A_418 = arith.constant 3 : i32
        %dma_start3A_419 = arith.constant 0 : i32
        %dma_start3A_420 = arith.constant 0 : i32
        %dma_start3A_421 = tpu.memref_slice %arg7[%dma_start3A_418, %dma_start3A_419, %dma_start3A_420] : memref<4x128x16xf32, #tpu.memory_space<vmem>> -> memref<1x128x16xf32, #tpu.memory_space<vmem>>
        %dma_start3A_422 = tpu.memref_squeeze %dma_start3A_421 : memref<1x128x16xf32, #tpu.memory_space<vmem>> -> memref<128x16xf32, #tpu.memory_space<vmem>>
        %dma_start3A_423 = arith.constant 0 : i32
        %dma_start3A_424 = tpu.memref_slice %arg5[%dma_start3A_417, %dma_start3A_423] : memref<104x128xi32, #tpu.memory_space<vmem>> -> memref<1x128xi32, #tpu.memory_space<vmem>>
        %dma_start3A_425 = tpu.memref_squeeze %dma_start3A_424 : memref<1x128xi32, #tpu.memory_space<vmem>> -> memref<128xi32, #tpu.memory_space<vmem>>
        %dma_start3A_426 = arith.constant 0 : i32
        %dma_start3A_427 = arith.constant 0 : i32
        %dma_start3A_428 = tpu.memref_slice %arg2[%dma_start3A_426, %dma_start3A_427] : memref<10240x16xf32, #tpu.memory_space<hbm>> -> memref<10240x16xf32, #tpu.memory_space<hbm>>
        tpu.enqueue_indirect_dma source(%dma_start3A_428 : memref<10240x16xf32, #tpu.memory_space<hbm>>) target(%dma_start3A_422 : memref<128x16xf32, #tpu.memory_space<vmem>>) offsets(%dma_start3A_425 : memref<128xi32, #tpu.memory_space<vmem>>) semaphore(%arg13 : memref<!tpu.dma_semaphore, #tpu.memory_space<semaphore_mem>>)
      } else {
      }
      %mul3A_311 = arith.constant 4 : i32
      %mul3A_312 = arith.muli %mul3A_311, %while3A_269 : i32
      %add3A_313 = arith.constant 1 : i32
      %add3A_314 = arith.addi %mul3A_312, %add3A_313 : i32
      %dma_wait3A_315 = arith.constant 1 : i32
      %dma_wait3A_316 = arith.constant 0 : i32
      %dma_wait3A_317 = arith.constant 0 : i32
      %dma_wait3A_318 = tpu.memref_slice %arg7[%dma_wait3A_315, %dma_wait3A_316, %dma_wait3A_317] : memref<4x128x16xf32, #tpu.memory_space<vmem>> -> memref<1x128x16xf32, #tpu.memory_space<vmem>>
      %dma_wait3A_319 = tpu.memref_squeeze %dma_wait3A_318 : memref<1x128x16xf32, #tpu.memory_space<vmem>> -> memref<128x16xf32, #tpu.memory_space<vmem>>
      %dma_wait3A_320 = arith.constant 0 : i32
      %dma_wait3A_321 = tpu.memref_slice %arg5[%add3A_314, %dma_wait3A_320] : memref<104x128xi32, #tpu.memory_space<vmem>> -> memref<1x128xi32, #tpu.memory_space<vmem>>
      %dma_wait3A_322 = tpu.memref_squeeze %dma_wait3A_321 : memref<1x128xi32, #tpu.memory_space<vmem>> -> memref<128xi32, #tpu.memory_space<vmem>>
      %dma_wait3A_323 = arith.constant 0 : i32
      %dma_wait3A_324 = arith.constant 0 : i32
      %dma_wait3A_325 = tpu.memref_slice %arg2[%dma_wait3A_323, %dma_wait3A_324] : memref<10240x16xf32, #tpu.memory_space<hbm>> -> memref<10240x16xf32, #tpu.memory_space<hbm>>
      tpu.wait_indirect_dma semaphore(%arg11 : memref<!tpu.dma_semaphore, #tpu.memory_space<semaphore_mem>>) src(%dma_wait3A_325 : memref<10240x16xf32, #tpu.memory_space<hbm>>) dst(%dma_wait3A_319 : memref<128x16xf32, #tpu.memory_space<vmem>>)
      %dma_start3A_326 = arith.constant 1 : i32
      %dma_start3A_327 = arith.constant 0 : i32
      %dma_start3A_328 = arith.constant 0 : i32
      %dma_start3A_329 = tpu.memref_slice %arg7[%dma_start3A_326, %dma_start3A_327, %dma_start3A_328] : memref<4x128x16xf32, #tpu.memory_space<vmem>> -> memref<1x128x16xf32, #tpu.memory_space<vmem>>
      %dma_start3A_330 = tpu.memref_squeeze %dma_start3A_329 : memref<1x128x16xf32, #tpu.memory_space<vmem>> -> memref<128x16xf32, #tpu.memory_space<vmem>>
      %dma_start3A_331 = arith.constant 0 : i32
      %dma_start3A_332 = tpu.memref_slice %arg6[%add3A_314, %dma_start3A_331] : memref<104x128xi32, #tpu.memory_space<vmem>> -> memref<1x128xi32, #tpu.memory_space<vmem>>
      %dma_start3A_333 = tpu.memref_squeeze %dma_start3A_332 : memref<1x128xi32, #tpu.memory_space<vmem>> -> memref<128xi32, #tpu.memory_space<vmem>>
      %dma_start3A_334 = arith.constant 0 : i32
      %dma_start3A_335 = arith.constant 0 : i32
      %dma_start3A_336 = tpu.memref_slice %arg9[%dma_start3A_334, %dma_start3A_335] : memref<10240x16xf32, #tpu.memory_space<vmem_shared>> -> memref<10240x16xf32, #tpu.memory_space<vmem_shared>>
      tpu.enqueue_indirect_dma source(%dma_start3A_330 : memref<128x16xf32, #tpu.memory_space<vmem>>) target(%dma_start3A_336 : memref<10240x16xf32, #tpu.memory_space<vmem_shared>>) offsets(%dma_start3A_333 : memref<128xi32, #tpu.memory_space<vmem>>) semaphore(%arg15 : memref<!tpu.dma_semaphore, #tpu.memory_space<semaphore_mem>>) {add = true}
      %add3A_337 = arith.constant 3 : i32
      %add3A_338 = arith.addi %add3A_314, %add3A_337 : i32
      %lt3A_339 = arith.cmpi slt, %add3A_338, %select_n3A : i32
      %ge3A_340 = arith.constant 1 : i32
      %ge3A_341 = arith.cmpi sge, %add3A_314, %ge3A_340 : i32
      %and3A_342 = arith.andi %lt3A_339, %ge3A_341 : i1
      %convert_element_type3A_343 = arith.extui %and3A_342 : i1 to i32
      %cond3A_344 = arith.constant 0 : i32
      %cond3A_345 = arith.cmpi ne, %convert_element_type3A_343, %cond3A_344 : i32
      scf.if %cond3A_345 {
        %sub3A_417 = arith.constant 1 : i32
        %sub3A_418 = arith.subi %add3A_314, %sub3A_417 : i32
        %dma_wait3A_419 = arith.constant 0 : i32
        %dma_wait3A_420 = arith.constant 0 : i32
        %dma_wait3A_421 = arith.constant 0 : i32
        %dma_wait3A_422 = tpu.memref_slice %arg7[%dma_wait3A_419, %dma_wait3A_420, %dma_wait3A_421] : memref<4x128x16xf32, #tpu.memory_space<vmem>> -> memref<1x128x16xf32, #tpu.memory_space<vmem>>
        %dma_wait3A_423 = tpu.memref_squeeze %dma_wait3A_422 : memref<1x128x16xf32, #tpu.memory_space<vmem>> -> memref<128x16xf32, #tpu.memory_space<vmem>>
        %dma_wait3A_424 = arith.constant 0 : i32
        %dma_wait3A_425 = tpu.memref_slice %arg6[%sub3A_418, %dma_wait3A_424] : memref<104x128xi32, #tpu.memory_space<vmem>> -> memref<1x128xi32, #tpu.memory_space<vmem>>
        %dma_wait3A_426 = tpu.memref_squeeze %dma_wait3A_425 : memref<1x128xi32, #tpu.memory_space<vmem>> -> memref<128xi32, #tpu.memory_space<vmem>>
        %dma_wait3A_427 = arith.constant 0 : i32
        %dma_wait3A_428 = arith.constant 0 : i32
        %dma_wait3A_429 = tpu.memref_slice %arg9[%dma_wait3A_427, %dma_wait3A_428] : memref<10240x16xf32, #tpu.memory_space<vmem_shared>> -> memref<10240x16xf32, #tpu.memory_space<vmem_shared>>
        tpu.wait_indirect_dma semaphore(%arg14 : memref<!tpu.dma_semaphore, #tpu.memory_space<semaphore_mem>>) src(%dma_wait3A_423 : memref<128x16xf32, #tpu.memory_space<vmem>>) dst(%dma_wait3A_429 : memref<10240x16xf32, #tpu.memory_space<vmem_shared>>)
        %dma_start3A_430 = arith.constant 0 : i32
        %dma_start3A_431 = arith.constant 0 : i32
        %dma_start3A_432 = arith.constant 0 : i32
        %dma_start3A_433 = tpu.memref_slice %arg7[%dma_start3A_430, %dma_start3A_431, %dma_start3A_432] : memref<4x128x16xf32, #tpu.memory_space<vmem>> -> memref<1x128x16xf32, #tpu.memory_space<vmem>>
        %dma_start3A_434 = tpu.memref_squeeze %dma_start3A_433 : memref<1x128x16xf32, #tpu.memory_space<vmem>> -> memref<128x16xf32, #tpu.memory_space<vmem>>
        %dma_start3A_435 = arith.constant 0 : i32
        %dma_start3A_436 = tpu.memref_slice %arg5[%add3A_338, %dma_start3A_435] : memref<104x128xi32, #tpu.memory_space<vmem>> -> memref<1x128xi32, #tpu.memory_space<vmem>>
        %dma_start3A_437 = tpu.memref_squeeze %dma_start3A_436 : memref<1x128xi32, #tpu.memory_space<vmem>> -> memref<128xi32, #tpu.memory_space<vmem>>
        %dma_start3A_438 = arith.constant 0 : i32
        %dma_start3A_439 = arith.constant 0 : i32
        %dma_start3A_440 = tpu.memref_slice %arg2[%dma_start3A_438, %dma_start3A_439] : memref<10240x16xf32, #tpu.memory_space<hbm>> -> memref<10240x16xf32, #tpu.memory_space<hbm>>
        tpu.enqueue_indirect_dma source(%dma_start3A_440 : memref<10240x16xf32, #tpu.memory_space<hbm>>) target(%dma_start3A_434 : memref<128x16xf32, #tpu.memory_space<vmem>>) offsets(%dma_start3A_437 : memref<128xi32, #tpu.memory_space<vmem>>) semaphore(%arg10 : memref<!tpu.dma_semaphore, #tpu.memory_space<semaphore_mem>>)
      } else {
      }
      %mul3A_346 = arith.constant 4 : i32
      %mul3A_347 = arith.muli %mul3A_346, %while3A_269 : i32
      %add3A_348 = arith.constant 2 : i32
      %add3A_349 = arith.addi %mul3A_347, %add3A_348 : i32
      %dma_wait3A_350 = arith.constant 2 : i32
      %dma_wait3A_351 = arith.constant 0 : i32
      %dma_wait3A_352 = arith.constant 0 : i32
      %dma_wait3A_353 = tpu.memref_slice %arg7[%dma_wait3A_350, %dma_wait3A_351, %dma_wait3A_352] : memref<4x128x16xf32, #tpu.memory_space<vmem>> -> memref<1x128x16xf32, #tpu.memory_space<vmem>>
      %dma_wait3A_354 = tpu.memref_squeeze %dma_wait3A_353 : memref<1x128x16xf32, #tpu.memory_space<vmem>> -> memref<128x16xf32, #tpu.memory_space<vmem>>
      %dma_wait3A_355 = arith.constant 0 : i32
      %dma_wait3A_356 = tpu.memref_slice %arg5[%add3A_349, %dma_wait3A_355] : memref<104x128xi32, #tpu.memory_space<vmem>> -> memref<1x128xi32, #tpu.memory_space<vmem>>
      %dma_wait3A_357 = tpu.memref_squeeze %dma_wait3A_356 : memref<1x128xi32, #tpu.memory_space<vmem>> -> memref<128xi32, #tpu.memory_space<vmem>>
      %dma_wait3A_358 = arith.constant 0 : i32
      %dma_wait3A_359 = arith.constant 0 : i32
      %dma_wait3A_360 = tpu.memref_slice %arg2[%dma_wait3A_358, %dma_wait3A_359] : memref<10240x16xf32, #tpu.memory_space<hbm>> -> memref<10240x16xf32, #tpu.memory_space<hbm>>
      tpu.wait_indirect_dma semaphore(%arg12 : memref<!tpu.dma_semaphore, #tpu.memory_space<semaphore_mem>>) src(%dma_wait3A_360 : memref<10240x16xf32, #tpu.memory_space<hbm>>) dst(%dma_wait3A_354 : memref<128x16xf32, #tpu.memory_space<vmem>>)
      %dma_start3A_361 = arith.constant 2 : i32
      %dma_start3A_362 = arith.constant 0 : i32
      %dma_start3A_363 = arith.constant 0 : i32
      %dma_start3A_364 = tpu.memref_slice %arg7[%dma_start3A_361, %dma_start3A_362, %dma_start3A_363] : memref<4x128x16xf32, #tpu.memory_space<vmem>> -> memref<1x128x16xf32, #tpu.memory_space<vmem>>
      %dma_start3A_365 = tpu.memref_squeeze %dma_start3A_364 : memref<1x128x16xf32, #tpu.memory_space<vmem>> -> memref<128x16xf32, #tpu.memory_space<vmem>>
      %dma_start3A_366 = arith.constant 0 : i32
      %dma_start3A_367 = tpu.memref_slice %arg6[%add3A_349, %dma_start3A_366] : memref<104x128xi32, #tpu.memory_space<vmem>> -> memref<1x128xi32, #tpu.memory_space<vmem>>
      %dma_start3A_368 = tpu.memref_squeeze %dma_start3A_367 : memref<1x128xi32, #tpu.memory_space<vmem>> -> memref<128xi32, #tpu.memory_space<vmem>>
      %dma_start3A_369 = arith.constant 0 : i32
      %dma_start3A_370 = arith.constant 0 : i32
      %dma_start3A_371 = tpu.memref_slice %arg9[%dma_start3A_369, %dma_start3A_370] : memref<10240x16xf32, #tpu.memory_space<vmem_shared>> -> memref<10240x16xf32, #tpu.memory_space<vmem_shared>>
      tpu.enqueue_indirect_dma source(%dma_start3A_365 : memref<128x16xf32, #tpu.memory_space<vmem>>) target(%dma_start3A_371 : memref<10240x16xf32, #tpu.memory_space<vmem_shared>>) offsets(%dma_start3A_368 : memref<128xi32, #tpu.memory_space<vmem>>) semaphore(%arg16 : memref<!tpu.dma_semaphore, #tpu.memory_space<semaphore_mem>>) {add = true}
      %add3A_372 = arith.constant 3 : i32
      %add3A_373 = arith.addi %add3A_349, %add3A_372 : i32
      %lt3A_374 = arith.cmpi slt, %add3A_373, %select_n3A : i32
      %ge3A_375 = arith.constant 1 : i32
      %ge3A_376 = arith.cmpi sge, %add3A_349, %ge3A_375 : i32
      %and3A_377 = arith.andi %lt3A_374, %ge3A_376 : i1
      %convert_element_type3A_378 = arith.extui %and3A_377 : i1 to i32
      %cond3A_379 = arith.constant 0 : i32
      %cond3A_380 = arith.cmpi ne, %convert_element_type3A_378, %cond3A_379 : i32
      scf.if %cond3A_380 {
        %sub3A_417 = arith.constant 1 : i32
        %sub3A_418 = arith.subi %add3A_349, %sub3A_417 : i32
        %dma_wait3A_419 = arith.constant 1 : i32
        %dma_wait3A_420 = arith.constant 0 : i32
        %dma_wait3A_421 = arith.constant 0 : i32
        %dma_wait3A_422 = tpu.memref_slice %arg7[%dma_wait3A_419, %dma_wait3A_420, %dma_wait3A_421] : memref<4x128x16xf32, #tpu.memory_space<vmem>> -> memref<1x128x16xf32, #tpu.memory_space<vmem>>
        %dma_wait3A_423 = tpu.memref_squeeze %dma_wait3A_422 : memref<1x128x16xf32, #tpu.memory_space<vmem>> -> memref<128x16xf32, #tpu.memory_space<vmem>>
        %dma_wait3A_424 = arith.constant 0 : i32
        %dma_wait3A_425 = tpu.memref_slice %arg6[%sub3A_418, %dma_wait3A_424] : memref<104x128xi32, #tpu.memory_space<vmem>> -> memref<1x128xi32, #tpu.memory_space<vmem>>
        %dma_wait3A_426 = tpu.memref_squeeze %dma_wait3A_425 : memref<1x128xi32, #tpu.memory_space<vmem>> -> memref<128xi32, #tpu.memory_space<vmem>>
        %dma_wait3A_427 = arith.constant 0 : i32
        %dma_wait3A_428 = arith.constant 0 : i32
        %dma_wait3A_429 = tpu.memref_slice %arg9[%dma_wait3A_427, %dma_wait3A_428] : memref<10240x16xf32, #tpu.memory_space<vmem_shared>> -> memref<10240x16xf32, #tpu.memory_space<vmem_shared>>
        tpu.wait_indirect_dma semaphore(%arg15 : memref<!tpu.dma_semaphore, #tpu.memory_space<semaphore_mem>>) src(%dma_wait3A_423 : memref<128x16xf32, #tpu.memory_space<vmem>>) dst(%dma_wait3A_429 : memref<10240x16xf32, #tpu.memory_space<vmem_shared>>)
        %dma_start3A_430 = arith.constant 1 : i32
        %dma_start3A_431 = arith.constant 0 : i32
        %dma_start3A_432 = arith.constant 0 : i32
        %dma_start3A_433 = tpu.memref_slice %arg7[%dma_start3A_430, %dma_start3A_431, %dma_start3A_432] : memref<4x128x16xf32, #tpu.memory_space<vmem>> -> memref<1x128x16xf32, #tpu.memory_space<vmem>>
        %dma_start3A_434 = tpu.memref_squeeze %dma_start3A_433 : memref<1x128x16xf32, #tpu.memory_space<vmem>> -> memref<128x16xf32, #tpu.memory_space<vmem>>
        %dma_start3A_435 = arith.constant 0 : i32
        %dma_start3A_436 = tpu.memref_slice %arg5[%add3A_373, %dma_start3A_435] : memref<104x128xi32, #tpu.memory_space<vmem>> -> memref<1x128xi32, #tpu.memory_space<vmem>>
        %dma_start3A_437 = tpu.memref_squeeze %dma_start3A_436 : memref<1x128xi32, #tpu.memory_space<vmem>> -> memref<128xi32, #tpu.memory_space<vmem>>
        %dma_start3A_438 = arith.constant 0 : i32
        %dma_start3A_439 = arith.constant 0 : i32
        %dma_start3A_440 = tpu.memref_slice %arg2[%dma_start3A_438, %dma_start3A_439] : memref<10240x16xf32, #tpu.memory_space<hbm>> -> memref<10240x16xf32, #tpu.memory_space<hbm>>
        tpu.enqueue_indirect_dma source(%dma_start3A_440 : memref<10240x16xf32, #tpu.memory_space<hbm>>) target(%dma_start3A_434 : memref<128x16xf32, #tpu.memory_space<vmem>>) offsets(%dma_start3A_437 : memref<128xi32, #tpu.memory_space<vmem>>) semaphore(%arg11 : memref<!tpu.dma_semaphore, #tpu.memory_space<semaphore_mem>>)
      } else {
      }
      %mul3A_381 = arith.constant 4 : i32
      %mul3A_382 = arith.muli %mul3A_381, %while3A_269 : i32
      %add3A_383 = arith.constant 3 : i32
      %add3A_384 = arith.addi %mul3A_382, %add3A_383 : i32
      %dma_wait3A_385 = arith.constant 3 : i32
      %dma_wait3A_386 = arith.constant 0 : i32
      %dma_wait3A_387 = arith.constant 0 : i32
      %dma_wait3A_388 = tpu.memref_slice %arg7[%dma_wait3A_385, %dma_wait3A_386, %dma_wait3A_387] : memref<4x128x16xf32, #tpu.memory_space<vmem>> -> memref<1x128x16xf32, #tpu.memory_space<vmem>>
      %dma_wait3A_389 = tpu.memref_squeeze %dma_wait3A_388 : memref<1x128x16xf32, #tpu.memory_space<vmem>> -> memref<128x16xf32, #tpu.memory_space<vmem>>
      %dma_wait3A_390 = arith.constant 0 : i32
      %dma_wait3A_391 = tpu.memref_slice %arg5[%add3A_384, %dma_wait3A_390] : memref<104x128xi32, #tpu.memory_space<vmem>> -> memref<1x128xi32, #tpu.memory_space<vmem>>
      %dma_wait3A_392 = tpu.memref_squeeze %dma_wait3A_391 : memref<1x128xi32, #tpu.memory_space<vmem>> -> memref<128xi32, #tpu.memory_space<vmem>>
      %dma_wait3A_393 = arith.constant 0 : i32
      %dma_wait3A_394 = arith.constant 0 : i32
      %dma_wait3A_395 = tpu.memref_slice %arg2[%dma_wait3A_393, %dma_wait3A_394] : memref<10240x16xf32, #tpu.memory_space<hbm>> -> memref<10240x16xf32, #tpu.memory_space<hbm>>
      tpu.wait_indirect_dma semaphore(%arg13 : memref<!tpu.dma_semaphore, #tpu.memory_space<semaphore_mem>>) src(%dma_wait3A_395 : memref<10240x16xf32, #tpu.memory_space<hbm>>) dst(%dma_wait3A_389 : memref<128x16xf32, #tpu.memory_space<vmem>>)
      %dma_start3A_396 = arith.constant 3 : i32
      %dma_start3A_397 = arith.constant 0 : i32
      %dma_start3A_398 = arith.constant 0 : i32
      %dma_start3A_399 = tpu.memref_slice %arg7[%dma_start3A_396, %dma_start3A_397, %dma_start3A_398] : memref<4x128x16xf32, #tpu.memory_space<vmem>> -> memref<1x128x16xf32, #tpu.memory_space<vmem>>
      %dma_start3A_400 = tpu.memref_squeeze %dma_start3A_399 : memref<1x128x16xf32, #tpu.memory_space<vmem>> -> memref<128x16xf32, #tpu.memory_space<vmem>>
      %dma_start3A_401 = arith.constant 0 : i32
      %dma_start3A_402 = tpu.memref_slice %arg6[%add3A_384, %dma_start3A_401] : memref<104x128xi32, #tpu.memory_space<vmem>> -> memref<1x128xi32, #tpu.memory_space<vmem>>
      %dma_start3A_403 = tpu.memref_squeeze %dma_start3A_402 : memref<1x128xi32, #tpu.memory_space<vmem>> -> memref<128xi32, #tpu.memory_space<vmem>>
      %dma_start3A_404 = arith.constant 0 : i32
      %dma_start3A_405 = arith.constant 0 : i32
      %dma_start3A_406 = tpu.memref_slice %arg9[%dma_start3A_404, %dma_start3A_405] : memref<10240x16xf32, #tpu.memory_space<vmem_shared>> -> memref<10240x16xf32, #tpu.memory_space<vmem_shared>>
      tpu.enqueue_indirect_dma source(%dma_start3A_400 : memref<128x16xf32, #tpu.memory_space<vmem>>) target(%dma_start3A_406 : memref<10240x16xf32, #tpu.memory_space<vmem_shared>>) offsets(%dma_start3A_403 : memref<128xi32, #tpu.memory_space<vmem>>) semaphore(%arg17 : memref<!tpu.dma_semaphore, #tpu.memory_space<semaphore_mem>>) {add = true}
      %add3A_407 = arith.constant 3 : i32
      %add3A_408 = arith.addi %add3A_384, %add3A_407 : i32
      %lt3A_409 = arith.cmpi slt, %add3A_408, %select_n3A : i32
      %ge3A_410 = arith.constant 1 : i32
      %ge3A_411 = arith.cmpi sge, %add3A_384, %ge3A_410 : i32
      %and3A_412 = arith.andi %lt3A_409, %ge3A_411 : i1
      %convert_element_type3A_413 = arith.extui %and3A_412 : i1 to i32
      %cond3A_414 = arith.constant 0 : i32
      %cond3A_415 = arith.cmpi ne, %convert_element_type3A_413, %cond3A_414 : i32
      scf.if %cond3A_415 {
        %sub3A_417 = arith.constant 1 : i32
        %sub3A_418 = arith.subi %add3A_384, %sub3A_417 : i32
        %dma_wait3A_419 = arith.constant 2 : i32
        %dma_wait3A_420 = arith.constant 0 : i32
        %dma_wait3A_421 = arith.constant 0 : i32
        %dma_wait3A_422 = tpu.memref_slice %arg7[%dma_wait3A_419, %dma_wait3A_420, %dma_wait3A_421] : memref<4x128x16xf32, #tpu.memory_space<vmem>> -> memref<1x128x16xf32, #tpu.memory_space<vmem>>
        %dma_wait3A_423 = tpu.memref_squeeze %dma_wait3A_422 : memref<1x128x16xf32, #tpu.memory_space<vmem>> -> memref<128x16xf32, #tpu.memory_space<vmem>>
        %dma_wait3A_424 = arith.constant 0 : i32
        %dma_wait3A_425 = tpu.memref_slice %arg6[%sub3A_418, %dma_wait3A_424] : memref<104x128xi32, #tpu.memory_space<vmem>> -> memref<1x128xi32, #tpu.memory_space<vmem>>
        %dma_wait3A_426 = tpu.memref_squeeze %dma_wait3A_425 : memref<1x128xi32, #tpu.memory_space<vmem>> -> memref<128xi32, #tpu.memory_space<vmem>>
        %dma_wait3A_427 = arith.constant 0 : i32
        %dma_wait3A_428 = arith.constant 0 : i32
        %dma_wait3A_429 = tpu.memref_slice %arg9[%dma_wait3A_427, %dma_wait3A_428] : memref<10240x16xf32, #tpu.memory_space<vmem_shared>> -> memref<10240x16xf32, #tpu.memory_space<vmem_shared>>
        tpu.wait_indirect_dma semaphore(%arg16 : memref<!tpu.dma_semaphore, #tpu.memory_space<semaphore_mem>>) src(%dma_wait3A_423 : memref<128x16xf32, #tpu.memory_space<vmem>>) dst(%dma_wait3A_429 : memref<10240x16xf32, #tpu.memory_space<vmem_shared>>)
        %dma_start3A_430 = arith.constant 2 : i32
        %dma_start3A_431 = arith.constant 0 : i32
        %dma_start3A_432 = arith.constant 0 : i32
        %dma_start3A_433 = tpu.memref_slice %arg7[%dma_start3A_430, %dma_start3A_431, %dma_start3A_432] : memref<4x128x16xf32, #tpu.memory_space<vmem>> -> memref<1x128x16xf32, #tpu.memory_space<vmem>>
        %dma_start3A_434 = tpu.memref_squeeze %dma_start3A_433 : memref<1x128x16xf32, #tpu.memory_space<vmem>> -> memref<128x16xf32, #tpu.memory_space<vmem>>
        %dma_start3A_435 = arith.constant 0 : i32
        %dma_start3A_436 = tpu.memref_slice %arg5[%add3A_408, %dma_start3A_435] : memref<104x128xi32, #tpu.memory_space<vmem>> -> memref<1x128xi32, #tpu.memory_space<vmem>>
        %dma_start3A_437 = tpu.memref_squeeze %dma_start3A_436 : memref<1x128xi32, #tpu.memory_space<vmem>> -> memref<128xi32, #tpu.memory_space<vmem>>
        %dma_start3A_438 = arith.constant 0 : i32
        %dma_start3A_439 = arith.constant 0 : i32
        %dma_start3A_440 = tpu.memref_slice %arg2[%dma_start3A_438, %dma_start3A_439] : memref<10240x16xf32, #tpu.memory_space<hbm>> -> memref<10240x16xf32, #tpu.memory_space<hbm>>
        tpu.enqueue_indirect_dma source(%dma_start3A_440 : memref<10240x16xf32, #tpu.memory_space<hbm>>) target(%dma_start3A_434 : memref<128x16xf32, #tpu.memory_space<vmem>>) offsets(%dma_start3A_437 : memref<128xi32, #tpu.memory_space<vmem>>) semaphore(%arg12 : memref<!tpu.dma_semaphore, #tpu.memory_space<semaphore_mem>>)
      } else {
      }
      %while3A_416 = arith.constant 0 : i32
      scf.yield %while3A_416 : i32
    }
    %sub3A_207 = arith.constant 4 : i32
    %sub3A_208 = arith.subi %select_n3A, %sub3A_207 : i32
    %add3A = arith.constant 0 : i32
    %add3A_209 = arith.addi %sub3A_208, %add3A : i32
    %dma_wait3A = arith.constant 0 : i32
    %dma_wait3A_210 = arith.constant 0 : i32
    %dma_wait3A_211 = arith.constant 0 : i32
    %dma_wait3A_212 = tpu.memref_slice %arg7[%dma_wait3A, %dma_wait3A_210, %dma_wait3A_211] : memref<4x128x16xf32, #tpu.memory_space<vmem>> -> memref<1x128x16xf32, #tpu.memory_space<vmem>>
    %dma_wait3A_213 = tpu.memref_squeeze %dma_wait3A_212 : memref<1x128x16xf32, #tpu.memory_space<vmem>> -> memref<128x16xf32, #tpu.memory_space<vmem>>
    %dma_wait3A_214 = arith.constant 0 : i32
    %dma_wait3A_215 = tpu.memref_slice %arg6[%add3A_209, %dma_wait3A_214] : memref<104x128xi32, #tpu.memory_space<vmem>> -> memref<1x128xi32, #tpu.memory_space<vmem>>
    %dma_wait3A_216 = tpu.memref_squeeze %dma_wait3A_215 : memref<1x128xi32, #tpu.memory_space<vmem>> -> memref<128xi32, #tpu.memory_space<vmem>>
    %dma_wait3A_217 = arith.constant 0 : i32
    %dma_wait3A_218 = arith.constant 0 : i32
    %dma_wait3A_219 = tpu.memref_slice %arg9[%dma_wait3A_217, %dma_wait3A_218] : memref<10240x16xf32, #tpu.memory_space<vmem_shared>> -> memref<10240x16xf32, #tpu.memory_space<vmem_shared>>
    tpu.wait_indirect_dma semaphore(%arg14 : memref<!tpu.dma_semaphore, #tpu.memory_space<semaphore_mem>>) src(%dma_wait3A_213 : memref<128x16xf32, #tpu.memory_space<vmem>>) dst(%dma_wait3A_219 : memref<10240x16xf32, #tpu.memory_space<vmem_shared>>)
    %sub3A_220 = arith.constant 4 : i32
    %sub3A_221 = arith.subi %select_n3A, %sub3A_220 : i32
    %add3A_222 = arith.constant 1 : i32
    %add3A_223 = arith.addi %sub3A_221, %add3A_222 : i32
    %dma_wait3A_224 = arith.constant 1 : i32
    %dma_wait3A_225 = arith.constant 0 : i32
    %dma_wait3A_226 = arith.constant 0 : i32
    %dma_wait3A_227 = tpu.memref_slice %arg7[%dma_wait3A_224, %dma_wait3A_225, %dma_wait3A_226] : memref<4x128x16xf32, #tpu.memory_space<vmem>> -> memref<1x128x16xf32, #tpu.memory_space<vmem>>
    %dma_wait3A_228 = tpu.memref_squeeze %dma_wait3A_227 : memref<1x128x16xf32, #tpu.memory_space<vmem>> -> memref<128x16xf32, #tpu.memory_space<vmem>>
    %dma_wait3A_229 = arith.constant 0 : i32
    %dma_wait3A_230 = tpu.memref_slice %arg6[%add3A_223, %dma_wait3A_229] : memref<104x128xi32, #tpu.memory_space<vmem>> -> memref<1x128xi32, #tpu.memory_space<vmem>>
    %dma_wait3A_231 = tpu.memref_squeeze %dma_wait3A_230 : memref<1x128xi32, #tpu.memory_space<vmem>> -> memref<128xi32, #tpu.memory_space<vmem>>
    %dma_wait3A_232 = arith.constant 0 : i32
    %dma_wait3A_233 = arith.constant 0 : i32
    %dma_wait3A_234 = tpu.memref_slice %arg9[%dma_wait3A_232, %dma_wait3A_233] : memref<10240x16xf32, #tpu.memory_space<vmem_shared>> -> memref<10240x16xf32, #tpu.memory_space<vmem_shared>>
    tpu.wait_indirect_dma semaphore(%arg15 : memref<!tpu.dma_semaphore, #tpu.memory_space<semaphore_mem>>) src(%dma_wait3A_228 : memref<128x16xf32, #tpu.memory_space<vmem>>) dst(%dma_wait3A_234 : memref<10240x16xf32, #tpu.memory_space<vmem_shared>>)
    %sub3A_235 = arith.constant 4 : i32
    %sub3A_236 = arith.subi %select_n3A, %sub3A_235 : i32
    %add3A_237 = arith.constant 2 : i32
    %add3A_238 = arith.addi %sub3A_236, %add3A_237 : i32
    %dma_wait3A_239 = arith.constant 2 : i32
    %dma_wait3A_240 = arith.constant 0 : i32
    %dma_wait3A_241 = arith.constant 0 : i32
    %dma_wait3A_242 = tpu.memref_slice %arg7[%dma_wait3A_239, %dma_wait3A_240, %dma_wait3A_241] : memref<4x128x16xf32, #tpu.memory_space<vmem>> -> memref<1x128x16xf32, #tpu.memory_space<vmem>>
    %dma_wait3A_243 = tpu.memref_squeeze %dma_wait3A_242 : memref<1x128x16xf32, #tpu.memory_space<vmem>> -> memref<128x16xf32, #tpu.memory_space<vmem>>
    %dma_wait3A_244 = arith.constant 0 : i32
    %dma_wait3A_245 = tpu.memref_slice %arg6[%add3A_238, %dma_wait3A_244] : memref<104x128xi32, #tpu.memory_space<vmem>> -> memref<1x128xi32, #tpu.memory_space<vmem>>
    %dma_wait3A_246 = tpu.memref_squeeze %dma_wait3A_245 : memref<1x128xi32, #tpu.memory_space<vmem>> -> memref<128xi32, #tpu.memory_space<vmem>>
    %dma_wait3A_247 = arith.constant 0 : i32
    %dma_wait3A_248 = arith.constant 0 : i32
    %dma_wait3A_249 = tpu.memref_slice %arg9[%dma_wait3A_247, %dma_wait3A_248] : memref<10240x16xf32, #tpu.memory_space<vmem_shared>> -> memref<10240x16xf32, #tpu.memory_space<vmem_shared>>
    tpu.wait_indirect_dma semaphore(%arg16 : memref<!tpu.dma_semaphore, #tpu.memory_space<semaphore_mem>>) src(%dma_wait3A_243 : memref<128x16xf32, #tpu.memory_space<vmem>>) dst(%dma_wait3A_249 : memref<10240x16xf32, #tpu.memory_space<vmem_shared>>)
    %sub3A_250 = arith.constant 4 : i32
    %sub3A_251 = arith.subi %select_n3A, %sub3A_250 : i32
    %add3A_252 = arith.constant 3 : i32
    %add3A_253 = arith.addi %sub3A_251, %add3A_252 : i32
    %dma_wait3A_254 = arith.constant 3 : i32
    %dma_wait3A_255 = arith.constant 0 : i32
    %dma_wait3A_256 = arith.constant 0 : i32
    %dma_wait3A_257 = tpu.memref_slice %arg7[%dma_wait3A_254, %dma_wait3A_255, %dma_wait3A_256] : memref<4x128x16xf32, #tpu.memory_space<vmem>> -> memref<1x128x16xf32, #tpu.memory_space<vmem>>
    %dma_wait3A_258 = tpu.memref_squeeze %dma_wait3A_257 : memref<1x128x16xf32, #tpu.memory_space<vmem>> -> memref<128x16xf32, #tpu.memory_space<vmem>>
    %dma_wait3A_259 = arith.constant 0 : i32
    %dma_wait3A_260 = tpu.memref_slice %arg6[%add3A_253, %dma_wait3A_259] : memref<104x128xi32, #tpu.memory_space<vmem>> -> memref<1x128xi32, #tpu.memory_space<vmem>>
    %dma_wait3A_261 = tpu.memref_squeeze %dma_wait3A_260 : memref<1x128xi32, #tpu.memory_space<vmem>> -> memref<128xi32, #tpu.memory_space<vmem>>
    %dma_wait3A_262 = arith.constant 0 : i32
    %dma_wait3A_263 = arith.constant 0 : i32
    %dma_wait3A_264 = tpu.memref_slice %arg9[%dma_wait3A_262, %dma_wait3A_263] : memref<10240x16xf32, #tpu.memory_space<vmem_shared>> -> memref<10240x16xf32, #tpu.memory_space<vmem_shared>>
    tpu.wait_indirect_dma semaphore(%arg17 : memref<!tpu.dma_semaphore, #tpu.memory_space<semaphore_mem>>) src(%dma_wait3A_258 : memref<128x16xf32, #tpu.memory_space<vmem>>) dst(%dma_wait3A_264 : memref<10240x16xf32, #tpu.memory_space<vmem_shared>>)
    %barrier3A_265 = arith.constant 0 : index
    tpu.barrier barrier_id(%barrier3A_265)
    %mul3A_266 = arith.constant 10240 : i32
    %mul3A_267 = arith.muli %arg0, %mul3A_266 : i32
    %add3A_268 = arith.addi %mul3A_267, %mul3A_0 : i32
    "tpu.region"() ({
      %run_scoped3A = tpu.sem_alloc : memref<!tpu.dma_semaphore, #tpu.memory_space<semaphore_mem>>
      %dma_start3A_269 = arith.constant 0 : i32
      %dma_start3A_270 = tpu.memref_slice %arg4[%add3A_268, %dma_start3A_269] : memref<20480x16xf32, #tpu.memory_space<hbm>> -> memref<640x16xf32, #tpu.memory_space<hbm>>
      %dma_start3A_271 = arith.constant 0 : i32
      %dma_start3A_272 = tpu.memref_slice %arg9[%mul3A_0, %dma_start3A_271] : memref<10240x16xf32, #tpu.memory_space<vmem_shared>> -> memref<640x16xf32, #tpu.memory_space<vmem_shared>>
      tpu.enqueue_dma source(%dma_start3A_272 : memref<640x16xf32, #tpu.memory_space<vmem_shared>>) target(%dma_start3A_270 : memref<640x16xf32, #tpu.memory_space<hbm>>) target_semaphore(%run_scoped3A : memref<!tpu.dma_semaphore, #tpu.memory_space<semaphore_mem>>)
      %dma_wait3A_273 = arith.constant 0 : i32
      %dma_wait3A_274 = tpu.memref_slice %arg4[%add3A_268, %dma_wait3A_273] : memref<20480x16xf32, #tpu.memory_space<hbm>> -> memref<640x16xf32, #tpu.memory_space<hbm>>
      %dma_wait3A_275 = arith.constant 0 : i32
      %dma_wait3A_276 = tpu.memref_slice %arg9[%mul3A_0, %dma_wait3A_275] : memref<10240x16xf32, #tpu.memory_space<vmem_shared>> -> memref<640x16xf32, #tpu.memory_space<vmem_shared>>
      tpu.wait_dma2 semaphore(%run_scoped3A : memref<!tpu.dma_semaphore, #tpu.memory_space<semaphore_mem>>) src(%dma_wait3A_276 : memref<640x16xf32, #tpu.memory_space<vmem_shared>>) dst(%dma_wait3A_274 : memref<640x16xf32, #tpu.memory_space<hbm>>)
      tpu.yield
    }) : () -> ()
    return
  }
}

#map = affine_map<(d0, d1) -> (0, 0, 0)>
#map1 = affine_map<(d0, d1) -> (0)>
module attributes {stable_mosaic.version = 14 : i64} {
  func.func @sc_degree(%arg0: i32, %arg1: i32, %arg2: memref<2x2560x128xi32, #tpu.memory_space<hbm>>, %arg3: memref<20480xf32, #tpu.memory_space<hbm>>, %arg4: memref<88x128xi32, #tpu.memory_space<vmem>>, %arg5: memref<128xf32, #tpu.memory_space<vmem>>, %arg6: memref<640xf32, #tpu.memory_space<vmem>>, %arg7: memref<10240xf32, #tpu.memory_space<vmem_shared>>) attributes {dimension_semantics = [#tpu.dimension_semantics<core_parallel>, #tpu.dimension_semantics<subcore_parallel>], iteration_bounds = array<i64: 2, 16>, scalar_prefetch = 0 : i64, scratch_operands = 4 : i64, tpu.core_type = #tpu.core_type<sc_vector_subcore>, window_params = [{transform_indices = #map}, {transform_indices = #map1}]} {
    %mul3A = arith.constant 640 : i32
    %mul3A_0 = arith.muli %arg1, %mul3A : i32
    %eq3A = arith.constant 0 : i32
    %eq3A_1 = arith.cmpi eq, %arg0, %eq3A : i32
    %jit3A = arith.constant 88 : i32
    %jit3A_2 = arith.constant 72 : i32
    %select_n3A = arith.select %eq3A_1, %jit3A, %jit3A_2 : i32
    %scan3A = arith.constant 0 : i32
    %scan3A_3 = arith.constant 0 : i32
    %scan3A_4 = arith.constant 8 : i32
    %scan3A_5 = arith.addi %scan3A_3, %scan3A_4 : i32
    %scan3A_6 = arith.constant 1 : i32
    %scan3A_7 = scf.for %scan3A_38 = %scan3A_3 to %scan3A_5 step %scan3A_6 iter_args(%scan3A_39 = %scan3A) -> (i32)  : i32 {
      %broadcast_in_dim3A = arith.constant 1.000000e+00 : f32
      %broadcast_in_dim3A_40 = vector.broadcast %broadcast_in_dim3A : f32 to vector<16xf32>
      %mul3A_41 = arith.constant 16 : i32
      %mul3A_42 = arith.muli %scan3A_38, %mul3A_41 : i32
      %swap3A = arith.index_cast %mul3A_42 : i32 to index
      %swap3A_43 = tpu.vector_load %arg5[%swap3A] {strides = array<i32>} : memref<128xf32, #tpu.memory_space<vmem>>, vector<16xf32>,
      %swap3A_44 = vector.shape_cast %swap3A_43 : vector<16xf32> to vector<16xf32>
      %swap3A_45 = vector.shape_cast %broadcast_in_dim3A_40 : vector<16xf32> to vector<16xf32>
      tpu.vector_store %arg5[%swap3A], %swap3A_45 {strides = array<i32>} : memref<128xf32, #tpu.memory_space<vmem>>, vector<16xf32>,
      %scan3A_46 = arith.constant 0 : i32
      scf.yield %scan3A_46 : i32
    }
    %scan3A_8 = arith.constant 8 : i32
    %scan3A_9 = arith.constant 0 : i32
    %scan3A_10 = arith.constant 0 : i32
    %scan3A_11 = arith.constant 40 : i32
    %scan3A_12 = arith.addi %scan3A_10, %scan3A_11 : i32
    %scan3A_13 = arith.constant 1 : i32
    %scan3A_14 = scf.for %scan3A_38 = %scan3A_10 to %scan3A_12 step %scan3A_13 iter_args(%scan3A_39 = %scan3A_9) -> (i32)  : i32 {
      %broadcast_in_dim3A = arith.constant 0.000000e+00 : f32
      %broadcast_in_dim3A_40 = vector.broadcast %broadcast_in_dim3A : f32 to vector<16xf32>
      %mul3A_41 = arith.constant 16 : i32
      %mul3A_42 = arith.muli %scan3A_38, %mul3A_41 : i32
      %swap3A = arith.index_cast %mul3A_42 : i32 to index
      %swap3A_43 = tpu.vector_load %arg6[%swap3A] {strides = array<i32>} : memref<640xf32, #tpu.memory_space<vmem>>, vector<16xf32>,
      %swap3A_44 = vector.shape_cast %swap3A_43 : vector<16xf32> to vector<16xf32>
      %swap3A_45 = vector.shape_cast %broadcast_in_dim3A_40 : vector<16xf32> to vector<16xf32>
      tpu.vector_store %arg6[%swap3A], %swap3A_45 {strides = array<i32>} : memref<640xf32, #tpu.memory_space<vmem>>, vector<16xf32>,
      %scan3A_46 = arith.constant 0 : i32
      scf.yield %scan3A_46 : i32
    }
    %scan3A_15 = arith.constant 40 : i32
    %eq3A_16 = arith.constant 0 : i32
    %eq3A_17 = arith.cmpi eq, %arg0, %eq3A_16 : i32
    %convert_element_type3A = arith.extui %eq3A_17 : i1 to i32
    %cond3A = arith.constant 0 : i32
    %cond3A_18 = arith.cmpi ne, %convert_element_type3A, %cond3A : i32
    scf.if %cond3A_18 {
      %mul3A_38 = arith.constant 88 : i32
      %mul3A_39 = arith.muli %arg1, %mul3A_38 : i32
      %run_scoped3A = arith.constant 1 : i32
      "tpu.region"() ({
        %run_scoped3A_40 = tpu.sem_alloc : memref<!tpu.dma_semaphore, #tpu.memory_space<semaphore_mem>>
        %dma_start3A = arith.constant 0 : i32
        %dma_start3A_41 = arith.constant 0 : i32
        %dma_start3A_42 = tpu.memref_slice %arg4[%dma_start3A, %dma_start3A_41] : memref<88x128xi32, #tpu.memory_space<vmem>> -> memref<88x128xi32, #tpu.memory_space<vmem>>
        %dma_start3A_43 = arith.constant 0 : i32
        %dma_start3A_44 = arith.constant 0 : i32
        %dma_start3A_45 = tpu.memref_slice %arg2[%run_scoped3A, %dma_start3A_43, %dma_start3A_44] : memref<2x2560x128xi32, #tpu.memory_space<hbm>> -> memref<1x2560x128xi32, #tpu.memory_space<hbm>>
        %dma_start3A_46 = tpu.memref_squeeze %dma_start3A_45 : memref<1x2560x128xi32, #tpu.memory_space<hbm>> -> memref<2560x128xi32, #tpu.memory_space<hbm>>
        %dma_start3A_47 = arith.constant 0 : i32
        %dma_start3A_48 = tpu.memref_slice %dma_start3A_46[%mul3A_39, %dma_start3A_47] : memref<2560x128xi32, #tpu.memory_space<hbm>> -> memref<88x128xi32, #tpu.memory_space<hbm>>
        %dma_start3A_49 = arith.constant 0 : i32
        %dma_start3A_50 = arith.constant 0 : i32
        %dma_start3A_51 = tpu.memref_slice %arg4[%dma_start3A_49, %dma_start3A_50] : memref<88x128xi32, #tpu.memory_space<vmem>> -> memref<88x128xi32, #tpu.memory_space<vmem>>
        %dma_start3A_52 = arith.constant 0 : i32
        %dma_start3A_53 = arith.constant 0 : i32
        %dma_start3A_54 = tpu.memref_slice %arg2[%run_scoped3A, %dma_start3A_52, %dma_start3A_53] : memref<2x2560x128xi32, #tpu.memory_space<hbm>> -> memref<1x2560x128xi32, #tpu.memory_space<hbm>>
        %dma_start3A_55 = tpu.memref_squeeze %dma_start3A_54 : memref<1x2560x128xi32, #tpu.memory_space<hbm>> -> memref<2560x128xi32, #tpu.memory_space<hbm>>
        %dma_start3A_56 = arith.constant 0 : i32
        %dma_start3A_57 = tpu.memref_slice %dma_start3A_55[%mul3A_39, %dma_start3A_56] : memref<2560x128xi32, #tpu.memory_space<hbm>> -> memref<88x128xi32, #tpu.memory_space<hbm>>
        tpu.enqueue_dma source(%dma_start3A_57 : memref<88x128xi32, #tpu.memory_space<hbm>>) target(%dma_start3A_51 : memref<88x128xi32, #tpu.memory_space<vmem>>) target_semaphore(%run_scoped3A_40 : memref<!tpu.dma_semaphore, #tpu.memory_space<semaphore_mem>>)
        %dma_wait3A = arith.constant 0 : i32
        %dma_wait3A_58 = arith.constant 0 : i32
        %dma_wait3A_59 = tpu.memref_slice %arg4[%dma_wait3A, %dma_wait3A_58] : memref<88x128xi32, #tpu.memory_space<vmem>> -> memref<88x128xi32, #tpu.memory_space<vmem>>
        %dma_wait3A_60 = arith.constant 0 : i32
        %dma_wait3A_61 = arith.constant 0 : i32
        %dma_wait3A_62 = tpu.memref_slice %arg2[%run_scoped3A, %dma_wait3A_60, %dma_wait3A_61] : memref<2x2560x128xi32, #tpu.memory_space<hbm>> -> memref<1x2560x128xi32, #tpu.memory_space<hbm>>
        %dma_wait3A_63 = tpu.memref_squeeze %dma_wait3A_62 : memref<1x2560x128xi32, #tpu.memory_space<hbm>> -> memref<2560x128xi32, #tpu.memory_space<hbm>>
        %dma_wait3A_64 = arith.constant 0 : i32
        %dma_wait3A_65 = tpu.memref_slice %dma_wait3A_63[%mul3A_39, %dma_wait3A_64] : memref<2560x128xi32, #tpu.memory_space<hbm>> -> memref<88x128xi32, #tpu.memory_space<hbm>>
        %dma_wait3A_66 = arith.constant 0 : i32
        %dma_wait3A_67 = arith.constant 0 : i32
        %dma_wait3A_68 = tpu.memref_slice %arg4[%dma_wait3A_66, %dma_wait3A_67] : memref<88x128xi32, #tpu.memory_space<vmem>> -> memref<88x128xi32, #tpu.memory_space<vmem>>
        %dma_wait3A_69 = arith.constant 0 : i32
        %dma_wait3A_70 = arith.constant 0 : i32
        %dma_wait3A_71 = tpu.memref_slice %arg2[%run_scoped3A, %dma_wait3A_69, %dma_wait3A_70] : memref<2x2560x128xi32, #tpu.memory_space<hbm>> -> memref<1x2560x128xi32, #tpu.memory_space<hbm>>
        %dma_wait3A_72 = tpu.memref_squeeze %dma_wait3A_71 : memref<1x2560x128xi32, #tpu.memory_space<hbm>> -> memref<2560x128xi32, #tpu.memory_space<hbm>>
        %dma_wait3A_73 = arith.constant 0 : i32
        %dma_wait3A_74 = tpu.memref_slice %dma_wait3A_72[%mul3A_39, %dma_wait3A_73] : memref<2560x128xi32, #tpu.memory_space<hbm>> -> memref<88x128xi32, #tpu.memory_space<hbm>>
        tpu.wait_dma2 semaphore(%run_scoped3A_40 : memref<!tpu.dma_semaphore, #tpu.memory_space<semaphore_mem>>) src(%dma_wait3A_74 : memref<88x128xi32, #tpu.memory_space<hbm>>) dst(%dma_wait3A_68 : memref<88x128xi32, #tpu.memory_space<vmem>>)
        tpu.yield
      }) : () -> ()
    } else {
    }
    %eq3A_19 = arith.constant 1 : i32
    %eq3A_20 = arith.cmpi eq, %arg0, %eq3A_19 : i32
    %convert_element_type3A_21 = arith.extui %eq3A_20 : i1 to i32
    %cond3A_22 = arith.constant 0 : i32
    %cond3A_23 = arith.cmpi ne, %convert_element_type3A_21, %cond3A_22 : i32
    scf.if %cond3A_23 {
      %mul3A_38 = arith.constant 72 : i32
      %mul3A_39 = arith.muli %arg1, %mul3A_38 : i32
      %add3A_40 = arith.constant 1408 : i32
      %add3A_41 = arith.addi %add3A_40, %mul3A_39 : i32
      %run_scoped3A = arith.constant 1 : i32
      "tpu.region"() ({
        %run_scoped3A_42 = tpu.sem_alloc : memref<!tpu.dma_semaphore, #tpu.memory_space<semaphore_mem>>
        %dma_start3A = arith.constant 0 : i32
        %dma_start3A_43 = arith.constant 0 : i32
        %dma_start3A_44 = tpu.memref_slice %arg4[%dma_start3A, %dma_start3A_43] : memref<88x128xi32, #tpu.memory_space<vmem>> -> memref<72x128xi32, #tpu.memory_space<vmem>>
        %dma_start3A_45 = arith.constant 0 : i32
        %dma_start3A_46 = arith.constant 0 : i32
        %dma_start3A_47 = tpu.memref_slice %arg2[%run_scoped3A, %dma_start3A_45, %dma_start3A_46] : memref<2x2560x128xi32, #tpu.memory_space<hbm>> -> memref<1x2560x128xi32, #tpu.memory_space<hbm>>
        %dma_start3A_48 = tpu.memref_squeeze %dma_start3A_47 : memref<1x2560x128xi32, #tpu.memory_space<hbm>> -> memref<2560x128xi32, #tpu.memory_space<hbm>>
        %dma_start3A_49 = arith.constant 0 : i32
        %dma_start3A_50 = tpu.memref_slice %dma_start3A_48[%add3A_41, %dma_start3A_49] : memref<2560x128xi32, #tpu.memory_space<hbm>> -> memref<72x128xi32, #tpu.memory_space<hbm>>
        %dma_start3A_51 = arith.constant 0 : i32
        %dma_start3A_52 = arith.constant 0 : i32
        %dma_start3A_53 = tpu.memref_slice %arg4[%dma_start3A_51, %dma_start3A_52] : memref<88x128xi32, #tpu.memory_space<vmem>> -> memref<72x128xi32, #tpu.memory_space<vmem>>
        %dma_start3A_54 = arith.constant 0 : i32
        %dma_start3A_55 = arith.constant 0 : i32
        %dma_start3A_56 = tpu.memref_slice %arg2[%run_scoped3A, %dma_start3A_54, %dma_start3A_55] : memref<2x2560x128xi32, #tpu.memory_space<hbm>> -> memref<1x2560x128xi32, #tpu.memory_space<hbm>>
        %dma_start3A_57 = tpu.memref_squeeze %dma_start3A_56 : memref<1x2560x128xi32, #tpu.memory_space<hbm>> -> memref<2560x128xi32, #tpu.memory_space<hbm>>
        %dma_start3A_58 = arith.constant 0 : i32
        %dma_start3A_59 = tpu.memref_slice %dma_start3A_57[%add3A_41, %dma_start3A_58] : memref<2560x128xi32, #tpu.memory_space<hbm>> -> memref<72x128xi32, #tpu.memory_space<hbm>>
        tpu.enqueue_dma source(%dma_start3A_59 : memref<72x128xi32, #tpu.memory_space<hbm>>) target(%dma_start3A_53 : memref<72x128xi32, #tpu.memory_space<vmem>>) target_semaphore(%run_scoped3A_42 : memref<!tpu.dma_semaphore, #tpu.memory_space<semaphore_mem>>)
        %dma_wait3A = arith.constant 0 : i32
        %dma_wait3A_60 = arith.constant 0 : i32
        %dma_wait3A_61 = tpu.memref_slice %arg4[%dma_wait3A, %dma_wait3A_60] : memref<88x128xi32, #tpu.memory_space<vmem>> -> memref<72x128xi32, #tpu.memory_space<vmem>>
        %dma_wait3A_62 = arith.constant 0 : i32
        %dma_wait3A_63 = arith.constant 0 : i32
        %dma_wait3A_64 = tpu.memref_slice %arg2[%run_scoped3A, %dma_wait3A_62, %dma_wait3A_63] : memref<2x2560x128xi32, #tpu.memory_space<hbm>> -> memref<1x2560x128xi32, #tpu.memory_space<hbm>>
        %dma_wait3A_65 = tpu.memref_squeeze %dma_wait3A_64 : memref<1x2560x128xi32, #tpu.memory_space<hbm>> -> memref<2560x128xi32, #tpu.memory_space<hbm>>
        %dma_wait3A_66 = arith.constant 0 : i32
        %dma_wait3A_67 = tpu.memref_slice %dma_wait3A_65[%add3A_41, %dma_wait3A_66] : memref<2560x128xi32, #tpu.memory_space<hbm>> -> memref<72x128xi32, #tpu.memory_space<hbm>>
        %dma_wait3A_68 = arith.constant 0 : i32
        %dma_wait3A_69 = arith.constant 0 : i32
        %dma_wait3A_70 = tpu.memref_slice %arg4[%dma_wait3A_68, %dma_wait3A_69] : memref<88x128xi32, #tpu.memory_space<vmem>> -> memref<72x128xi32, #tpu.memory_space<vmem>>
        %dma_wait3A_71 = arith.constant 0 : i32
        %dma_wait3A_72 = arith.constant 0 : i32
        %dma_wait3A_73 = tpu.memref_slice %arg2[%run_scoped3A, %dma_wait3A_71, %dma_wait3A_72] : memref<2x2560x128xi32, #tpu.memory_space<hbm>> -> memref<1x2560x128xi32, #tpu.memory_space<hbm>>
        %dma_wait3A_74 = tpu.memref_squeeze %dma_wait3A_73 : memref<1x2560x128xi32, #tpu.memory_space<hbm>> -> memref<2560x128xi32, #tpu.memory_space<hbm>>
        %dma_wait3A_75 = arith.constant 0 : i32
        %dma_wait3A_76 = tpu.memref_slice %dma_wait3A_74[%add3A_41, %dma_wait3A_75] : memref<2560x128xi32, #tpu.memory_space<hbm>> -> memref<72x128xi32, #tpu.memory_space<hbm>>
        tpu.wait_dma2 semaphore(%run_scoped3A_42 : memref<!tpu.dma_semaphore, #tpu.memory_space<semaphore_mem>>) src(%dma_wait3A_76 : memref<72x128xi32, #tpu.memory_space<hbm>>) dst(%dma_wait3A_70 : memref<72x128xi32, #tpu.memory_space<vmem>>)
        tpu.yield
      }) : () -> ()
    } else {
    }
    "tpu.region"() ({
      %run_scoped3A = tpu.sem_alloc : memref<!tpu.dma_semaphore, #tpu.memory_space<semaphore_mem>>
      %dma_start3A = tpu.memref_slice %arg7[%mul3A_0] : memref<10240xf32, #tpu.memory_space<vmem_shared>> -> memref<640xf32, #tpu.memory_space<vmem_shared>>
      %dma_start3A_38 = tpu.memref_slice %arg7[%mul3A_0] : memref<10240xf32, #tpu.memory_space<vmem_shared>> -> memref<640xf32, #tpu.memory_space<vmem_shared>>
      tpu.enqueue_dma source(%arg6 : memref<640xf32, #tpu.memory_space<vmem>>) target(%dma_start3A_38 : memref<640xf32, #tpu.memory_space<vmem_shared>>) target_semaphore(%run_scoped3A : memref<!tpu.dma_semaphore, #tpu.memory_space<semaphore_mem>>)
      %dma_wait3A = tpu.memref_slice %arg7[%mul3A_0] : memref<10240xf32, #tpu.memory_space<vmem_shared>> -> memref<640xf32, #tpu.memory_space<vmem_shared>>
      %dma_wait3A_39 = tpu.memref_slice %arg7[%mul3A_0] : memref<10240xf32, #tpu.memory_space<vmem_shared>> -> memref<640xf32, #tpu.memory_space<vmem_shared>>
      tpu.wait_dma2 semaphore(%run_scoped3A : memref<!tpu.dma_semaphore, #tpu.memory_space<semaphore_mem>>) src(%arg6 : memref<640xf32, #tpu.memory_space<vmem>>) dst(%dma_wait3A_39 : memref<640xf32, #tpu.memory_space<vmem_shared>>)
      tpu.yield
    }) : () -> ()
    %barrier3A = arith.constant 0 : index
    tpu.barrier barrier_id(%barrier3A)
    %while3A = arith.constant 0 : i32
    %while3A_24 = arith.constant 0 : i32
    %while3A_25 = arith.subi %select_n3A, %while3A : i32
    %while3A_26 = arith.addi %while3A, %while3A_25 : i32
    %while3A_27 = arith.constant 1 : i32
    %while3A_28 = arith.divsi %while3A_25, %while3A_27 : i32
    %while3A_29 = arith.muli %while3A_28, %while3A_27 : i32
    %while3A_30 = arith.addi %while3A, %while3A_29 : i32
    %while3A_31 = arith.constant 1 : i32
    %while3A_32 = scf.for %while3A_38 = %while3A to %while3A_30 step %while3A_31 iter_args(%while3A_39 = %while3A_24) -> (i32)  : i32 {
      "tpu.region"() ({
        %run_scoped3A = tpu.sem_alloc : memref<!tpu.dma_semaphore, #tpu.memory_space<semaphore_mem>>
        %dma_start3A = arith.constant 0 : i32
        %dma_start3A_41 = tpu.memref_slice %arg4[%while3A_38, %dma_start3A] : memref<88x128xi32, #tpu.memory_space<vmem>> -> memref<1x128xi32, #tpu.memory_space<vmem>>
        %dma_start3A_42 = tpu.memref_squeeze %dma_start3A_41 : memref<1x128xi32, #tpu.memory_space<vmem>> -> memref<128xi32, #tpu.memory_space<vmem>>
        %dma_start3A_43 = arith.constant 0 : i32
        %dma_start3A_44 = tpu.memref_slice %arg7[%dma_start3A_43] : memref<10240xf32, #tpu.memory_space<vmem_shared>> -> memref<10240xf32, #tpu.memory_space<vmem_shared>>
        tpu.enqueue_indirect_dma source(%arg5 : memref<128xf32, #tpu.memory_space<vmem>>) target(%dma_start3A_44 : memref<10240xf32, #tpu.memory_space<vmem_shared>>) offsets(%dma_start3A_42 : memref<128xi32, #tpu.memory_space<vmem>>) semaphore(%run_scoped3A : memref<!tpu.dma_semaphore, #tpu.memory_space<semaphore_mem>>) {add = true}
        %dma_wait3A = arith.constant 0 : i32
        %dma_wait3A_45 = tpu.memref_slice %arg4[%while3A_38, %dma_wait3A] : memref<88x128xi32, #tpu.memory_space<vmem>> -> memref<1x128xi32, #tpu.memory_space<vmem>>
        %dma_wait3A_46 = tpu.memref_squeeze %dma_wait3A_45 : memref<1x128xi32, #tpu.memory_space<vmem>> -> memref<128xi32, #tpu.memory_space<vmem>>
        %dma_wait3A_47 = arith.constant 0 : i32
        %dma_wait3A_48 = tpu.memref_slice %arg7[%dma_wait3A_47] : memref<10240xf32, #tpu.memory_space<vmem_shared>> -> memref<10240xf32, #tpu.memory_space<vmem_shared>>
        tpu.wait_indirect_dma semaphore(%run_scoped3A : memref<!tpu.dma_semaphore, #tpu.memory_space<semaphore_mem>>) src(%arg5 : memref<128xf32, #tpu.memory_space<vmem>>) dst(%dma_wait3A_48 : memref<10240xf32, #tpu.memory_space<vmem_shared>>)
        tpu.yield
      }) : () -> ()
      %while3A_40 = arith.constant 0 : i32
      scf.yield %while3A_40 : i32
    }
    %while3A_33 = arith.constant 1 : i32
    %while3A_34 = scf.for %while3A_38 = %while3A_30 to %while3A_26 step %while3A_33 iter_args(%while3A_39 = %while3A_32) -> (i32)  : i32 {
      "tpu.region"() ({
        %run_scoped3A = tpu.sem_alloc : memref<!tpu.dma_semaphore, #tpu.memory_space<semaphore_mem>>
        %dma_start3A = arith.constant 0 : i32
        %dma_start3A_41 = tpu.memref_slice %arg4[%while3A_38, %dma_start3A] : memref<88x128xi32, #tpu.memory_space<vmem>> -> memref<1x128xi32, #tpu.memory_space<vmem>>
        %dma_start3A_42 = tpu.memref_squeeze %dma_start3A_41 : memref<1x128xi32, #tpu.memory_space<vmem>> -> memref<128xi32, #tpu.memory_space<vmem>>
        %dma_start3A_43 = arith.constant 0 : i32
        %dma_start3A_44 = tpu.memref_slice %arg7[%dma_start3A_43] : memref<10240xf32, #tpu.memory_space<vmem_shared>> -> memref<10240xf32, #tpu.memory_space<vmem_shared>>
        tpu.enqueue_indirect_dma source(%arg5 : memref<128xf32, #tpu.memory_space<vmem>>) target(%dma_start3A_44 : memref<10240xf32, #tpu.memory_space<vmem_shared>>) offsets(%dma_start3A_42 : memref<128xi32, #tpu.memory_space<vmem>>) semaphore(%run_scoped3A : memref<!tpu.dma_semaphore, #tpu.memory_space<semaphore_mem>>) {add = true}
        %dma_wait3A = arith.constant 0 : i32
        %dma_wait3A_45 = tpu.memref_slice %arg4[%while3A_38, %dma_wait3A] : memref<88x128xi32, #tpu.memory_space<vmem>> -> memref<1x128xi32, #tpu.memory_space<vmem>>
        %dma_wait3A_46 = tpu.memref_squeeze %dma_wait3A_45 : memref<1x128xi32, #tpu.memory_space<vmem>> -> memref<128xi32, #tpu.memory_space<vmem>>
        %dma_wait3A_47 = arith.constant 0 : i32
        %dma_wait3A_48 = tpu.memref_slice %arg7[%dma_wait3A_47] : memref<10240xf32, #tpu.memory_space<vmem_shared>> -> memref<10240xf32, #tpu.memory_space<vmem_shared>>
        tpu.wait_indirect_dma semaphore(%run_scoped3A : memref<!tpu.dma_semaphore, #tpu.memory_space<semaphore_mem>>) src(%arg5 : memref<128xf32, #tpu.memory_space<vmem>>) dst(%dma_wait3A_48 : memref<10240xf32, #tpu.memory_space<vmem_shared>>)
        tpu.yield
      }) : () -> ()
      %while3A_40 = arith.constant 0 : i32
      scf.yield %while3A_40 : i32
    }
    %barrier3A_35 = arith.constant 0 : index
    tpu.barrier barrier_id(%barrier3A_35)
    %mul3A_36 = arith.constant 10240 : i32
    %mul3A_37 = arith.muli %arg0, %mul3A_36 : i32
    %add3A = arith.addi %mul3A_37, %mul3A_0 : i32
    "tpu.region"() ({
      %run_scoped3A = tpu.sem_alloc : memref<!tpu.dma_semaphore, #tpu.memory_space<semaphore_mem>>
      %dma_start3A = tpu.memref_slice %arg3[%add3A] : memref<20480xf32, #tpu.memory_space<hbm>> -> memref<640xf32, #tpu.memory_space<hbm>>
      %dma_start3A_38 = tpu.memref_slice %arg7[%mul3A_0] : memref<10240xf32, #tpu.memory_space<vmem_shared>> -> memref<640xf32, #tpu.memory_space<vmem_shared>>
      tpu.enqueue_dma source(%dma_start3A_38 : memref<640xf32, #tpu.memory_space<vmem_shared>>) target(%dma_start3A : memref<640xf32, #tpu.memory_space<hbm>>) target_semaphore(%run_scoped3A : memref<!tpu.dma_semaphore, #tpu.memory_space<semaphore_mem>>)
      %dma_wait3A = tpu.memref_slice %arg3[%add3A] : memref<20480xf32, #tpu.memory_space<hbm>> -> memref<640xf32, #tpu.memory_space<hbm>>
      %dma_wait3A_39 = tpu.memref_slice %arg7[%mul3A_0] : memref<10240xf32, #tpu.memory_space<vmem_shared>> -> memref<640xf32, #tpu.memory_space<vmem_shared>>
      tpu.wait_dma2 semaphore(%run_scoped3A : memref<!tpu.dma_semaphore, #tpu.memory_space<semaphore_mem>>) src(%dma_wait3A_39 : memref<640xf32, #tpu.memory_space<vmem_shared>>) dst(%dma_wait3A : memref<640xf32, #tpu.memory_space<hbm>>)
      tpu.yield
    }) : () -> ()
    return
  }
}

#map = affine_map<(d0, d1) -> (0, 0)>
#map1 = affine_map<(d0, d1) -> (0, 0, 0)>
module attributes {stable_mosaic.version = 14 : i64} {
  func.func @sc_edge_scatter_w32(%arg0: i32, %arg1: i32, %arg2: memref<10240x32xf32, #tpu.memory_space<hbm>>, %arg3: memref<2x2560x128xi32, #tpu.memory_space<hbm>>, %arg4: memref<20480x32xf32, #tpu.memory_space<hbm>>, %arg5: memref<112x128xi32, #tpu.memory_space<vmem>>, %arg6: memref<112x128xi32, #tpu.memory_space<vmem>>, %arg7: memref<4x128x32xf32, #tpu.memory_space<vmem>>, %arg8: memref<16x32xf32, #tpu.memory_space<vmem>>, %arg9: memref<10240x32xf32, #tpu.memory_space<vmem_shared>>, %arg10: memref<!tpu.dma_semaphore, #tpu.memory_space<semaphore_mem>>, %arg11: memref<!tpu.dma_semaphore, #tpu.memory_space<semaphore_mem>>, %arg12: memref<!tpu.dma_semaphore, #tpu.memory_space<semaphore_mem>>, %arg13: memref<!tpu.dma_semaphore, #tpu.memory_space<semaphore_mem>>, %arg14: memref<!tpu.dma_semaphore, #tpu.memory_space<semaphore_mem>>, %arg15: memref<!tpu.dma_semaphore, #tpu.memory_space<semaphore_mem>>, %arg16: memref<!tpu.dma_semaphore, #tpu.memory_space<semaphore_mem>>, %arg17: memref<!tpu.dma_semaphore, #tpu.memory_space<semaphore_mem>>) attributes {dimension_semantics = [#tpu.dimension_semantics<core_parallel>, #tpu.dimension_semantics<subcore_parallel>], iteration_bounds = array<i64: 2, 16>, scalar_prefetch = 0 : i64, scratch_operands = 13 : i64, tpu.core_type = #tpu.core_type<sc_vector_subcore>, window_params = [{transform_indices = #map}, {transform_indices = #map1}, {transform_indices = #map}]} {
    %mul3A = arith.constant 640 : i32
    %mul3A_0 = arith.muli %arg1, %mul3A : i32
    %eq3A = arith.constant 0 : i32
    %eq3A_1 = arith.cmpi eq, %arg0, %eq3A : i32
    %jit3A = arith.constant 112 : i32
    %jit3A_2 = arith.constant 48 : i32
    %select_n3A = arith.select %eq3A_1, %jit3A, %jit3A_2 : i32
    %broadcast_in_dim3A = arith.constant 0.000000e+00 : f32
    %broadcast_in_dim3A_3 = vector.broadcast %broadcast_in_dim3A : f32 to vector<16xf32>
    %swap3A = arith.constant 0 : i32
    %swap3A_4 = arith.index_cast %swap3A : i32 to index
    %swap3A_5 = arith.constant 0 : index
    %swap3A_6 = tpu.vector_load %arg8[%swap3A_4, %swap3A_5] {strides = array<i32>} : memref<16x32xf32, #tpu.memory_space<vmem>>, vector<1x16xf32>,
    %swap3A_7 = vector.shape_cast %swap3A_6 : vector<1x16xf32> to vector<16xf32>
    %swap3A_8 = vector.shape_cast %broadcast_in_dim3A_3 : vector<16xf32> to vector<1x16xf32>
    tpu.vector_store %arg8[%swap3A_4, %swap3A_5], %swap3A_8 {strides = array<i32>} : memref<16x32xf32, #tpu.memory_space<vmem>>, vector<1x16xf32>,
    %broadcast_in_dim3A_9 = arith.constant 0.000000e+00 : f32
    %broadcast_in_dim3A_10 = vector.broadcast %broadcast_in_dim3A_9 : f32 to vector<16xf32>
    %swap3A_11 = arith.constant 0 : i32
    %swap3A_12 = arith.index_cast %swap3A_11 : i32 to index
    %swap3A_13 = arith.constant 16 : index
    %swap3A_14 = tpu.vector_load %arg8[%swap3A_12, %swap3A_13] {strides = array<i32>} : memref<16x32xf32, #tpu.memory_space<vmem>>, vector<1x16xf32>,
    %swap3A_15 = vector.shape_cast %swap3A_14 : vector<1x16xf32> to vector<16xf32>
    %swap3A_16 = vector.shape_cast %broadcast_in_dim3A_10 : vector<16xf32> to vector<1x16xf32>
    tpu.vector_store %arg8[%swap3A_12, %swap3A_13], %swap3A_16 {strides = array<i32>} : memref<16x32xf32, #tpu.memory_space<vmem>>, vector<1x16xf32>,
    %broadcast_in_dim3A_17 = arith.constant 0.000000e+00 : f32
    %broadcast_in_dim3A_18 = vector.broadcast %broadcast_in_dim3A_17 : f32 to vector<16xf32>
    %swap3A_19 = arith.constant 1 : i32
    %swap3A_20 = arith.index_cast %swap3A_19 : i32 to index
    %swap3A_21 = arith.constant 0 : index
    %swap3A_22 = tpu.vector_load %arg8[%swap3A_20, %swap3A_21] {strides = array<i32>} : memref<16x32xf32, #tpu.memory_space<vmem>>, vector<1x16xf32>,
    %swap3A_23 = vector.shape_cast %swap3A_22 : vector<1x16xf32> to vector<16xf32>
    %swap3A_24 = vector.shape_cast %broadcast_in_dim3A_18 : vector<16xf32> to vector<1x16xf32>
    tpu.vector_store %arg8[%swap3A_20, %swap3A_21], %swap3A_24 {strides = array<i32>} : memref<16x32xf32, #tpu.memory_space<vmem>>, vector<1x16xf32>,
    %broadcast_in_dim3A_25 = arith.constant 0.000000e+00 : f32
    %broadcast_in_dim3A_26 = vector.broadcast %broadcast_in_dim3A_25 : f32 to vector<16xf32>
    %swap3A_27 = arith.constant 1 : i32
    %swap3A_28 = arith.index_cast %swap3A_27 : i32 to index
    %swap3A_29 = arith.constant 16 : index
    %swap3A_30 = tpu.vector_load %arg8[%swap3A_28, %swap3A_29] {strides = array<i32>} : memref<16x32xf32, #tpu.memory_space<vmem>>, vector<1x16xf32>,
    %swap3A_31 = vector.shape_cast %swap3A_30 : vector<1x16xf32> to vector<16xf32>
    %swap3A_32 = vector.shape_cast %broadcast_in_dim3A_26 : vector<16xf32> to vector<1x16xf32>
    tpu.vector_store %arg8[%swap3A_28, %swap3A_29], %swap3A_32 {strides = array<i32>} : memref<16x32xf32, #tpu.memory_space<vmem>>, vector<1x16xf32>,
    %broadcast_in_dim3A_33 = arith.constant 0.000000e+00 : f32
    %broadcast_in_dim3A_34 = vector.broadcast %broadcast_in_dim3A_33 : f32 to vector<16xf32>
    %swap3A_35 = arith.constant 2 : i32
    %swap3A_36 = arith.index_cast %swap3A_35 : i32 to index
    %swap3A_37 = arith.constant 0 : index
    %swap3A_38 = tpu.vector_load %arg8[%swap3A_36, %swap3A_37] {strides = array<i32>} : memref<16x32xf32, #tpu.memory_space<vmem>>, vector<1x16xf32>,
    %swap3A_39 = vector.shape_cast %swap3A_38 : vector<1x16xf32> to vector<16xf32>
    %swap3A_40 = vector.shape_cast %broadcast_in_dim3A_34 : vector<16xf32> to vector<1x16xf32>
    tpu.vector_store %arg8[%swap3A_36, %swap3A_37], %swap3A_40 {strides = array<i32>} : memref<16x32xf32, #tpu.memory_space<vmem>>, vector<1x16xf32>,
    %broadcast_in_dim3A_41 = arith.constant 0.000000e+00 : f32
    %broadcast_in_dim3A_42 = vector.broadcast %broadcast_in_dim3A_41 : f32 to vector<16xf32>
    %swap3A_43 = arith.constant 2 : i32
    %swap3A_44 = arith.index_cast %swap3A_43 : i32 to index
    %swap3A_45 = arith.constant 16 : index
    %swap3A_46 = tpu.vector_load %arg8[%swap3A_44, %swap3A_45] {strides = array<i32>} : memref<16x32xf32, #tpu.memory_space<vmem>>, vector<1x16xf32>,
    %swap3A_47 = vector.shape_cast %swap3A_46 : vector<1x16xf32> to vector<16xf32>
    %swap3A_48 = vector.shape_cast %broadcast_in_dim3A_42 : vector<16xf32> to vector<1x16xf32>
    tpu.vector_store %arg8[%swap3A_44, %swap3A_45], %swap3A_48 {strides = array<i32>} : memref<16x32xf32, #tpu.memory_space<vmem>>, vector<1x16xf32>,
    %broadcast_in_dim3A_49 = arith.constant 0.000000e+00 : f32
    %broadcast_in_dim3A_50 = vector.broadcast %broadcast_in_dim3A_49 : f32 to vector<16xf32>
    %swap3A_51 = arith.constant 3 : i32
    %swap3A_52 = arith.index_cast %swap3A_51 : i32 to index
    %swap3A_53 = arith.constant 0 : index
    %swap3A_54 = tpu.vector_load %arg8[%swap3A_52, %swap3A_53] {strides = array<i32>} : memref<16x32xf32, #tpu.memory_space<vmem>>, vector<1x16xf32>,
    %swap3A_55 = vector.shape_cast %swap3A_54 : vector<1x16xf32> to vector<16xf32>
    %swap3A_56 = vector.shape_cast %broadcast_in_dim3A_50 : vector<16xf32> to vector<1x16xf32>
    tpu.vector_store %arg8[%swap3A_52, %swap3A_53], %swap3A_56 {strides = array<i32>} : memref<16x32xf32, #tpu.memory_space<vmem>>, vector<1x16xf32>,
    %broadcast_in_dim3A_57 = arith.constant 0.000000e+00 : f32
    %broadcast_in_dim3A_58 = vector.broadcast %broadcast_in_dim3A_57 : f32 to vector<16xf32>
    %swap3A_59 = arith.constant 3 : i32
    %swap3A_60 = arith.index_cast %swap3A_59 : i32 to index
    %swap3A_61 = arith.constant 16 : index
    %swap3A_62 = tpu.vector_load %arg8[%swap3A_60, %swap3A_61] {strides = array<i32>} : memref<16x32xf32, #tpu.memory_space<vmem>>, vector<1x16xf32>,
    %swap3A_63 = vector.shape_cast %swap3A_62 : vector<1x16xf32> to vector<16xf32>
    %swap3A_64 = vector.shape_cast %broadcast_in_dim3A_58 : vector<16xf32> to vector<1x16xf32>
    tpu.vector_store %arg8[%swap3A_60, %swap3A_61], %swap3A_64 {strides = array<i32>} : memref<16x32xf32, #tpu.memory_space<vmem>>, vector<1x16xf32>,
    %broadcast_in_dim3A_65 = arith.constant 0.000000e+00 : f32
    %broadcast_in_dim3A_66 = vector.broadcast %broadcast_in_dim3A_65 : f32 to vector<16xf32>
    %swap3A_67 = arith.constant 4 : i32
    %swap3A_68 = arith.index_cast %swap3A_67 : i32 to index
    %swap3A_69 = arith.constant 0 : index
    %swap3A_70 = tpu.vector_load %arg8[%swap3A_68, %swap3A_69] {strides = array<i32>} : memref<16x32xf32, #tpu.memory_space<vmem>>, vector<1x16xf32>,
    %swap3A_71 = vector.shape_cast %swap3A_70 : vector<1x16xf32> to vector<16xf32>
    %swap3A_72 = vector.shape_cast %broadcast_in_dim3A_66 : vector<16xf32> to vector<1x16xf32>
    tpu.vector_store %arg8[%swap3A_68, %swap3A_69], %swap3A_72 {strides = array<i32>} : memref<16x32xf32, #tpu.memory_space<vmem>>, vector<1x16xf32>,
    %broadcast_in_dim3A_73 = arith.constant 0.000000e+00 : f32
    %broadcast_in_dim3A_74 = vector.broadcast %broadcast_in_dim3A_73 : f32 to vector<16xf32>
    %swap3A_75 = arith.constant 4 : i32
    %swap3A_76 = arith.index_cast %swap3A_75 : i32 to index
    %swap3A_77 = arith.constant 16 : index
    %swap3A_78 = tpu.vector_load %arg8[%swap3A_76, %swap3A_77] {strides = array<i32>} : memref<16x32xf32, #tpu.memory_space<vmem>>, vector<1x16xf32>,
    %swap3A_79 = vector.shape_cast %swap3A_78 : vector<1x16xf32> to vector<16xf32>
    %swap3A_80 = vector.shape_cast %broadcast_in_dim3A_74 : vector<16xf32> to vector<1x16xf32>
    tpu.vector_store %arg8[%swap3A_76, %swap3A_77], %swap3A_80 {strides = array<i32>} : memref<16x32xf32, #tpu.memory_space<vmem>>, vector<1x16xf32>,
    %broadcast_in_dim3A_81 = arith.constant 0.000000e+00 : f32
    %broadcast_in_dim3A_82 = vector.broadcast %broadcast_in_dim3A_81 : f32 to vector<16xf32>
    %swap3A_83 = arith.constant 5 : i32
    %swap3A_84 = arith.index_cast %swap3A_83 : i32 to index
    %swap3A_85 = arith.constant 0 : index
    %swap3A_86 = tpu.vector_load %arg8[%swap3A_84, %swap3A_85] {strides = array<i32>} : memref<16x32xf32, #tpu.memory_space<vmem>>, vector<1x16xf32>,
    %swap3A_87 = vector.shape_cast %swap3A_86 : vector<1x16xf32> to vector<16xf32>
    %swap3A_88 = vector.shape_cast %broadcast_in_dim3A_82 : vector<16xf32> to vector<1x16xf32>
    tpu.vector_store %arg8[%swap3A_84, %swap3A_85], %swap3A_88 {strides = array<i32>} : memref<16x32xf32, #tpu.memory_space<vmem>>, vector<1x16xf32>,
    %broadcast_in_dim3A_89 = arith.constant 0.000000e+00 : f32
    %broadcast_in_dim3A_90 = vector.broadcast %broadcast_in_dim3A_89 : f32 to vector<16xf32>
    %swap3A_91 = arith.constant 5 : i32
    %swap3A_92 = arith.index_cast %swap3A_91 : i32 to index
    %swap3A_93 = arith.constant 16 : index
    %swap3A_94 = tpu.vector_load %arg8[%swap3A_92, %swap3A_93] {strides = array<i32>} : memref<16x32xf32, #tpu.memory_space<vmem>>, vector<1x16xf32>,
    %swap3A_95 = vector.shape_cast %swap3A_94 : vector<1x16xf32> to vector<16xf32>
    %swap3A_96 = vector.shape_cast %broadcast_in_dim3A_90 : vector<16xf32> to vector<1x16xf32>
    tpu.vector_store %arg8[%swap3A_92, %swap3A_93], %swap3A_96 {strides = array<i32>} : memref<16x32xf32, #tpu.memory_space<vmem>>, vector<1x16xf32>,
    %broadcast_in_dim3A_97 = arith.constant 0.000000e+00 : f32
    %broadcast_in_dim3A_98 = vector.broadcast %broadcast_in_dim3A_97 : f32 to vector<16xf32>
    %swap3A_99 = arith.constant 6 : i32
    %swap3A_100 = arith.index_cast %swap3A_99 : i32 to index
    %swap3A_101 = arith.constant 0 : index
    %swap3A_102 = tpu.vector_load %arg8[%swap3A_100, %swap3A_101] {strides = array<i32>} : memref<16x32xf32, #tpu.memory_space<vmem>>, vector<1x16xf32>,
    %swap3A_103 = vector.shape_cast %swap3A_102 : vector<1x16xf32> to vector<16xf32>
    %swap3A_104 = vector.shape_cast %broadcast_in_dim3A_98 : vector<16xf32> to vector<1x16xf32>
    tpu.vector_store %arg8[%swap3A_100, %swap3A_101], %swap3A_104 {strides = array<i32>} : memref<16x32xf32, #tpu.memory_space<vmem>>, vector<1x16xf32>,
    %broadcast_in_dim3A_105 = arith.constant 0.000000e+00 : f32
    %broadcast_in_dim3A_106 = vector.broadcast %broadcast_in_dim3A_105 : f32 to vector<16xf32>
    %swap3A_107 = arith.constant 6 : i32
    %swap3A_108 = arith.index_cast %swap3A_107 : i32 to index
    %swap3A_109 = arith.constant 16 : index
    %swap3A_110 = tpu.vector_load %arg8[%swap3A_108, %swap3A_109] {strides = array<i32>} : memref<16x32xf32, #tpu.memory_space<vmem>>, vector<1x16xf32>,
    %swap3A_111 = vector.shape_cast %swap3A_110 : vector<1x16xf32> to vector<16xf32>
    %swap3A_112 = vector.shape_cast %broadcast_in_dim3A_106 : vector<16xf32> to vector<1x16xf32>
    tpu.vector_store %arg8[%swap3A_108, %swap3A_109], %swap3A_112 {strides = array<i32>} : memref<16x32xf32, #tpu.memory_space<vmem>>, vector<1x16xf32>,
    %broadcast_in_dim3A_113 = arith.constant 0.000000e+00 : f32
    %broadcast_in_dim3A_114 = vector.broadcast %broadcast_in_dim3A_113 : f32 to vector<16xf32>
    %swap3A_115 = arith.constant 7 : i32
    %swap3A_116 = arith.index_cast %swap3A_115 : i32 to index
    %swap3A_117 = arith.constant 0 : index
    %swap3A_118 = tpu.vector_load %arg8[%swap3A_116, %swap3A_117] {strides = array<i32>} : memref<16x32xf32, #tpu.memory_space<vmem>>, vector<1x16xf32>,
    %swap3A_119 = vector.shape_cast %swap3A_118 : vector<1x16xf32> to vector<16xf32>
    %swap3A_120 = vector.shape_cast %broadcast_in_dim3A_114 : vector<16xf32> to vector<1x16xf32>
    tpu.vector_store %arg8[%swap3A_116, %swap3A_117], %swap3A_120 {strides = array<i32>} : memref<16x32xf32, #tpu.memory_space<vmem>>, vector<1x16xf32>,
    %broadcast_in_dim3A_121 = arith.constant 0.000000e+00 : f32
    %broadcast_in_dim3A_122 = vector.broadcast %broadcast_in_dim3A_121 : f32 to vector<16xf32>
    %swap3A_123 = arith.constant 7 : i32
    %swap3A_124 = arith.index_cast %swap3A_123 : i32 to index
    %swap3A_125 = arith.constant 16 : index
    %swap3A_126 = tpu.vector_load %arg8[%swap3A_124, %swap3A_125] {strides = array<i32>} : memref<16x32xf32, #tpu.memory_space<vmem>>, vector<1x16xf32>,
    %swap3A_127 = vector.shape_cast %swap3A_126 : vector<1x16xf32> to vector<16xf32>
    %swap3A_128 = vector.shape_cast %broadcast_in_dim3A_122 : vector<16xf32> to vector<1x16xf32>
    tpu.vector_store %arg8[%swap3A_124, %swap3A_125], %swap3A_128 {strides = array<i32>} : memref<16x32xf32, #tpu.memory_space<vmem>>, vector<1x16xf32>,
    %broadcast_in_dim3A_129 = arith.constant 0.000000e+00 : f32
    %broadcast_in_dim3A_130 = vector.broadcast %broadcast_in_dim3A_129 : f32 to vector<16xf32>
    %swap3A_131 = arith.constant 8 : i32
    %swap3A_132 = arith.index_cast %swap3A_131 : i32 to index
    %swap3A_133 = arith.constant 0 : index
    %swap3A_134 = tpu.vector_load %arg8[%swap3A_132, %swap3A_133] {strides = array<i32>} : memref<16x32xf32, #tpu.memory_space<vmem>>, vector<1x16xf32>,
    %swap3A_135 = vector.shape_cast %swap3A_134 : vector<1x16xf32> to vector<16xf32>
    %swap3A_136 = vector.shape_cast %broadcast_in_dim3A_130 : vector<16xf32> to vector<1x16xf32>
    tpu.vector_store %arg8[%swap3A_132, %swap3A_133], %swap3A_136 {strides = array<i32>} : memref<16x32xf32, #tpu.memory_space<vmem>>, vector<1x16xf32>,
    %broadcast_in_dim3A_137 = arith.constant 0.000000e+00 : f32
    %broadcast_in_dim3A_138 = vector.broadcast %broadcast_in_dim3A_137 : f32 to vector<16xf32>
    %swap3A_139 = arith.constant 8 : i32
    %swap3A_140 = arith.index_cast %swap3A_139 : i32 to index
    %swap3A_141 = arith.constant 16 : index
    %swap3A_142 = tpu.vector_load %arg8[%swap3A_140, %swap3A_141] {strides = array<i32>} : memref<16x32xf32, #tpu.memory_space<vmem>>, vector<1x16xf32>,
    %swap3A_143 = vector.shape_cast %swap3A_142 : vector<1x16xf32> to vector<16xf32>
    %swap3A_144 = vector.shape_cast %broadcast_in_dim3A_138 : vector<16xf32> to vector<1x16xf32>
    tpu.vector_store %arg8[%swap3A_140, %swap3A_141], %swap3A_144 {strides = array<i32>} : memref<16x32xf32, #tpu.memory_space<vmem>>, vector<1x16xf32>,
    %broadcast_in_dim3A_145 = arith.constant 0.000000e+00 : f32
    %broadcast_in_dim3A_146 = vector.broadcast %broadcast_in_dim3A_145 : f32 to vector<16xf32>
    %swap3A_147 = arith.constant 9 : i32
    %swap3A_148 = arith.index_cast %swap3A_147 : i32 to index
    %swap3A_149 = arith.constant 0 : index
    %swap3A_150 = tpu.vector_load %arg8[%swap3A_148, %swap3A_149] {strides = array<i32>} : memref<16x32xf32, #tpu.memory_space<vmem>>, vector<1x16xf32>,
    %swap3A_151 = vector.shape_cast %swap3A_150 : vector<1x16xf32> to vector<16xf32>
    %swap3A_152 = vector.shape_cast %broadcast_in_dim3A_146 : vector<16xf32> to vector<1x16xf32>
    tpu.vector_store %arg8[%swap3A_148, %swap3A_149], %swap3A_152 {strides = array<i32>} : memref<16x32xf32, #tpu.memory_space<vmem>>, vector<1x16xf32>,
    %broadcast_in_dim3A_153 = arith.constant 0.000000e+00 : f32
    %broadcast_in_dim3A_154 = vector.broadcast %broadcast_in_dim3A_153 : f32 to vector<16xf32>
    %swap3A_155 = arith.constant 9 : i32
    %swap3A_156 = arith.index_cast %swap3A_155 : i32 to index
    %swap3A_157 = arith.constant 16 : index
    %swap3A_158 = tpu.vector_load %arg8[%swap3A_156, %swap3A_157] {strides = array<i32>} : memref<16x32xf32, #tpu.memory_space<vmem>>, vector<1x16xf32>,
    %swap3A_159 = vector.shape_cast %swap3A_158 : vector<1x16xf32> to vector<16xf32>
    %swap3A_160 = vector.shape_cast %broadcast_in_dim3A_154 : vector<16xf32> to vector<1x16xf32>
    tpu.vector_store %arg8[%swap3A_156, %swap3A_157], %swap3A_160 {strides = array<i32>} : memref<16x32xf32, #tpu.memory_space<vmem>>, vector<1x16xf32>,
    %broadcast_in_dim3A_161 = arith.constant 0.000000e+00 : f32
    %broadcast_in_dim3A_162 = vector.broadcast %broadcast_in_dim3A_161 : f32 to vector<16xf32>
    %swap3A_163 = arith.constant 10 : i32
    %swap3A_164 = arith.index_cast %swap3A_163 : i32 to index
    %swap3A_165 = arith.constant 0 : index
    %swap3A_166 = tpu.vector_load %arg8[%swap3A_164, %swap3A_165] {strides = array<i32>} : memref<16x32xf32, #tpu.memory_space<vmem>>, vector<1x16xf32>,
    %swap3A_167 = vector.shape_cast %swap3A_166 : vector<1x16xf32> to vector<16xf32>
    %swap3A_168 = vector.shape_cast %broadcast_in_dim3A_162 : vector<16xf32> to vector<1x16xf32>
    tpu.vector_store %arg8[%swap3A_164, %swap3A_165], %swap3A_168 {strides = array<i32>} : memref<16x32xf32, #tpu.memory_space<vmem>>, vector<1x16xf32>,
    %broadcast_in_dim3A_169 = arith.constant 0.000000e+00 : f32
    %broadcast_in_dim3A_170 = vector.broadcast %broadcast_in_dim3A_169 : f32 to vector<16xf32>
    %swap3A_171 = arith.constant 10 : i32
    %swap3A_172 = arith.index_cast %swap3A_171 : i32 to index
    %swap3A_173 = arith.constant 16 : index
    %swap3A_174 = tpu.vector_load %arg8[%swap3A_172, %swap3A_173] {strides = array<i32>} : memref<16x32xf32, #tpu.memory_space<vmem>>, vector<1x16xf32>,
    %swap3A_175 = vector.shape_cast %swap3A_174 : vector<1x16xf32> to vector<16xf32>
    %swap3A_176 = vector.shape_cast %broadcast_in_dim3A_170 : vector<16xf32> to vector<1x16xf32>
    tpu.vector_store %arg8[%swap3A_172, %swap3A_173], %swap3A_176 {strides = array<i32>} : memref<16x32xf32, #tpu.memory_space<vmem>>, vector<1x16xf32>,
    %broadcast_in_dim3A_177 = arith.constant 0.000000e+00 : f32
    %broadcast_in_dim3A_178 = vector.broadcast %broadcast_in_dim3A_177 : f32 to vector<16xf32>
    %swap3A_179 = arith.constant 11 : i32
    %swap3A_180 = arith.index_cast %swap3A_179 : i32 to index
    %swap3A_181 = arith.constant 0 : index
    %swap3A_182 = tpu.vector_load %arg8[%swap3A_180, %swap3A_181] {strides = array<i32>} : memref<16x32xf32, #tpu.memory_space<vmem>>, vector<1x16xf32>,
    %swap3A_183 = vector.shape_cast %swap3A_182 : vector<1x16xf32> to vector<16xf32>
    %swap3A_184 = vector.shape_cast %broadcast_in_dim3A_178 : vector<16xf32> to vector<1x16xf32>
    tpu.vector_store %arg8[%swap3A_180, %swap3A_181], %swap3A_184 {strides = array<i32>} : memref<16x32xf32, #tpu.memory_space<vmem>>, vector<1x16xf32>,
    %broadcast_in_dim3A_185 = arith.constant 0.000000e+00 : f32
    %broadcast_in_dim3A_186 = vector.broadcast %broadcast_in_dim3A_185 : f32 to vector<16xf32>
    %swap3A_187 = arith.constant 11 : i32
    %swap3A_188 = arith.index_cast %swap3A_187 : i32 to index
    %swap3A_189 = arith.constant 16 : index
    %swap3A_190 = tpu.vector_load %arg8[%swap3A_188, %swap3A_189] {strides = array<i32>} : memref<16x32xf32, #tpu.memory_space<vmem>>, vector<1x16xf32>,
    %swap3A_191 = vector.shape_cast %swap3A_190 : vector<1x16xf32> to vector<16xf32>
    %swap3A_192 = vector.shape_cast %broadcast_in_dim3A_186 : vector<16xf32> to vector<1x16xf32>
    tpu.vector_store %arg8[%swap3A_188, %swap3A_189], %swap3A_192 {strides = array<i32>} : memref<16x32xf32, #tpu.memory_space<vmem>>, vector<1x16xf32>,
    %broadcast_in_dim3A_193 = arith.constant 0.000000e+00 : f32
    %broadcast_in_dim3A_194 = vector.broadcast %broadcast_in_dim3A_193 : f32 to vector<16xf32>
    %swap3A_195 = arith.constant 12 : i32
    %swap3A_196 = arith.index_cast %swap3A_195 : i32 to index
    %swap3A_197 = arith.constant 0 : index
    %swap3A_198 = tpu.vector_load %arg8[%swap3A_196, %swap3A_197] {strides = array<i32>} : memref<16x32xf32, #tpu.memory_space<vmem>>, vector<1x16xf32>,
    %swap3A_199 = vector.shape_cast %swap3A_198 : vector<1x16xf32> to vector<16xf32>
    %swap3A_200 = vector.shape_cast %broadcast_in_dim3A_194 : vector<16xf32> to vector<1x16xf32>
    tpu.vector_store %arg8[%swap3A_196, %swap3A_197], %swap3A_200 {strides = array<i32>} : memref<16x32xf32, #tpu.memory_space<vmem>>, vector<1x16xf32>,
    %broadcast_in_dim3A_201 = arith.constant 0.000000e+00 : f32
    %broadcast_in_dim3A_202 = vector.broadcast %broadcast_in_dim3A_201 : f32 to vector<16xf32>
    %swap3A_203 = arith.constant 12 : i32
    %swap3A_204 = arith.index_cast %swap3A_203 : i32 to index
    %swap3A_205 = arith.constant 16 : index
    %swap3A_206 = tpu.vector_load %arg8[%swap3A_204, %swap3A_205] {strides = array<i32>} : memref<16x32xf32, #tpu.memory_space<vmem>>, vector<1x16xf32>,
    %swap3A_207 = vector.shape_cast %swap3A_206 : vector<1x16xf32> to vector<16xf32>
    %swap3A_208 = vector.shape_cast %broadcast_in_dim3A_202 : vector<16xf32> to vector<1x16xf32>
    tpu.vector_store %arg8[%swap3A_204, %swap3A_205], %swap3A_208 {strides = array<i32>} : memref<16x32xf32, #tpu.memory_space<vmem>>, vector<1x16xf32>,
    %broadcast_in_dim3A_209 = arith.constant 0.000000e+00 : f32
    %broadcast_in_dim3A_210 = vector.broadcast %broadcast_in_dim3A_209 : f32 to vector<16xf32>
    %swap3A_211 = arith.constant 13 : i32
    %swap3A_212 = arith.index_cast %swap3A_211 : i32 to index
    %swap3A_213 = arith.constant 0 : index
    %swap3A_214 = tpu.vector_load %arg8[%swap3A_212, %swap3A_213] {strides = array<i32>} : memref<16x32xf32, #tpu.memory_space<vmem>>, vector<1x16xf32>,
    %swap3A_215 = vector.shape_cast %swap3A_214 : vector<1x16xf32> to vector<16xf32>
    %swap3A_216 = vector.shape_cast %broadcast_in_dim3A_210 : vector<16xf32> to vector<1x16xf32>
    tpu.vector_store %arg8[%swap3A_212, %swap3A_213], %swap3A_216 {strides = array<i32>} : memref<16x32xf32, #tpu.memory_space<vmem>>, vector<1x16xf32>,
    %broadcast_in_dim3A_217 = arith.constant 0.000000e+00 : f32
    %broadcast_in_dim3A_218 = vector.broadcast %broadcast_in_dim3A_217 : f32 to vector<16xf32>
    %swap3A_219 = arith.constant 13 : i32
    %swap3A_220 = arith.index_cast %swap3A_219 : i32 to index
    %swap3A_221 = arith.constant 16 : index
    %swap3A_222 = tpu.vector_load %arg8[%swap3A_220, %swap3A_221] {strides = array<i32>} : memref<16x32xf32, #tpu.memory_space<vmem>>, vector<1x16xf32>,
    %swap3A_223 = vector.shape_cast %swap3A_222 : vector<1x16xf32> to vector<16xf32>
    %swap3A_224 = vector.shape_cast %broadcast_in_dim3A_218 : vector<16xf32> to vector<1x16xf32>
    tpu.vector_store %arg8[%swap3A_220, %swap3A_221], %swap3A_224 {strides = array<i32>} : memref<16x32xf32, #tpu.memory_space<vmem>>, vector<1x16xf32>,
    %broadcast_in_dim3A_225 = arith.constant 0.000000e+00 : f32
    %broadcast_in_dim3A_226 = vector.broadcast %broadcast_in_dim3A_225 : f32 to vector<16xf32>
    %swap3A_227 = arith.constant 14 : i32
    %swap3A_228 = arith.index_cast %swap3A_227 : i32 to index
    %swap3A_229 = arith.constant 0 : index
    %swap3A_230 = tpu.vector_load %arg8[%swap3A_228, %swap3A_229] {strides = array<i32>} : memref<16x32xf32, #tpu.memory_space<vmem>>, vector<1x16xf32>,
    %swap3A_231 = vector.shape_cast %swap3A_230 : vector<1x16xf32> to vector<16xf32>
    %swap3A_232 = vector.shape_cast %broadcast_in_dim3A_226 : vector<16xf32> to vector<1x16xf32>
    tpu.vector_store %arg8[%swap3A_228, %swap3A_229], %swap3A_232 {strides = array<i32>} : memref<16x32xf32, #tpu.memory_space<vmem>>, vector<1x16xf32>,
    %broadcast_in_dim3A_233 = arith.constant 0.000000e+00 : f32
    %broadcast_in_dim3A_234 = vector.broadcast %broadcast_in_dim3A_233 : f32 to vector<16xf32>
    %swap3A_235 = arith.constant 14 : i32
    %swap3A_236 = arith.index_cast %swap3A_235 : i32 to index
    %swap3A_237 = arith.constant 16 : index
    %swap3A_238 = tpu.vector_load %arg8[%swap3A_236, %swap3A_237] {strides = array<i32>} : memref<16x32xf32, #tpu.memory_space<vmem>>, vector<1x16xf32>,
    %swap3A_239 = vector.shape_cast %swap3A_238 : vector<1x16xf32> to vector<16xf32>
    %swap3A_240 = vector.shape_cast %broadcast_in_dim3A_234 : vector<16xf32> to vector<1x16xf32>
    tpu.vector_store %arg8[%swap3A_236, %swap3A_237], %swap3A_240 {strides = array<i32>} : memref<16x32xf32, #tpu.memory_space<vmem>>, vector<1x16xf32>,
    %broadcast_in_dim3A_241 = arith.constant 0.000000e+00 : f32
    %broadcast_in_dim3A_242 = vector.broadcast %broadcast_in_dim3A_241 : f32 to vector<16xf32>
    %swap3A_243 = arith.constant 15 : i32
    %swap3A_244 = arith.index_cast %swap3A_243 : i32 to index
    %swap3A_245 = arith.constant 0 : index
    %swap3A_246 = tpu.vector_load %arg8[%swap3A_244, %swap3A_245] {strides = array<i32>} : memref<16x32xf32, #tpu.memory_space<vmem>>, vector<1x16xf32>,
    %swap3A_247 = vector.shape_cast %swap3A_246 : vector<1x16xf32> to vector<16xf32>
    %swap3A_248 = vector.shape_cast %broadcast_in_dim3A_242 : vector<16xf32> to vector<1x16xf32>
    tpu.vector_store %arg8[%swap3A_244, %swap3A_245], %swap3A_248 {strides = array<i32>} : memref<16x32xf32, #tpu.memory_space<vmem>>, vector<1x16xf32>,
    %broadcast_in_dim3A_249 = arith.constant 0.000000e+00 : f32
    %broadcast_in_dim3A_250 = vector.broadcast %broadcast_in_dim3A_249 : f32 to vector<16xf32>
    %swap3A_251 = arith.constant 15 : i32
    %swap3A_252 = arith.index_cast %swap3A_251 : i32 to index
    %swap3A_253 = arith.constant 16 : index
    %swap3A_254 = tpu.vector_load %arg8[%swap3A_252, %swap3A_253] {strides = array<i32>} : memref<16x32xf32, #tpu.memory_space<vmem>>, vector<1x16xf32>,
    %swap3A_255 = vector.shape_cast %swap3A_254 : vector<1x16xf32> to vector<16xf32>
    %swap3A_256 = vector.shape_cast %broadcast_in_dim3A_250 : vector<16xf32> to vector<1x16xf32>
    tpu.vector_store %arg8[%swap3A_252, %swap3A_253], %swap3A_256 {strides = array<i32>} : memref<16x32xf32, #tpu.memory_space<vmem>>, vector<1x16xf32>,
    %eq3A_257 = arith.constant 0 : i32
    %eq3A_258 = arith.cmpi eq, %arg0, %eq3A_257 : i32
    %convert_element_type3A = arith.extui %eq3A_258 : i1 to i32
    %cond3A = arith.constant 0 : i32
    %cond3A_259 = arith.cmpi ne, %convert_element_type3A, %cond3A : i32
    scf.if %cond3A_259 {
      %mul3A_397 = arith.constant 112 : i32
      %mul3A_398 = arith.muli %arg1, %mul3A_397 : i32
      %run_scoped3A = arith.constant 0 : i32
      "tpu.region"() ({
        %run_scoped3A_402 = tpu.sem_alloc : memref<!tpu.dma_semaphore, #tpu.memory_space<semaphore_mem>>
        %dma_start3A_403 = arith.constant 0 : i32
        %dma_start3A_404 = arith.constant 0 : i32
        %dma_start3A_405 = tpu.memref_slice %arg5[%dma_start3A_403, %dma_start3A_404] : memref<112x128xi32, #tpu.memory_space<vmem>> -> memref<112x128xi32, #tpu.memory_space<vmem>>
        %dma_start3A_406 = arith.constant 0 : i32
        %dma_start3A_407 = arith.constant 0 : i32
        %dma_start3A_408 = tpu.memref_slice %arg3[%run_scoped3A, %dma_start3A_406, %dma_start3A_407] : memref<2x2560x128xi32, #tpu.memory_space<hbm>> -> memref<1x2560x128xi32, #tpu.memory_space<hbm>>
        %dma_start3A_409 = tpu.memref_squeeze %dma_start3A_408 : memref<1x2560x128xi32, #tpu.memory_space<hbm>> -> memref<2560x128xi32, #tpu.memory_space<hbm>>
        %dma_start3A_410 = arith.constant 0 : i32
        %dma_start3A_411 = tpu.memref_slice %dma_start3A_409[%mul3A_398, %dma_start3A_410] : memref<2560x128xi32, #tpu.memory_space<hbm>> -> memref<112x128xi32, #tpu.memory_space<hbm>>
        %dma_start3A_412 = arith.constant 0 : i32
        %dma_start3A_413 = arith.constant 0 : i32
        %dma_start3A_414 = tpu.memref_slice %arg5[%dma_start3A_412, %dma_start3A_413] : memref<112x128xi32, #tpu.memory_space<vmem>> -> memref<112x128xi32, #tpu.memory_space<vmem>>
        %dma_start3A_415 = arith.constant 0 : i32
        %dma_start3A_416 = arith.constant 0 : i32
        %dma_start3A_417 = tpu.memref_slice %arg3[%run_scoped3A, %dma_start3A_415, %dma_start3A_416] : memref<2x2560x128xi32, #tpu.memory_space<hbm>> -> memref<1x2560x128xi32, #tpu.memory_space<hbm>>
        %dma_start3A_418 = tpu.memref_squeeze %dma_start3A_417 : memref<1x2560x128xi32, #tpu.memory_space<hbm>> -> memref<2560x128xi32, #tpu.memory_space<hbm>>
        %dma_start3A_419 = arith.constant 0 : i32
        %dma_start3A_420 = tpu.memref_slice %dma_start3A_418[%mul3A_398, %dma_start3A_419] : memref<2560x128xi32, #tpu.memory_space<hbm>> -> memref<112x128xi32, #tpu.memory_space<hbm>>
        tpu.enqueue_dma source(%dma_start3A_420 : memref<112x128xi32, #tpu.memory_space<hbm>>) target(%dma_start3A_414 : memref<112x128xi32, #tpu.memory_space<vmem>>) target_semaphore(%run_scoped3A_402 : memref<!tpu.dma_semaphore, #tpu.memory_space<semaphore_mem>>)
        %dma_wait3A_421 = arith.constant 0 : i32
        %dma_wait3A_422 = arith.constant 0 : i32
        %dma_wait3A_423 = tpu.memref_slice %arg5[%dma_wait3A_421, %dma_wait3A_422] : memref<112x128xi32, #tpu.memory_space<vmem>> -> memref<112x128xi32, #tpu.memory_space<vmem>>
        %dma_wait3A_424 = arith.constant 0 : i32
        %dma_wait3A_425 = arith.constant 0 : i32
        %dma_wait3A_426 = tpu.memref_slice %arg3[%run_scoped3A, %dma_wait3A_424, %dma_wait3A_425] : memref<2x2560x128xi32, #tpu.memory_space<hbm>> -> memref<1x2560x128xi32, #tpu.memory_space<hbm>>
        %dma_wait3A_427 = tpu.memref_squeeze %dma_wait3A_426 : memref<1x2560x128xi32, #tpu.memory_space<hbm>> -> memref<2560x128xi32, #tpu.memory_space<hbm>>
        %dma_wait3A_428 = arith.constant 0 : i32
        %dma_wait3A_429 = tpu.memref_slice %dma_wait3A_427[%mul3A_398, %dma_wait3A_428] : memref<2560x128xi32, #tpu.memory_space<hbm>> -> memref<112x128xi32, #tpu.memory_space<hbm>>
        %dma_wait3A_430 = arith.constant 0 : i32
        %dma_wait3A_431 = arith.constant 0 : i32
        %dma_wait3A_432 = tpu.memref_slice %arg5[%dma_wait3A_430, %dma_wait3A_431] : memref<112x128xi32, #tpu.memory_space<vmem>> -> memref<112x128xi32, #tpu.memory_space<vmem>>
        %dma_wait3A_433 = arith.constant 0 : i32
        %dma_wait3A_434 = arith.constant 0 : i32
        %dma_wait3A_435 = tpu.memref_slice %arg3[%run_scoped3A, %dma_wait3A_433, %dma_wait3A_434] : memref<2x2560x128xi32, #tpu.memory_space<hbm>> -> memref<1x2560x128xi32, #tpu.memory_space<hbm>>
        %dma_wait3A_436 = tpu.memref_squeeze %dma_wait3A_435 : memref<1x2560x128xi32, #tpu.memory_space<hbm>> -> memref<2560x128xi32, #tpu.memory_space<hbm>>
        %dma_wait3A_437 = arith.constant 0 : i32
        %dma_wait3A_438 = tpu.memref_slice %dma_wait3A_436[%mul3A_398, %dma_wait3A_437] : memref<2560x128xi32, #tpu.memory_space<hbm>> -> memref<112x128xi32, #tpu.memory_space<hbm>>
        tpu.wait_dma2 semaphore(%run_scoped3A_402 : memref<!tpu.dma_semaphore, #tpu.memory_space<semaphore_mem>>) src(%dma_wait3A_438 : memref<112x128xi32, #tpu.memory_space<hbm>>) dst(%dma_wait3A_432 : memref<112x128xi32, #tpu.memory_space<vmem>>)
        tpu.yield
      }) : () -> ()
      %mul3A_399 = arith.constant 112 : i32
      %mul3A_400 = arith.muli %arg1, %mul3A_399 : i32
      %run_scoped3A_401 = arith.constant 1 : i32
      "tpu.region"() ({
        %run_scoped3A_402 = tpu.sem_alloc : memref<!tpu.dma_semaphore, #tpu.memory_space<semaphore_mem>>
        %dma_start3A_403 = arith.constant 0 : i32
        %dma_start3A_404 = arith.constant 0 : i32
        %dma_start3A_405 = tpu.memref_slice %arg6[%dma_start3A_403, %dma_start3A_404] : memref<112x128xi32, #tpu.memory_space<vmem>> -> memref<112x128xi32, #tpu.memory_space<vmem>>
        %dma_start3A_406 = arith.constant 0 : i32
        %dma_start3A_407 = arith.constant 0 : i32
        %dma_start3A_408 = tpu.memref_slice %arg3[%run_scoped3A_401, %dma_start3A_406, %dma_start3A_407] : memref<2x2560x128xi32, #tpu.memory_space<hbm>> -> memref<1x2560x128xi32, #tpu.memory_space<hbm>>
        %dma_start3A_409 = tpu.memref_squeeze %dma_start3A_408 : memref<1x2560x128xi32, #tpu.memory_space<hbm>> -> memref<2560x128xi32, #tpu.memory_space<hbm>>
        %dma_start3A_410 = arith.constant 0 : i32
        %dma_start3A_411 = tpu.memref_slice %dma_start3A_409[%mul3A_400, %dma_start3A_410] : memref<2560x128xi32, #tpu.memory_space<hbm>> -> memref<112x128xi32, #tpu.memory_space<hbm>>
        %dma_start3A_412 = arith.constant 0 : i32
        %dma_start3A_413 = arith.constant 0 : i32
        %dma_start3A_414 = tpu.memref_slice %arg6[%dma_start3A_412, %dma_start3A_413] : memref<112x128xi32, #tpu.memory_space<vmem>> -> memref<112x128xi32, #tpu.memory_space<vmem>>
        %dma_start3A_415 = arith.constant 0 : i32
        %dma_start3A_416 = arith.constant 0 : i32
        %dma_start3A_417 = tpu.memref_slice %arg3[%run_scoped3A_401, %dma_start3A_415, %dma_start3A_416] : memref<2x2560x128xi32, #tpu.memory_space<hbm>> -> memref<1x2560x128xi32, #tpu.memory_space<hbm>>
        %dma_start3A_418 = tpu.memref_squeeze %dma_start3A_417 : memref<1x2560x128xi32, #tpu.memory_space<hbm>> -> memref<2560x128xi32, #tpu.memory_space<hbm>>
        %dma_start3A_419 = arith.constant 0 : i32
        %dma_start3A_420 = tpu.memref_slice %dma_start3A_418[%mul3A_400, %dma_start3A_419] : memref<2560x128xi32, #tpu.memory_space<hbm>> -> memref<112x128xi32, #tpu.memory_space<hbm>>
        tpu.enqueue_dma source(%dma_start3A_420 : memref<112x128xi32, #tpu.memory_space<hbm>>) target(%dma_start3A_414 : memref<112x128xi32, #tpu.memory_space<vmem>>) target_semaphore(%run_scoped3A_402 : memref<!tpu.dma_semaphore, #tpu.memory_space<semaphore_mem>>)
        %dma_wait3A_421 = arith.constant 0 : i32
        %dma_wait3A_422 = arith.constant 0 : i32
        %dma_wait3A_423 = tpu.memref_slice %arg6[%dma_wait3A_421, %dma_wait3A_422] : memref<112x128xi32, #tpu.memory_space<vmem>> -> memref<112x128xi32, #tpu.memory_space<vmem>>
        %dma_wait3A_424 = arith.constant 0 : i32
        %dma_wait3A_425 = arith.constant 0 : i32
        %dma_wait3A_426 = tpu.memref_slice %arg3[%run_scoped3A_401, %dma_wait3A_424, %dma_wait3A_425] : memref<2x2560x128xi32, #tpu.memory_space<hbm>> -> memref<1x2560x128xi32, #tpu.memory_space<hbm>>
        %dma_wait3A_427 = tpu.memref_squeeze %dma_wait3A_426 : memref<1x2560x128xi32, #tpu.memory_space<hbm>> -> memref<2560x128xi32, #tpu.memory_space<hbm>>
        %dma_wait3A_428 = arith.constant 0 : i32
        %dma_wait3A_429 = tpu.memref_slice %dma_wait3A_427[%mul3A_400, %dma_wait3A_428] : memref<2560x128xi32, #tpu.memory_space<hbm>> -> memref<112x128xi32, #tpu.memory_space<hbm>>
        %dma_wait3A_430 = arith.constant 0 : i32
        %dma_wait3A_431 = arith.constant 0 : i32
        %dma_wait3A_432 = tpu.memref_slice %arg6[%dma_wait3A_430, %dma_wait3A_431] : memref<112x128xi32, #tpu.memory_space<vmem>> -> memref<112x128xi32, #tpu.memory_space<vmem>>
        %dma_wait3A_433 = arith.constant 0 : i32
        %dma_wait3A_434 = arith.constant 0 : i32
        %dma_wait3A_435 = tpu.memref_slice %arg3[%run_scoped3A_401, %dma_wait3A_433, %dma_wait3A_434] : memref<2x2560x128xi32, #tpu.memory_space<hbm>> -> memref<1x2560x128xi32, #tpu.memory_space<hbm>>
        %dma_wait3A_436 = tpu.memref_squeeze %dma_wait3A_435 : memref<1x2560x128xi32, #tpu.memory_space<hbm>> -> memref<2560x128xi32, #tpu.memory_space<hbm>>
        %dma_wait3A_437 = arith.constant 0 : i32
        %dma_wait3A_438 = tpu.memref_slice %dma_wait3A_436[%mul3A_400, %dma_wait3A_437] : memref<2560x128xi32, #tpu.memory_space<hbm>> -> memref<112x128xi32, #tpu.memory_space<hbm>>
        tpu.wait_dma2 semaphore(%run_scoped3A_402 : memref<!tpu.dma_semaphore, #tpu.memory_space<semaphore_mem>>) src(%dma_wait3A_438 : memref<112x128xi32, #tpu.memory_space<hbm>>) dst(%dma_wait3A_432 : memref<112x128xi32, #tpu.memory_space<vmem>>)
        tpu.yield
      }) : () -> ()
    } else {
    }
    %eq3A_260 = arith.constant 1 : i32
    %eq3A_261 = arith.cmpi eq, %arg0, %eq3A_260 : i32
    %convert_element_type3A_262 = arith.extui %eq3A_261 : i1 to i32
    %cond3A_263 = arith.constant 0 : i32
    %cond3A_264 = arith.cmpi ne, %convert_element_type3A_262, %cond3A_263 : i32
    scf.if %cond3A_264 {
      %mul3A_397 = arith.constant 48 : i32
      %mul3A_398 = arith.muli %arg1, %mul3A_397 : i32
      %add3A_399 = arith.constant 1792 : i32
      %add3A_400 = arith.addi %add3A_399, %mul3A_398 : i32
      %run_scoped3A = arith.constant 0 : i32
      "tpu.region"() ({
        %run_scoped3A_406 = tpu.sem_alloc : memref<!tpu.dma_semaphore, #tpu.memory_space<semaphore_mem>>
        %dma_start3A_407 = arith.constant 0 : i32
        %dma_start3A_408 = arith.constant 0 : i32
        %dma_start3A_409 = tpu.memref_slice %arg5[%dma_start3A_407, %dma_start3A_408] : memref<112x128xi32, #tpu.memory_space<vmem>> -> memref<48x128xi32, #tpu.memory_space<vmem>>
        %dma_start3A_410 = arith.constant 0 : i32
        %dma_start3A_411 = arith.constant 0 : i32
        %dma_start3A_412 = tpu.memref_slice %arg3[%run_scoped3A, %dma_start3A_410, %dma_start3A_411] : memref<2x2560x128xi32, #tpu.memory_space<hbm>> -> memref<1x2560x128xi32, #tpu.memory_space<hbm>>
        %dma_start3A_413 = tpu.memref_squeeze %dma_start3A_412 : memref<1x2560x128xi32, #tpu.memory_space<hbm>> -> memref<2560x128xi32, #tpu.memory_space<hbm>>
        %dma_start3A_414 = arith.constant 0 : i32
        %dma_start3A_415 = tpu.memref_slice %dma_start3A_413[%add3A_400, %dma_start3A_414] : memref<2560x128xi32, #tpu.memory_space<hbm>> -> memref<48x128xi32, #tpu.memory_space<hbm>>
        %dma_start3A_416 = arith.constant 0 : i32
        %dma_start3A_417 = arith.constant 0 : i32
        %dma_start3A_418 = tpu.memref_slice %arg5[%dma_start3A_416, %dma_start3A_417] : memref<112x128xi32, #tpu.memory_space<vmem>> -> memref<48x128xi32, #tpu.memory_space<vmem>>
        %dma_start3A_419 = arith.constant 0 : i32
        %dma_start3A_420 = arith.constant 0 : i32
        %dma_start3A_421 = tpu.memref_slice %arg3[%run_scoped3A, %dma_start3A_419, %dma_start3A_420] : memref<2x2560x128xi32, #tpu.memory_space<hbm>> -> memref<1x2560x128xi32, #tpu.memory_space<hbm>>
        %dma_start3A_422 = tpu.memref_squeeze %dma_start3A_421 : memref<1x2560x128xi32, #tpu.memory_space<hbm>> -> memref<2560x128xi32, #tpu.memory_space<hbm>>
        %dma_start3A_423 = arith.constant 0 : i32
        %dma_start3A_424 = tpu.memref_slice %dma_start3A_422[%add3A_400, %dma_start3A_423] : memref<2560x128xi32, #tpu.memory_space<hbm>> -> memref<48x128xi32, #tpu.memory_space<hbm>>
        tpu.enqueue_dma source(%dma_start3A_424 : memref<48x128xi32, #tpu.memory_space<hbm>>) target(%dma_start3A_418 : memref<48x128xi32, #tpu.memory_space<vmem>>) target_semaphore(%run_scoped3A_406 : memref<!tpu.dma_semaphore, #tpu.memory_space<semaphore_mem>>)
        %dma_wait3A_425 = arith.constant 0 : i32
        %dma_wait3A_426 = arith.constant 0 : i32
        %dma_wait3A_427 = tpu.memref_slice %arg5[%dma_wait3A_425, %dma_wait3A_426] : memref<112x128xi32, #tpu.memory_space<vmem>> -> memref<48x128xi32, #tpu.memory_space<vmem>>
        %dma_wait3A_428 = arith.constant 0 : i32
        %dma_wait3A_429 = arith.constant 0 : i32
        %dma_wait3A_430 = tpu.memref_slice %arg3[%run_scoped3A, %dma_wait3A_428, %dma_wait3A_429] : memref<2x2560x128xi32, #tpu.memory_space<hbm>> -> memref<1x2560x128xi32, #tpu.memory_space<hbm>>
        %dma_wait3A_431 = tpu.memref_squeeze %dma_wait3A_430 : memref<1x2560x128xi32, #tpu.memory_space<hbm>> -> memref<2560x128xi32, #tpu.memory_space<hbm>>
        %dma_wait3A_432 = arith.constant 0 : i32
        %dma_wait3A_433 = tpu.memref_slice %dma_wait3A_431[%add3A_400, %dma_wait3A_432] : memref<2560x128xi32, #tpu.memory_space<hbm>> -> memref<48x128xi32, #tpu.memory_space<hbm>>
        %dma_wait3A_434 = arith.constant 0 : i32
        %dma_wait3A_435 = arith.constant 0 : i32
        %dma_wait3A_436 = tpu.memref_slice %arg5[%dma_wait3A_434, %dma_wait3A_435] : memref<112x128xi32, #tpu.memory_space<vmem>> -> memref<48x128xi32, #tpu.memory_space<vmem>>
        %dma_wait3A_437 = arith.constant 0 : i32
        %dma_wait3A_438 = arith.constant 0 : i32
        %dma_wait3A_439 = tpu.memref_slice %arg3[%run_scoped3A, %dma_wait3A_437, %dma_wait3A_438] : memref<2x2560x128xi32, #tpu.memory_space<hbm>> -> memref<1x2560x128xi32, #tpu.memory_space<hbm>>
        %dma_wait3A_440 = tpu.memref_squeeze %dma_wait3A_439 : memref<1x2560x128xi32, #tpu.memory_space<hbm>> -> memref<2560x128xi32, #tpu.memory_space<hbm>>
        %dma_wait3A_441 = arith.constant 0 : i32
        %dma_wait3A_442 = tpu.memref_slice %dma_wait3A_440[%add3A_400, %dma_wait3A_441] : memref<2560x128xi32, #tpu.memory_space<hbm>> -> memref<48x128xi32, #tpu.memory_space<hbm>>
        tpu.wait_dma2 semaphore(%run_scoped3A_406 : memref<!tpu.dma_semaphore, #tpu.memory_space<semaphore_mem>>) src(%dma_wait3A_442 : memref<48x128xi32, #tpu.memory_space<hbm>>) dst(%dma_wait3A_436 : memref<48x128xi32, #tpu.memory_space<vmem>>)
        tpu.yield
      }) : () -> ()
      %mul3A_401 = arith.constant 48 : i32
      %mul3A_402 = arith.muli %arg1, %mul3A_401 : i32
      %add3A_403 = arith.constant 1792 : i32
      %add3A_404 = arith.addi %add3A_403, %mul3A_402 : i32
      %run_scoped3A_405 = arith.constant 1 : i32
      "tpu.region"() ({
        %run_scoped3A_406 = tpu.sem_alloc : memref<!tpu.dma_semaphore, #tpu.memory_space<semaphore_mem>>
        %dma_start3A_407 = arith.constant 0 : i32
        %dma_start3A_408 = arith.constant 0 : i32
        %dma_start3A_409 = tpu.memref_slice %arg6[%dma_start3A_407, %dma_start3A_408] : memref<112x128xi32, #tpu.memory_space<vmem>> -> memref<48x128xi32, #tpu.memory_space<vmem>>
        %dma_start3A_410 = arith.constant 0 : i32
        %dma_start3A_411 = arith.constant 0 : i32
        %dma_start3A_412 = tpu.memref_slice %arg3[%run_scoped3A_405, %dma_start3A_410, %dma_start3A_411] : memref<2x2560x128xi32, #tpu.memory_space<hbm>> -> memref<1x2560x128xi32, #tpu.memory_space<hbm>>
        %dma_start3A_413 = tpu.memref_squeeze %dma_start3A_412 : memref<1x2560x128xi32, #tpu.memory_space<hbm>> -> memref<2560x128xi32, #tpu.memory_space<hbm>>
        %dma_start3A_414 = arith.constant 0 : i32
        %dma_start3A_415 = tpu.memref_slice %dma_start3A_413[%add3A_404, %dma_start3A_414] : memref<2560x128xi32, #tpu.memory_space<hbm>> -> memref<48x128xi32, #tpu.memory_space<hbm>>
        %dma_start3A_416 = arith.constant 0 : i32
        %dma_start3A_417 = arith.constant 0 : i32
        %dma_start3A_418 = tpu.memref_slice %arg6[%dma_start3A_416, %dma_start3A_417] : memref<112x128xi32, #tpu.memory_space<vmem>> -> memref<48x128xi32, #tpu.memory_space<vmem>>
        %dma_start3A_419 = arith.constant 0 : i32
        %dma_start3A_420 = arith.constant 0 : i32
        %dma_start3A_421 = tpu.memref_slice %arg3[%run_scoped3A_405, %dma_start3A_419, %dma_start3A_420] : memref<2x2560x128xi32, #tpu.memory_space<hbm>> -> memref<1x2560x128xi32, #tpu.memory_space<hbm>>
        %dma_start3A_422 = tpu.memref_squeeze %dma_start3A_421 : memref<1x2560x128xi32, #tpu.memory_space<hbm>> -> memref<2560x128xi32, #tpu.memory_space<hbm>>
        %dma_start3A_423 = arith.constant 0 : i32
        %dma_start3A_424 = tpu.memref_slice %dma_start3A_422[%add3A_404, %dma_start3A_423] : memref<2560x128xi32, #tpu.memory_space<hbm>> -> memref<48x128xi32, #tpu.memory_space<hbm>>
        tpu.enqueue_dma source(%dma_start3A_424 : memref<48x128xi32, #tpu.memory_space<hbm>>) target(%dma_start3A_418 : memref<48x128xi32, #tpu.memory_space<vmem>>) target_semaphore(%run_scoped3A_406 : memref<!tpu.dma_semaphore, #tpu.memory_space<semaphore_mem>>)
        %dma_wait3A_425 = arith.constant 0 : i32
        %dma_wait3A_426 = arith.constant 0 : i32
        %dma_wait3A_427 = tpu.memref_slice %arg6[%dma_wait3A_425, %dma_wait3A_426] : memref<112x128xi32, #tpu.memory_space<vmem>> -> memref<48x128xi32, #tpu.memory_space<vmem>>
        %dma_wait3A_428 = arith.constant 0 : i32
        %dma_wait3A_429 = arith.constant 0 : i32
        %dma_wait3A_430 = tpu.memref_slice %arg3[%run_scoped3A_405, %dma_wait3A_428, %dma_wait3A_429] : memref<2x2560x128xi32, #tpu.memory_space<hbm>> -> memref<1x2560x128xi32, #tpu.memory_space<hbm>>
        %dma_wait3A_431 = tpu.memref_squeeze %dma_wait3A_430 : memref<1x2560x128xi32, #tpu.memory_space<hbm>> -> memref<2560x128xi32, #tpu.memory_space<hbm>>
        %dma_wait3A_432 = arith.constant 0 : i32
        %dma_wait3A_433 = tpu.memref_slice %dma_wait3A_431[%add3A_404, %dma_wait3A_432] : memref<2560x128xi32, #tpu.memory_space<hbm>> -> memref<48x128xi32, #tpu.memory_space<hbm>>
        %dma_wait3A_434 = arith.constant 0 : i32
        %dma_wait3A_435 = arith.constant 0 : i32
        %dma_wait3A_436 = tpu.memref_slice %arg6[%dma_wait3A_434, %dma_wait3A_435] : memref<112x128xi32, #tpu.memory_space<vmem>> -> memref<48x128xi32, #tpu.memory_space<vmem>>
        %dma_wait3A_437 = arith.constant 0 : i32
        %dma_wait3A_438 = arith.constant 0 : i32
        %dma_wait3A_439 = tpu.memref_slice %arg3[%run_scoped3A_405, %dma_wait3A_437, %dma_wait3A_438] : memref<2x2560x128xi32, #tpu.memory_space<hbm>> -> memref<1x2560x128xi32, #tpu.memory_space<hbm>>
        %dma_wait3A_440 = tpu.memref_squeeze %dma_wait3A_439 : memref<1x2560x128xi32, #tpu.memory_space<hbm>> -> memref<2560x128xi32, #tpu.memory_space<hbm>>
        %dma_wait3A_441 = arith.constant 0 : i32
        %dma_wait3A_442 = tpu.memref_slice %dma_wait3A_440[%add3A_404, %dma_wait3A_441] : memref<2560x128xi32, #tpu.memory_space<hbm>> -> memref<48x128xi32, #tpu.memory_space<hbm>>
        tpu.wait_dma2 semaphore(%run_scoped3A_406 : memref<!tpu.dma_semaphore, #tpu.memory_space<semaphore_mem>>) src(%dma_wait3A_442 : memref<48x128xi32, #tpu.memory_space<hbm>>) dst(%dma_wait3A_436 : memref<48x128xi32, #tpu.memory_space<vmem>>)
        tpu.yield
      }) : () -> ()
    } else {
    }
    %scan3A = arith.constant 0 : i32
    %scan3A_265 = arith.constant 0 : i32
    %scan3A_266 = arith.constant 40 : i32
    %scan3A_267 = arith.addi %scan3A_265, %scan3A_266 : i32
    %scan3A_268 = arith.constant 1 : i32
    %scan3A_269 = scf.for %scan3A_397 = %scan3A_265 to %scan3A_267 step %scan3A_268 iter_args(%scan3A_398 = %scan3A) -> (i32)  : i32 {
      %mul3A_399 = arith.constant 16 : i32
      %mul3A_400 = arith.muli %scan3A_397, %mul3A_399 : i32
      %add3A_401 = arith.addi %mul3A_0, %mul3A_400 : i32
      "tpu.region"() ({
        %run_scoped3A = tpu.sem_alloc : memref<!tpu.dma_semaphore, #tpu.memory_space<semaphore_mem>>
        %dma_start3A_403 = arith.constant 0 : i32
        %dma_start3A_404 = tpu.memref_slice %arg9[%add3A_401, %dma_start3A_403] : memref<10240x32xf32, #tpu.memory_space<vmem_shared>> -> memref<16x32xf32, #tpu.memory_space<vmem_shared>>
        %dma_start3A_405 = arith.constant 0 : i32
        %dma_start3A_406 = tpu.memref_slice %arg9[%add3A_401, %dma_start3A_405] : memref<10240x32xf32, #tpu.memory_space<vmem_shared>> -> memref<16x32xf32, #tpu.memory_space<vmem_shared>>
        tpu.enqueue_dma source(%arg8 : memref<16x32xf32, #tpu.memory_space<vmem>>) target(%dma_start3A_406 : memref<16x32xf32, #tpu.memory_space<vmem_shared>>) target_semaphore(%run_scoped3A : memref<!tpu.dma_semaphore, #tpu.memory_space<semaphore_mem>>)
        %dma_wait3A_407 = arith.constant 0 : i32
        %dma_wait3A_408 = tpu.memref_slice %arg9[%add3A_401, %dma_wait3A_407] : memref<10240x32xf32, #tpu.memory_space<vmem_shared>> -> memref<16x32xf32, #tpu.memory_space<vmem_shared>>
        %dma_wait3A_409 = arith.constant 0 : i32
        %dma_wait3A_410 = tpu.memref_slice %arg9[%add3A_401, %dma_wait3A_409] : memref<10240x32xf32, #tpu.memory_space<vmem_shared>> -> memref<16x32xf32, #tpu.memory_space<vmem_shared>>
        tpu.wait_dma2 semaphore(%run_scoped3A : memref<!tpu.dma_semaphore, #tpu.memory_space<semaphore_mem>>) src(%arg8 : memref<16x32xf32, #tpu.memory_space<vmem>>) dst(%dma_wait3A_410 : memref<16x32xf32, #tpu.memory_space<vmem_shared>>)
        tpu.yield
      }) : () -> ()
      %scan3A_402 = arith.constant 0 : i32
      scf.yield %scan3A_402 : i32
    }
    %scan3A_270 = arith.constant 40 : i32
    %barrier3A = arith.constant 0 : index
    tpu.barrier barrier_id(%barrier3A)
    %dma_start3A = arith.constant 0 : i32
    %dma_start3A_271 = arith.constant 0 : i32
    %dma_start3A_272 = arith.constant 0 : i32
    %dma_start3A_273 = arith.constant 0 : i32
    %dma_start3A_274 = tpu.memref_slice %arg7[%dma_start3A_271, %dma_start3A_272, %dma_start3A_273] : memref<4x128x32xf32, #tpu.memory_space<vmem>> -> memref<1x128x32xf32, #tpu.memory_space<vmem>>
    %dma_start3A_275 = tpu.memref_squeeze %dma_start3A_274 : memref<1x128x32xf32, #tpu.memory_space<vmem>> -> memref<128x32xf32, #tpu.memory_space<vmem>>
    %dma_start3A_276 = arith.constant 0 : i32
    %dma_start3A_277 = tpu.memref_slice %arg5[%dma_start3A, %dma_start3A_276] : memref<112x128xi32, #tpu.memory_space<vmem>> -> memref<1x128xi32, #tpu.memory_space<vmem>>
    %dma_start3A_278 = tpu.memref_squeeze %dma_start3A_277 : memref<1x128xi32, #tpu.memory_space<vmem>> -> memref<128xi32, #tpu.memory_space<vmem>>
    %dma_start3A_279 = arith.constant 0 : i32
    %dma_start3A_280 = arith.constant 0 : i32
    %dma_start3A_281 = tpu.memref_slice %arg2[%dma_start3A_279, %dma_start3A_280] : memref<10240x32xf32, #tpu.memory_space<hbm>> -> memref<10240x32xf32, #tpu.memory_space<hbm>>
    tpu.enqueue_indirect_dma source(%dma_start3A_281 : memref<10240x32xf32, #tpu.memory_space<hbm>>) target(%dma_start3A_275 : memref<128x32xf32, #tpu.memory_space<vmem>>) offsets(%dma_start3A_278 : memref<128xi32, #tpu.memory_space<vmem>>) semaphore(%arg10 : memref<!tpu.dma_semaphore, #tpu.memory_space<semaphore_mem>>)
    %dma_start3A_282 = arith.constant 1 : i32
    %dma_start3A_283 = arith.constant 1 : i32
    %dma_start3A_284 = arith.constant 0 : i32
    %dma_start3A_285 = arith.constant 0 : i32
    %dma_start3A_286 = tpu.memref_slice %arg7[%dma_start3A_283, %dma_start3A_284, %dma_start3A_285] : memref<4x128x32xf32, #tpu.memory_space<vmem>> -> memref<1x128x32xf32, #tpu.memory_space<vmem>>
    %dma_start3A_287 = tpu.memref_squeeze %dma_start3A_286 : memref<1x128x32xf32, #tpu.memory_space<vmem>> -> memref<128x32xf32, #tpu.memory_space<vmem>>
    %dma_start3A_288 = arith.constant 0 : i32
    %dma_start3A_289 = tpu.memref_slice %arg5[%dma_start3A_282, %dma_start3A_288] : memref<112x128xi32, #tpu.memory_space<vmem>> -> memref<1x128xi32, #tpu.memory_space<vmem>>
    %dma_start3A_290 = tpu.memref_squeeze %dma_start3A_289 : memref<1x128xi32, #tpu.memory_space<vmem>> -> memref<128xi32, #tpu.memory_space<vmem>>
    %dma_start3A_291 = arith.constant 0 : i32
    %dma_start3A_292 = arith.constant 0 : i32
    %dma_start3A_293 = tpu.memref_slice %arg2[%dma_start3A_291, %dma_start3A_292] : memref<10240x32xf32, #tpu.memory_space<hbm>> -> memref<10240x32xf32, #tpu.memory_space<hbm>>
    tpu.enqueue_indirect_dma source(%dma_start3A_293 : memref<10240x32xf32, #tpu.memory_space<hbm>>) target(%dma_start3A_287 : memref<128x32xf32, #tpu.memory_space<vmem>>) offsets(%dma_start3A_290 : memref<128xi32, #tpu.memory_space<vmem>>) semaphore(%arg11 : memref<!tpu.dma_semaphore, #tpu.memory_space<semaphore_mem>>)
    %dma_start3A_294 = arith.constant 2 : i32
    %dma_start3A_295 = arith.constant 2 : i32
    %dma_start3A_296 = arith.constant 0 : i32
    %dma_start3A_297 = arith.constant 0 : i32
    %dma_start3A_298 = tpu.memref_slice %arg7[%dma_start3A_295, %dma_start3A_296, %dma_start3A_297] : memref<4x128x32xf32, #tpu.memory_space<vmem>> -> memref<1x128x32xf32, #tpu.memory_space<vmem>>
    %dma_start3A_299 = tpu.memref_squeeze %dma_start3A_298 : memref<1x128x32xf32, #tpu.memory_space<vmem>> -> memref<128x32xf32, #tpu.memory_space<vmem>>
    %dma_start3A_300 = arith.constant 0 : i32
    %dma_start3A_301 = tpu.memref_slice %arg5[%dma_start3A_294, %dma_start3A_300] : memref<112x128xi32, #tpu.memory_space<vmem>> -> memref<1x128xi32, #tpu.memory_space<vmem>>
    %dma_start3A_302 = tpu.memref_squeeze %dma_start3A_301 : memref<1x128xi32, #tpu.memory_space<vmem>> -> memref<128xi32, #tpu.memory_space<vmem>>
    %dma_start3A_303 = arith.constant 0 : i32
    %dma_start3A_304 = arith.constant 0 : i32
    %dma_start3A_305 = tpu.memref_slice %arg2[%dma_start3A_303, %dma_start3A_304] : memref<10240x32xf32, #tpu.memory_space<hbm>> -> memref<10240x32xf32, #tpu.memory_space<hbm>>
    tpu.enqueue_indirect_dma source(%dma_start3A_305 : memref<10240x32xf32, #tpu.memory_space<hbm>>) target(%dma_start3A_299 : memref<128x32xf32, #tpu.memory_space<vmem>>) offsets(%dma_start3A_302 : memref<128xi32, #tpu.memory_space<vmem>>) semaphore(%arg12 : memref<!tpu.dma_semaphore, #tpu.memory_space<semaphore_mem>>)
    %jit3A_306 = arith.constant 4 : i32
    %div3A = arith.divsi %select_n3A, %jit3A_306 : i32
    %sign3A = arith.constant 0 : i32
    %sign3A_307 = arith.cmpi sgt, %select_n3A, %sign3A : i32
    %sign3A_308 = arith.extui %sign3A_307 : i1 to i32
    %sign3A_309 = arith.constant 0 : i32
    %sign3A_310 = arith.cmpi slt, %select_n3A, %sign3A_309 : i32
    %sign3A_311 = arith.extui %sign3A_310 : i1 to i32
    %sign3A_312 = arith.subi %sign3A_308, %sign3A_311 : i32
    %sign3A_313 = arith.constant 0 : i32
    %sign3A_314 = arith.cmpi sgt, %jit3A_306, %sign3A_313 : i32
    %sign3A_315 = arith.extui %sign3A_314 : i1 to i32
    %sign3A_316 = arith.constant 0 : i32
    %sign3A_317 = arith.cmpi slt, %jit3A_306, %sign3A_316 : i32
    %sign3A_318 = arith.extui %sign3A_317 : i1 to i32
    %sign3A_319 = arith.subi %sign3A_315, %sign3A_318 : i32
    %ne3A = arith.cmpi ne, %sign3A_312, %sign3A_319 : i32
    %rem3A = arith.remsi %select_n3A, %jit3A_306 : i32
    %ne3A_320 = arith.constant 0 : i32
    %ne3A_321 = arith.cmpi ne, %rem3A, %ne3A_320 : i32
    %and3A = arith.andi %ne3A, %ne3A_321 : i1
    %sub3A = arith.constant 1 : i32
    %sub3A_322 = arith.subi %div3A, %sub3A : i32
    %select_n3A_323 = arith.select %and3A, %sub3A_322, %div3A : i32
    %while3A = arith.constant 0 : i32
    %while3A_324 = arith.constant 0 : i32
    %while3A_325 = arith.subi %select_n3A_323, %while3A : i32
    %while3A_326 = arith.addi %while3A, %while3A_325 : i32
    %while3A_327 = arith.constant 1 : i32
    %while3A_328 = arith.divsi %while3A_325, %while3A_327 : i32
    %while3A_329 = arith.muli %while3A_328, %while3A_327 : i32
    %while3A_330 = arith.addi %while3A, %while3A_329 : i32
    %while3A_331 = arith.constant 1 : i32
    %while3A_332 = scf.for %while3A_397 = %while3A to %while3A_330 step %while3A_331 iter_args(%while3A_398 = %while3A_324) -> (i32)  : i32 {
      %mul3A_399 = arith.constant 4 : i32
      %mul3A_400 = arith.muli %mul3A_399, %while3A_397 : i32
      %add3A_401 = arith.constant 0 : i32
      %add3A_402 = arith.addi %mul3A_400, %add3A_401 : i32
      %dma_wait3A_403 = arith.constant 0 : i32
      %dma_wait3A_404 = arith.constant 0 : i32
      %dma_wait3A_405 = arith.constant 0 : i32
      %dma_wait3A_406 = tpu.memref_slice %arg7[%dma_wait3A_403, %dma_wait3A_404, %dma_wait3A_405] : memref<4x128x32xf32, #tpu.memory_space<vmem>> -> memref<1x128x32xf32, #tpu.memory_space<vmem>>
      %dma_wait3A_407 = tpu.memref_squeeze %dma_wait3A_406 : memref<1x128x32xf32, #tpu.memory_space<vmem>> -> memref<128x32xf32, #tpu.memory_space<vmem>>
      %dma_wait3A_408 = arith.constant 0 : i32
      %dma_wait3A_409 = tpu.memref_slice %arg5[%add3A_402, %dma_wait3A_408] : memref<112x128xi32, #tpu.memory_space<vmem>> -> memref<1x128xi32, #tpu.memory_space<vmem>>
      %dma_wait3A_410 = tpu.memref_squeeze %dma_wait3A_409 : memref<1x128xi32, #tpu.memory_space<vmem>> -> memref<128xi32, #tpu.memory_space<vmem>>
      %dma_wait3A_411 = arith.constant 0 : i32
      %dma_wait3A_412 = arith.constant 0 : i32
      %dma_wait3A_413 = tpu.memref_slice %arg2[%dma_wait3A_411, %dma_wait3A_412] : memref<10240x32xf32, #tpu.memory_space<hbm>> -> memref<10240x32xf32, #tpu.memory_space<hbm>>
      tpu.wait_indirect_dma semaphore(%arg10 : memref<!tpu.dma_semaphore, #tpu.memory_space<semaphore_mem>>) src(%dma_wait3A_413 : memref<10240x32xf32, #tpu.memory_space<hbm>>) dst(%dma_wait3A_407 : memref<128x32xf32, #tpu.memory_space<vmem>>)
      %dma_start3A_414 = arith.constant 0 : i32
      %dma_start3A_415 = arith.constant 0 : i32
      %dma_start3A_416 = arith.constant 0 : i32
      %dma_start3A_417 = tpu.memref_slice %arg7[%dma_start3A_414, %dma_start3A_415, %dma_start3A_416] : memref<4x128x32xf32, #tpu.memory_space<vmem>> -> memref<1x128x32xf32, #tpu.memory_space<vmem>>
      %dma_start3A_418 = tpu.memref_squeeze %dma_start3A_417 : memref<1x128x32xf32, #tpu.memory_space<vmem>> -> memref<128x32xf32, #tpu.memory_space<vmem>>
      %dma_start3A_419 = arith.constant 0 : i32
      %dma_start3A_420 = tpu.memref_slice %arg6[%add3A_402, %dma_start3A_419] : memref<112x128xi32, #tpu.memory_space<vmem>> -> memref<1x128xi32, #tpu.memory_space<vmem>>
      %dma_start3A_421 = tpu.memref_squeeze %dma_start3A_420 : memref<1x128xi32, #tpu.memory_space<vmem>> -> memref<128xi32, #tpu.memory_space<vmem>>
      %dma_start3A_422 = arith.constant 0 : i32
      %dma_start3A_423 = arith.constant 0 : i32
      %dma_start3A_424 = tpu.memref_slice %arg9[%dma_start3A_422, %dma_start3A_423] : memref<10240x32xf32, #tpu.memory_space<vmem_shared>> -> memref<10240x32xf32, #tpu.memory_space<vmem_shared>>
      tpu.enqueue_indirect_dma source(%dma_start3A_418 : memref<128x32xf32, #tpu.memory_space<vmem>>) target(%dma_start3A_424 : memref<10240x32xf32, #tpu.memory_space<vmem_shared>>) offsets(%dma_start3A_421 : memref<128xi32, #tpu.memory_space<vmem>>) semaphore(%arg14 : memref<!tpu.dma_semaphore, #tpu.memory_space<semaphore_mem>>) {add = true}
      %add3A_425 = arith.constant 3 : i32
      %add3A_426 = arith.addi %add3A_402, %add3A_425 : i32
      %lt3A = arith.cmpi slt, %add3A_426, %select_n3A : i32
      %ge3A = arith.constant 1 : i32
      %ge3A_427 = arith.cmpi sge, %add3A_402, %ge3A : i32
      %and3A_428 = arith.andi %lt3A, %ge3A_427 : i1
      %convert_element_type3A_429 = arith.extui %and3A_428 : i1 to i32
      %cond3A_430 = arith.constant 0 : i32
      %cond3A_431 = arith.cmpi ne, %convert_element_type3A_429, %cond3A_430 : i32
      scf.if %cond3A_431 {
        %sub3A_545 = arith.constant 1 : i32
        %sub3A_546 = arith.subi %add3A_402, %sub3A_545 : i32
        %dma_wait3A_547 = arith.constant 3 : i32
        %dma_wait3A_548 = arith.constant 0 : i32
        %dma_wait3A_549 = arith.constant 0 : i32
        %dma_wait3A_550 = tpu.memref_slice %arg7[%dma_wait3A_547, %dma_wait3A_548, %dma_wait3A_549] : memref<4x128x32xf32, #tpu.memory_space<vmem>> -> memref<1x128x32xf32, #tpu.memory_space<vmem>>
        %dma_wait3A_551 = tpu.memref_squeeze %dma_wait3A_550 : memref<1x128x32xf32, #tpu.memory_space<vmem>> -> memref<128x32xf32, #tpu.memory_space<vmem>>
        %dma_wait3A_552 = arith.constant 0 : i32
        %dma_wait3A_553 = tpu.memref_slice %arg6[%sub3A_546, %dma_wait3A_552] : memref<112x128xi32, #tpu.memory_space<vmem>> -> memref<1x128xi32, #tpu.memory_space<vmem>>
        %dma_wait3A_554 = tpu.memref_squeeze %dma_wait3A_553 : memref<1x128xi32, #tpu.memory_space<vmem>> -> memref<128xi32, #tpu.memory_space<vmem>>
        %dma_wait3A_555 = arith.constant 0 : i32
        %dma_wait3A_556 = arith.constant 0 : i32
        %dma_wait3A_557 = tpu.memref_slice %arg9[%dma_wait3A_555, %dma_wait3A_556] : memref<10240x32xf32, #tpu.memory_space<vmem_shared>> -> memref<10240x32xf32, #tpu.memory_space<vmem_shared>>
        tpu.wait_indirect_dma semaphore(%arg17 : memref<!tpu.dma_semaphore, #tpu.memory_space<semaphore_mem>>) src(%dma_wait3A_551 : memref<128x32xf32, #tpu.memory_space<vmem>>) dst(%dma_wait3A_557 : memref<10240x32xf32, #tpu.memory_space<vmem_shared>>)
        %dma_start3A_558 = arith.constant 3 : i32
        %dma_start3A_559 = arith.constant 0 : i32
        %dma_start3A_560 = arith.constant 0 : i32
        %dma_start3A_561 = tpu.memref_slice %arg7[%dma_start3A_558, %dma_start3A_559, %dma_start3A_560] : memref<4x128x32xf32, #tpu.memory_space<vmem>> -> memref<1x128x32xf32, #tpu.memory_space<vmem>>
        %dma_start3A_562 = tpu.memref_squeeze %dma_start3A_561 : memref<1x128x32xf32, #tpu.memory_space<vmem>> -> memref<128x32xf32, #tpu.memory_space<vmem>>
        %dma_start3A_563 = arith.constant 0 : i32
        %dma_start3A_564 = tpu.memref_slice %arg5[%add3A_426, %dma_start3A_563] : memref<112x128xi32, #tpu.memory_space<vmem>> -> memref<1x128xi32, #tpu.memory_space<vmem>>
        %dma_start3A_565 = tpu.memref_squeeze %dma_start3A_564 : memref<1x128xi32, #tpu.memory_space<vmem>> -> memref<128xi32, #tpu.memory_space<vmem>>
        %dma_start3A_566 = arith.constant 0 : i32
        %dma_start3A_567 = arith.constant 0 : i32
        %dma_start3A_568 = tpu.memref_slice %arg2[%dma_start3A_566, %dma_start3A_567] : memref<10240x32xf32, #tpu.memory_space<hbm>> -> memref<10240x32xf32, #tpu.memory_space<hbm>>
        tpu.enqueue_indirect_dma source(%dma_start3A_568 : memref<10240x32xf32, #tpu.memory_space<hbm>>) target(%dma_start3A_562 : memref<128x32xf32, #tpu.memory_space<vmem>>) offsets(%dma_start3A_565 : memref<128xi32, #tpu.memory_space<vmem>>) semaphore(%arg13 : memref<!tpu.dma_semaphore, #tpu.memory_space<semaphore_mem>>)
      } else {
      }
      %eq3A_432 = arith.constant 0 : i32
      %eq3A_433 = arith.cmpi eq, %while3A_397, %eq3A_432 : i32
      %gt3A = arith.constant 3 : i32
      %gt3A_434 = arith.cmpi sgt, %select_n3A, %gt3A : i32
      %and3A_435 = arith.andi %eq3A_433, %gt3A_434 : i1
      %convert_element_type3A_436 = arith.extui %and3A_435 : i1 to i32
      %cond3A_437 = arith.constant 0 : i32
      %cond3A_438 = arith.cmpi ne, %convert_element_type3A_436, %cond3A_437 : i32
      scf.if %cond3A_438 {
        %dma_start3A_545 = arith.constant 3 : i32
        %dma_start3A_546 = arith.constant 3 : i32
        %dma_start3A_547 = arith.constant 0 : i32
        %dma_start3A_548 = arith.constant 0 : i32
        %dma_start3A_549 = tpu.memref_slice %arg7[%dma_start3A_546, %dma_start3A_547, %dma_start3A_548] : memref<4x128x32xf32, #tpu.memory_space<vmem>> -> memref<1x128x32xf32, #tpu.memory_space<vmem>>
        %dma_start3A_550 = tpu.memref_squeeze %dma_start3A_549 : memref<1x128x32xf32, #tpu.memory_space<vmem>> -> memref<128x32xf32, #tpu.memory_space<vmem>>
        %dma_start3A_551 = arith.constant 0 : i32
        %dma_start3A_552 = tpu.memref_slice %arg5[%dma_start3A_545, %dma_start3A_551] : memref<112x128xi32, #tpu.memory_space<vmem>> -> memref<1x128xi32, #tpu.memory_space<vmem>>
        %dma_start3A_553 = tpu.memref_squeeze %dma_start3A_552 : memref<1x128xi32, #tpu.memory_space<vmem>> -> memref<128xi32, #tpu.memory_space<vmem>>
        %dma_start3A_554 = arith.constant 0 : i32
        %dma_start3A_555 = arith.constant 0 : i32
        %dma_start3A_556 = tpu.memref_slice %arg2[%dma_start3A_554, %dma_start3A_555] : memref<10240x32xf32, #tpu.memory_space<hbm>> -> memref<10240x32xf32, #tpu.memory_space<hbm>>
        tpu.enqueue_indirect_dma source(%dma_start3A_556 : memref<10240x32xf32, #tpu.memory_space<hbm>>) target(%dma_start3A_550 : memref<128x32xf32, #tpu.memory_space<vmem>>) offsets(%dma_start3A_553 : memref<128xi32, #tpu.memory_space<vmem>>) semaphore(%arg13 : memref<!tpu.dma_semaphore, #tpu.memory_space<semaphore_mem>>)
      } else {
      }
      %mul3A_439 = arith.constant 4 : i32
      %mul3A_440 = arith.muli %mul3A_439, %while3A_397 : i32
      %add3A_441 = arith.constant 1 : i32
      %add3A_442 = arith.addi %mul3A_440, %add3A_441 : i32
      %dma_wait3A_443 = arith.constant 1 : i32
      %dma_wait3A_444 = arith.constant 0 : i32
      %dma_wait3A_445 = arith.constant 0 : i32
      %dma_wait3A_446 = tpu.memref_slice %arg7[%dma_wait3A_443, %dma_wait3A_444, %dma_wait3A_445] : memref<4x128x32xf32, #tpu.memory_space<vmem>> -> memref<1x128x32xf32, #tpu.memory_space<vmem>>
      %dma_wait3A_447 = tpu.memref_squeeze %dma_wait3A_446 : memref<1x128x32xf32, #tpu.memory_space<vmem>> -> memref<128x32xf32, #tpu.memory_space<vmem>>
      %dma_wait3A_448 = arith.constant 0 : i32
      %dma_wait3A_449 = tpu.memref_slice %arg5[%add3A_442, %dma_wait3A_448] : memref<112x128xi32, #tpu.memory_space<vmem>> -> memref<1x128xi32, #tpu.memory_space<vmem>>
      %dma_wait3A_450 = tpu.memref_squeeze %dma_wait3A_449 : memref<1x128xi32, #tpu.memory_space<vmem>> -> memref<128xi32, #tpu.memory_space<vmem>>
      %dma_wait3A_451 = arith.constant 0 : i32
      %dma_wait3A_452 = arith.constant 0 : i32
      %dma_wait3A_453 = tpu.memref_slice %arg2[%dma_wait3A_451, %dma_wait3A_452] : memref<10240x32xf32, #tpu.memory_space<hbm>> -> memref<10240x32xf32, #tpu.memory_space<hbm>>
      tpu.wait_indirect_dma semaphore(%arg11 : memref<!tpu.dma_semaphore, #tpu.memory_space<semaphore_mem>>) src(%dma_wait3A_453 : memref<10240x32xf32, #tpu.memory_space<hbm>>) dst(%dma_wait3A_447 : memref<128x32xf32, #tpu.memory_space<vmem>>)
      %dma_start3A_454 = arith.constant 1 : i32
      %dma_start3A_455 = arith.constant 0 : i32
      %dma_start3A_456 = arith.constant 0 : i32
      %dma_start3A_457 = tpu.memref_slice %arg7[%dma_start3A_454, %dma_start3A_455, %dma_start3A_456] : memref<4x128x32xf32, #tpu.memory_space<vmem>> -> memref<1x128x32xf32, #tpu.memory_space<vmem>>
      %dma_start3A_458 = tpu.memref_squeeze %dma_start3A_457 : memref<1x128x32xf32, #tpu.memory_space<vmem>> -> memref<128x32xf32, #tpu.memory_space<vmem>>
      %dma_start3A_459 = arith.constant 0 : i32
      %dma_start3A_460 = tpu.memref_slice %arg6[%add3A_442, %dma_start3A_459] : memref<112x128xi32, #tpu.memory_space<vmem>> -> memref<1x128xi32, #tpu.memory_space<vmem>>
      %dma_start3A_461 = tpu.memref_squeeze %dma_start3A_460 : memref<1x128xi32, #tpu.memory_space<vmem>> -> memref<128xi32, #tpu.memory_space<vmem>>
      %dma_start3A_462 = arith.constant 0 : i32
      %dma_start3A_463 = arith.constant 0 : i32
      %dma_start3A_464 = tpu.memref_slice %arg9[%dma_start3A_462, %dma_start3A_463] : memref<10240x32xf32, #tpu.memory_space<vmem_shared>> -> memref<10240x32xf32, #tpu.memory_space<vmem_shared>>
      tpu.enqueue_indirect_dma source(%dma_start3A_458 : memref<128x32xf32, #tpu.memory_space<vmem>>) target(%dma_start3A_464 : memref<10240x32xf32, #tpu.memory_space<vmem_shared>>) offsets(%dma_start3A_461 : memref<128xi32, #tpu.memory_space<vmem>>) semaphore(%arg15 : memref<!tpu.dma_semaphore, #tpu.memory_space<semaphore_mem>>) {add = true}
      %add3A_465 = arith.constant 3 : i32
      %add3A_466 = arith.addi %add3A_442, %add3A_465 : i32
      %lt3A_467 = arith.cmpi slt, %add3A_466, %select_n3A : i32
      %ge3A_468 = arith.constant 1 : i32
      %ge3A_469 = arith.cmpi sge, %add3A_442, %ge3A_468 : i32
      %and3A_470 = arith.andi %lt3A_467, %ge3A_469 : i1
      %convert_element_type3A_471 = arith.extui %and3A_470 : i1 to i32
      %cond3A_472 = arith.constant 0 : i32
      %cond3A_473 = arith.cmpi ne, %convert_element_type3A_471, %cond3A_472 : i32
      scf.if %cond3A_473 {
        %sub3A_545 = arith.constant 1 : i32
        %sub3A_546 = arith.subi %add3A_442, %sub3A_545 : i32
        %dma_wait3A_547 = arith.constant 0 : i32
        %dma_wait3A_548 = arith.constant 0 : i32
        %dma_wait3A_549 = arith.constant 0 : i32
        %dma_wait3A_550 = tpu.memref_slice %arg7[%dma_wait3A_547, %dma_wait3A_548, %dma_wait3A_549] : memref<4x128x32xf32, #tpu.memory_space<vmem>> -> memref<1x128x32xf32, #tpu.memory_space<vmem>>
        %dma_wait3A_551 = tpu.memref_squeeze %dma_wait3A_550 : memref<1x128x32xf32, #tpu.memory_space<vmem>> -> memref<128x32xf32, #tpu.memory_space<vmem>>
        %dma_wait3A_552 = arith.constant 0 : i32
        %dma_wait3A_553 = tpu.memref_slice %arg6[%sub3A_546, %dma_wait3A_552] : memref<112x128xi32, #tpu.memory_space<vmem>> -> memref<1x128xi32, #tpu.memory_space<vmem>>
        %dma_wait3A_554 = tpu.memref_squeeze %dma_wait3A_553 : memref<1x128xi32, #tpu.memory_space<vmem>> -> memref<128xi32, #tpu.memory_space<vmem>>
        %dma_wait3A_555 = arith.constant 0 : i32
        %dma_wait3A_556 = arith.constant 0 : i32
        %dma_wait3A_557 = tpu.memref_slice %arg9[%dma_wait3A_555, %dma_wait3A_556] : memref<10240x32xf32, #tpu.memory_space<vmem_shared>> -> memref<10240x32xf32, #tpu.memory_space<vmem_shared>>
        tpu.wait_indirect_dma semaphore(%arg14 : memref<!tpu.dma_semaphore, #tpu.memory_space<semaphore_mem>>) src(%dma_wait3A_551 : memref<128x32xf32, #tpu.memory_space<vmem>>) dst(%dma_wait3A_557 : memref<10240x32xf32, #tpu.memory_space<vmem_shared>>)
        %dma_start3A_558 = arith.constant 0 : i32
        %dma_start3A_559 = arith.constant 0 : i32
        %dma_start3A_560 = arith.constant 0 : i32
        %dma_start3A_561 = tpu.memref_slice %arg7[%dma_start3A_558, %dma_start3A_559, %dma_start3A_560] : memref<4x128x32xf32, #tpu.memory_space<vmem>> -> memref<1x128x32xf32, #tpu.memory_space<vmem>>
        %dma_start3A_562 = tpu.memref_squeeze %dma_start3A_561 : memref<1x128x32xf32, #tpu.memory_space<vmem>> -> memref<128x32xf32, #tpu.memory_space<vmem>>
        %dma_start3A_563 = arith.constant 0 : i32
        %dma_start3A_564 = tpu.memref_slice %arg5[%add3A_466, %dma_start3A_563] : memref<112x128xi32, #tpu.memory_space<vmem>> -> memref<1x128xi32, #tpu.memory_space<vmem>>
        %dma_start3A_565 = tpu.memref_squeeze %dma_start3A_564 : memref<1x128xi32, #tpu.memory_space<vmem>> -> memref<128xi32, #tpu.memory_space<vmem>>
        %dma_start3A_566 = arith.constant 0 : i32
        %dma_start3A_567 = arith.constant 0 : i32
        %dma_start3A_568 = tpu.memref_slice %arg2[%dma_start3A_566, %dma_start3A_567] : memref<10240x32xf32, #tpu.memory_space<hbm>> -> memref<10240x32xf32, #tpu.memory_space<hbm>>
        tpu.enqueue_indirect_dma source(%dma_start3A_568 : memref<10240x32xf32, #tpu.memory_space<hbm>>) target(%dma_start3A_562 : memref<128x32xf32, #tpu.memory_space<vmem>>) offsets(%dma_start3A_565 : memref<128xi32, #tpu.memory_space<vmem>>) semaphore(%arg10 : memref<!tpu.dma_semaphore, #tpu.memory_space<semaphore_mem>>)
      } else {
      }
      %mul3A_474 = arith.constant 4 : i32
      %mul3A_475 = arith.muli %mul3A_474, %while3A_397 : i32
      %add3A_476 = arith.constant 2 : i32
      %add3A_477 = arith.addi %mul3A_475, %add3A_476 : i32
      %dma_wait3A_478 = arith.constant 2 : i32
      %dma_wait3A_479 = arith.constant 0 : i32
      %dma_wait3A_480 = arith.constant 0 : i32
      %dma_wait3A_481 = tpu.memref_slice %arg7[%dma_wait3A_478, %dma_wait3A_479, %dma_wait3A_480] : memref<4x128x32xf32, #tpu.memory_space<vmem>> -> memref<1x128x32xf32, #tpu.memory_space<vmem>>
      %dma_wait3A_482 = tpu.memref_squeeze %dma_wait3A_481 : memref<1x128x32xf32, #tpu.memory_space<vmem>> -> memref<128x32xf32, #tpu.memory_space<vmem>>
      %dma_wait3A_483 = arith.constant 0 : i32
      %dma_wait3A_484 = tpu.memref_slice %arg5[%add3A_477, %dma_wait3A_483] : memref<112x128xi32, #tpu.memory_space<vmem>> -> memref<1x128xi32, #tpu.memory_space<vmem>>
      %dma_wait3A_485 = tpu.memref_squeeze %dma_wait3A_484 : memref<1x128xi32, #tpu.memory_space<vmem>> -> memref<128xi32, #tpu.memory_space<vmem>>
      %dma_wait3A_486 = arith.constant 0 : i32
      %dma_wait3A_487 = arith.constant 0 : i32
      %dma_wait3A_488 = tpu.memref_slice %arg2[%dma_wait3A_486, %dma_wait3A_487] : memref<10240x32xf32, #tpu.memory_space<hbm>> -> memref<10240x32xf32, #tpu.memory_space<hbm>>
      tpu.wait_indirect_dma semaphore(%arg12 : memref<!tpu.dma_semaphore, #tpu.memory_space<semaphore_mem>>) src(%dma_wait3A_488 : memref<10240x32xf32, #tpu.memory_space<hbm>>) dst(%dma_wait3A_482 : memref<128x32xf32, #tpu.memory_space<vmem>>)
      %dma_start3A_489 = arith.constant 2 : i32
      %dma_start3A_490 = arith.constant 0 : i32
      %dma_start3A_491 = arith.constant 0 : i32
      %dma_start3A_492 = tpu.memref_slice %arg7[%dma_start3A_489, %dma_start3A_490, %dma_start3A_491] : memref<4x128x32xf32, #tpu.memory_space<vmem>> -> memref<1x128x32xf32, #tpu.memory_space<vmem>>
      %dma_start3A_493 = tpu.memref_squeeze %dma_start3A_492 : memref<1x128x32xf32, #tpu.memory_space<vmem>> -> memref<128x32xf32, #tpu.memory_space<vmem>>
      %dma_start3A_494 = arith.constant 0 : i32
      %dma_start3A_495 = tpu.memref_slice %arg6[%add3A_477, %dma_start3A_494] : memref<112x128xi32, #tpu.memory_space<vmem>> -> memref<1x128xi32, #tpu.memory_space<vmem>>
      %dma_start3A_496 = tpu.memref_squeeze %dma_start3A_495 : memref<1x128xi32, #tpu.memory_space<vmem>> -> memref<128xi32, #tpu.memory_space<vmem>>
      %dma_start3A_497 = arith.constant 0 : i32
      %dma_start3A_498 = arith.constant 0 : i32
      %dma_start3A_499 = tpu.memref_slice %arg9[%dma_start3A_497, %dma_start3A_498] : memref<10240x32xf32, #tpu.memory_space<vmem_shared>> -> memref<10240x32xf32, #tpu.memory_space<vmem_shared>>
      tpu.enqueue_indirect_dma source(%dma_start3A_493 : memref<128x32xf32, #tpu.memory_space<vmem>>) target(%dma_start3A_499 : memref<10240x32xf32, #tpu.memory_space<vmem_shared>>) offsets(%dma_start3A_496 : memref<128xi32, #tpu.memory_space<vmem>>) semaphore(%arg16 : memref<!tpu.dma_semaphore, #tpu.memory_space<semaphore_mem>>) {add = true}
      %add3A_500 = arith.constant 3 : i32
      %add3A_501 = arith.addi %add3A_477, %add3A_500 : i32
      %lt3A_502 = arith.cmpi slt, %add3A_501, %select_n3A : i32
      %ge3A_503 = arith.constant 1 : i32
      %ge3A_504 = arith.cmpi sge, %add3A_477, %ge3A_503 : i32
      %and3A_505 = arith.andi %lt3A_502, %ge3A_504 : i1
      %convert_element_type3A_506 = arith.extui %and3A_505 : i1 to i32
      %cond3A_507 = arith.constant 0 : i32
      %cond3A_508 = arith.cmpi ne, %convert_element_type3A_506, %cond3A_507 : i32
      scf.if %cond3A_508 {
        %sub3A_545 = arith.constant 1 : i32
        %sub3A_546 = arith.subi %add3A_477, %sub3A_545 : i32
        %dma_wait3A_547 = arith.constant 1 : i32
        %dma_wait3A_548 = arith.constant 0 : i32
        %dma_wait3A_549 = arith.constant 0 : i32
        %dma_wait3A_550 = tpu.memref_slice %arg7[%dma_wait3A_547, %dma_wait3A_548, %dma_wait3A_549] : memref<4x128x32xf32, #tpu.memory_space<vmem>> -> memref<1x128x32xf32, #tpu.memory_space<vmem>>
        %dma_wait3A_551 = tpu.memref_squeeze %dma_wait3A_550 : memref<1x128x32xf32, #tpu.memory_space<vmem>> -> memref<128x32xf32, #tpu.memory_space<vmem>>
        %dma_wait3A_552 = arith.constant 0 : i32
        %dma_wait3A_553 = tpu.memref_slice %arg6[%sub3A_546, %dma_wait3A_552] : memref<112x128xi32, #tpu.memory_space<vmem>> -> memref<1x128xi32, #tpu.memory_space<vmem>>
        %dma_wait3A_554 = tpu.memref_squeeze %dma_wait3A_553 : memref<1x128xi32, #tpu.memory_space<vmem>> -> memref<128xi32, #tpu.memory_space<vmem>>
        %dma_wait3A_555 = arith.constant 0 : i32
        %dma_wait3A_556 = arith.constant 0 : i32
        %dma_wait3A_557 = tpu.memref_slice %arg9[%dma_wait3A_555, %dma_wait3A_556] : memref<10240x32xf32, #tpu.memory_space<vmem_shared>> -> memref<10240x32xf32, #tpu.memory_space<vmem_shared>>
        tpu.wait_indirect_dma semaphore(%arg15 : memref<!tpu.dma_semaphore, #tpu.memory_space<semaphore_mem>>) src(%dma_wait3A_551 : memref<128x32xf32, #tpu.memory_space<vmem>>) dst(%dma_wait3A_557 : memref<10240x32xf32, #tpu.memory_space<vmem_shared>>)
        %dma_start3A_558 = arith.constant 1 : i32
        %dma_start3A_559 = arith.constant 0 : i32
        %dma_start3A_560 = arith.constant 0 : i32
        %dma_start3A_561 = tpu.memref_slice %arg7[%dma_start3A_558, %dma_start3A_559, %dma_start3A_560] : memref<4x128x32xf32, #tpu.memory_space<vmem>> -> memref<1x128x32xf32, #tpu.memory_space<vmem>>
        %dma_start3A_562 = tpu.memref_squeeze %dma_start3A_561 : memref<1x128x32xf32, #tpu.memory_space<vmem>> -> memref<128x32xf32, #tpu.memory_space<vmem>>
        %dma_start3A_563 = arith.constant 0 : i32
        %dma_start3A_564 = tpu.memref_slice %arg5[%add3A_501, %dma_start3A_563] : memref<112x128xi32, #tpu.memory_space<vmem>> -> memref<1x128xi32, #tpu.memory_space<vmem>>
        %dma_start3A_565 = tpu.memref_squeeze %dma_start3A_564 : memref<1x128xi32, #tpu.memory_space<vmem>> -> memref<128xi32, #tpu.memory_space<vmem>>
        %dma_start3A_566 = arith.constant 0 : i32
        %dma_start3A_567 = arith.constant 0 : i32
        %dma_start3A_568 = tpu.memref_slice %arg2[%dma_start3A_566, %dma_start3A_567] : memref<10240x32xf32, #tpu.memory_space<hbm>> -> memref<10240x32xf32, #tpu.memory_space<hbm>>
        tpu.enqueue_indirect_dma source(%dma_start3A_568 : memref<10240x32xf32, #tpu.memory_space<hbm>>) target(%dma_start3A_562 : memref<128x32xf32, #tpu.memory_space<vmem>>) offsets(%dma_start3A_565 : memref<128xi32, #tpu.memory_space<vmem>>) semaphore(%arg11 : memref<!tpu.dma_semaphore, #tpu.memory_space<semaphore_mem>>)
      } else {
      }
      %mul3A_509 = arith.constant 4 : i32
      %mul3A_510 = arith.muli %mul3A_509, %while3A_397 : i32
      %add3A_511 = arith.constant 3 : i32
      %add3A_512 = arith.addi %mul3A_510, %add3A_511 : i32
      %dma_wait3A_513 = arith.constant 3 : i32
      %dma_wait3A_514 = arith.constant 0 : i32
      %dma_wait3A_515 = arith.constant 0 : i32
      %dma_wait3A_516 = tpu.memref_slice %arg7[%dma_wait3A_513, %dma_wait3A_514, %dma_wait3A_515] : memref<4x128x32xf32, #tpu.memory_space<vmem>> -> memref<1x128x32xf32, #tpu.memory_space<vmem>>
      %dma_wait3A_517 = tpu.memref_squeeze %dma_wait3A_516 : memref<1x128x32xf32, #tpu.memory_space<vmem>> -> memref<128x32xf32, #tpu.memory_space<vmem>>
      %dma_wait3A_518 = arith.constant 0 : i32
      %dma_wait3A_519 = tpu.memref_slice %arg5[%add3A_512, %dma_wait3A_518] : memref<112x128xi32, #tpu.memory_space<vmem>> -> memref<1x128xi32, #tpu.memory_space<vmem>>
      %dma_wait3A_520 = tpu.memref_squeeze %dma_wait3A_519 : memref<1x128xi32, #tpu.memory_space<vmem>> -> memref<128xi32, #tpu.memory_space<vmem>>
      %dma_wait3A_521 = arith.constant 0 : i32
      %dma_wait3A_522 = arith.constant 0 : i32
      %dma_wait3A_523 = tpu.memref_slice %arg2[%dma_wait3A_521, %dma_wait3A_522] : memref<10240x32xf32, #tpu.memory_space<hbm>> -> memref<10240x32xf32, #tpu.memory_space<hbm>>
      tpu.wait_indirect_dma semaphore(%arg13 : memref<!tpu.dma_semaphore, #tpu.memory_space<semaphore_mem>>) src(%dma_wait3A_523 : memref<10240x32xf32, #tpu.memory_space<hbm>>) dst(%dma_wait3A_517 : memref<128x32xf32, #tpu.memory_space<vmem>>)
      %dma_start3A_524 = arith.constant 3 : i32
      %dma_start3A_525 = arith.constant 0 : i32
      %dma_start3A_526 = arith.constant 0 : i32
      %dma_start3A_527 = tpu.memref_slice %arg7[%dma_start3A_524, %dma_start3A_525, %dma_start3A_526] : memref<4x128x32xf32, #tpu.memory_space<vmem>> -> memref<1x128x32xf32, #tpu.memory_space<vmem>>
      %dma_start3A_528 = tpu.memref_squeeze %dma_start3A_527 : memref<1x128x32xf32, #tpu.memory_space<vmem>> -> memref<128x32xf32, #tpu.memory_space<vmem>>
      %dma_start3A_529 = arith.constant 0 : i32
      %dma_start3A_530 = tpu.memref_slice %arg6[%add3A_512, %dma_start3A_529] : memref<112x128xi32, #tpu.memory_space<vmem>> -> memref<1x128xi32, #tpu.memory_space<vmem>>
      %dma_start3A_531 = tpu.memref_squeeze %dma_start3A_530 : memref<1x128xi32, #tpu.memory_space<vmem>> -> memref<128xi32, #tpu.memory_space<vmem>>
      %dma_start3A_532 = arith.constant 0 : i32
      %dma_start3A_533 = arith.constant 0 : i32
      %dma_start3A_534 = tpu.memref_slice %arg9[%dma_start3A_532, %dma_start3A_533] : memref<10240x32xf32, #tpu.memory_space<vmem_shared>> -> memref<10240x32xf32, #tpu.memory_space<vmem_shared>>
      tpu.enqueue_indirect_dma source(%dma_start3A_528 : memref<128x32xf32, #tpu.memory_space<vmem>>) target(%dma_start3A_534 : memref<10240x32xf32, #tpu.memory_space<vmem_shared>>) offsets(%dma_start3A_531 : memref<128xi32, #tpu.memory_space<vmem>>) semaphore(%arg17 : memref<!tpu.dma_semaphore, #tpu.memory_space<semaphore_mem>>) {add = true}
      %add3A_535 = arith.constant 3 : i32
      %add3A_536 = arith.addi %add3A_512, %add3A_535 : i32
      %lt3A_537 = arith.cmpi slt, %add3A_536, %select_n3A : i32
      %ge3A_538 = arith.constant 1 : i32
      %ge3A_539 = arith.cmpi sge, %add3A_512, %ge3A_538 : i32
      %and3A_540 = arith.andi %lt3A_537, %ge3A_539 : i1
      %convert_element_type3A_541 = arith.extui %and3A_540 : i1 to i32
      %cond3A_542 = arith.constant 0 : i32
      %cond3A_543 = arith.cmpi ne, %convert_element_type3A_541, %cond3A_542 : i32
      scf.if %cond3A_543 {
        %sub3A_545 = arith.constant 1 : i32
        %sub3A_546 = arith.subi %add3A_512, %sub3A_545 : i32
        %dma_wait3A_547 = arith.constant 2 : i32
        %dma_wait3A_548 = arith.constant 0 : i32
        %dma_wait3A_549 = arith.constant 0 : i32
        %dma_wait3A_550 = tpu.memref_slice %arg7[%dma_wait3A_547, %dma_wait3A_548, %dma_wait3A_549] : memref<4x128x32xf32, #tpu.memory_space<vmem>> -> memref<1x128x32xf32, #tpu.memory_space<vmem>>
        %dma_wait3A_551 = tpu.memref_squeeze %dma_wait3A_550 : memref<1x128x32xf32, #tpu.memory_space<vmem>> -> memref<128x32xf32, #tpu.memory_space<vmem>>
        %dma_wait3A_552 = arith.constant 0 : i32
        %dma_wait3A_553 = tpu.memref_slice %arg6[%sub3A_546, %dma_wait3A_552] : memref<112x128xi32, #tpu.memory_space<vmem>> -> memref<1x128xi32, #tpu.memory_space<vmem>>
        %dma_wait3A_554 = tpu.memref_squeeze %dma_wait3A_553 : memref<1x128xi32, #tpu.memory_space<vmem>> -> memref<128xi32, #tpu.memory_space<vmem>>
        %dma_wait3A_555 = arith.constant 0 : i32
        %dma_wait3A_556 = arith.constant 0 : i32
        %dma_wait3A_557 = tpu.memref_slice %arg9[%dma_wait3A_555, %dma_wait3A_556] : memref<10240x32xf32, #tpu.memory_space<vmem_shared>> -> memref<10240x32xf32, #tpu.memory_space<vmem_shared>>
        tpu.wait_indirect_dma semaphore(%arg16 : memref<!tpu.dma_semaphore, #tpu.memory_space<semaphore_mem>>) src(%dma_wait3A_551 : memref<128x32xf32, #tpu.memory_space<vmem>>) dst(%dma_wait3A_557 : memref<10240x32xf32, #tpu.memory_space<vmem_shared>>)
        %dma_start3A_558 = arith.constant 2 : i32
        %dma_start3A_559 = arith.constant 0 : i32
        %dma_start3A_560 = arith.constant 0 : i32
        %dma_start3A_561 = tpu.memref_slice %arg7[%dma_start3A_558, %dma_start3A_559, %dma_start3A_560] : memref<4x128x32xf32, #tpu.memory_space<vmem>> -> memref<1x128x32xf32, #tpu.memory_space<vmem>>
        %dma_start3A_562 = tpu.memref_squeeze %dma_start3A_561 : memref<1x128x32xf32, #tpu.memory_space<vmem>> -> memref<128x32xf32, #tpu.memory_space<vmem>>
        %dma_start3A_563 = arith.constant 0 : i32
        %dma_start3A_564 = tpu.memref_slice %arg5[%add3A_536, %dma_start3A_563] : memref<112x128xi32, #tpu.memory_space<vmem>> -> memref<1x128xi32, #tpu.memory_space<vmem>>
        %dma_start3A_565 = tpu.memref_squeeze %dma_start3A_564 : memref<1x128xi32, #tpu.memory_space<vmem>> -> memref<128xi32, #tpu.memory_space<vmem>>
        %dma_start3A_566 = arith.constant 0 : i32
        %dma_start3A_567 = arith.constant 0 : i32
        %dma_start3A_568 = tpu.memref_slice %arg2[%dma_start3A_566, %dma_start3A_567] : memref<10240x32xf32, #tpu.memory_space<hbm>> -> memref<10240x32xf32, #tpu.memory_space<hbm>>
        tpu.enqueue_indirect_dma source(%dma_start3A_568 : memref<10240x32xf32, #tpu.memory_space<hbm>>) target(%dma_start3A_562 : memref<128x32xf32, #tpu.memory_space<vmem>>) offsets(%dma_start3A_565 : memref<128xi32, #tpu.memory_space<vmem>>) semaphore(%arg12 : memref<!tpu.dma_semaphore, #tpu.memory_space<semaphore_mem>>)
      } else {
      }
      %while3A_544 = arith.constant 0 : i32
      scf.yield %while3A_544 : i32
    }
    %while3A_333 = arith.constant 1 : i32
    %while3A_334 = scf.for %while3A_397 = %while3A_330 to %while3A_326 step %while3A_333 iter_args(%while3A_398 = %while3A_332) -> (i32)  : i32 {
      %mul3A_399 = arith.constant 4 : i32
      %mul3A_400 = arith.muli %mul3A_399, %while3A_397 : i32
      %add3A_401 = arith.constant 0 : i32
      %add3A_402 = arith.addi %mul3A_400, %add3A_401 : i32
      %dma_wait3A_403 = arith.constant 0 : i32
      %dma_wait3A_404 = arith.constant 0 : i32
      %dma_wait3A_405 = arith.constant 0 : i32
      %dma_wait3A_406 = tpu.memref_slice %arg7[%dma_wait3A_403, %dma_wait3A_404, %dma_wait3A_405] : memref<4x128x32xf32, #tpu.memory_space<vmem>> -> memref<1x128x32xf32, #tpu.memory_space<vmem>>
      %dma_wait3A_407 = tpu.memref_squeeze %dma_wait3A_406 : memref<1x128x32xf32, #tpu.memory_space<vmem>> -> memref<128x32xf32, #tpu.memory_space<vmem>>
      %dma_wait3A_408 = arith.constant 0 : i32
      %dma_wait3A_409 = tpu.memref_slice %arg5[%add3A_402, %dma_wait3A_408] : memref<112x128xi32, #tpu.memory_space<vmem>> -> memref<1x128xi32, #tpu.memory_space<vmem>>
      %dma_wait3A_410 = tpu.memref_squeeze %dma_wait3A_409 : memref<1x128xi32, #tpu.memory_space<vmem>> -> memref<128xi32, #tpu.memory_space<vmem>>
      %dma_wait3A_411 = arith.constant 0 : i32
      %dma_wait3A_412 = arith.constant 0 : i32
      %dma_wait3A_413 = tpu.memref_slice %arg2[%dma_wait3A_411, %dma_wait3A_412] : memref<10240x32xf32, #tpu.memory_space<hbm>> -> memref<10240x32xf32, #tpu.memory_space<hbm>>
      tpu.wait_indirect_dma semaphore(%arg10 : memref<!tpu.dma_semaphore, #tpu.memory_space<semaphore_mem>>) src(%dma_wait3A_413 : memref<10240x32xf32, #tpu.memory_space<hbm>>) dst(%dma_wait3A_407 : memref<128x32xf32, #tpu.memory_space<vmem>>)
      %dma_start3A_414 = arith.constant 0 : i32
      %dma_start3A_415 = arith.constant 0 : i32
      %dma_start3A_416 = arith.constant 0 : i32
      %dma_start3A_417 = tpu.memref_slice %arg7[%dma_start3A_414, %dma_start3A_415, %dma_start3A_416] : memref<4x128x32xf32, #tpu.memory_space<vmem>> -> memref<1x128x32xf32, #tpu.memory_space<vmem>>
      %dma_start3A_418 = tpu.memref_squeeze %dma_start3A_417 : memref<1x128x32xf32, #tpu.memory_space<vmem>> -> memref<128x32xf32, #tpu.memory_space<vmem>>
      %dma_start3A_419 = arith.constant 0 : i32
      %dma_start3A_420 = tpu.memref_slice %arg6[%add3A_402, %dma_start3A_419] : memref<112x128xi32, #tpu.memory_space<vmem>> -> memref<1x128xi32, #tpu.memory_space<vmem>>
      %dma_start3A_421 = tpu.memref_squeeze %dma_start3A_420 : memref<1x128xi32, #tpu.memory_space<vmem>> -> memref<128xi32, #tpu.memory_space<vmem>>
      %dma_start3A_422 = arith.constant 0 : i32
      %dma_start3A_423 = arith.constant 0 : i32
      %dma_start3A_424 = tpu.memref_slice %arg9[%dma_start3A_422, %dma_start3A_423] : memref<10240x32xf32, #tpu.memory_space<vmem_shared>> -> memref<10240x32xf32, #tpu.memory_space<vmem_shared>>
      tpu.enqueue_indirect_dma source(%dma_start3A_418 : memref<128x32xf32, #tpu.memory_space<vmem>>) target(%dma_start3A_424 : memref<10240x32xf32, #tpu.memory_space<vmem_shared>>) offsets(%dma_start3A_421 : memref<128xi32, #tpu.memory_space<vmem>>) semaphore(%arg14 : memref<!tpu.dma_semaphore, #tpu.memory_space<semaphore_mem>>) {add = true}
      %add3A_425 = arith.constant 3 : i32
      %add3A_426 = arith.addi %add3A_402, %add3A_425 : i32
      %lt3A = arith.cmpi slt, %add3A_426, %select_n3A : i32
      %ge3A = arith.constant 1 : i32
      %ge3A_427 = arith.cmpi sge, %add3A_402, %ge3A : i32
      %and3A_428 = arith.andi %lt3A, %ge3A_427 : i1
      %convert_element_type3A_429 = arith.extui %and3A_428 : i1 to i32
      %cond3A_430 = arith.constant 0 : i32
      %cond3A_431 = arith.cmpi ne, %convert_element_type3A_429, %cond3A_430 : i32
      scf.if %cond3A_431 {
        %sub3A_545 = arith.constant 1 : i32
        %sub3A_546 = arith.subi %add3A_402, %sub3A_545 : i32
        %dma_wait3A_547 = arith.constant 3 : i32
        %dma_wait3A_548 = arith.constant 0 : i32
        %dma_wait3A_549 = arith.constant 0 : i32
        %dma_wait3A_550 = tpu.memref_slice %arg7[%dma_wait3A_547, %dma_wait3A_548, %dma_wait3A_549] : memref<4x128x32xf32, #tpu.memory_space<vmem>> -> memref<1x128x32xf32, #tpu.memory_space<vmem>>
        %dma_wait3A_551 = tpu.memref_squeeze %dma_wait3A_550 : memref<1x128x32xf32, #tpu.memory_space<vmem>> -> memref<128x32xf32, #tpu.memory_space<vmem>>
        %dma_wait3A_552 = arith.constant 0 : i32
        %dma_wait3A_553 = tpu.memref_slice %arg6[%sub3A_546, %dma_wait3A_552] : memref<112x128xi32, #tpu.memory_space<vmem>> -> memref<1x128xi32, #tpu.memory_space<vmem>>
        %dma_wait3A_554 = tpu.memref_squeeze %dma_wait3A_553 : memref<1x128xi32, #tpu.memory_space<vmem>> -> memref<128xi32, #tpu.memory_space<vmem>>
        %dma_wait3A_555 = arith.constant 0 : i32
        %dma_wait3A_556 = arith.constant 0 : i32
        %dma_wait3A_557 = tpu.memref_slice %arg9[%dma_wait3A_555, %dma_wait3A_556] : memref<10240x32xf32, #tpu.memory_space<vmem_shared>> -> memref<10240x32xf32, #tpu.memory_space<vmem_shared>>
        tpu.wait_indirect_dma semaphore(%arg17 : memref<!tpu.dma_semaphore, #tpu.memory_space<semaphore_mem>>) src(%dma_wait3A_551 : memref<128x32xf32, #tpu.memory_space<vmem>>) dst(%dma_wait3A_557 : memref<10240x32xf32, #tpu.memory_space<vmem_shared>>)
        %dma_start3A_558 = arith.constant 3 : i32
        %dma_start3A_559 = arith.constant 0 : i32
        %dma_start3A_560 = arith.constant 0 : i32
        %dma_start3A_561 = tpu.memref_slice %arg7[%dma_start3A_558, %dma_start3A_559, %dma_start3A_560] : memref<4x128x32xf32, #tpu.memory_space<vmem>> -> memref<1x128x32xf32, #tpu.memory_space<vmem>>
        %dma_start3A_562 = tpu.memref_squeeze %dma_start3A_561 : memref<1x128x32xf32, #tpu.memory_space<vmem>> -> memref<128x32xf32, #tpu.memory_space<vmem>>
        %dma_start3A_563 = arith.constant 0 : i32
        %dma_start3A_564 = tpu.memref_slice %arg5[%add3A_426, %dma_start3A_563] : memref<112x128xi32, #tpu.memory_space<vmem>> -> memref<1x128xi32, #tpu.memory_space<vmem>>
        %dma_start3A_565 = tpu.memref_squeeze %dma_start3A_564 : memref<1x128xi32, #tpu.memory_space<vmem>> -> memref<128xi32, #tpu.memory_space<vmem>>
        %dma_start3A_566 = arith.constant 0 : i32
        %dma_start3A_567 = arith.constant 0 : i32
        %dma_start3A_568 = tpu.memref_slice %arg2[%dma_start3A_566, %dma_start3A_567] : memref<10240x32xf32, #tpu.memory_space<hbm>> -> memref<10240x32xf32, #tpu.memory_space<hbm>>
        tpu.enqueue_indirect_dma source(%dma_start3A_568 : memref<10240x32xf32, #tpu.memory_space<hbm>>) target(%dma_start3A_562 : memref<128x32xf32, #tpu.memory_space<vmem>>) offsets(%dma_start3A_565 : memref<128xi32, #tpu.memory_space<vmem>>) semaphore(%arg13 : memref<!tpu.dma_semaphore, #tpu.memory_space<semaphore_mem>>)
      } else {
      }
      %eq3A_432 = arith.constant 0 : i32
      %eq3A_433 = arith.cmpi eq, %while3A_397, %eq3A_432 : i32
      %gt3A = arith.constant 3 : i32
      %gt3A_434 = arith.cmpi sgt, %select_n3A, %gt3A : i32
      %and3A_435 = arith.andi %eq3A_433, %gt3A_434 : i1
      %convert_element_type3A_436 = arith.extui %and3A_435 : i1 to i32
      %cond3A_437 = arith.constant 0 : i32
      %cond3A_438 = arith.cmpi ne, %convert_element_type3A_436, %cond3A_437 : i32
      scf.if %cond3A_438 {
        %dma_start3A_545 = arith.constant 3 : i32
        %dma_start3A_546 = arith.constant 3 : i32
        %dma_start3A_547 = arith.constant 0 : i32
        %dma_start3A_548 = arith.constant 0 : i32
        %dma_start3A_549 = tpu.memref_slice %arg7[%dma_start3A_546, %dma_start3A_547, %dma_start3A_548] : memref<4x128x32xf32, #tpu.memory_space<vmem>> -> memref<1x128x32xf32, #tpu.memory_space<vmem>>
        %dma_start3A_550 = tpu.memref_squeeze %dma_start3A_549 : memref<1x128x32xf32, #tpu.memory_space<vmem>> -> memref<128x32xf32, #tpu.memory_space<vmem>>
        %dma_start3A_551 = arith.constant 0 : i32
        %dma_start3A_552 = tpu.memref_slice %arg5[%dma_start3A_545, %dma_start3A_551] : memref<112x128xi32, #tpu.memory_space<vmem>> -> memref<1x128xi32, #tpu.memory_space<vmem>>
        %dma_start3A_553 = tpu.memref_squeeze %dma_start3A_552 : memref<1x128xi32, #tpu.memory_space<vmem>> -> memref<128xi32, #tpu.memory_space<vmem>>
        %dma_start3A_554 = arith.constant 0 : i32
        %dma_start3A_555 = arith.constant 0 : i32
        %dma_start3A_556 = tpu.memref_slice %arg2[%dma_start3A_554, %dma_start3A_555] : memref<10240x32xf32, #tpu.memory_space<hbm>> -> memref<10240x32xf32, #tpu.memory_space<hbm>>
        tpu.enqueue_indirect_dma source(%dma_start3A_556 : memref<10240x32xf32, #tpu.memory_space<hbm>>) target(%dma_start3A_550 : memref<128x32xf32, #tpu.memory_space<vmem>>) offsets(%dma_start3A_553 : memref<128xi32, #tpu.memory_space<vmem>>) semaphore(%arg13 : memref<!tpu.dma_semaphore, #tpu.memory_space<semaphore_mem>>)
      } else {
      }
      %mul3A_439 = arith.constant 4 : i32
      %mul3A_440 = arith.muli %mul3A_439, %while3A_397 : i32
      %add3A_441 = arith.constant 1 : i32
      %add3A_442 = arith.addi %mul3A_440, %add3A_441 : i32
      %dma_wait3A_443 = arith.constant 1 : i32
      %dma_wait3A_444 = arith.constant 0 : i32
      %dma_wait3A_445 = arith.constant 0 : i32
      %dma_wait3A_446 = tpu.memref_slice %arg7[%dma_wait3A_443, %dma_wait3A_444, %dma_wait3A_445] : memref<4x128x32xf32, #tpu.memory_space<vmem>> -> memref<1x128x32xf32, #tpu.memory_space<vmem>>
      %dma_wait3A_447 = tpu.memref_squeeze %dma_wait3A_446 : memref<1x128x32xf32, #tpu.memory_space<vmem>> -> memref<128x32xf32, #tpu.memory_space<vmem>>
      %dma_wait3A_448 = arith.constant 0 : i32
      %dma_wait3A_449 = tpu.memref_slice %arg5[%add3A_442, %dma_wait3A_448] : memref<112x128xi32, #tpu.memory_space<vmem>> -> memref<1x128xi32, #tpu.memory_space<vmem>>
      %dma_wait3A_450 = tpu.memref_squeeze %dma_wait3A_449 : memref<1x128xi32, #tpu.memory_space<vmem>> -> memref<128xi32, #tpu.memory_space<vmem>>
      %dma_wait3A_451 = arith.constant 0 : i32
      %dma_wait3A_452 = arith.constant 0 : i32
      %dma_wait3A_453 = tpu.memref_slice %arg2[%dma_wait3A_451, %dma_wait3A_452] : memref<10240x32xf32, #tpu.memory_space<hbm>> -> memref<10240x32xf32, #tpu.memory_space<hbm>>
      tpu.wait_indirect_dma semaphore(%arg11 : memref<!tpu.dma_semaphore, #tpu.memory_space<semaphore_mem>>) src(%dma_wait3A_453 : memref<10240x32xf32, #tpu.memory_space<hbm>>) dst(%dma_wait3A_447 : memref<128x32xf32, #tpu.memory_space<vmem>>)
      %dma_start3A_454 = arith.constant 1 : i32
      %dma_start3A_455 = arith.constant 0 : i32
      %dma_start3A_456 = arith.constant 0 : i32
      %dma_start3A_457 = tpu.memref_slice %arg7[%dma_start3A_454, %dma_start3A_455, %dma_start3A_456] : memref<4x128x32xf32, #tpu.memory_space<vmem>> -> memref<1x128x32xf32, #tpu.memory_space<vmem>>
      %dma_start3A_458 = tpu.memref_squeeze %dma_start3A_457 : memref<1x128x32xf32, #tpu.memory_space<vmem>> -> memref<128x32xf32, #tpu.memory_space<vmem>>
      %dma_start3A_459 = arith.constant 0 : i32
      %dma_start3A_460 = tpu.memref_slice %arg6[%add3A_442, %dma_start3A_459] : memref<112x128xi32, #tpu.memory_space<vmem>> -> memref<1x128xi32, #tpu.memory_space<vmem>>
      %dma_start3A_461 = tpu.memref_squeeze %dma_start3A_460 : memref<1x128xi32, #tpu.memory_space<vmem>> -> memref<128xi32, #tpu.memory_space<vmem>>
      %dma_start3A_462 = arith.constant 0 : i32
      %dma_start3A_463 = arith.constant 0 : i32
      %dma_start3A_464 = tpu.memref_slice %arg9[%dma_start3A_462, %dma_start3A_463] : memref<10240x32xf32, #tpu.memory_space<vmem_shared>> -> memref<10240x32xf32, #tpu.memory_space<vmem_shared>>
      tpu.enqueue_indirect_dma source(%dma_start3A_458 : memref<128x32xf32, #tpu.memory_space<vmem>>) target(%dma_start3A_464 : memref<10240x32xf32, #tpu.memory_space<vmem_shared>>) offsets(%dma_start3A_461 : memref<128xi32, #tpu.memory_space<vmem>>) semaphore(%arg15 : memref<!tpu.dma_semaphore, #tpu.memory_space<semaphore_mem>>) {add = true}
      %add3A_465 = arith.constant 3 : i32
      %add3A_466 = arith.addi %add3A_442, %add3A_465 : i32
      %lt3A_467 = arith.cmpi slt, %add3A_466, %select_n3A : i32
      %ge3A_468 = arith.constant 1 : i32
      %ge3A_469 = arith.cmpi sge, %add3A_442, %ge3A_468 : i32
      %and3A_470 = arith.andi %lt3A_467, %ge3A_469 : i1
      %convert_element_type3A_471 = arith.extui %and3A_470 : i1 to i32
      %cond3A_472 = arith.constant 0 : i32
      %cond3A_473 = arith.cmpi ne, %convert_element_type3A_471, %cond3A_472 : i32
      scf.if %cond3A_473 {
        %sub3A_545 = arith.constant 1 : i32
        %sub3A_546 = arith.subi %add3A_442, %sub3A_545 : i32
        %dma_wait3A_547 = arith.constant 0 : i32
        %dma_wait3A_548 = arith.constant 0 : i32
        %dma_wait3A_549 = arith.constant 0 : i32
        %dma_wait3A_550 = tpu.memref_slice %arg7[%dma_wait3A_547, %dma_wait3A_548, %dma_wait3A_549] : memref<4x128x32xf32, #tpu.memory_space<vmem>> -> memref<1x128x32xf32, #tpu.memory_space<vmem>>
        %dma_wait3A_551 = tpu.memref_squeeze %dma_wait3A_550 : memref<1x128x32xf32, #tpu.memory_space<vmem>> -> memref<128x32xf32, #tpu.memory_space<vmem>>
        %dma_wait3A_552 = arith.constant 0 : i32
        %dma_wait3A_553 = tpu.memref_slice %arg6[%sub3A_546, %dma_wait3A_552] : memref<112x128xi32, #tpu.memory_space<vmem>> -> memref<1x128xi32, #tpu.memory_space<vmem>>
        %dma_wait3A_554 = tpu.memref_squeeze %dma_wait3A_553 : memref<1x128xi32, #tpu.memory_space<vmem>> -> memref<128xi32, #tpu.memory_space<vmem>>
        %dma_wait3A_555 = arith.constant 0 : i32
        %dma_wait3A_556 = arith.constant 0 : i32
        %dma_wait3A_557 = tpu.memref_slice %arg9[%dma_wait3A_555, %dma_wait3A_556] : memref<10240x32xf32, #tpu.memory_space<vmem_shared>> -> memref<10240x32xf32, #tpu.memory_space<vmem_shared>>
        tpu.wait_indirect_dma semaphore(%arg14 : memref<!tpu.dma_semaphore, #tpu.memory_space<semaphore_mem>>) src(%dma_wait3A_551 : memref<128x32xf32, #tpu.memory_space<vmem>>) dst(%dma_wait3A_557 : memref<10240x32xf32, #tpu.memory_space<vmem_shared>>)
        %dma_start3A_558 = arith.constant 0 : i32
        %dma_start3A_559 = arith.constant 0 : i32
        %dma_start3A_560 = arith.constant 0 : i32
        %dma_start3A_561 = tpu.memref_slice %arg7[%dma_start3A_558, %dma_start3A_559, %dma_start3A_560] : memref<4x128x32xf32, #tpu.memory_space<vmem>> -> memref<1x128x32xf32, #tpu.memory_space<vmem>>
        %dma_start3A_562 = tpu.memref_squeeze %dma_start3A_561 : memref<1x128x32xf32, #tpu.memory_space<vmem>> -> memref<128x32xf32, #tpu.memory_space<vmem>>
        %dma_start3A_563 = arith.constant 0 : i32
        %dma_start3A_564 = tpu.memref_slice %arg5[%add3A_466, %dma_start3A_563] : memref<112x128xi32, #tpu.memory_space<vmem>> -> memref<1x128xi32, #tpu.memory_space<vmem>>
        %dma_start3A_565 = tpu.memref_squeeze %dma_start3A_564 : memref<1x128xi32, #tpu.memory_space<vmem>> -> memref<128xi32, #tpu.memory_space<vmem>>
        %dma_start3A_566 = arith.constant 0 : i32
        %dma_start3A_567 = arith.constant 0 : i32
        %dma_start3A_568 = tpu.memref_slice %arg2[%dma_start3A_566, %dma_start3A_567] : memref<10240x32xf32, #tpu.memory_space<hbm>> -> memref<10240x32xf32, #tpu.memory_space<hbm>>
        tpu.enqueue_indirect_dma source(%dma_start3A_568 : memref<10240x32xf32, #tpu.memory_space<hbm>>) target(%dma_start3A_562 : memref<128x32xf32, #tpu.memory_space<vmem>>) offsets(%dma_start3A_565 : memref<128xi32, #tpu.memory_space<vmem>>) semaphore(%arg10 : memref<!tpu.dma_semaphore, #tpu.memory_space<semaphore_mem>>)
      } else {
      }
      %mul3A_474 = arith.constant 4 : i32
      %mul3A_475 = arith.muli %mul3A_474, %while3A_397 : i32
      %add3A_476 = arith.constant 2 : i32
      %add3A_477 = arith.addi %mul3A_475, %add3A_476 : i32
      %dma_wait3A_478 = arith.constant 2 : i32
      %dma_wait3A_479 = arith.constant 0 : i32
      %dma_wait3A_480 = arith.constant 0 : i32
      %dma_wait3A_481 = tpu.memref_slice %arg7[%dma_wait3A_478, %dma_wait3A_479, %dma_wait3A_480] : memref<4x128x32xf32, #tpu.memory_space<vmem>> -> memref<1x128x32xf32, #tpu.memory_space<vmem>>
      %dma_wait3A_482 = tpu.memref_squeeze %dma_wait3A_481 : memref<1x128x32xf32, #tpu.memory_space<vmem>> -> memref<128x32xf32, #tpu.memory_space<vmem>>
      %dma_wait3A_483 = arith.constant 0 : i32
      %dma_wait3A_484 = tpu.memref_slice %arg5[%add3A_477, %dma_wait3A_483] : memref<112x128xi32, #tpu.memory_space<vmem>> -> memref<1x128xi32, #tpu.memory_space<vmem>>
      %dma_wait3A_485 = tpu.memref_squeeze %dma_wait3A_484 : memref<1x128xi32, #tpu.memory_space<vmem>> -> memref<128xi32, #tpu.memory_space<vmem>>
      %dma_wait3A_486 = arith.constant 0 : i32
      %dma_wait3A_487 = arith.constant 0 : i32
      %dma_wait3A_488 = tpu.memref_slice %arg2[%dma_wait3A_486, %dma_wait3A_487] : memref<10240x32xf32, #tpu.memory_space<hbm>> -> memref<10240x32xf32, #tpu.memory_space<hbm>>
      tpu.wait_indirect_dma semaphore(%arg12 : memref<!tpu.dma_semaphore, #tpu.memory_space<semaphore_mem>>) src(%dma_wait3A_488 : memref<10240x32xf32, #tpu.memory_space<hbm>>) dst(%dma_wait3A_482 : memref<128x32xf32, #tpu.memory_space<vmem>>)
      %dma_start3A_489 = arith.constant 2 : i32
      %dma_start3A_490 = arith.constant 0 : i32
      %dma_start3A_491 = arith.constant 0 : i32
      %dma_start3A_492 = tpu.memref_slice %arg7[%dma_start3A_489, %dma_start3A_490, %dma_start3A_491] : memref<4x128x32xf32, #tpu.memory_space<vmem>> -> memref<1x128x32xf32, #tpu.memory_space<vmem>>
      %dma_start3A_493 = tpu.memref_squeeze %dma_start3A_492 : memref<1x128x32xf32, #tpu.memory_space<vmem>> -> memref<128x32xf32, #tpu.memory_space<vmem>>
      %dma_start3A_494 = arith.constant 0 : i32
      %dma_start3A_495 = tpu.memref_slice %arg6[%add3A_477, %dma_start3A_494] : memref<112x128xi32, #tpu.memory_space<vmem>> -> memref<1x128xi32, #tpu.memory_space<vmem>>
      %dma_start3A_496 = tpu.memref_squeeze %dma_start3A_495 : memref<1x128xi32, #tpu.memory_space<vmem>> -> memref<128xi32, #tpu.memory_space<vmem>>
      %dma_start3A_497 = arith.constant 0 : i32
      %dma_start3A_498 = arith.constant 0 : i32
      %dma_start3A_499 = tpu.memref_slice %arg9[%dma_start3A_497, %dma_start3A_498] : memref<10240x32xf32, #tpu.memory_space<vmem_shared>> -> memref<10240x32xf32, #tpu.memory_space<vmem_shared>>
      tpu.enqueue_indirect_dma source(%dma_start3A_493 : memref<128x32xf32, #tpu.memory_space<vmem>>) target(%dma_start3A_499 : memref<10240x32xf32, #tpu.memory_space<vmem_shared>>) offsets(%dma_start3A_496 : memref<128xi32, #tpu.memory_space<vmem>>) semaphore(%arg16 : memref<!tpu.dma_semaphore, #tpu.memory_space<semaphore_mem>>) {add = true}
      %add3A_500 = arith.constant 3 : i32
      %add3A_501 = arith.addi %add3A_477, %add3A_500 : i32
      %lt3A_502 = arith.cmpi slt, %add3A_501, %select_n3A : i32
      %ge3A_503 = arith.constant 1 : i32
      %ge3A_504 = arith.cmpi sge, %add3A_477, %ge3A_503 : i32
      %and3A_505 = arith.andi %lt3A_502, %ge3A_504 : i1
      %convert_element_type3A_506 = arith.extui %and3A_505 : i1 to i32
      %cond3A_507 = arith.constant 0 : i32
      %cond3A_508 = arith.cmpi ne, %convert_element_type3A_506, %cond3A_507 : i32
      scf.if %cond3A_508 {
        %sub3A_545 = arith.constant 1 : i32
        %sub3A_546 = arith.subi %add3A_477, %sub3A_545 : i32
        %dma_wait3A_547 = arith.constant 1 : i32
        %dma_wait3A_548 = arith.constant 0 : i32
        %dma_wait3A_549 = arith.constant 0 : i32
        %dma_wait3A_550 = tpu.memref_slice %arg7[%dma_wait3A_547, %dma_wait3A_548, %dma_wait3A_549] : memref<4x128x32xf32, #tpu.memory_space<vmem>> -> memref<1x128x32xf32, #tpu.memory_space<vmem>>
        %dma_wait3A_551 = tpu.memref_squeeze %dma_wait3A_550 : memref<1x128x32xf32, #tpu.memory_space<vmem>> -> memref<128x32xf32, #tpu.memory_space<vmem>>
        %dma_wait3A_552 = arith.constant 0 : i32
        %dma_wait3A_553 = tpu.memref_slice %arg6[%sub3A_546, %dma_wait3A_552] : memref<112x128xi32, #tpu.memory_space<vmem>> -> memref<1x128xi32, #tpu.memory_space<vmem>>
        %dma_wait3A_554 = tpu.memref_squeeze %dma_wait3A_553 : memref<1x128xi32, #tpu.memory_space<vmem>> -> memref<128xi32, #tpu.memory_space<vmem>>
        %dma_wait3A_555 = arith.constant 0 : i32
        %dma_wait3A_556 = arith.constant 0 : i32
        %dma_wait3A_557 = tpu.memref_slice %arg9[%dma_wait3A_555, %dma_wait3A_556] : memref<10240x32xf32, #tpu.memory_space<vmem_shared>> -> memref<10240x32xf32, #tpu.memory_space<vmem_shared>>
        tpu.wait_indirect_dma semaphore(%arg15 : memref<!tpu.dma_semaphore, #tpu.memory_space<semaphore_mem>>) src(%dma_wait3A_551 : memref<128x32xf32, #tpu.memory_space<vmem>>) dst(%dma_wait3A_557 : memref<10240x32xf32, #tpu.memory_space<vmem_shared>>)
        %dma_start3A_558 = arith.constant 1 : i32
        %dma_start3A_559 = arith.constant 0 : i32
        %dma_start3A_560 = arith.constant 0 : i32
        %dma_start3A_561 = tpu.memref_slice %arg7[%dma_start3A_558, %dma_start3A_559, %dma_start3A_560] : memref<4x128x32xf32, #tpu.memory_space<vmem>> -> memref<1x128x32xf32, #tpu.memory_space<vmem>>
        %dma_start3A_562 = tpu.memref_squeeze %dma_start3A_561 : memref<1x128x32xf32, #tpu.memory_space<vmem>> -> memref<128x32xf32, #tpu.memory_space<vmem>>
        %dma_start3A_563 = arith.constant 0 : i32
        %dma_start3A_564 = tpu.memref_slice %arg5[%add3A_501, %dma_start3A_563] : memref<112x128xi32, #tpu.memory_space<vmem>> -> memref<1x128xi32, #tpu.memory_space<vmem>>
        %dma_start3A_565 = tpu.memref_squeeze %dma_start3A_564 : memref<1x128xi32, #tpu.memory_space<vmem>> -> memref<128xi32, #tpu.memory_space<vmem>>
        %dma_start3A_566 = arith.constant 0 : i32
        %dma_start3A_567 = arith.constant 0 : i32
        %dma_start3A_568 = tpu.memref_slice %arg2[%dma_start3A_566, %dma_start3A_567] : memref<10240x32xf32, #tpu.memory_space<hbm>> -> memref<10240x32xf32, #tpu.memory_space<hbm>>
        tpu.enqueue_indirect_dma source(%dma_start3A_568 : memref<10240x32xf32, #tpu.memory_space<hbm>>) target(%dma_start3A_562 : memref<128x32xf32, #tpu.memory_space<vmem>>) offsets(%dma_start3A_565 : memref<128xi32, #tpu.memory_space<vmem>>) semaphore(%arg11 : memref<!tpu.dma_semaphore, #tpu.memory_space<semaphore_mem>>)
      } else {
      }
      %mul3A_509 = arith.constant 4 : i32
      %mul3A_510 = arith.muli %mul3A_509, %while3A_397 : i32
      %add3A_511 = arith.constant 3 : i32
      %add3A_512 = arith.addi %mul3A_510, %add3A_511 : i32
      %dma_wait3A_513 = arith.constant 3 : i32
      %dma_wait3A_514 = arith.constant 0 : i32
      %dma_wait3A_515 = arith.constant 0 : i32
      %dma_wait3A_516 = tpu.memref_slice %arg7[%dma_wait3A_513, %dma_wait3A_514, %dma_wait3A_515] : memref<4x128x32xf32, #tpu.memory_space<vmem>> -> memref<1x128x32xf32, #tpu.memory_space<vmem>>
      %dma_wait3A_517 = tpu.memref_squeeze %dma_wait3A_516 : memref<1x128x32xf32, #tpu.memory_space<vmem>> -> memref<128x32xf32, #tpu.memory_space<vmem>>
      %dma_wait3A_518 = arith.constant 0 : i32
      %dma_wait3A_519 = tpu.memref_slice %arg5[%add3A_512, %dma_wait3A_518] : memref<112x128xi32, #tpu.memory_space<vmem>> -> memref<1x128xi32, #tpu.memory_space<vmem>>
      %dma_wait3A_520 = tpu.memref_squeeze %dma_wait3A_519 : memref<1x128xi32, #tpu.memory_space<vmem>> -> memref<128xi32, #tpu.memory_space<vmem>>
      %dma_wait3A_521 = arith.constant 0 : i32
      %dma_wait3A_522 = arith.constant 0 : i32
      %dma_wait3A_523 = tpu.memref_slice %arg2[%dma_wait3A_521, %dma_wait3A_522] : memref<10240x32xf32, #tpu.memory_space<hbm>> -> memref<10240x32xf32, #tpu.memory_space<hbm>>
      tpu.wait_indirect_dma semaphore(%arg13 : memref<!tpu.dma_semaphore, #tpu.memory_space<semaphore_mem>>) src(%dma_wait3A_523 : memref<10240x32xf32, #tpu.memory_space<hbm>>) dst(%dma_wait3A_517 : memref<128x32xf32, #tpu.memory_space<vmem>>)
      %dma_start3A_524 = arith.constant 3 : i32
      %dma_start3A_525 = arith.constant 0 : i32
      %dma_start3A_526 = arith.constant 0 : i32
      %dma_start3A_527 = tpu.memref_slice %arg7[%dma_start3A_524, %dma_start3A_525, %dma_start3A_526] : memref<4x128x32xf32, #tpu.memory_space<vmem>> -> memref<1x128x32xf32, #tpu.memory_space<vmem>>
      %dma_start3A_528 = tpu.memref_squeeze %dma_start3A_527 : memref<1x128x32xf32, #tpu.memory_space<vmem>> -> memref<128x32xf32, #tpu.memory_space<vmem>>
      %dma_start3A_529 = arith.constant 0 : i32
      %dma_start3A_530 = tpu.memref_slice %arg6[%add3A_512, %dma_start3A_529] : memref<112x128xi32, #tpu.memory_space<vmem>> -> memref<1x128xi32, #tpu.memory_space<vmem>>
      %dma_start3A_531 = tpu.memref_squeeze %dma_start3A_530 : memref<1x128xi32, #tpu.memory_space<vmem>> -> memref<128xi32, #tpu.memory_space<vmem>>
      %dma_start3A_532 = arith.constant 0 : i32
      %dma_start3A_533 = arith.constant 0 : i32
      %dma_start3A_534 = tpu.memref_slice %arg9[%dma_start3A_532, %dma_start3A_533] : memref<10240x32xf32, #tpu.memory_space<vmem_shared>> -> memref<10240x32xf32, #tpu.memory_space<vmem_shared>>
      tpu.enqueue_indirect_dma source(%dma_start3A_528 : memref<128x32xf32, #tpu.memory_space<vmem>>) target(%dma_start3A_534 : memref<10240x32xf32, #tpu.memory_space<vmem_shared>>) offsets(%dma_start3A_531 : memref<128xi32, #tpu.memory_space<vmem>>) semaphore(%arg17 : memref<!tpu.dma_semaphore, #tpu.memory_space<semaphore_mem>>) {add = true}
      %add3A_535 = arith.constant 3 : i32
      %add3A_536 = arith.addi %add3A_512, %add3A_535 : i32
      %lt3A_537 = arith.cmpi slt, %add3A_536, %select_n3A : i32
      %ge3A_538 = arith.constant 1 : i32
      %ge3A_539 = arith.cmpi sge, %add3A_512, %ge3A_538 : i32
      %and3A_540 = arith.andi %lt3A_537, %ge3A_539 : i1
      %convert_element_type3A_541 = arith.extui %and3A_540 : i1 to i32
      %cond3A_542 = arith.constant 0 : i32
      %cond3A_543 = arith.cmpi ne, %convert_element_type3A_541, %cond3A_542 : i32
      scf.if %cond3A_543 {
        %sub3A_545 = arith.constant 1 : i32
        %sub3A_546 = arith.subi %add3A_512, %sub3A_545 : i32
        %dma_wait3A_547 = arith.constant 2 : i32
        %dma_wait3A_548 = arith.constant 0 : i32
        %dma_wait3A_549 = arith.constant 0 : i32
        %dma_wait3A_550 = tpu.memref_slice %arg7[%dma_wait3A_547, %dma_wait3A_548, %dma_wait3A_549] : memref<4x128x32xf32, #tpu.memory_space<vmem>> -> memref<1x128x32xf32, #tpu.memory_space<vmem>>
        %dma_wait3A_551 = tpu.memref_squeeze %dma_wait3A_550 : memref<1x128x32xf32, #tpu.memory_space<vmem>> -> memref<128x32xf32, #tpu.memory_space<vmem>>
        %dma_wait3A_552 = arith.constant 0 : i32
        %dma_wait3A_553 = tpu.memref_slice %arg6[%sub3A_546, %dma_wait3A_552] : memref<112x128xi32, #tpu.memory_space<vmem>> -> memref<1x128xi32, #tpu.memory_space<vmem>>
        %dma_wait3A_554 = tpu.memref_squeeze %dma_wait3A_553 : memref<1x128xi32, #tpu.memory_space<vmem>> -> memref<128xi32, #tpu.memory_space<vmem>>
        %dma_wait3A_555 = arith.constant 0 : i32
        %dma_wait3A_556 = arith.constant 0 : i32
        %dma_wait3A_557 = tpu.memref_slice %arg9[%dma_wait3A_555, %dma_wait3A_556] : memref<10240x32xf32, #tpu.memory_space<vmem_shared>> -> memref<10240x32xf32, #tpu.memory_space<vmem_shared>>
        tpu.wait_indirect_dma semaphore(%arg16 : memref<!tpu.dma_semaphore, #tpu.memory_space<semaphore_mem>>) src(%dma_wait3A_551 : memref<128x32xf32, #tpu.memory_space<vmem>>) dst(%dma_wait3A_557 : memref<10240x32xf32, #tpu.memory_space<vmem_shared>>)
        %dma_start3A_558 = arith.constant 2 : i32
        %dma_start3A_559 = arith.constant 0 : i32
        %dma_start3A_560 = arith.constant 0 : i32
        %dma_start3A_561 = tpu.memref_slice %arg7[%dma_start3A_558, %dma_start3A_559, %dma_start3A_560] : memref<4x128x32xf32, #tpu.memory_space<vmem>> -> memref<1x128x32xf32, #tpu.memory_space<vmem>>
        %dma_start3A_562 = tpu.memref_squeeze %dma_start3A_561 : memref<1x128x32xf32, #tpu.memory_space<vmem>> -> memref<128x32xf32, #tpu.memory_space<vmem>>
        %dma_start3A_563 = arith.constant 0 : i32
        %dma_start3A_564 = tpu.memref_slice %arg5[%add3A_536, %dma_start3A_563] : memref<112x128xi32, #tpu.memory_space<vmem>> -> memref<1x128xi32, #tpu.memory_space<vmem>>
        %dma_start3A_565 = tpu.memref_squeeze %dma_start3A_564 : memref<1x128xi32, #tpu.memory_space<vmem>> -> memref<128xi32, #tpu.memory_space<vmem>>
        %dma_start3A_566 = arith.constant 0 : i32
        %dma_start3A_567 = arith.constant 0 : i32
        %dma_start3A_568 = tpu.memref_slice %arg2[%dma_start3A_566, %dma_start3A_567] : memref<10240x32xf32, #tpu.memory_space<hbm>> -> memref<10240x32xf32, #tpu.memory_space<hbm>>
        tpu.enqueue_indirect_dma source(%dma_start3A_568 : memref<10240x32xf32, #tpu.memory_space<hbm>>) target(%dma_start3A_562 : memref<128x32xf32, #tpu.memory_space<vmem>>) offsets(%dma_start3A_565 : memref<128xi32, #tpu.memory_space<vmem>>) semaphore(%arg12 : memref<!tpu.dma_semaphore, #tpu.memory_space<semaphore_mem>>)
      } else {
      }
      %while3A_544 = arith.constant 0 : i32
      scf.yield %while3A_544 : i32
    }
    %sub3A_335 = arith.constant 4 : i32
    %sub3A_336 = arith.subi %select_n3A, %sub3A_335 : i32
    %add3A = arith.constant 0 : i32
    %add3A_337 = arith.addi %sub3A_336, %add3A : i32
    %dma_wait3A = arith.constant 0 : i32
    %dma_wait3A_338 = arith.constant 0 : i32
    %dma_wait3A_339 = arith.constant 0 : i32
    %dma_wait3A_340 = tpu.memref_slice %arg7[%dma_wait3A, %dma_wait3A_338, %dma_wait3A_339] : memref<4x128x32xf32, #tpu.memory_space<vmem>> -> memref<1x128x32xf32, #tpu.memory_space<vmem>>
    %dma_wait3A_341 = tpu.memref_squeeze %dma_wait3A_340 : memref<1x128x32xf32, #tpu.memory_space<vmem>> -> memref<128x32xf32, #tpu.memory_space<vmem>>
    %dma_wait3A_342 = arith.constant 0 : i32
    %dma_wait3A_343 = tpu.memref_slice %arg6[%add3A_337, %dma_wait3A_342] : memref<112x128xi32, #tpu.memory_space<vmem>> -> memref<1x128xi32, #tpu.memory_space<vmem>>
    %dma_wait3A_344 = tpu.memref_squeeze %dma_wait3A_343 : memref<1x128xi32, #tpu.memory_space<vmem>> -> memref<128xi32, #tpu.memory_space<vmem>>
    %dma_wait3A_345 = arith.constant 0 : i32
    %dma_wait3A_346 = arith.constant 0 : i32
    %dma_wait3A_347 = tpu.memref_slice %arg9[%dma_wait3A_345, %dma_wait3A_346] : memref<10240x32xf32, #tpu.memory_space<vmem_shared>> -> memref<10240x32xf32, #tpu.memory_space<vmem_shared>>
    tpu.wait_indirect_dma semaphore(%arg14 : memref<!tpu.dma_semaphore, #tpu.memory_space<semaphore_mem>>) src(%dma_wait3A_341 : memref<128x32xf32, #tpu.memory_space<vmem>>) dst(%dma_wait3A_347 : memref<10240x32xf32, #tpu.memory_space<vmem_shared>>)
    %sub3A_348 = arith.constant 4 : i32
    %sub3A_349 = arith.subi %select_n3A, %sub3A_348 : i32
    %add3A_350 = arith.constant 1 : i32
    %add3A_351 = arith.addi %sub3A_349, %add3A_350 : i32
    %dma_wait3A_352 = arith.constant 1 : i32
    %dma_wait3A_353 = arith.constant 0 : i32
    %dma_wait3A_354 = arith.constant 0 : i32
    %dma_wait3A_355 = tpu.memref_slice %arg7[%dma_wait3A_352, %dma_wait3A_353, %dma_wait3A_354] : memref<4x128x32xf32, #tpu.memory_space<vmem>> -> memref<1x128x32xf32, #tpu.memory_space<vmem>>
    %dma_wait3A_356 = tpu.memref_squeeze %dma_wait3A_355 : memref<1x128x32xf32, #tpu.memory_space<vmem>> -> memref<128x32xf32, #tpu.memory_space<vmem>>
    %dma_wait3A_357 = arith.constant 0 : i32
    %dma_wait3A_358 = tpu.memref_slice %arg6[%add3A_351, %dma_wait3A_357] : memref<112x128xi32, #tpu.memory_space<vmem>> -> memref<1x128xi32, #tpu.memory_space<vmem>>
    %dma_wait3A_359 = tpu.memref_squeeze %dma_wait3A_358 : memref<1x128xi32, #tpu.memory_space<vmem>> -> memref<128xi32, #tpu.memory_space<vmem>>
    %dma_wait3A_360 = arith.constant 0 : i32
    %dma_wait3A_361 = arith.constant 0 : i32
    %dma_wait3A_362 = tpu.memref_slice %arg9[%dma_wait3A_360, %dma_wait3A_361] : memref<10240x32xf32, #tpu.memory_space<vmem_shared>> -> memref<10240x32xf32, #tpu.memory_space<vmem_shared>>
    tpu.wait_indirect_dma semaphore(%arg15 : memref<!tpu.dma_semaphore, #tpu.memory_space<semaphore_mem>>) src(%dma_wait3A_356 : memref<128x32xf32, #tpu.memory_space<vmem>>) dst(%dma_wait3A_362 : memref<10240x32xf32, #tpu.memory_space<vmem_shared>>)
    %sub3A_363 = arith.constant 4 : i32
    %sub3A_364 = arith.subi %select_n3A, %sub3A_363 : i32
    %add3A_365 = arith.constant 2 : i32
    %add3A_366 = arith.addi %sub3A_364, %add3A_365 : i32
    %dma_wait3A_367 = arith.constant 2 : i32
    %dma_wait3A_368 = arith.constant 0 : i32
    %dma_wait3A_369 = arith.constant 0 : i32
    %dma_wait3A_370 = tpu.memref_slice %arg7[%dma_wait3A_367, %dma_wait3A_368, %dma_wait3A_369] : memref<4x128x32xf32, #tpu.memory_space<vmem>> -> memref<1x128x32xf32, #tpu.memory_space<vmem>>
    %dma_wait3A_371 = tpu.memref_squeeze %dma_wait3A_370 : memref<1x128x32xf32, #tpu.memory_space<vmem>> -> memref<128x32xf32, #tpu.memory_space<vmem>>
    %dma_wait3A_372 = arith.constant 0 : i32
    %dma_wait3A_373 = tpu.memref_slice %arg6[%add3A_366, %dma_wait3A_372] : memref<112x128xi32, #tpu.memory_space<vmem>> -> memref<1x128xi32, #tpu.memory_space<vmem>>
    %dma_wait3A_374 = tpu.memref_squeeze %dma_wait3A_373 : memref<1x128xi32, #tpu.memory_space<vmem>> -> memref<128xi32, #tpu.memory_space<vmem>>
    %dma_wait3A_375 = arith.constant 0 : i32
    %dma_wait3A_376 = arith.constant 0 : i32
    %dma_wait3A_377 = tpu.memref_slice %arg9[%dma_wait3A_375, %dma_wait3A_376] : memref<10240x32xf32, #tpu.memory_space<vmem_shared>> -> memref<10240x32xf32, #tpu.memory_space<vmem_shared>>
    tpu.wait_indirect_dma semaphore(%arg16 : memref<!tpu.dma_semaphore, #tpu.memory_space<semaphore_mem>>) src(%dma_wait3A_371 : memref<128x32xf32, #tpu.memory_space<vmem>>) dst(%dma_wait3A_377 : memref<10240x32xf32, #tpu.memory_space<vmem_shared>>)
    %sub3A_378 = arith.constant 4 : i32
    %sub3A_379 = arith.subi %select_n3A, %sub3A_378 : i32
    %add3A_380 = arith.constant 3 : i32
    %add3A_381 = arith.addi %sub3A_379, %add3A_380 : i32
    %dma_wait3A_382 = arith.constant 3 : i32
    %dma_wait3A_383 = arith.constant 0 : i32
    %dma_wait3A_384 = arith.constant 0 : i32
    %dma_wait3A_385 = tpu.memref_slice %arg7[%dma_wait3A_382, %dma_wait3A_383, %dma_wait3A_384] : memref<4x128x32xf32, #tpu.memory_space<vmem>> -> memref<1x128x32xf32, #tpu.memory_space<vmem>>
    %dma_wait3A_386 = tpu.memref_squeeze %dma_wait3A_385 : memref<1x128x32xf32, #tpu.memory_space<vmem>> -> memref<128x32xf32, #tpu.memory_space<vmem>>
    %dma_wait3A_387 = arith.constant 0 : i32
    %dma_wait3A_388 = tpu.memref_slice %arg6[%add3A_381, %dma_wait3A_387] : memref<112x128xi32, #tpu.memory_space<vmem>> -> memref<1x128xi32, #tpu.memory_space<vmem>>
    %dma_wait3A_389 = tpu.memref_squeeze %dma_wait3A_388 : memref<1x128xi32, #tpu.memory_space<vmem>> -> memref<128xi32, #tpu.memory_space<vmem>>
    %dma_wait3A_390 = arith.constant 0 : i32
    %dma_wait3A_391 = arith.constant 0 : i32
    %dma_wait3A_392 = tpu.memref_slice %arg9[%dma_wait3A_390, %dma_wait3A_391] : memref<10240x32xf32, #tpu.memory_space<vmem_shared>> -> memref<10240x32xf32, #tpu.memory_space<vmem_shared>>
    tpu.wait_indirect_dma semaphore(%arg17 : memref<!tpu.dma_semaphore, #tpu.memory_space<semaphore_mem>>) src(%dma_wait3A_386 : memref<128x32xf32, #tpu.memory_space<vmem>>) dst(%dma_wait3A_392 : memref<10240x32xf32, #tpu.memory_space<vmem_shared>>)
    %barrier3A_393 = arith.constant 0 : index
    tpu.barrier barrier_id(%barrier3A_393)
    %mul3A_394 = arith.constant 10240 : i32
    %mul3A_395 = arith.muli %arg0, %mul3A_394 : i32
    %add3A_396 = arith.addi %mul3A_395, %mul3A_0 : i32
    "tpu.region"() ({
      %run_scoped3A = tpu.sem_alloc : memref<!tpu.dma_semaphore, #tpu.memory_space<semaphore_mem>>
      %dma_start3A_397 = arith.constant 0 : i32
      %dma_start3A_398 = tpu.memref_slice %arg4[%add3A_396, %dma_start3A_397] : memref<20480x32xf32, #tpu.memory_space<hbm>> -> memref<640x32xf32, #tpu.memory_space<hbm>>
      %dma_start3A_399 = arith.constant 0 : i32
      %dma_start3A_400 = tpu.memref_slice %arg9[%mul3A_0, %dma_start3A_399] : memref<10240x32xf32, #tpu.memory_space<vmem_shared>> -> memref<640x32xf32, #tpu.memory_space<vmem_shared>>
      tpu.enqueue_dma source(%dma_start3A_400 : memref<640x32xf32, #tpu.memory_space<vmem_shared>>) target(%dma_start3A_398 : memref<640x32xf32, #tpu.memory_space<hbm>>) target_semaphore(%run_scoped3A : memref<!tpu.dma_semaphore, #tpu.memory_space<semaphore_mem>>)
      %dma_wait3A_401 = arith.constant 0 : i32
      %dma_wait3A_402 = tpu.memref_slice %arg4[%add3A_396, %dma_wait3A_401] : memref<20480x32xf32, #tpu.memory_space<hbm>> -> memref<640x32xf32, #tpu.memory_space<hbm>>
      %dma_wait3A_403 = arith.constant 0 : i32
      %dma_wait3A_404 = tpu.memref_slice %arg9[%mul3A_0, %dma_wait3A_403] : memref<10240x32xf32, #tpu.memory_space<vmem_shared>> -> memref<640x32xf32, #tpu.memory_space<vmem_shared>>
      tpu.wait_dma2 semaphore(%run_scoped3A : memref<!tpu.dma_semaphore, #tpu.memory_space<semaphore_mem>>) src(%dma_wait3A_404 : memref<640x32xf32, #tpu.memory_space<vmem_shared>>) dst(%dma_wait3A_402 : memref<640x32xf32, #tpu.memory_space<hbm>>)
      tpu.yield
    }) : () -> ()
    return
  }
}

module attributes {stable_mosaic.version = 14 : i64} {
  func.func @tc_stage1(%arg0: i32, %arg1: memref<1024x128xf32, #tpu.memory_space<vmem>>, %arg2: memref<128x16xf32, #tpu.memory_space<vmem>>, %arg3: memref<1024x1xf32, #tpu.memory_space<vmem>>, %arg4: memref<1024x1xf32, #tpu.memory_space<vmem>>, %arg5: memref<1024x16xf32, #tpu.memory_space<vmem>>, %arg6: memref<1024x1xf32, #tpu.memory_space<vmem>>) attributes {dimension_semantics = [#tpu.dimension_semantics<arbitrary>], iteration_bounds = array<i64: 10>, scalar_prefetch = 0 : i64, scratch_operands = 0 : i64, tpu.core_type = #tpu.core_type<tc>, window_params = [{transform_indices = @transform_0, window_bounds = array<i64: 1024, 128>}, {pipeline_mode = #tpu.pipeline_mode<synchronous>, transform_indices = @transform_1, window_bounds = array<i64: 128, 16>}, {transform_indices = @transform_2, window_bounds = array<i64: 1024, 1>}, {transform_indices = @transform_3, window_bounds = array<i64: 1024, 1>}, {transform_indices = @transform_4, window_bounds = array<i64: 1024, 16>}, {transform_indices = @transform_5, window_bounds = array<i64: 1024, 1>}]} {
    %get3A = arith.constant 0 : index
    %get3A_0 = arith.constant 0 : index
    %get3A_1 = vector.load %arg3[%get3A, %get3A_0] : memref<1024x1xf32, #tpu.memory_space<vmem>>, vector<1024x1xf32>
    %get3A_2 = arith.constant 0 : index
    %get3A_3 = arith.constant 0 : index
    %get3A_4 = vector.load %arg4[%get3A_2, %get3A_3] : memref<1024x1xf32, #tpu.memory_space<vmem>>, vector<1024x1xf32>
    %add3A = arith.addf %get3A_1, %get3A_4 : vector<1024x1xf32>
    %add3A_5 = arith.constant 1.000000e+00 : f32
    %add3A_6 = vector.broadcast %add3A_5 : f32 to vector<1024x1xf32>
    %add3A_7 = arith.addf %add3A, %add3A_6 : vector<1024x1xf32>
    %rsqrt3A = math.rsqrt %add3A_7 : vector<1024x1xf32>
    %get3A_8 = arith.constant 0 : index
    %get3A_9 = arith.constant 0 : index
    %get3A_10 = vector.load %arg1[%get3A_8, %get3A_9] : memref<1024x128xf32, #tpu.memory_space<vmem>>, vector<1024x128xf32>
    %get3A_11 = arith.constant 0 : index
    %get3A_12 = arith.constant 0 : index
    %get3A_13 = vector.load %arg2[%get3A_11, %get3A_12] : memref<128x16xf32, #tpu.memory_space<vmem>>, vector<128x16xf32>
    %dot_general3A = arith.constant dense<0.000000e+00> : vector<1024x16xf32>
    %dot_general3A_14 = tpu.matmul %get3A_10, %get3A_13, %dot_general3A {dimension_numbers = #tpu.dot_dimension_numbers<[1], [0], [0], [1], [0, 0, 1, 1], [], []>, transpose_lhs_hint = false} : vector<1024x128xf32>, vector<128x16xf32>, vector<1024x16xf32> -> vector<1024x16xf32>
    %mul3A = vector.broadcast %rsqrt3A : vector<1024x1xf32> to vector<1024x16xf32>
    %mul3A_15 = arith.mulf %dot_general3A_14, %mul3A : vector<1024x16xf32>
    %swap3A = arith.constant 0 : index
    %swap3A_16 = arith.constant 0 : index
    %swap3A_17 = vector.load %arg5[%swap3A, %swap3A_16] : memref<1024x16xf32, #tpu.memory_space<vmem>>, vector<1024x16xf32>
    tpu.vector_store %arg5[%swap3A, %swap3A_16], %mul3A_15 {strides = array<i32>} : memref<1024x16xf32, #tpu.memory_space<vmem>>, vector<1024x16xf32>,
    %swap3A_18 = arith.constant 0 : index
    %swap3A_19 = arith.constant 0 : index
    %swap3A_20 = vector.load %arg6[%swap3A_18, %swap3A_19] : memref<1024x1xf32, #tpu.memory_space<vmem>>, vector<1024x1xf32>
    tpu.vector_store %arg6[%swap3A_18, %swap3A_19], %rsqrt3A {strides = array<i32>} : memref<1024x1xf32, #tpu.memory_space<vmem>>, vector<1024x1xf32>,
    return
  }
  func.func @transform_0(%arg0: i32) -> (i32, i32) {
    %c0_i32 = arith.constant 0 : i32
    %c0_i32_0 = arith.constant 0 : i32
    return %arg0, %c0_i32 : i32, i32
  }
  func.func @transform_1(%arg0: i32) -> (i32, i32) {
    %c0_i32 = arith.constant 0 : i32
    %c0_i32_0 = arith.constant 0 : i32
    %c0_i32_1 = arith.constant 0 : i32
    return %c0_i32, %c0_i32_0 : i32, i32
  }
  func.func @transform_2(%arg0: i32) -> (i32, i32) {
    %c0_i32 = arith.constant 0 : i32
    %c0_i32_0 = arith.constant 0 : i32
    return %arg0, %c0_i32 : i32, i32
  }
  func.func @transform_3(%arg0: i32) -> (i32, i32) {
    %c0_i32 = arith.constant 0 : i32
    %c0_i32_0 = arith.constant 0 : i32
    return %arg0, %c0_i32 : i32, i32
  }
  func.func @transform_4(%arg0: i32) -> (i32, i32) {
    %c0_i32 = arith.constant 0 : i32
    %c0_i32_0 = arith.constant 0 : i32
    return %arg0, %c0_i32 : i32, i32
  }
  func.func @transform_5(%arg0: i32) -> (i32, i32) {
    %c0_i32 = arith.constant 0 : i32
    %c0_i32_0 = arith.constant 0 : i32
    return %arg0, %c0_i32 : i32, i32
  }
}

module attributes {stable_mosaic.version = 14 : i64} {
  func.func @tc_stage2(%arg0: i32, %arg1: memref<1024x16xf32, #tpu.memory_space<vmem>>, %arg2: memref<1024x16xf32, #tpu.memory_space<vmem>>, %arg3: memref<1024x16xf32, #tpu.memory_space<vmem>>, %arg4: memref<1024x1xf32, #tpu.memory_space<vmem>>, %arg5: memref<1x16xf32, #tpu.memory_space<vmem>>, %arg6: memref<16x32xf32, #tpu.memory_space<vmem>>, %arg7: memref<1024x32xf32, #tpu.memory_space<vmem>>) attributes {dimension_semantics = [#tpu.dimension_semantics<arbitrary>], iteration_bounds = array<i64: 10>, scalar_prefetch = 0 : i64, scratch_operands = 0 : i64, tpu.core_type = #tpu.core_type<tc>, window_params = [{transform_indices = @transform_0, window_bounds = array<i64: 1024, 16>}, {transform_indices = @transform_1, window_bounds = array<i64: 1024, 16>}, {transform_indices = @transform_2, window_bounds = array<i64: 1024, 16>}, {transform_indices = @transform_3, window_bounds = array<i64: 1024, 1>}, {pipeline_mode = #tpu.pipeline_mode<synchronous>, transform_indices = @transform_4, window_bounds = array<i64: 1, 16>}, {pipeline_mode = #tpu.pipeline_mode<synchronous>, transform_indices = @transform_5, window_bounds = array<i64: 16, 32>}, {transform_indices = @transform_6, window_bounds = array<i64: 1024, 32>}]} {
    %get3A = arith.constant 0 : index
    %get3A_0 = arith.constant 0 : index
    %get3A_1 = vector.load %arg4[%get3A, %get3A_0] : memref<1024x1xf32, #tpu.memory_space<vmem>>, vector<1024x1xf32>
    %get3A_2 = arith.constant 0 : index
    %get3A_3 = arith.constant 0 : index
    %get3A_4 = vector.load %arg1[%get3A_2, %get3A_3] : memref<1024x16xf32, #tpu.memory_space<vmem>>, vector<1024x16xf32>
    %get3A_5 = arith.constant 0 : index
    %get3A_6 = arith.constant 0 : index
    %get3A_7 = vector.load %arg2[%get3A_5, %get3A_6] : memref<1024x16xf32, #tpu.memory_space<vmem>>, vector<1024x16xf32>
    %add3A = arith.addf %get3A_4, %get3A_7 : vector<1024x16xf32>
    %get3A_8 = arith.constant 0 : index
    %get3A_9 = arith.constant 0 : index
    %get3A_10 = vector.load %arg3[%get3A_8, %get3A_9] : memref<1024x16xf32, #tpu.memory_space<vmem>>, vector<1024x16xf32>
    %add3A_11 = arith.addf %add3A, %get3A_10 : vector<1024x16xf32>
    %mul3A = vector.broadcast %get3A_1 : vector<1024x1xf32> to vector<1024x16xf32>
    %mul3A_12 = arith.mulf %mul3A, %add3A_11 : vector<1024x16xf32>
    %get3A_13 = arith.constant 0 : index
    %get3A_14 = arith.constant 0 : index
    %get3A_15 = vector.load %arg5[%get3A_13, %get3A_14] : memref<1x16xf32, #tpu.memory_space<vmem>>, vector<1x16xf32>
    %add3A_16 = vector.broadcast %get3A_15 : vector<1x16xf32> to vector<1024x16xf32>
    %add3A_17 = arith.addf %mul3A_12, %add3A_16 : vector<1024x16xf32>
    %max3A = arith.constant 0.000000e+00 : f32
    %max3A_18 = vector.broadcast %max3A : f32 to vector<1024x16xf32>
    %max3A_19 = arith.maximumf %add3A_17, %max3A_18 : vector<1024x16xf32>
    %get3A_20 = arith.constant 0 : index
    %get3A_21 = arith.constant 0 : index
    %get3A_22 = vector.load %arg6[%get3A_20, %get3A_21] : memref<16x32xf32, #tpu.memory_space<vmem>>, vector<16x32xf32>
    %dot_general3A = arith.constant dense<0.000000e+00> : vector<1024x32xf32>
    %dot_general3A_23 = tpu.matmul %max3A_19, %get3A_22, %dot_general3A {dimension_numbers = #tpu.dot_dimension_numbers<[1], [0], [0], [1], [0, 0, 1, 1], [], []>, transpose_lhs_hint = false} : vector<1024x16xf32>, vector<16x32xf32>, vector<1024x32xf32> -> vector<1024x32xf32>
    %get3A_24 = arith.constant 0 : index
    %get3A_25 = arith.constant 0 : index
    %get3A_26 = vector.load %arg4[%get3A_24, %get3A_25] : memref<1024x1xf32, #tpu.memory_space<vmem>>, vector<1024x1xf32>
    %mul3A_27 = vector.broadcast %get3A_26 : vector<1024x1xf32> to vector<1024x32xf32>
    %mul3A_28 = arith.mulf %dot_general3A_23, %mul3A_27 : vector<1024x32xf32>
    %mul3A_29 = arith.constant 1024 : i32
    %mul3A_30 = arith.muli %arg0, %mul3A_29 : i32
    %iota3A = tpu.iota {dimensions = array<i32: 0>} : vector<1024x1xi32>
    %add3A_31 = vector.broadcast %mul3A_30 : i32 to vector<1024x1xi32>
    %add3A_32 = arith.addi %add3A_31, %iota3A : vector<1024x1xi32>
    %lt3A = arith.constant 10000 : i32
    %lt3A_33 = vector.broadcast %lt3A : i32 to vector<1024x1xi32>
    %lt3A_34 = arith.cmpi slt, %add3A_32, %lt3A_33 : vector<1024x1xi32>
    %jit3A = arith.constant 0.000000e+00 : f32
    %broadcast_in_dim3A = vector.shape_cast %lt3A_34 : vector<1024x1xi1> to vector<1024x1xi1>
    %broadcast_in_dim3A_35 = vector.broadcast %broadcast_in_dim3A : vector<1024x1xi1> to vector<1024x32xi1>
    %broadcast_in_dim3A_36 = vector.broadcast %jit3A : f32 to vector<1024x32xf32>
    %select_n3A = arith.select %broadcast_in_dim3A_35, %mul3A_28, %broadcast_in_dim3A_36 : vector<1024x32xi1>, vector<1024x32xf32>
    %swap3A = arith.constant 0 : index
    %swap3A_37 = arith.constant 0 : index
    %swap3A_38 = vector.load %arg7[%swap3A, %swap3A_37] : memref<1024x32xf32, #tpu.memory_space<vmem>>, vector<1024x32xf32>
    tpu.vector_store %arg7[%swap3A, %swap3A_37], %select_n3A {strides = array<i32>} : memref<1024x32xf32, #tpu.memory_space<vmem>>, vector<1024x32xf32>,
    return
  }
  func.func @transform_0(%arg0: i32) -> (i32, i32) {
    %c0_i32 = arith.constant 0 : i32
    %c0_i32_0 = arith.constant 0 : i32
    return %arg0, %c0_i32 : i32, i32
  }
  func.func @transform_1(%arg0: i32) -> (i32, i32) {
    %c0_i32 = arith.constant 0 : i32
    %c0_i32_0 = arith.constant 0 : i32
    return %arg0, %c0_i32 : i32, i32
  }
  func.func @transform_2(%arg0: i32) -> (i32, i32) {
    %c0_i32 = arith.constant 0 : i32
    %c0_i32_0 = arith.constant 0 : i32
    return %arg0, %c0_i32 : i32, i32
  }
  func.func @transform_3(%arg0: i32) -> (i32, i32) {
    %c0_i32 = arith.constant 0 : i32
    %c0_i32_0 = arith.constant 0 : i32
    return %arg0, %c0_i32 : i32, i32
  }
  func.func @transform_4(%arg0: i32) -> (i32, i32) {
    %c0_i32 = arith.constant 0 : i32
    %c0_i32_0 = arith.constant 0 : i32
    %c0_i32_1 = arith.constant 0 : i32
    return %c0_i32, %c0_i32_0 : i32, i32
  }
  func.func @transform_5(%arg0: i32) -> (i32, i32) {
    %c0_i32 = arith.constant 0 : i32
    %c0_i32_0 = arith.constant 0 : i32
    %c0_i32_1 = arith.constant 0 : i32
    return %c0_i32, %c0_i32_0 : i32, i32
  }
  func.func @transform_6(%arg0: i32) -> (i32, i32) {
    %c0_i32 = arith.constant 0 : i32
    %c0_i32_0 = arith.constant 0 : i32
    return %arg0, %c0_i32 : i32, i32
  }
}

module attributes {stable_mosaic.version = 14 : i64} {
  func.func @tc_ddi(%arg0: memref<1024x1032xf32, #tpu.memory_space<vmem>>, %arg1: memref<1032x64xf32, #tpu.memory_space<vmem>>, %arg2: memref<1x64xf32, #tpu.memory_space<vmem>>, %arg3: memref<64x16xf32, #tpu.memory_space<vmem>>, %arg4: memref<1x16xf32, #tpu.memory_space<vmem>>, %arg5: memref<16x1xf32, #tpu.memory_space<vmem>>, %arg6: memref<1x1xf32, #tpu.memory_space<vmem>>, %arg7: memref<1024x1xf32, #tpu.memory_space<vmem>>) attributes {dimension_semantics = [], scalar_prefetch = 0 : i64, scratch_operands = 0 : i64, tpu.core_type = #tpu.core_type<tc>} {
    %get3A = arith.constant 0 : index
    %get3A_0 = arith.constant 0 : index
    %get3A_1 = vector.load %arg0[%get3A, %get3A_0] : memref<1024x1032xf32, #tpu.memory_space<vmem>>, vector<1024x1032xf32>
    %get3A_2 = arith.constant 0 : index
    %get3A_3 = arith.constant 0 : index
    %get3A_4 = vector.load %arg1[%get3A_2, %get3A_3] : memref<1032x64xf32, #tpu.memory_space<vmem>>, vector<1032x64xf32>
    %dot_general3A = arith.constant dense<0.000000e+00> : vector<1024x64xf32>
    %dot_general3A_5 = tpu.matmul %get3A_1, %get3A_4, %dot_general3A {dimension_numbers = #tpu.dot_dimension_numbers<[1], [0], [0], [1], [0, 0, 1, 1], [], []>, transpose_lhs_hint = false} : vector<1024x1032xf32>, vector<1032x64xf32>, vector<1024x64xf32> -> vector<1024x64xf32>
    %get3A_6 = arith.constant 0 : index
    %get3A_7 = arith.constant 0 : index
    %get3A_8 = vector.load %arg2[%get3A_6, %get3A_7] : memref<1x64xf32, #tpu.memory_space<vmem>>, vector<1x64xf32>
    %add3A = vector.broadcast %get3A_8 : vector<1x64xf32> to vector<1024x64xf32>
    %add3A_9 = arith.addf %dot_general3A_5, %add3A : vector<1024x64xf32>
    %max3A = arith.constant 0.000000e+00 : f32
    %max3A_10 = vector.broadcast %max3A : f32 to vector<1024x64xf32>
    %max3A_11 = arith.maximumf %add3A_9, %max3A_10 : vector<1024x64xf32>
    %get3A_12 = arith.constant 0 : index
    %get3A_13 = arith.constant 0 : index
    %get3A_14 = vector.load %arg3[%get3A_12, %get3A_13] : memref<64x16xf32, #tpu.memory_space<vmem>>, vector<64x16xf32>
    %dot_general3A_15 = arith.constant dense<0.000000e+00> : vector<1024x16xf32>
    %dot_general3A_16 = tpu.matmul %max3A_11, %get3A_14, %dot_general3A_15 {dimension_numbers = #tpu.dot_dimension_numbers<[1], [0], [0], [1], [0, 0, 1, 1], [], []>, transpose_lhs_hint = false} : vector<1024x64xf32>, vector<64x16xf32>, vector<1024x16xf32> -> vector<1024x16xf32>
    %get3A_17 = arith.constant 0 : index
    %get3A_18 = arith.constant 0 : index
    %get3A_19 = vector.load %arg4[%get3A_17, %get3A_18] : memref<1x16xf32, #tpu.memory_space<vmem>>, vector<1x16xf32>
    %add3A_20 = vector.broadcast %get3A_19 : vector<1x16xf32> to vector<1024x16xf32>
    %add3A_21 = arith.addf %dot_general3A_16, %add3A_20 : vector<1024x16xf32>
    %max3A_22 = arith.constant 0.000000e+00 : f32
    %max3A_23 = vector.broadcast %max3A_22 : f32 to vector<1024x16xf32>
    %max3A_24 = arith.maximumf %add3A_21, %max3A_23 : vector<1024x16xf32>
    %get3A_25 = arith.constant 0 : index
    %get3A_26 = arith.constant 0 : index
    %get3A_27 = vector.load %arg5[%get3A_25, %get3A_26] : memref<16x1xf32, #tpu.memory_space<vmem>>, vector<16x1xf32>
    %dot_general3A_28 = arith.constant dense<0.000000e+00> : vector<1024x1xf32>
    %dot_general3A_29 = tpu.matmul %max3A_24, %get3A_27, %dot_general3A_28 {dimension_numbers = #tpu.dot_dimension_numbers<[1], [0], [0], [1], [0, 0, 1, 1], [], []>, transpose_lhs_hint = false} : vector<1024x16xf32>, vector<16x1xf32>, vector<1024x1xf32> -> vector<1024x1xf32>
    %get3A_30 = arith.constant 0 : index
    %get3A_31 = arith.constant 0 : index
    %get3A_32 = vector.load %arg6[%get3A_30, %get3A_31] : memref<1x1xf32, #tpu.memory_space<vmem>>, vector<1x1xf32>
    %add3A_33 = vector.broadcast %get3A_32 : vector<1x1xf32> to vector<1024x1xf32>
    %add3A_34 = arith.addf %dot_general3A_29, %add3A_33 : vector<1024x1xf32>
    %max3A_35 = arith.constant 0.000000e+00 : f32
    %max3A_36 = vector.broadcast %max3A_35 : f32 to vector<1024x1xf32>
    %max3A_37 = arith.maximumf %add3A_34, %max3A_36 : vector<1024x1xf32>
    %swap3A = arith.constant 0 : index
    %swap3A_38 = arith.constant 0 : index
    %swap3A_39 = vector.load %arg7[%swap3A, %swap3A_38] : memref<1024x1xf32, #tpu.memory_space<vmem>>, vector<1024x1xf32>
    tpu.vector_store %arg7[%swap3A, %swap3A_38], %max3A_37 {strides = array<i32>} : memref<1024x1xf32, #tpu.memory_space<vmem>>, vector<1024x1xf32>,
    return
  }
}

module attributes {stable_mosaic.version = 14 : i64} {
  func.func @tc_stage3(%arg0: i32, %arg1: memref<1024x32xf32, #tpu.memory_space<vmem>>, %arg2: memref<1024x32xf32, #tpu.memory_space<vmem>>, %arg3: memref<1024x32xf32, #tpu.memory_space<vmem>>, %arg4: memref<1024x1xf32, #tpu.memory_space<vmem>>, %arg5: memref<1x32xf32, #tpu.memory_space<vmem>>, %arg6: memref<1024x32xf32, #tpu.memory_space<vmem>>) attributes {dimension_semantics = [#tpu.dimension_semantics<arbitrary>], iteration_bounds = array<i64: 10>, scalar_prefetch = 0 : i64, scratch_operands = 0 : i64, tpu.core_type = #tpu.core_type<tc>, window_params = [{transform_indices = @transform_0, window_bounds = array<i64: 1024, 32>}, {transform_indices = @transform_1, window_bounds = array<i64: 1024, 32>}, {transform_indices = @transform_2, window_bounds = array<i64: 1024, 32>}, {transform_indices = @transform_3, window_bounds = array<i64: 1024, 1>}, {pipeline_mode = #tpu.pipeline_mode<synchronous>, transform_indices = @transform_4, window_bounds = array<i64: 1, 32>}, {transform_indices = @transform_5, window_bounds = array<i64: 1024, 32>}]} {
    %get3A = arith.constant 0 : index
    %get3A_0 = arith.constant 0 : index
    %get3A_1 = vector.load %arg4[%get3A, %get3A_0] : memref<1024x1xf32, #tpu.memory_space<vmem>>, vector<1024x1xf32>
    %get3A_2 = arith.constant 0 : index
    %get3A_3 = arith.constant 0 : index
    %get3A_4 = vector.load %arg1[%get3A_2, %get3A_3] : memref<1024x32xf32, #tpu.memory_space<vmem>>, vector<1024x32xf32>
    %get3A_5 = arith.constant 0 : index
    %get3A_6 = arith.constant 0 : index
    %get3A_7 = vector.load %arg2[%get3A_5, %get3A_6] : memref<1024x32xf32, #tpu.memory_space<vmem>>, vector<1024x32xf32>
    %add3A = arith.addf %get3A_4, %get3A_7 : vector<1024x32xf32>
    %get3A_8 = arith.constant 0 : index
    %get3A_9 = arith.constant 0 : index
    %get3A_10 = vector.load %arg3[%get3A_8, %get3A_9] : memref<1024x32xf32, #tpu.memory_space<vmem>>, vector<1024x32xf32>
    %add3A_11 = arith.addf %add3A, %get3A_10 : vector<1024x32xf32>
    %mul3A = vector.broadcast %get3A_1 : vector<1024x1xf32> to vector<1024x32xf32>
    %mul3A_12 = arith.mulf %mul3A, %add3A_11 : vector<1024x32xf32>
    %get3A_13 = arith.constant 0 : index
    %get3A_14 = arith.constant 0 : index
    %get3A_15 = vector.load %arg5[%get3A_13, %get3A_14] : memref<1x32xf32, #tpu.memory_space<vmem>>, vector<1x32xf32>
    %add3A_16 = vector.broadcast %get3A_15 : vector<1x32xf32> to vector<1024x32xf32>
    %add3A_17 = arith.addf %mul3A_12, %add3A_16 : vector<1024x32xf32>
    %max3A = arith.constant 0.000000e+00 : f32
    %max3A_18 = vector.broadcast %max3A : f32 to vector<1024x32xf32>
    %max3A_19 = arith.maximumf %add3A_17, %max3A_18 : vector<1024x32xf32>
    %swap3A = arith.constant 0 : index
    %swap3A_20 = arith.constant 0 : index
    %swap3A_21 = vector.load %arg6[%swap3A, %swap3A_20] : memref<1024x32xf32, #tpu.memory_space<vmem>>, vector<1024x32xf32>
    tpu.vector_store %arg6[%swap3A, %swap3A_20], %max3A_19 {strides = array<i32>} : memref<1024x32xf32, #tpu.memory_space<vmem>>, vector<1024x32xf32>,
    return
  }
  func.func @transform_0(%arg0: i32) -> (i32, i32) {
    %c0_i32 = arith.constant 0 : i32
    %c0_i32_0 = arith.constant 0 : i32
    return %arg0, %c0_i32 : i32, i32
  }
  func.func @transform_1(%arg0: i32) -> (i32, i32) {
    %c0_i32 = arith.constant 0 : i32
    %c0_i32_0 = arith.constant 0 : i32
    return %arg0, %c0_i32 : i32, i32
  }
  func.func @transform_2(%arg0: i32) -> (i32, i32) {
    %c0_i32 = arith.constant 0 : i32
    %c0_i32_0 = arith.constant 0 : i32
    return %arg0, %c0_i32 : i32, i32
  }
  func.func @transform_3(%arg0: i32) -> (i32, i32) {
    %c0_i32 = arith.constant 0 : i32
    %c0_i32_0 = arith.constant 0 : i32
    return %arg0, %c0_i32 : i32, i32
  }
  func.func @transform_4(%arg0: i32) -> (i32, i32) {
    %c0_i32 = arith.constant 0 : i32
    %c0_i32_0 = arith.constant 0 : i32
    %c0_i32_1 = arith.constant 0 : i32
    return %c0_i32, %c0_i32_0 : i32, i32
  }
  func.func @transform_5(%arg0: i32) -> (i32, i32) {
    %c0_i32 = arith.constant 0 : i32
    %c0_i32_0 = arith.constant 0 : i32
    return %arg0, %c0_i32 : i32, i32
  }
}

</mosaic_0001>

<sc_bundles>
// kernel: sc_degree.3.cloned.1.call-start
scs
__scs_entry_jumppad:
0x0: {  	(pc) =	sbr.rel $0x88, $3  }
0x1: {  	(tag) =	ssettag $0x0;
	lr =	simm.s32 $0x1  }
0x2: {  	[smem:$0x3F94] =	sst lr;
	_ =	strace $0xD0000000  }
0x3: {  	_ = 	snop  }
0x4: {  	_ = 	snop  }
0x5: {  	_ = 	snop  }
0x6: {  	_ = 	snop  }
0x7: {  	_ = 	snop  }
__scs_overlays_trampoline_lowered:
0x8: {  	[smem:$0x3FA3] =	sst s0  }
0x9: {  	[smem:$0x3FA4] =	sst s1  }
0xa: {  	[smem:$0x3FA5] =	sst s2  }
0xb: {  	[smem:$0x3FA6] =	sst s3  }
0xc: {  	[smem:$0x3FA7] =	sst s4  }
0xd: {  	[smem:$0x3FA8] =	sst s5  }
0xe: {  	[smem:$0x3FA9] =	sst s6  }
0xf: {  	[smem:$0x3FAA] =	sst s7  }
0x10: {  	[smem:$0x3FAB] =	sst s8  }
0x11: {  	[smem:$0x3FAC] =	sst s9;
	s0 =	simm.s32 @!p0 $0x0  }
0x12: {  	s1 =	sld [smem:$0x3F92];
	s0 =	simm.s32 @p0 $0x1  }
0x13: {  	[smem:$0x3FAD] =	sst s0;
	s0 =	simm.s32 @!p1 $0x0  }
0x14: {  	s2 =	sld [smem:$0x3F91];
	s0 =	simm.s32 @p1 $0x1  }
0x15: {  	[smem:$0x3FAE] =	sst s0;
	s0 =	simm.s32 @!p2 $0x0  }
0x16: {  	s3 =	sld [smem:$0x3FDB];
	s0 =	simm.s32 @p2 $0x1  }
0x17: {  	s4 =	simm.s32 $0x1BF5;
	[smem:$0x3FB0] =	sst s0  }
0x18: {  	s0 =	sld [smem:$0x3F93];
	_ =	swait.ge [sflag:s4], $0x0  }
0x19: {  	s7 =	sld [smem:$0x3F94]  }
0x1a: {  	s8 =	sadd.s32 $0xFFFFE003, lr  }
0x1b: {  	s9 =	sadd.s32 $0xFFFFFEF7, lr;
	s5 =	simm.s32 $0xFFFFFFFF;
	p2 =	slt.u32 s8, $0xFFFFF086  }
0x1c: {  	p1 =	slt.u32 s9, $0xF7A;
	s5 =	simm.s32 @!p2 $0x0  }
0x1d: {  	s5 =	simm.s32 @p1 $0x1;
	p0 =	seq.s32 s7, s2  }
0x1e: {  	s7 =	smul.u32 @!p0 $0xF7A, s2;
	p2 =	seq.s32 @!p0 s5, $0x0  }
0x1f: {  	s9 =	smul.u32 $0xF7A, s1;
	s8 =	simm.s32 @!p0 $0x1BF5;
	p2 =	por !p2, p0  }
0x20: {  	[sflag:s8] =	ssyncset.s32 @!p0 $0xFFFFF086;
	s6 =	sadd.s32 @!p0 s3, s7;
	s7 =	simm.s32 @!p0 $0x108  }
0x21: {  	s3 =	sadd.s32 s3, s9;
	s6 =	sadd.s32 @!p0 $0x88, s6;
	s7 =	simm.s32 @p2 $0x1082  }
0x22: {  	[simem:s7], [sflag:s8] =	dma.local @!p0 [hbm:s6], $0xF7A  }
0x23: {  	s9 =	sor.u32 $0xD0000000, s2;
	s6 =	simm.s32 $0x108;
	_ =	swait.ge @!p0 [sflag:s8], $0x0  }
0x24: {  	s3 =	sadd.s32 $0x88, s3;
	s6 =	simm.s32 @!p1 $0x1082;
	[sflag:s4] =	ssyncset.s32 $0xFFFFF086  }
0x25: {  	[simem:s6], [sflag:s4] =	dma.local [hbm:s3], $0xF7A  }
0x26: {  	[smem:$0x3F94] =	sst s1;
	(tag) =	ssettag s2;
	_ =	strace s9  }
0x27: {  	s1 =	sld [smem:$0x3FA4]  }
0x28: {  	s2 =	sld [smem:$0x3FA5]  }
0x29: {  	s4 =	sld [smem:$0x3FA7]  }
0x2a: {  	p0 =	seq.s32 s5, $0x0;
	s5 =	sld [smem:$0x3FA8]  }
0x2b: {  	s6 =	sld [smem:$0x3FA9]  }
0x2c: {  	s7 =	sld [smem:$0x3FAA]  }
0x2d: {  	s3 =	simm.s32 $0x108;
	s8 =	sld [smem:$0x3FAB]  }
0x2e: {  	s3 =	simm.s32 @!p0 $0x1082;
	s9 =	sld [smem:$0x3FAC]  }
0x2f: {  	lr =	sadd.s32 s0, s3;
	s0 =	sld [smem:$0x3FA3]  }
0x30: {  	s3 =	sld [smem:$0x3FA6]  }
0x31: {  	[smem:$0x3FAF] =	sst s10  }
0x32: {  	s10 =	sld [smem:$0x3FAD];
	_ =	sdelay $0x3  }
0x33: {  	p0 =	seq.s32 s10, $0x1;
	s10 =	sld [smem:$0x3FAF];
	_ =	sdelay $0x3  }
0x34: {  	[smem:$0x3FAF] =	sst s10  }
0x35: {  	s10 =	sld [smem:$0x3FAE];
	_ =	sdelay $0x3  }
0x36: {  	p1 =	seq.s32 s10, $0x1;
	s10 =	sld [smem:$0x3FAF];
	_ =	sdelay $0x3  }
0x37: {  	[smem:$0x3FAF] =	sst s10  }
0x38: {  	s10 =	sld [smem:$0x3FB0]  }
0x39: {  	_ = 	snop;
	(pc) =	sbr.ind lr, $3  }
0x3a: {  	_ = 	snop  }
0x3b: {  	_ = 	snop  }
0x3c: {  	p2 =	seq.s32 s10, $0x1;
	s10 =	sld [smem:$0x3FAF]  }
0x3d: {  	_ =	shalt  }
0x3e: {  	_ =	shalt  }
0x3f: {  	_ =	shalt  }
0x40: {  	_ =	shalt  }
0x41: {  	_ =	shalt  }
0x42: {  	_ =	shalt  }
0x43: {  	_ =	shalt  }
0x44: {  	_ =	shalt  }
0x45: {  	_ =	shalt  }
0x46: {  	_ =	shalt  }
0x47: {  	_ =	shalt  }
0x48: {  	_ =	shalt  }
0x49: {  	_ =	shalt  }
0x4a: {  	_ =	shalt  }
0x4b: {  	_ =	shalt  }
0x4c: {  	_ =	shalt  }
0x4d: {  	_ =	shalt  }
0x4e: {  	_ =	shalt  }
0x4f: {  	_ =	shalt  }
0x50: {  	_ =	shalt  }
0x51: {  	_ =	shalt  }
0x52: {  	_ =	shalt  }
0x53: {  	_ =	shalt  }
0x54: {  	_ =	shalt  }
0x55: {  	_ =	shalt  }
0x56: {  	_ =	shalt  }
0x57: {  	_ =	shalt  }
0x58: {  	_ =	shalt  }
0x59: {  	_ =	shalt  }
0x5a: {  	_ =	shalt  }
0x5b: {  	_ =	shalt  }
0x5c: {  	_ =	shalt  }
0x5d: {  	_ =	shalt  }
0x5e: {  	_ =	shalt  }
0x5f: {  	_ =	shalt  }
0x60: {  	_ =	shalt  }
0x61: {  	_ =	shalt  }
0x62: {  	_ =	shalt  }
0x63: {  	_ =	shalt  }
0x64: {  	_ =	shalt  }
0x65: {  	_ =	shalt  }
0x66: {  	_ =	shalt  }
0x67: {  	_ =	shalt  }
0x68: {  	_ =	shalt  }
0x69: {  	_ =	shalt  }
0x6a: {  	_ =	shalt  }
0x6b: {  	_ =	shalt  }
0x6c: {  	_ =	shalt  }
0x6d: {  	_ =	shalt  }
0x6e: {  	_ =	shalt  }
0x6f: {  	_ =	shalt  }
0x70: {  	_ =	shalt  }
0x71: {  	_ =	shalt  }
0x72: {  	_ =	shalt  }
0x73: {  	_ =	shalt  }
0x74: {  	_ =	shalt  }
0x75: {  	_ =	shalt  }
0x76: {  	_ =	shalt  }
0x77: {  	_ =	shalt  }
0x78: {  	_ =	shalt  }
0x79: {  	_ =	shalt  }
0x7a: {  	_ =	shalt  }
0x7b: {  	_ =	shalt  }
0x7c: {  	_ =	shalt  }
0x7d: {  	_ =	shalt  }
0x7e: {  	_ =	shalt  }
0x7f: {  	_ =	shalt  }
0x80: {  	_ =	shalt  }
0x81: {  	_ =	shalt  }
0x82: {  	_ =	shalt  }
0x83: {  	_ =	shalt  }
0x84: {  	_ =	shalt  }
0x85: {  	_ =	shalt  }
0x86: {  	_ =	shalt  }
0x87: {  	_ =	shalt  }
.Lfunc_end0:
.L_simem_size_0:
called_computation_lowered:
.L_overlay_start_0:
0x88: {  	s2 =	sld [smem:$0x3FD9]  }
0x89: {  	s3 =	sld [smem:$0x3FFE];
	_ =	sdelay $0x1  }
0x8a: {  	s1 =	srdreg.scid  }
0x8b: {  	s0 =	sand.u32 $0x1, s1  }
0x8c: {  	s14 =	sshll.u32 s0, $0xA;
	s2 =	sadd.s32 s3, s2  }
0x8d: {  	s2 =	sadd.s32 s2, s14  }
0x8e: {  	[smem:$0x3FBB] =	sst s2  }
0x8f: {  	_ = 	snop  }
0x90: {  	s2 =	sld [smem:$0x3FD0];
	_ =	sdelay $0x2  }
0x91: {  	s15 =	simm.s32 $0xA;
	s4 =	simm.s32 $0x10  }
0x92: {  	[smem:s4], [sflag:s15] =	dma.local [hbm:s2], $0x1  }
0x93: {  	_ =	swait.eq [sflag:s15], $0x1  }
0x94: {  	[sflag:s15] =	ssyncset.done $0x0  }
0x95: {  	[sflag:s15] =	ssyncadd.s32 $0xFFFFFFFF  }
0x96: {  	s16 =	sld [smem:$0x10];
	(tm) =	ssettm $0x1  }
0x97: {  	s17 =	sld [smem:$0x3FFB];
	_ =	sdelay $0x3  }
0x98: {  	_ =	strace s17  }
0x99: {  	s3 =	sld [smem:$0x3FFC];
	_ =	sdelay $0x3  }
0x9a: {  	_ =	strace s3  }
0x9b: {  	s3 =	sld [smem:$0x3FFD];
	_ =	sdelay $0x3  }
0x9c: {  	_ =	strace s3  }
0x9d: {  	_ =	strace $0x8FFFFFFF  }
0x9e: {  	s18 =	sld [smem:$0x3FDB];
	_ =	sdelay $0x1  }
0x9f: {  	s19 =	simm.s32 $_scs_section_size  }
0xa0: {  	s5 =	simm.s32 $_size__tile_overlayer_lowered;
	s6 =	simm.s32 $_tile_overlayer_lowered  }
0xa1: {  	s22 =	simm.s32 $0x1BFF;
	s21 =	sshll.u32 s6, $0x1;
	s3 =	sadd.s32 s19, s18  }
0xa2: {  	s7 =	simm.s32 $0x0;
	s20 =	sshll.u32 s5, $0x1;
	s5 =	sadd.s32 s21, s3  }
0xa3: {  	[timem:s7], [sflag:s22] =	dma.local [hbm:s5], s20  }
0xa4: {  	_ =	swait.ge [sflag:s22], s20  }
0xa5: {  	s4 =	ssub.s32 $0x0, s20;
	[sflag:s22] =	ssyncset.done $0x0  }
0xa6: {  	[sflag:s22] =	ssyncadd.s32 s4;
	_ =	sdelay $0x1  }
0xa7: {  	s23 =	simm.s32 $0x1B8B  }
0xa8: {  	_ =	swait.ge [sflag:s23], $0x1  }
0xa9: {  	[sflag:s23] =	ssyncset.done $0x0  }
0xaa: {  	s25 =	simm.s32 $0x1B8E;
	s24 =	sld [smem:$0x3FFE];
	[sflag:s23] =	ssyncadd.s32 $0xFFFFFFFF  }
0xab: {  	s26 =	simm.s32 $execute0_lowered;
	[smem:$0x3FD2] =	sst s25  }
0xac: {  	s5 =	sshll.u32 s26, $0x1;
	_ =	strace $0x80000046;
	[dreg:$0x1] =	wrdreg $0xFFFFFFFF  }
0xad: {  	s28 =	simm.s32 $_size_execute0_lowered;
	s3 =	sadd.s32 s3, s5;
	[dreg:$0x0] =	wrdreg $0x0  }
0xae: {  	s5 =	sshll.u32 s28, $0x1;
	[dreg:$0x2] =	wrdreg s3  }
0xaf: {  	[dreg:$0x3] =	wrdreg s5  }
0xb0: {  	[dreg:$0x4] =	wrdreg $0xC0  }
0xb1: {  	_ =	task [dreg:s7], $0x5FFFF  }
0xb2: {  	[dreg:$0x1] =	wrdreg $0xFFFFFFFF  }
0xb3: {  	[dreg:$0x0] =	wrdreg $0x60  }
0xb4: {  	[dreg:$0x2] =	wrdreg s24  }
0xb5: {  	[dreg:$0x3] =	wrdreg s16  }
0xb6: {  	[dreg:$0x4] =	wrdreg $0x2F000  }
0xb7: {  	[dreg:$0x5] =	wrdreg $0x9  }
0xb8: {  	_ =	task.clear_ibuf [dreg:s7], $0x6FFFF;
	_ =	strace $0x90000046  }
0xb9: {  	s29 =	simm.s32 $0x9;
	_ =	strace $0x80000048  }
0xba: {  	_ =	swait.ge [sflag:s29], $0x1  }
0xbb: {  	[sflag:s29] =	ssyncadd.s32 $0xFFFFFFFF  }
0xbc: {  	_ =	strace $0x90000048  }
0xbd: {  	_ =	sfence  }
0xbe: {  	s30 =	sld [smem:$0x0];
	_ =	sdelay $0x2  }
0xbf: {  	s31 =	sshll.u32 s1, $0xD;
	s1 =	sshrl.u32 s1, $0x2  }
0xc0: {  	s3 =	sand.u32 $0x4000, s31;
	s1 =	sadd.s32 s1, s30  }
0xc1: {  	s0 =	sor.u32 s3, s0;
	s1 =	sshll.u32 s1, $0x11  }
0xc2: {  	s0 =	sor.u32 s1, s0  }
0xc3: {  	s0 =	sadd.s32 $0x8F2B, s0  }
0xc4: {  	[sflag:s0] =	ssyncadd.remote.s32 $0x1  }
0xc5: {  	_ =	sfence.sel $0xFFFF  }
0xc6: {  	[dreg:$0x0] =	wrdreg $0xFFFFFFFF;
	(pc) =	sbr.abs _section_cstart, $3  }
0xc7: {  	[dreg:$0x1] =	wrdreg $0xFFFFFFFF  }
0xc8: {  	_ =	task.clear_ibuf [dreg:s7], $0x2FFFF;
	_ =	strace $0x9FFFFFFF  }
0xc9: {  	(tm) =	ssettm $0x7FFFFFFF  }
tec
execute0_lowered:
.L_overlay_start_1:
0x0: {  	(tag) =	ssettag $0x1  }
0x1: {  	s5 =	rddreg [dreg:$0x0]  }
0x2: {  	s6 =	rddreg [dreg:$0x1]  }
0x3: {  	s1 =	rddreg [dreg:$0x2]  }
0x4: {  	s2 =	srdreg.scid;
	s0 =	rddreg [dreg:$0x3];
	s3 =	simm.s32 $0x0  }
0x5: {  	s16 =	simm.s32 $0x0;
	s10 =	sand.u32 $0x1, s2;
	s2 =	stileid.u32  }
0x6: {  	[smem:$0x7FF] =	sst s3;
	s12 =	sadd.s32 $0xDA00, s5;
	s8 =	smul.u32 $0x280, s2  }
0x7: {  	s4 =	ssub.s32 $0x2, s10;
	_ =	strace $0x80000047;
	s9 =	smul.u32 $0x2800, s10  }
0x8: {  	p0 =	seq.s32 s10, $0x0;
	s11 =	smul.u32 $0x2400, s2;
	s14 =	sshll.u32 s2, $0x6  }
0x9: {  	s31 =	smul.u32 $0x580, s2;
	s7 =	sshrl.u32 s4, $0x1;
	s14 =	sor.u32 $0x1C01, s14  }
0xa: {  	s7 =	ssub.s32 s4, s7;
	s4 =	simm.s32 $0x58;
	s29 =	sadd.s32 s8, s9  }
0xb: {  	s30 =	sshrl.u32 s11, $0x3;
	s5 =	sadd.s32 s8, s1;
	s11 =	simm.s32 $0x1  }
0xc: {  	s4 =	simm.s32 @!p0 $0x48;
	s13 =	sshrl.u32 s29, $0x3;
	s9 =	sadd.s32 s12, s30  }
0xd: {  	s7 =	smax.u32 s7, $0x1;
	p0 =	sne.s32 s10, $0x0;
	s10 =	simm.s32 $0x2C80  }
0xe: {  	s15 =	sshrl.u32 s5, $0x3;
	s6 =	sadd.s32 s6, s13;
	s8 =	sadd.s32 $0x5800, s9  }
0xf: {  	v0 =	vimm.f32 $1.000000000e+00;
	v1 =	vimm.f32 $0.0e+00;
	s9 =	sadd.s32 s31, s12;
	s12 =	simm.s32 $0x80;
	s13 =	simm.s32 $0x2C00  }
.LBB2_1:
0x10: {  	[tilespmem:$0x2C00] =	vst v0  }
0x11: {  	[tilespmem:$0x2C10] =	vst v0  }
0x12: {  	[tilespmem:$0x2C20] =	vst v0  }
0x13: {  	[tilespmem:$0x2C30] =	vst v0  }
0x14: {  	[tilespmem:$0x2C40] =	vst v0  }
0x15: {  	[tilespmem:$0x2C50] =	vst v0  }
0x16: {  	[tilespmem:$0x2C60] =	vst v0  }
0x17: {  	[tilespmem:$0x2C70] =	vst v0  }
0x18: {  	[tilespmem:$0x2C80] =	vst v1  }
0x19: {  	[tilespmem:$0x2C90] =	vst v1  }
0x1a: {  	[tilespmem:$0x2CA0] =	vst v1  }
0x1b: {  	[tilespmem:$0x2CB0] =	vst v1  }
0x1c: {  	[tilespmem:$0x2CC0] =	vst v1  }
0x1d: {  	[tilespmem:$0x2CD0] =	vst v1  }
0x1e: {  	[tilespmem:$0x2CE0] =	vst v1  }
0x1f: {  	[tilespmem:$0x2CF0] =	vst v1  }
0x20: {  	[tilespmem:$0x2D00] =	vst v1  }
0x21: {  	[tilespmem:$0x2D10] =	vst v1  }
0x22: {  	[tilespmem:$0x2D20] =	vst v1  }
0x23: {  	[tilespmem:$0x2D30] =	vst v1  }
0x24: {  	[tilespmem:$0x2D40] =	vst v1  }
0x25: {  	[tilespmem:$0x2D50] =	vst v1  }
0x26: {  	[tilespmem:$0x2D60] =	vst v1  }
0x27: {  	[tilespmem:$0x2D70] =	vst v1  }
0x28: {  	[tilespmem:$0x2D80] =	vst v1  }
0x29: {  	[tilespmem:$0x2D90] =	vst v1  }
0x2a: {  	[tilespmem:$0x2DA0] =	vst v1  }
0x2b: {  	[tilespmem:$0x2DB0] =	vst v1  }
0x2c: {  	[tilespmem:$0x2DC0] =	vst v1  }
0x2d: {  	[tilespmem:$0x2DD0] =	vst v1  }
0x2e: {  	[tilespmem:$0x2DE0] =	vst v1  }
0x2f: {  	[tilespmem:$0x2DF0] =	vst v1  }
0x30: {  	[tilespmem:$0x2E00] =	vst v1  }
0x31: {  	[tilespmem:$0x2E10] =	vst v1  }
0x32: {  	[tilespmem:$0x2E20] =	vst v1  }
0x33: {  	[tilespmem:$0x2E30] =	vst v1  }
0x34: {  	[tilespmem:$0x2E40] =	vst v1  }
0x35: {  	[tilespmem:$0x2E50] =	vst v1  }
0x36: {  	[tilespmem:$0x2E60] =	vst v1  }
0x37: {  	[tilespmem:$0x2E70] =	vst v1  }
0x38: {  	[tilespmem:$0x2E80] =	vst v1  }
0x39: {  	[tilespmem:$0x2E90] =	vst v1  }
0x3a: {  	[tilespmem:$0x2EA0] =	vst v1  }
0x3b: {  	[tilespmem:$0x2EB0] =	vst v1  }
0x3c: {  	[tilespmem:$0x2EC0] =	vst v1  }
0x3d: {  	[tilespmem:$0x2ED0] =	vst v1  }
0x3e: {  	[tilespmem:$0x2EE0] =	vst v1  }
0x3f: {  	[tilespmem:$0x2EF0] =	vst v1;
	s17 =	simm.s32 @p0 $0x0  }
0x40: {  	[tilespmem:s17], [sflag:$0x1] =	stream.linear.gather @p0 [hbm4b:s8+s17], $0x2400, $0x38;
	[tilespmem:$0x3180] =	vst v63  }
0x41: {  	s17 =	simm.s32 @p0 $0x1  }
0x42: {  	_ =	swait.ge @p0 [sflag:s17], $0x2400  }
0x43: {  	[sflag:s17] =	ssyncset.done @p0 $0x0  }
0x44: {  	[sflag:s17] =	ssyncadd.s32 @p0 $0xFFFFDC00;
	s17 =	simm.s32 @!p0 $0x0  }
0x45: {  	[tilespmem:s17], [sflag:$0x1] =	stream.linear.gather @!p0 [hbm4b:s9+s17], $0x2C00, $0x38;
	[tilespmem:$0x3180] =	vst v63  }
0x46: {  	s17 =	simm.s32 @!p0 $0x1  }
0x47: {  	_ =	swait.ge @!p0 [sflag:s17], $0x2C00  }
0x48: {  	[sflag:s17] =	ssyncset.done @!p0 $0x0  }
0x49: {  	[sflag:s17] =	ssyncadd.s32 @!p0 $0xFFFFD400  }
0x4a: {  	[spmem:s5] =	stream.linear.scatter [tilespmem:s10], [sflag:$0x1], $0x280, $0x38;
	[tilespmem:$0x3180] =	vst v63  }
0x4b: {  	_ =	swait.ge [sflag:s11], $0x280  }
0x4c: {  	p1 =	sne.s32 s4, $0x1;
	[sflag:s11] =	ssyncset.done $0x0  }
.Ltmp0:
0x4d: {  	[sflag:s11] =	ssyncadd.s32 $0xFFFFFD80;
	(pc) =	sbr.rel @!p1 .LBB2_3-.Ltmp0, $4  }
0x4e: {  	[bflag:$0x0] =	sbarrier.arrive $0xFFFF  }
0x4f: {  	[spmem:s1] =	stream.indirect.scatter.add.f32 [tilespmem:s13], [sflag:$0x1], $0x1, s3, s12, $0xb8;
	[tilespmem:$0x3180] =	vst v63  }
0x50: {  	_ =	swait.ge [sflag:s11], $0x80  }
0x51: {  	s18 =	simm.s32 $0x0;
	s17 =	sadd.s32 $0xFFFFFFFF, s4;
	[sflag:s11] =	ssyncset.done $0x0  }
.LBB2_2:
0x52: {  	p1 =	sne.s32 s17, $0x1;
	[sflag:s11] =	ssyncadd.s32 $0xFFFFFF80;
	s18 =	sadd.s32 $0x80, s18  }
.Ltmp1:
0x53: {  	s17 =	sadd.s32 $0xFFFFFFFF, s17;
	(pc) =	sbr.rel @p1 .LBB2_2-.Ltmp1, $4  }
0x54: {  	_ = 	snop  }
0x55: {  	[spmem:s1] =	stream.indirect.scatter.add.f32 [tilespmem:s13], [sflag:$0x1], $0x1, s18, s12, $0xb8;
	[tilespmem:$0x3180] =	vst v63  }
0x56: {  	_ =	swait.ge [sflag:s11], $0x80  }
0x57: {  	[sflag:s11] =	ssyncset.done $0x0  }
.LBB2_3:
0x58: {  	s16 =	sadd.s32 $0x1, s16  }
0x59: {  	[sflag:s11] =	ssyncadd.s32 $0xFFFFFF80;
	p1 =	sne.s32 s16, s7  }
.Ltmp2:
0x5a: {  	[bflag:$0x0] =	sbarrier.arrive $0xFFFF;
	(pc) =	sbr.rel @p1 .LBB2_1-.Ltmp2, $4  }
0x5b: {  	[hbm:s6], [sflag:s14] =	dma.local [spmem:s15], $0x50  }
0x5c: {  	_ =	swait.ge [sflag:s11], $0x50  }
0x5d: {  	[sflag:s11] =	ssyncset.done $0x0  }
0x5e: {  	[sflag:s11] =	ssyncadd.s32 $0xFFFFFFB0  }
0x5f: {  	_ =	sfence.sel $0x180000  }
0x60: {  	[bflag:$0x0] =	sbarrier.arrive $0xFFFF  }
0x61: {  	p0 =	sne.s32 s2, $0x0;
	_ =	strace $0x90000047  }
0x62: {  	s0 =	sadd.s32 @!p0 $0x100000, s0;
	[bflag:$0x2] =	sbarrier.arrive $0xFFFF  }
0x63: {  	[sflag:s0] =	ssyncadd.tile.s32 @!p0 $0x1;
	_ =	shalt  }
.Lfunc_end2:
_tile_overlayer_lowered:
.L_overlay_start_2:
0x64: {  	(tag) =	ssettag $0x2  }
0x65: {  	s0 =	rddreg [dreg:$0x0];
	s2 =	stileid.u32  }
0x66: {  	s1 =	rddreg [dreg:$0x1];
	p0 =	sne.s32 s2, $0x0  }
0x67: {  	s3 =	rddreg [dreg:$0x2];
	[bflag:$0x3] =	sbarrier.arrive $0xFFFF;
	s2 =	simm.s32 @!p0 $0x1C01  }
0x68: {  	[timem:s3], [sflag:s2] =	dma.local @!p0 [hbm:s0], s1  }
0x69: {  	s0 =	simm.s32 @!p0 $0x1  }
0x6a: {  	_ =	swait.ge @!p0 [sflag:s0], s1  }
0x6b: {  	s1 =	ssub.s32 @!p0 $0x0, s1;
	[sflag:s0] =	ssyncset.done @!p0 $0x0  }
0x6c: {  	[sflag:s0] =	ssyncadd.s32 @!p0 s1  }
0x6d: {  	[bflag:$0x3] =	sbarrier.arrive $0xFFFF  }
0x6e: {  	_ =	shalt  }

// kernel: sc_edge_scatter_w16.3.cloned.1.call-start
scs
__scs_entry_jumppad:
0x0: {  	(pc) =	sbr.rel $0x88, $3  }
0x1: {  	(tag) =	ssettag $0x0;
	lr =	simm.s32 $0x1  }
0x2: {  	[smem:$0x3F94] =	sst lr;
	_ =	strace $0xD0000000  }
0x3: {  	_ = 	snop  }
0x4: {  	_ = 	snop  }
0x5: {  	_ = 	snop  }
0x6: {  	_ = 	snop  }
0x7: {  	_ = 	snop  }
__scs_overlays_trampoline_lowered:
0x8: {  	[smem:$0x3FA3] =	sst s0  }
0x9: {  	[smem:$0x3FA4] =	sst s1  }
0xa: {  	[smem:$0x3FA5] =	sst s2  }
0xb: {  	[smem:$0x3FA6] =	sst s3  }
0xc: {  	[smem:$0x3FA7] =	sst s4  }
0xd: {  	[smem:$0x3FA8] =	sst s5  }
0xe: {  	[smem:$0x3FA9] =	sst s6  }
0xf: {  	[smem:$0x3FAA] =	sst s7  }
0x10: {  	[smem:$0x3FAB] =	sst s8  }
0x11: {  	[smem:$0x3FAC] =	sst s9;
	s0 =	simm.s32 @!p0 $0x0  }
0x12: {  	s1 =	sld [smem:$0x3F92];
	s0 =	simm.s32 @p0 $0x1  }
0x13: {  	[smem:$0x3FAD] =	sst s0;
	s0 =	simm.s32 @!p1 $0x0  }
0x14: {  	s2 =	sld [smem:$0x3F91];
	s0 =	simm.s32 @p1 $0x1  }
0x15: {  	[smem:$0x3FAE] =	sst s0;
	s0 =	simm.s32 @!p2 $0x0  }
0x16: {  	s3 =	sld [smem:$0x3FDB];
	s0 =	simm.s32 @p2 $0x1  }
0x17: {  	s4 =	simm.s32 $0x1BF5;
	[smem:$0x3FB0] =	sst s0  }
0x18: {  	s0 =	sld [smem:$0x3F93];
	_ =	swait.ge [sflag:s4], $0x0  }
0x19: {  	s7 =	sld [smem:$0x3F94]  }
0x1a: {  	s8 =	sadd.s32 $0xFFFFE003, lr  }
0x1b: {  	s9 =	sadd.s32 $0xFFFFFEF7, lr;
	s5 =	simm.s32 $0xFFFFFFFF;
	p2 =	slt.u32 s8, $0xFFFFF086  }
0x1c: {  	p1 =	slt.u32 s9, $0xF7A;
	s5 =	simm.s32 @!p2 $0x0  }
0x1d: {  	s5 =	simm.s32 @p1 $0x1;
	p0 =	seq.s32 s7, s2  }
0x1e: {  	s7 =	smul.u32 @!p0 $0xF7A, s2;
	p2 =	seq.s32 @!p0 s5, $0x0  }
0x1f: {  	s9 =	smul.u32 $0xF7A, s1;
	s8 =	simm.s32 @!p0 $0x1BF5;
	p2 =	por !p2, p0  }
0x20: {  	[sflag:s8] =	ssyncset.s32 @!p0 $0xFFFFF086;
	s6 =	sadd.s32 @!p0 s3, s7;
	s7 =	simm.s32 @!p0 $0x108  }
0x21: {  	s3 =	sadd.s32 s3, s9;
	s6 =	sadd.s32 @!p0 $0x88, s6;
	s7 =	simm.s32 @p2 $0x1082  }
0x22: {  	[simem:s7], [sflag:s8] =	dma.local @!p0 [hbm:s6], $0xF7A  }
0x23: {  	s9 =	sor.u32 $0xD0000000, s2;
	s6 =	simm.s32 $0x108;
	_ =	swait.ge @!p0 [sflag:s8], $0x0  }
0x24: {  	s3 =	sadd.s32 $0x88, s3;
	s6 =	simm.s32 @!p1 $0x1082;
	[sflag:s4] =	ssyncset.s32 $0xFFFFF086  }
0x25: {  	[simem:s6], [sflag:s4] =	dma.local [hbm:s3], $0xF7A  }
0x26: {  	[smem:$0x3F94] =	sst s1;
	(tag) =	ssettag s2;
	_ =	strace s9  }
0x27: {  	s1 =	sld [smem:$0x3FA4]  }
0x28: {  	s2 =	sld [smem:$0x3FA5]  }
0x29: {  	s4 =	sld [smem:$0x3FA7]  }
0x2a: {  	p0 =	seq.s32 s5, $0x0;
	s5 =	sld [smem:$0x3FA8]  }
0x2b: {  	s6 =	sld [smem:$0x3FA9]  }
0x2c: {  	s7 =	sld [smem:$0x3FAA]  }
0x2d: {  	s3 =	simm.s32 $0x108;
	s8 =	sld [smem:$0x3FAB]  }
0x2e: {  	s3 =	simm.s32 @!p0 $0x1082;
	s9 =	sld [smem:$0x3FAC]  }
0x2f: {  	lr =	sadd.s32 s0, s3;
	s0 =	sld [smem:$0x3FA3]  }
0x30: {  	s3 =	sld [smem:$0x3FA6]  }
0x31: {  	[smem:$0x3FAF] =	sst s10  }
0x32: {  	s10 =	sld [smem:$0x3FAD];
	_ =	sdelay $0x3  }
0x33: {  	p0 =	seq.s32 s10, $0x1;
	s10 =	sld [smem:$0x3FAF];
	_ =	sdelay $0x3  }
0x34: {  	[smem:$0x3FAF] =	sst s10  }
0x35: {  	s10 =	sld [smem:$0x3FAE];
	_ =	sdelay $0x3  }
0x36: {  	p1 =	seq.s32 s10, $0x1;
	s10 =	sld [smem:$0x3FAF];
	_ =	sdelay $0x3  }
0x37: {  	[smem:$0x3FAF] =	sst s10  }
0x38: {  	s10 =	sld [smem:$0x3FB0]  }
0x39: {  	_ = 	snop;
	(pc) =	sbr.ind lr, $3  }
0x3a: {  	_ = 	snop  }
0x3b: {  	_ = 	snop  }
0x3c: {  	p2 =	seq.s32 s10, $0x1;
	s10 =	sld [smem:$0x3FAF]  }
0x3d: {  	_ =	shalt  }
0x3e: {  	_ =	shalt  }
0x3f: {  	_ =	shalt  }
0x40: {  	_ =	shalt  }
0x41: {  	_ =	shalt  }
0x42: {  	_ =	shalt  }
0x43: {  	_ =	shalt  }
0x44: {  	_ =	shalt  }
0x45: {  	_ =	shalt  }
0x46: {  	_ =	shalt  }
0x47: {  	_ =	shalt  }
0x48: {  	_ =	shalt  }
0x49: {  	_ =	shalt  }
0x4a: {  	_ =	shalt  }
0x4b: {  	_ =	shalt  }
0x4c: {  	_ =	shalt  }
0x4d: {  	_ =	shalt  }
0x4e: {  	_ =	shalt  }
0x4f: {  	_ =	shalt  }
0x50: {  	_ =	shalt  }
0x51: {  	_ =	shalt  }
0x52: {  	_ =	shalt  }
0x53: {  	_ =	shalt  }
0x54: {  	_ =	shalt  }
0x55: {  	_ =	shalt  }
0x56: {  	_ =	shalt  }
0x57: {  	_ =	shalt  }
0x58: {  	_ =	shalt  }
0x59: {  	_ =	shalt  }
0x5a: {  	_ =	shalt  }
0x5b: {  	_ =	shalt  }
0x5c: {  	_ =	shalt  }
0x5d: {  	_ =	shalt  }
0x5e: {  	_ =	shalt  }
0x5f: {  	_ =	shalt  }
0x60: {  	_ =	shalt  }
0x61: {  	_ =	shalt  }
0x62: {  	_ =	shalt  }
0x63: {  	_ =	shalt  }
0x64: {  	_ =	shalt  }
0x65: {  	_ =	shalt  }
0x66: {  	_ =	shalt  }
0x67: {  	_ =	shalt  }
0x68: {  	_ =	shalt  }
0x69: {  	_ =	shalt  }
0x6a: {  	_ =	shalt  }
0x6b: {  	_ =	shalt  }
0x6c: {  	_ =	shalt  }
0x6d: {  	_ =	shalt  }
0x6e: {  	_ =	shalt  }
0x6f: {  	_ =	shalt  }
0x70: {  	_ =	shalt  }
0x71: {  	_ =	shalt  }
0x72: {  	_ =	shalt  }
0x73: {  	_ =	shalt  }
0x74: {  	_ =	shalt  }
0x75: {  	_ =	shalt  }
0x76: {  	_ =	shalt  }
0x77: {  	_ =	shalt  }
0x78: {  	_ =	shalt  }
0x79: {  	_ =	shalt  }
0x7a: {  	_ =	shalt  }
0x7b: {  	_ =	shalt  }
0x7c: {  	_ =	shalt  }
0x7d: {  	_ =	shalt  }
0x7e: {  	_ =	shalt  }
0x7f: {  	_ =	shalt  }
0x80: {  	_ =	shalt  }
0x81: {  	_ =	shalt  }
0x82: {  	_ =	shalt  }
0x83: {  	_ =	shalt  }
0x84: {  	_ =	shalt  }
0x85: {  	_ =	shalt  }
0x86: {  	_ =	shalt  }
0x87: {  	_ =	shalt  }
.Lfunc_end0:
.L_simem_size_0:
called_computation.1_lowered:
.L_overlay_start_0:
0x88: {  	s2 =	sld [smem:$0x3FD9]  }
0x89: {  	s3 =	sld [smem:$0x3FFE];
	_ =	sdelay $0x1  }
0x8a: {  	s1 =	srdreg.scid  }
0x8b: {  	s0 =	sand.u32 $0x1, s1  }
0x8c: {  	s14 =	sshll.u32 s0, $0xA;
	s2 =	sadd.s32 s3, s2  }
0x8d: {  	s2 =	sadd.s32 s2, s14  }
0x8e: {  	[smem:$0x3FBB] =	sst s2  }
0x8f: {  	_ = 	snop  }
0x90: {  	s2 =	sld [smem:$0x3FD0];
	_ =	sdelay $0x2  }
0x91: {  	s15 =	simm.s32 $0xA;
	s4 =	simm.s32 $0x10  }
0x92: {  	[smem:s4], [sflag:s15] =	dma.local [hbm:s2], $0x1  }
0x93: {  	_ =	swait.eq [sflag:s15], $0x1  }
0x94: {  	[sflag:s15] =	ssyncset.done $0x0  }
0x95: {  	[sflag:s15] =	ssyncadd.s32 $0xFFFFFFFF  }
0x96: {  	s16 =	sld [smem:$0x10];
	(tm) =	ssettm $0x1  }
0x97: {  	s17 =	sld [smem:$0x3FFB];
	_ =	sdelay $0x3  }
0x98: {  	_ =	strace s17  }
0x99: {  	s3 =	sld [smem:$0x3FFC];
	_ =	sdelay $0x3  }
0x9a: {  	_ =	strace s3  }
0x9b: {  	s3 =	sld [smem:$0x3FFD];
	_ =	sdelay $0x3  }
0x9c: {  	_ =	strace s3  }
0x9d: {  	_ =	strace $0x8FFFFFFF  }
0x9e: {  	s18 =	sld [smem:$0x3FDB];
	_ =	sdelay $0x1  }
0x9f: {  	s19 =	simm.s32 $_scs_section_size  }
0xa0: {  	s5 =	simm.s32 $_size__tile_overlayer_lowered;
	s6 =	simm.s32 $_tile_overlayer_lowered  }
0xa1: {  	s22 =	simm.s32 $0x1BFF;
	s21 =	sshll.u32 s6, $0x1;
	s3 =	sadd.s32 s19, s18  }
0xa2: {  	s7 =	simm.s32 $0x0;
	s20 =	sshll.u32 s5, $0x1;
	s5 =	sadd.s32 s21, s3  }
0xa3: {  	[timem:s7], [sflag:s22] =	dma.local [hbm:s5], s20  }
0xa4: {  	_ =	swait.ge [sflag:s22], s20  }
0xa5: {  	s4 =	ssub.s32 $0x0, s20;
	[sflag:s22] =	ssyncset.done $0x0  }
0xa6: {  	[sflag:s22] =	ssyncadd.s32 s4;
	_ =	sdelay $0x1  }
0xa7: {  	s23 =	simm.s32 $0x1B8B  }
0xa8: {  	_ =	swait.ge [sflag:s23], $0x1  }
0xa9: {  	[sflag:s23] =	ssyncset.done $0x0  }
0xaa: {  	s25 =	simm.s32 $0x1B8E;
	s24 =	sld [smem:$0x3FFE];
	[sflag:s23] =	ssyncadd.s32 $0xFFFFFFFF  }
0xab: {  	s26 =	simm.s32 $execute0_lowered;
	[smem:$0x3FD2] =	sst s25  }
0xac: {  	s5 =	sshll.u32 s26, $0x1;
	_ =	strace $0x80000049;
	[dreg:$0x1] =	wrdreg $0xFFFFFFFF  }
0xad: {  	s28 =	simm.s32 $_size_execute0_lowered;
	s3 =	sadd.s32 s3, s5;
	[dreg:$0x0] =	wrdreg $0x0  }
0xae: {  	s5 =	sshll.u32 s28, $0x1;
	[dreg:$0x2] =	wrdreg s3  }
0xaf: {  	[dreg:$0x3] =	wrdreg s5  }
0xb0: {  	[dreg:$0x4] =	wrdreg $0xC0  }
0xb1: {  	_ =	task [dreg:s7], $0x5FFFF  }
0xb2: {  	[dreg:$0x1] =	wrdreg $0xFFFFFFFF  }
0xb3: {  	[dreg:$0x0] =	wrdreg $0x60  }
0xb4: {  	[dreg:$0x2] =	wrdreg s16  }
0xb5: {  	[dreg:$0x3] =	wrdreg s24  }
0xb6: {  	[dreg:$0x4] =	wrdreg $0x89000  }
0xb7: {  	[dreg:$0x5] =	wrdreg $0x9  }
0xb8: {  	_ =	task.clear_ibuf [dreg:s7], $0x6FFFF;
	_ =	strace $0x90000049  }
0xb9: {  	s29 =	simm.s32 $0x9;
	_ =	strace $0x8000004B  }
0xba: {  	_ =	swait.ge [sflag:s29], $0x1  }
0xbb: {  	[sflag:s29] =	ssyncadd.s32 $0xFFFFFFFF  }
0xbc: {  	_ =	strace $0x9000004B  }
0xbd: {  	_ =	sfence  }
0xbe: {  	s30 =	sld [smem:$0x0];
	_ =	sdelay $0x2  }
0xbf: {  	s31 =	sshll.u32 s1, $0xD;
	s1 =	sshrl.u32 s1, $0x2  }
0xc0: {  	s3 =	sand.u32 $0x4000, s31;
	s1 =	sadd.s32 s1, s30  }
0xc1: {  	s0 =	sor.u32 s3, s0;
	s1 =	sshll.u32 s1, $0x11  }
0xc2: {  	s0 =	sor.u32 s1, s0  }
0xc3: {  	s0 =	sadd.s32 $0x8F2B, s0  }
0xc4: {  	[sflag:s0] =	ssyncadd.remote.s32 $0x1  }
0xc5: {  	_ =	sfence.sel $0xFFFF  }
0xc6: {  	[dreg:$0x0] =	wrdreg $0xFFFFFFFF;
	(pc) =	sbr.abs _section_cstart, $3  }
0xc7: {  	[dreg:$0x1] =	wrdreg $0xFFFFFFFF  }
0xc8: {  	_ =	task.clear_ibuf [dreg:s7], $0x2FFFF;
	_ =	strace $0x9FFFFFFF  }
0xc9: {  	(tm) =	ssettm $0x7FFFFFFF  }
tec
execute0_lowered:
.L_overlay_start_1:
0x0: {  	(tag) =	ssettag $0x1  }
0x1: {  	s1 =	rddreg [dreg:$0x0]  }
0x2: {  	s0 =	rddreg [dreg:$0x1]  }
0x3: {  	s3 =	rddreg [dreg:$0x2]  }
0x4: {  	s2 =	srdreg.scid;
	s13 =	stileid.u32;
	s4 =	simm.s32 $0x0  }
0x5: {  	s14 =	simm.s32 $0x9;
	s15 =	simm.s32 $0x80;
	s16 =	simm.s32 $0x6800  }
0x6: {  	s17 =	simm.s32 $0x7000;
	s19 =	simm.s32 $0x7800;
	s20 =	simm.s32 $0x1  }
0x7: {  	s23 =	simm.s32 $0x8000;
	s24 =	simm.s32 $0x2;
	s5 =	smul.u32 $0x500, s13  }
0x8: {  	s29 =	simm.s32 $0x3;
	s31 =	simm.s32 $0x6;
	s7 =	smul.u32 $0x1C00, s13  }
0x9: {  	s18 =	simm.s32 $0x4;
	s21 =	simm.s32 $0x7;
	s12 =	smul.u32 $0x680, s13  }
0xa: {  	s2 =	sand.u32 $0x1, s2;
	[smem:$0x7FF] =	sst s4;
	s13 =	smul.u32 $0xA000, s13  }
0xb: {  	s8 =	sadd.s32 $0x17A00, s0;
	s6 =	smul.u32 $0x5000, s2;
	s25 =	ssub.s32 $0x2, s2  }
0xc: {  	_ =	strace $0x8000004A;
	p0 =	seq.s32 s2, $0x0;
	s10 =	sshrl.u32 s25, $0x1  }
0xd: {  	s7 =	sshrl.u32 s7, $0x3;
	s28 =	sshrl.u32 s13, $0x2;
	s5 =	sadd.s32 s5, s6  }
0xe: {  	s11 =	sadd.s32 $0x6800, s7;
	s10 =	ssub.s32 s25, s10;
	s7 =	sadd.s32 s8, s12  }
0xf: {  	s25 =	simm.s32 $0x8;
	s9 =	sadd.s32 s5, s0;
	s5 =	simm.s32 $0x68  }
0x10: {  	s26 =	sadd.s32 s8, s11;
	s0 =	sadd.s32 $0x21A00, s0;
	s8 =	sadd.s32 s28, s3  }
0x11: {  	s10 =	smax.u32 s10, $0x1;
	s5 =	simm.s32 @!p0 $0x38;
	[dreg:$0x5] =	wrdreg s26  }
0x12: {  	s9 =	sadd.s32 $0x3A00, s9;
	p0 =	sne.s32 s2, $0x0;
	s30 =	sshll.u32 s5, $0x9  }
0x13: {  	s26 =	simm.s32 $0x5;
	s11 =	sadd.s32 @p0 s11, s0;
	s13 =	sadd.s32 $0xFFFFF000, s30  }
0x14: {  	v0 =	vimm.f32 $0.0e+00;
	s12 =	sadd.s32 @!p0 s12, s0;
	[dreg:$0x4] =	wrdreg s13;
	s13 =	simm.s32 $0x8800  }
.LBB2_1:
0x15: {  	[tilespmem:$0x8800] =	vst v0  }
0x16: {  	[tilespmem:$0x8810] =	vst v0  }
0x17: {  	[tilespmem:$0x8820] =	vst v0  }
0x18: {  	[tilespmem:$0x8830] =	vst v0  }
0x19: {  	[tilespmem:$0x8840] =	vst v0  }
0x1a: {  	[tilespmem:$0x8850] =	vst v0  }
0x1b: {  	[tilespmem:$0x8860] =	vst v0  }
0x1c: {  	[tilespmem:$0x8870] =	vst v0  }
0x1d: {  	[tilespmem:$0x8880] =	vst v0  }
0x1e: {  	[tilespmem:$0x8890] =	vst v0  }
0x1f: {  	[tilespmem:$0x88A0] =	vst v0  }
0x20: {  	[tilespmem:$0x88B0] =	vst v0  }
0x21: {  	[tilespmem:$0x88C0] =	vst v0  }
0x22: {  	[tilespmem:$0x88D0] =	vst v0  }
0x23: {  	[tilespmem:$0x88E0] =	vst v0  }
0x24: {  	[tilespmem:$0x88F0] =	vst v0;
	s28 =	simm.s32 @p0 $0x0;
	s0 =	rddreg [dreg:$0x5];
	s30 =	simm.s32 @p0 $0x9  }
0x25: {  	[tilespmem:s28], [sflag:$0x9] =	stream.linear.gather @p0 [hbm4b:s0+s28], $0x1C00, $0x38;
	[tilespmem:$0xB100] =	vst v63  }
0x26: {  	_ =	swait.ge @p0 [sflag:s30], $0x1C00  }
0x27: {  	[sflag:s30] =	ssyncset.done @p0 $0x0  }
0x28: {  	s0 =	simm.s32 @p0 $0x3400;
	[sflag:s30] =	ssyncadd.s32 @p0 $0xFFFFE400  }
0x29: {  	[tilespmem:s0], [sflag:$0x9] =	stream.linear.gather @p0 [hbm4b:s11+s28], $0x1C00, $0x38;
	[tilespmem:$0xB100] =	vst v63  }
0x2a: {  	_ =	swait.ge @p0 [sflag:s30], $0x1C00  }
0x2b: {  	[sflag:s30] =	ssyncset.done @p0 $0x0  }
0x2c: {  	s0 =	simm.s32 @!p0 $0x0;
	s28 =	simm.s32 @!p0 $0x9;
	[sflag:s30] =	ssyncadd.s32 @p0 $0xFFFFE400  }
0x2d: {  	[tilespmem:s0], [sflag:$0x9] =	stream.linear.gather @!p0 [hbm4b:s7+s0], $0x3400, $0x38;
	[tilespmem:$0xB100] =	vst v63  }
0x2e: {  	_ =	swait.ge @!p0 [sflag:s28], $0x3400  }
0x2f: {  	[sflag:s28] =	ssyncset.done @!p0 $0x0  }
0x30: {  	s30 =	simm.s32 @!p0 $0x3400;
	[sflag:s28] =	ssyncadd.s32 @!p0 $0xFFFFCC00  }
0x31: {  	[tilespmem:s30], [sflag:$0x9] =	stream.linear.gather @!p0 [hbm4b:s12+s0], $0x3400, $0x38;
	[tilespmem:$0xB100] =	vst v63  }
0x32: {  	_ =	swait.ge @!p0 [sflag:s28], $0x3400  }
0x33: {  	[sflag:s28] =	ssyncset.done @!p0 $0x0  }
0x34: {  	s30 =	sadd.s32 $0x0, s8;
	[sflag:s28] =	ssyncadd.s32 @!p0 $0xFFFFCC00  }
0x35: {  	[spmem:s30] =	stream.linear.scatter [tilespmem:s13], [sflag:$0x9], $0x100, $0x38;
	[tilespmem:$0xB100] =	vst v63  }
0x36: {  	s28 =	simm.s32 $0x400;
	_ =	swait.ge [sflag:s14], $0x100  }
.LBB2_2:
0x37: {  	s0 =	sshra.s32 s28, $0x2;
	[sflag:s14] =	ssyncset.done $0x0;
	p1 =	sne.s32 s28, $0x9C00  }
.Ltmp0:
0x38: {  	s0 =	sadd.s32 s0, s8;
	[sflag:s14] =	ssyncadd.s32 $0xFFFFFF00;
	(pc) =	sbr.rel @p1 .LBB2_2-.Ltmp0, $3  }
0x39: {  	[spmem:s0] =	stream.linear.scatter [tilespmem:s13], [sflag:$0x9], $0x100, $0x38;
	[tilespmem:$0xB100] =	vst v63  }
0x3a: {  	s28 =	sadd.s32 $0x400, s28;
	_ =	sdelay $0x1  }
0x3b: {  	_ =	swait.ge [sflag:s14], $0x100  }
0x3c: {  	[sflag:s14] =	ssyncset.done $0x0  }
0x3d: {  	[sflag:s14] =	ssyncadd.s32 $0xFFFFFF00  }
0x3e: {  	s28 =	simm.s32 $0x0;
	[bflag:$0x0] =	sbarrier.arrive $0xFFFF  }
0x3f: {  	[tilespmem:s16], [sflag:$0x1] =	stream.indirect.gather [hbm4b:s1+s15], $0x10, s28, s15, $0xb8;
	[tilespmem:$0xB100] =	vst v63  }
0x40: {  	_ = 	snop  }
0x41: {  	[tilespmem:s17], [sflag:$0x2] =	stream.indirect.gather [hbm4b:s1+s15], $0x10, s15, s15, $0xb8;
	[tilespmem:$0xB100] =	vst v63  }
0x42: {  	s0 =	simm.s32 $0x100  }
0x43: {  	[tilespmem:s19], [sflag:$0x3] =	stream.indirect.gather [hbm4b:s1+s15], $0x10, s0, s15, $0xb8;
	[tilespmem:$0xB100] =	vst v63  }
0x44: {  	_ =	swait.ge [sflag:s20], $0x800  }
0x45: {  	[sflag:s20] =	ssyncset.done $0x0  }
0x46: {  	s6 =	simm.s32 $0x3400;
	[sflag:s20] =	ssyncadd.s32 $0xFFFFF800  }
0x47: {  	[spmem:s3] =	stream.indirect.scatter.add.f32 [tilespmem:s16], [sflag:$0x5], $0x10, s6, s15, $0xb8;
	[tilespmem:$0xB100] =	vst v63  }
0x48: {  	s22 =	simm.s32 $0x180  }
0x49: {  	[tilespmem:s23], [sflag:$0x4] =	stream.indirect.gather [hbm4b:s1+s15], $0x10, s22, s15, $0xb8;
	[tilespmem:$0xB100] =	vst v63  }
0x4a: {  	_ =	swait.ge [sflag:s24], $0x800  }
0x4b: {  	[sflag:s24] =	ssyncset.done $0x0  }
0x4c: {  	s2 =	simm.s32 $0x3480;
	[sflag:s24] =	ssyncadd.s32 $0xFFFFF800  }
0x4d: {  	[spmem:s3] =	stream.indirect.scatter.add.f32 [tilespmem:s17], [sflag:$0x6], $0x10, s2, s15, $0xb8;
	[tilespmem:$0xB100] =	vst v63  }
0x4e: {  	_ =	swait.ge [sflag:s26], $0x800  }
0x4f: {  	[sflag:s26] =	ssyncset.done $0x0  }
0x50: {  	s6 =	simm.s32 $0x200;
	[sflag:s26] =	ssyncadd.s32 $0xFFFFF800  }
0x51: {  	[tilespmem:s16], [sflag:$0x1] =	stream.indirect.gather [hbm4b:s1+s15], $0x10, s6, s15, $0xb8;
	[tilespmem:$0xB100] =	vst v63  }
0x52: {  	_ =	swait.ge [sflag:s29], $0x800  }
0x53: {  	[sflag:s29] =	ssyncset.done $0x0  }
0x54: {  	s22 =	simm.s32 $0x3500;
	[sflag:s29] =	ssyncadd.s32 $0xFFFFF800  }
0x55: {  	[spmem:s3] =	stream.indirect.scatter.add.f32 [tilespmem:s19], [sflag:$0x7], $0x10, s22, s15, $0xb8;
	[tilespmem:$0xB100] =	vst v63  }
0x56: {  	_ =	swait.ge [sflag:s31], $0x800  }
0x57: {  	[sflag:s31] =	ssyncset.done $0x0  }
0x58: {  	s2 =	simm.s32 $0x280;
	[sflag:s31] =	ssyncadd.s32 $0xFFFFF800  }
0x59: {  	[tilespmem:s17], [sflag:$0x2] =	stream.indirect.gather [hbm4b:s1+s15], $0x10, s2, s15, $0xb8;
	[tilespmem:$0xB100] =	vst v63  }
0x5a: {  	_ =	swait.ge [sflag:s18], $0x800  }
0x5b: {  	[sflag:s18] =	ssyncset.done $0x0  }
0x5c: {  	s6 =	simm.s32 $0x3580;
	[sflag:s18] =	ssyncadd.s32 $0xFFFFF800  }
0x5d: {  	[spmem:s3] =	stream.indirect.scatter.add.f32 [tilespmem:s23], [sflag:$0x8], $0x10, s6, s15, $0xb8;
	[tilespmem:$0xB100] =	vst v63  }
0x5e: {  	_ =	swait.ge [sflag:s21], $0x800  }
0x5f: {  	[sflag:s21] =	ssyncset.done $0x0  }
0x60: {  	s30 =	simm.s32 $0xA;
	s22 =	simm.s32 $0x300;
	[sflag:s21] =	ssyncadd.s32 $0xFFFFF800  }
0x61: {  	[tilespmem:s19], [sflag:$0x3] =	stream.indirect.gather [hbm4b:s1+s15], $0x10, s22, s15, $0xb8;
	[tilespmem:$0xB100] =	vst v63  }
.LBB2_4:
0x62: {  	_ =	swait.ge [sflag:s20], $0x800  }
0x63: {  	s0 =	sshra.s32 s28, $0x2;
	s22 =	sadd.s32 $0xFFFFFFFD, s30;
	[sflag:s20] =	ssyncset.done $0x0  }
0x64: {  	s2 =	sadd.s32 $0x3600, s0;
	p1 =	sge.u32 s22, s5;
	[sflag:s20] =	ssyncadd.s32 $0xFFFFF800  }
0x65: {  	[spmem:s3] =	stream.indirect.scatter.add.f32 [tilespmem:s16], [sflag:$0x5], $0x10, s2, s15, $0xb8;
	[tilespmem:$0xB100] =	vst v63  }
0x66: {  	s2 =	simm.s32 @!p1 $0x8  }
0x67: {  	_ =	swait.ge @!p1 [sflag:s2], $0x800  }
0x68: {  	[sflag:s2] =	ssyncset.done @!p1 $0x0  }
0x69: {  	[sflag:s2] =	ssyncadd.s32 @!p1 $0xFFFFF800;
	s2 =	sshra.s32 @!p1 s28, $0x2  }
0x6a: {  	s22 =	simm.s32 @!p1 $0x80;
	s6 =	simm.s32 @!p1 $0x8000;
	s2 =	sadd.s32 @!p1 $0x380, s2  }
0x6b: {  	[tilespmem:s6], [sflag:$0x4] =	stream.indirect.gather @!p1 [hbm4b:s1+s22], $0x10, s2, s22, $0xb8;
	[tilespmem:$0xB100] =	vst v63  }
0x6c: {  	s22 =	sadd.s32 $0xFFFFFFFE, s30;
	_ =	swait.ge [sflag:s24], $0x800  }
0x6d: {  	p1 =	sge.u32 s22, s5;
	[sflag:s24] =	ssyncset.done $0x0  }
0x6e: {  	s6 =	sadd.s32 $0x3680, s0;
	s2 =	simm.s32 @!p1 $0x5;
	[sflag:s24] =	ssyncadd.s32 $0xFFFFF800  }
0x6f: {  	[spmem:s3] =	stream.indirect.scatter.add.f32 [tilespmem:s17], [sflag:$0x6], $0x10, s6, s15, $0xb8;
	[tilespmem:$0xB100] =	vst v63  }
0x70: {  	_ =	swait.ge @!p1 [sflag:s2], $0x800  }
0x71: {  	[sflag:s2] =	ssyncset.done @!p1 $0x0  }
0x72: {  	[sflag:s2] =	ssyncadd.s32 @!p1 $0xFFFFF800;
	s2 =	sshra.s32 @!p1 s28, $0x2  }
0x73: {  	s22 =	simm.s32 @!p1 $0x6800;
	s6 =	simm.s32 @!p1 $0x80;
	s2 =	sadd.s32 @!p1 $0x400, s2  }
0x74: {  	[tilespmem:s22], [sflag:$0x1] =	stream.indirect.gather @!p1 [hbm4b:s1+s6], $0x10, s2, s6, $0xb8;
	[tilespmem:$0xB100] =	vst v63  }
0x75: {  	s22 =	sadd.s32 $0xFFFFFFFF, s30;
	_ =	swait.ge [sflag:s29], $0x800  }
0x76: {  	p1 =	sge.u32 s22, s5;
	[sflag:s29] =	ssyncset.done $0x0  }
0x77: {  	s6 =	sadd.s32 $0x3700, s0;
	s2 =	simm.s32 @!p1 $0x6;
	[sflag:s29] =	ssyncadd.s32 $0xFFFFF800  }
0x78: {  	[spmem:s3] =	stream.indirect.scatter.add.f32 [tilespmem:s19], [sflag:$0x7], $0x10, s6, s15, $0xb8;
	[tilespmem:$0xB100] =	vst v63  }
0x79: {  	_ =	swait.ge @!p1 [sflag:s2], $0x800  }
0x7a: {  	[sflag:s2] =	ssyncset.done @!p1 $0x0  }
0x7b: {  	[sflag:s2] =	ssyncadd.s32 @!p1 $0xFFFFF800;
	s2 =	sshra.s32 @!p1 s28, $0x2  }
0x7c: {  	s22 =	simm.s32 @!p1 $0x7000;
	s6 =	simm.s32 @!p1 $0x80;
	s2 =	sadd.s32 @!p1 $0x480, s2  }
0x7d: {  	[tilespmem:s22], [sflag:$0x2] =	stream.indirect.gather @!p1 [hbm4b:s1+s6], $0x10, s2, s6, $0xb8;
	[tilespmem:$0xB100] =	vst v63  }
0x7e: {  	_ =	swait.ge [sflag:s18], $0x800  }
0x7f: {  	[sflag:s18] =	ssyncset.done $0x0  }
0x80: {  	s0 =	sadd.s32 $0x3780, s0;
	p1 =	sge.u32 s30, s5;
	[sflag:s18] =	ssyncadd.s32 $0xFFFFF800  }
0x81: {  	[spmem:s3] =	stream.indirect.scatter.add.f32 [tilespmem:s23], [sflag:$0x8], $0x10, s0, s15, $0xb8;
	[tilespmem:$0xB100] =	vst v63  }
0x82: {  	s0 =	simm.s32 @!p1 $0x7  }
0x83: {  	s2 =	sshra.s32 @!p1 s28, $0x2;
	s6 =	simm.s32 @!p1 $0x7800;
	_ =	swait.ge @!p1 [sflag:s0], $0x800  }
0x84: {  	s28 =	sadd.s32 $0x800, s28;
	[sflag:s0] =	ssyncset.done @!p1 $0x0;
	s22 =	rddreg [dreg:$0x4]  }
0x85: {  	[sflag:s0] =	ssyncadd.s32 @!p1 $0xFFFFF800;
	s0 =	sadd.s32 @!p1 $0x500, s2;
	s2 =	simm.s32 @!p1 $0x80  }
0x86: {  	[tilespmem:s6], [sflag:$0x3] =	stream.indirect.gather @!p1 [hbm4b:s1+s2], $0x10, s0, s2, $0xb8;
	[tilespmem:$0xB100] =	vst v63  }
0x87: {  	p1 =	sne.s32 s22, s28  }
.Ltmp1:
0x88: {  	_ = 	snop;
	(pc) =	sbr.rel @p1 .LBB2_4-.Ltmp1, $2  }
0x89: {  	_ =	sdelay $0x2  }
0x8a: {  	s30 =	sadd.s32 $0x4, s30  }
0x8b: {  	_ =	swait.ge [sflag:s20], $0x800  }
0x8c: {  	s0 =	sshra.s32 s28, $0x2;
	s22 =	sadd.s32 $0xFFFFFFFD, s30;
	[sflag:s20] =	ssyncset.done $0x0  }
0x8d: {  	s2 =	sadd.s32 $0x3600, s0;
	p1 =	sge.u32 s22, s5;
	[sflag:s20] =	ssyncadd.s32 $0xFFFFF800  }
0x8e: {  	[spmem:s3] =	stream.indirect.scatter.add.f32 [tilespmem:s16], [sflag:$0x5], $0x10, s2, s15, $0xb8;
	[tilespmem:$0xB100] =	vst v63  }
0x8f: {  	s2 =	simm.s32 @!p1 $0x8  }
0x90: {  	_ =	swait.ge @!p1 [sflag:s2], $0x800  }
0x91: {  	[sflag:s2] =	ssyncset.done @!p1 $0x0  }
0x92: {  	[sflag:s2] =	ssyncadd.s32 @!p1 $0xFFFFF800;
	s2 =	sshra.s32 @!p1 s28, $0x2  }
0x93: {  	s6 =	simm.s32 @!p1 $0x80;
	s22 =	simm.s32 @!p1 $0x8000;
	s2 =	sadd.s32 @!p1 $0x380, s2  }
0x94: {  	[tilespmem:s22], [sflag:$0x4] =	stream.indirect.gather @!p1 [hbm4b:s1+s6], $0x10, s2, s6, $0xb8;
	[tilespmem:$0xB100] =	vst v63  }
0x95: {  	s22 =	sadd.s32 $0xFFFFFFFE, s30;
	_ =	swait.ge [sflag:s24], $0x800  }
0x96: {  	p1 =	sge.u32 s22, s5;
	[sflag:s24] =	ssyncset.done $0x0  }
0x97: {  	s6 =	sadd.s32 $0x3680, s0;
	s2 =	simm.s32 @!p1 $0x5;
	[sflag:s24] =	ssyncadd.s32 $0xFFFFF800  }
0x98: {  	[spmem:s3] =	stream.indirect.scatter.add.f32 [tilespmem:s17], [sflag:$0x6], $0x10, s6, s15, $0xb8;
	[tilespmem:$0xB100] =	vst v63  }
0x99: {  	_ =	swait.ge @!p1 [sflag:s2], $0x800  }
0x9a: {  	[sflag:s2] =	ssyncset.done @!p1 $0x0  }
0x9b: {  	[sflag:s2] =	ssyncadd.s32 @!p1 $0xFFFFF800;
	s2 =	sshra.s32 @!p1 s28, $0x2  }
0x9c: {  	s22 =	simm.s32 @!p1 $0x6800;
	s6 =	simm.s32 @!p1 $0x80;
	s2 =	sadd.s32 @!p1 $0x400, s2  }
0x9d: {  	[tilespmem:s22], [sflag:$0x1] =	stream.indirect.gather @!p1 [hbm4b:s1+s6], $0x10, s2, s6, $0xb8;
	[tilespmem:$0xB100] =	vst v63  }
0x9e: {  	s22 =	sadd.s32 $0xFFFFFFFF, s30;
	_ =	swait.ge [sflag:s29], $0x800  }
0x9f: {  	p1 =	sge.u32 s22, s5;
	[sflag:s29] =	ssyncset.done $0x0  }
0xa0: {  	s6 =	sadd.s32 $0x3700, s0;
	s2 =	simm.s32 @!p1 $0x6;
	[sflag:s29] =	ssyncadd.s32 $0xFFFFF800  }
0xa1: {  	[spmem:s3] =	stream.indirect.scatter.add.f32 [tilespmem:s19], [sflag:$0x7], $0x10, s6, s15, $0xb8;
	[tilespmem:$0xB100] =	vst v63  }
0xa2: {  	_ =	swait.ge @!p1 [sflag:s2], $0x800  }
0xa3: {  	[sflag:s2] =	ssyncset.done @!p1 $0x0  }
0xa4: {  	[sflag:s2] =	ssyncadd.s32 @!p1 $0xFFFFF800;
	s2 =	sshra.s32 @!p1 s28, $0x2  }
0xa5: {  	s22 =	simm.s32 @!p1 $0x7000;
	s6 =	simm.s32 @!p1 $0x80;
	s2 =	sadd.s32 @!p1 $0x480, s2  }
0xa6: {  	[tilespmem:s22], [sflag:$0x2] =	stream.indirect.gather @!p1 [hbm4b:s1+s6], $0x10, s2, s6, $0xb8;
	[tilespmem:$0xB100] =	vst v63  }
0xa7: {  	_ =	swait.ge [sflag:s18], $0x800  }
0xa8: {  	[sflag:s18] =	ssyncset.done $0x0  }
0xa9: {  	s0 =	sadd.s32 $0x3780, s0;
	p1 =	sge.u32 s30, s5;
	[sflag:s18] =	ssyncadd.s32 $0xFFFFF800  }
0xaa: {  	[spmem:s3] =	stream.indirect.scatter.add.f32 [tilespmem:s23], [sflag:$0x8], $0x10, s0, s15, $0xb8;
	[tilespmem:$0xB100] =	vst v63  }
0xab: {  	s0 =	simm.s32 @!p1 $0x7  }
0xac: {  	_ =	swait.ge @!p1 [sflag:s0], $0x800  }
0xad: {  	[sflag:s0] =	ssyncset.done @!p1 $0x0  }
0xae: {  	[sflag:s0] =	ssyncadd.s32 @!p1 $0xFFFFF800;
	s0 =	sshra.s32 @!p1 s28, $0x2  }
0xaf: {  	s2 =	simm.s32 @!p1 $0x80;
	s6 =	simm.s32 @!p1 $0x7800;
	s0 =	sadd.s32 @!p1 $0x500, s0  }
0xb0: {  	[tilespmem:s6], [sflag:$0x3] =	stream.indirect.gather @!p1 [hbm4b:s1+s2], $0x10, s0, s2, $0xb8;
	[tilespmem:$0xB100] =	vst v63  }
0xb1: {  	_ =	swait.ge [sflag:s26], $0x800  }
0xb2: {  	[sflag:s26] =	ssyncset.done $0x0  }
0xb3: {  	[sflag:s26] =	ssyncadd.s32 $0xFFFFF800  }
0xb4: {  	_ =	swait.ge [sflag:s31], $0x800  }
0xb5: {  	[sflag:s31] =	ssyncset.done $0x0  }
0xb6: {  	[sflag:s31] =	ssyncadd.s32 $0xFFFFF800  }
0xb7: {  	_ =	swait.ge [sflag:s21], $0x800  }
0xb8: {  	[sflag:s21] =	ssyncset.done $0x0  }
0xb9: {  	[sflag:s21] =	ssyncadd.s32 $0xFFFFF800  }
0xba: {  	s4 =	sadd.s32 $0x1, s4;
	_ =	swait.ge [sflag:s25], $0x800  }
0xbb: {  	s30 =	sshrl.u32 s8, $0x3;
	s28 =	stileid.u32;
	[sflag:s25] =	ssyncset.done $0x0  }
0xbc: {  	s0 =	sshll.u32 s28, $0x6;
	p1 =	sne.s32 s4, s10;
	[sflag:s25] =	ssyncadd.s32 $0xFFFFF800  }
.Ltmp2:
0xbd: {  	s0 =	sor.u32 $0x1C09, s0;
	[bflag:$0x0] =	sbarrier.arrive $0xFFFF;
	(pc) =	sbr.rel @p1 .LBB2_1-.Ltmp2, $4  }
0xbe: {  	[hbm:s9], [sflag:s0] =	dma.local [spmem:s30], $0x500  }
0xbf: {  	_ =	swait.ge [sflag:s14], $0x500  }
0xc0: {  	[sflag:s14] =	ssyncset.done $0x0  }
0xc1: {  	[sflag:s14] =	ssyncadd.s32 $0xFFFFFB00  }
0xc2: {  	_ =	sfence.sel $0x180000  }
0xc3: {  	[bflag:$0x0] =	sbarrier.arrive $0xFFFF  }
0xc4: {  	_ =	strace $0x9000004A  }
0xc5: {  	s0 =	stileid.u32;
	[bflag:$0x2] =	sbarrier.arrive $0xFFFF  }
0xc6: {  	p0 =	sne.s32 s0, $0x0;
	s0 =	rddreg [dreg:$0x3]  }
0xc7: {  	s0 =	sadd.s32 @!p0 $0x100000, s0  }
0xc8: {  	[sflag:s0] =	ssyncadd.tile.s32 @!p0 $0x1;
	_ =	shalt  }
.Lfunc_end2:
_tile_overlayer_lowered:
.L_overlay_start_2:
0xc9: {  	(tag) =	ssettag $0x2  }
0xca: {  	s0 =	rddreg [dreg:$0x0];
	s2 =	stileid.u32  }
0xcb: {  	s1 =	rddreg [dreg:$0x1];
	p0 =	sne.s32 s2, $0x0  }
0xcc: {  	s3 =	rddreg [dreg:$0x2];
	[bflag:$0x3] =	sbarrier.arrive $0xFFFF;
	s2 =	simm.s32 @!p0 $0x1C09  }
0xcd: {  	[timem:s3], [sflag:s2] =	dma.local @!p0 [hbm:s0], s1  }
0xce: {  	s0 =	simm.s32 @!p0 $0x9  }
0xcf: {  	_ =	swait.ge @!p0 [sflag:s0], s1  }
0xd0: {  	s1 =	ssub.s32 @!p0 $0x0, s1;
	[sflag:s0] =	ssyncset.done @!p0 $0x0  }
0xd1: {  	[sflag:s0] =	ssyncadd.s32 @!p0 s1  }
0xd2: {  	[bflag:$0x3] =	sbarrier.arrive $0xFFFF  }
0xd3: {  	_ =	shalt  }

// kernel: sc_edge_scatter_w32.3.cloned.1.call-start
scs
__scs_entry_jumppad:
0x0: {  	(pc) =	sbr.rel $0x88, $3  }
0x1: {  	(tag) =	ssettag $0x0;
	lr =	simm.s32 $0x1  }
0x2: {  	[smem:$0x3F94] =	sst lr;
	_ =	strace $0xD0000000  }
0x3: {  	_ = 	snop  }
0x4: {  	_ = 	snop  }
0x5: {  	_ = 	snop  }
0x6: {  	_ = 	snop  }
0x7: {  	_ = 	snop  }
__scs_overlays_trampoline_lowered:
0x8: {  	[smem:$0x3FA3] =	sst s0  }
0x9: {  	[smem:$0x3FA4] =	sst s1  }
0xa: {  	[smem:$0x3FA5] =	sst s2  }
0xb: {  	[smem:$0x3FA6] =	sst s3  }
0xc: {  	[smem:$0x3FA7] =	sst s4  }
0xd: {  	[smem:$0x3FA8] =	sst s5  }
0xe: {  	[smem:$0x3FA9] =	sst s6  }
0xf: {  	[smem:$0x3FAA] =	sst s7  }
0x10: {  	[smem:$0x3FAB] =	sst s8  }
0x11: {  	[smem:$0x3FAC] =	sst s9;
	s0 =	simm.s32 @!p0 $0x0  }
0x12: {  	s1 =	sld [smem:$0x3F92];
	s0 =	simm.s32 @p0 $0x1  }
0x13: {  	[smem:$0x3FAD] =	sst s0;
	s0 =	simm.s32 @!p1 $0x0  }
0x14: {  	s2 =	sld [smem:$0x3F91];
	s0 =	simm.s32 @p1 $0x1  }
0x15: {  	[smem:$0x3FAE] =	sst s0;
	s0 =	simm.s32 @!p2 $0x0  }
0x16: {  	s3 =	sld [smem:$0x3FDB];
	s0 =	simm.s32 @p2 $0x1  }
0x17: {  	s4 =	simm.s32 $0x1BF5;
	[smem:$0x3FB0] =	sst s0  }
0x18: {  	s0 =	sld [smem:$0x3F93];
	_ =	swait.ge [sflag:s4], $0x0  }
0x19: {  	s7 =	sld [smem:$0x3F94]  }
0x1a: {  	s8 =	sadd.s32 $0xFFFFE003, lr  }
0x1b: {  	s9 =	sadd.s32 $0xFFFFFEF7, lr;
	s5 =	simm.s32 $0xFFFFFFFF;
	p2 =	slt.u32 s8, $0xFFFFF086  }
0x1c: {  	p1 =	slt.u32 s9, $0xF7A;
	s5 =	simm.s32 @!p2 $0x0  }
0x1d: {  	s5 =	simm.s32 @p1 $0x1;
	p0 =	seq.s32 s7, s2  }
0x1e: {  	s7 =	smul.u32 @!p0 $0xF7A, s2;
	p2 =	seq.s32 @!p0 s5, $0x0  }
0x1f: {  	s9 =	smul.u32 $0xF7A, s1;
	s8 =	simm.s32 @!p0 $0x1BF5;
	p2 =	por !p2, p0  }
0x20: {  	[sflag:s8] =	ssyncset.s32 @!p0 $0xFFFFF086;
	s6 =	sadd.s32 @!p0 s3, s7;
	s7 =	simm.s32 @!p0 $0x108  }
0x21: {  	s3 =	sadd.s32 s3, s9;
	s6 =	sadd.s32 @!p0 $0x88, s6;
	s7 =	simm.s32 @p2 $0x1082  }
0x22: {  	[simem:s7], [sflag:s8] =	dma.local @!p0 [hbm:s6], $0xF7A  }
0x23: {  	s9 =	sor.u32 $0xD0000000, s2;
	s6 =	simm.s32 $0x108;
	_ =	swait.ge @!p0 [sflag:s8], $0x0  }
0x24: {  	s3 =	sadd.s32 $0x88, s3;
	s6 =	simm.s32 @!p1 $0x1082;
	[sflag:s4] =	ssyncset.s32 $0xFFFFF086  }
0x25: {  	[simem:s6], [sflag:s4] =	dma.local [hbm:s3], $0xF7A  }
0x26: {  	[smem:$0x3F94] =	sst s1;
	(tag) =	ssettag s2;
	_ =	strace s9  }
0x27: {  	s1 =	sld [smem:$0x3FA4]  }
0x28: {  	s2 =	sld [smem:$0x3FA5]  }
0x29: {  	s4 =	sld [smem:$0x3FA7]  }
0x2a: {  	p0 =	seq.s32 s5, $0x0;
	s5 =	sld [smem:$0x3FA8]  }
0x2b: {  	s6 =	sld [smem:$0x3FA9]  }
0x2c: {  	s7 =	sld [smem:$0x3FAA]  }
0x2d: {  	s3 =	simm.s32 $0x108;
	s8 =	sld [smem:$0x3FAB]  }
0x2e: {  	s3 =	simm.s32 @!p0 $0x1082;
	s9 =	sld [smem:$0x3FAC]  }
0x2f: {  	lr =	sadd.s32 s0, s3;
	s0 =	sld [smem:$0x3FA3]  }
0x30: {  	s3 =	sld [smem:$0x3FA6]  }
0x31: {  	[smem:$0x3FAF] =	sst s10  }
0x32: {  	s10 =	sld [smem:$0x3FAD];
	_ =	sdelay $0x3  }
0x33: {  	p0 =	seq.s32 s10, $0x1;
	s10 =	sld [smem:$0x3FAF];
	_ =	sdelay $0x3  }
0x34: {  	[smem:$0x3FAF] =	sst s10  }
0x35: {  	s10 =	sld [smem:$0x3FAE];
	_ =	sdelay $0x3  }
0x36: {  	p1 =	seq.s32 s10, $0x1;
	s10 =	sld [smem:$0x3FAF];
	_ =	sdelay $0x3  }
0x37: {  	[smem:$0x3FAF] =	sst s10  }
0x38: {  	s10 =	sld [smem:$0x3FB0]  }
0x39: {  	_ = 	snop;
	(pc) =	sbr.ind lr, $3  }
0x3a: {  	_ = 	snop  }
0x3b: {  	_ = 	snop  }
0x3c: {  	p2 =	seq.s32 s10, $0x1;
	s10 =	sld [smem:$0x3FAF]  }
0x3d: {  	_ =	shalt  }
0x3e: {  	_ =	shalt  }
0x3f: {  	_ =	shalt  }
0x40: {  	_ =	shalt  }
0x41: {  	_ =	shalt  }
0x42: {  	_ =	shalt  }
0x43: {  	_ =	shalt  }
0x44: {  	_ =	shalt  }
0x45: {  	_ =	shalt  }
0x46: {  	_ =	shalt  }
0x47: {  	_ =	shalt  }
0x48: {  	_ =	shalt  }
0x49: {  	_ =	shalt  }
0x4a: {  	_ =	shalt  }
0x4b: {  	_ =	shalt  }
0x4c: {  	_ =	shalt  }
0x4d: {  	_ =	shalt  }
0x4e: {  	_ =	shalt  }
0x4f: {  	_ =	shalt  }
0x50: {  	_ =	shalt  }
0x51: {  	_ =	shalt  }
0x52: {  	_ =	shalt  }
0x53: {  	_ =	shalt  }
0x54: {  	_ =	shalt  }
0x55: {  	_ =	shalt  }
0x56: {  	_ =	shalt  }
0x57: {  	_ =	shalt  }
0x58: {  	_ =	shalt  }
0x59: {  	_ =	shalt  }
0x5a: {  	_ =	shalt  }
0x5b: {  	_ =	shalt  }
0x5c: {  	_ =	shalt  }
0x5d: {  	_ =	shalt  }
0x5e: {  	_ =	shalt  }
0x5f: {  	_ =	shalt  }
0x60: {  	_ =	shalt  }
0x61: {  	_ =	shalt  }
0x62: {  	_ =	shalt  }
0x63: {  	_ =	shalt  }
0x64: {  	_ =	shalt  }
0x65: {  	_ =	shalt  }
0x66: {  	_ =	shalt  }
0x67: {  	_ =	shalt  }
0x68: {  	_ =	shalt  }
0x69: {  	_ =	shalt  }
0x6a: {  	_ =	shalt  }
0x6b: {  	_ =	shalt  }
0x6c: {  	_ =	shalt  }
0x6d: {  	_ =	shalt  }
0x6e: {  	_ =	shalt  }
0x6f: {  	_ =	shalt  }
0x70: {  	_ =	shalt  }
0x71: {  	_ =	shalt  }
0x72: {  	_ =	shalt  }
0x73: {  	_ =	shalt  }
0x74: {  	_ =	shalt  }
0x75: {  	_ =	shalt  }
0x76: {  	_ =	shalt  }
0x77: {  	_ =	shalt  }
0x78: {  	_ =	shalt  }
0x79: {  	_ =	shalt  }
0x7a: {  	_ =	shalt  }
0x7b: {  	_ =	shalt  }
0x7c: {  	_ =	shalt  }
0x7d: {  	_ =	shalt  }
0x7e: {  	_ =	shalt  }
0x7f: {  	_ =	shalt  }
0x80: {  	_ =	shalt  }
0x81: {  	_ =	shalt  }
0x82: {  	_ =	shalt  }
0x83: {  	_ =	shalt  }
0x84: {  	_ =	shalt  }
0x85: {  	_ =	shalt  }
0x86: {  	_ =	shalt  }
0x87: {  	_ =	shalt  }
.Lfunc_end0:
.L_simem_size_0:
called_computation.2_lowered:
.L_overlay_start_0:
0x88: {  	s2 =	sld [smem:$0x3FD9]  }
0x89: {  	s3 =	sld [smem:$0x3FFE];
	_ =	sdelay $0x1  }
0x8a: {  	s1 =	srdreg.scid  }
0x8b: {  	s0 =	sand.u32 $0x1, s1  }
0x8c: {  	s16 =	sshll.u32 s0, $0xA;
	s2 =	sadd.s32 s3, s2  }
0x8d: {  	s2 =	sadd.s32 s2, s16  }
0x8e: {  	[smem:$0x3FBB] =	sst s2  }
0x8f: {  	_ = 	snop  }
0x90: {  	(tm) =	ssettm $0x1  }
0x91: {  	s17 =	sld [smem:$0x3FFB];
	_ =	sdelay $0x3  }
0x92: {  	_ =	strace s17  }
0x93: {  	s2 =	sld [smem:$0x3FFC];
	_ =	sdelay $0x3  }
0x94: {  	_ =	strace s2  }
0x95: {  	s2 =	sld [smem:$0x3FFD];
	_ =	sdelay $0x3  }
0x96: {  	_ =	strace s2  }
0x97: {  	_ =	strace $0x8FFFFFFF  }
0x98: {  	s18 =	sld [smem:$0x3FDB];
	_ =	sdelay $0x1  }
0x99: {  	s19 =	simm.s32 $_scs_section_size  }
0x9a: {  	s4 =	simm.s32 $_size__tile_overlayer_lowered;
	s5 =	simm.s32 $_tile_overlayer_lowered  }
0x9b: {  	s22 =	simm.s32 $0x1BFF;
	s21 =	sshll.u32 s5, $0x1;
	s2 =	sadd.s32 s19, s18  }
0x9c: {  	s6 =	simm.s32 $0x0;
	s20 =	sshll.u32 s4, $0x1;
	s4 =	sadd.s32 s21, s2  }
0x9d: {  	[timem:s6], [sflag:s22] =	dma.local [hbm:s4], s20  }
0x9e: {  	_ =	swait.ge [sflag:s22], s20  }
0x9f: {  	s3 =	ssub.s32 $0x0, s20;
	[sflag:s22] =	ssyncset.done $0x0  }
0xa0: {  	[sflag:s22] =	ssyncadd.s32 s3;
	_ =	sdelay $0x1  }
0xa1: {  	s23 =	simm.s32 $0x1B8B  }
0xa2: {  	_ =	swait.ge [sflag:s23], $0x1  }
0xa3: {  	[sflag:s23] =	ssyncset.done $0x0  }
0xa4: {  	s25 =	simm.s32 $0x1B8E;
	s24 =	sld [smem:$0x3FFE];
	[sflag:s23] =	ssyncadd.s32 $0xFFFFFFFF  }
0xa5: {  	s26 =	simm.s32 $execute0_lowered;
	[smem:$0x3FD2] =	sst s25  }
0xa6: {  	s4 =	sshll.u32 s26, $0x1;
	_ =	strace $0x8000004C;
	[dreg:$0x1] =	wrdreg $0xFFFFFFFF  }
0xa7: {  	s28 =	simm.s32 $_size_execute0_lowered;
	s2 =	sadd.s32 s2, s4;
	[dreg:$0x0] =	wrdreg $0x0  }
0xa8: {  	s4 =	sshll.u32 s28, $0x1;
	[dreg:$0x2] =	wrdreg s2  }
0xa9: {  	[dreg:$0x3] =	wrdreg s4  }
0xaa: {  	[dreg:$0x4] =	wrdreg $0xC0  }
0xab: {  	_ =	task [dreg:s6], $0x5FFFF  }
0xac: {  	[dreg:$0x1] =	wrdreg $0xFFFFFFFF  }
0xad: {  	[dreg:$0x0] =	wrdreg $0x60  }
0xae: {  	[dreg:$0x2] =	wrdreg s24  }
0xaf: {  	[dreg:$0x3] =	wrdreg $0xB2000  }
0xb0: {  	[dreg:$0x4] =	wrdreg $0x9  }
0xb1: {  	_ =	task.clear_ibuf [dreg:s6], $0x5FFFF;
	_ =	strace $0x9000004C  }
0xb2: {  	s29 =	simm.s32 $0x9;
	_ =	strace $0x8000004E  }
0xb3: {  	_ =	swait.ge [sflag:s29], $0x1  }
0xb4: {  	[sflag:s29] =	ssyncadd.s32 $0xFFFFFFFF  }
0xb5: {  	_ =	strace $0x9000004E  }
0xb6: {  	_ =	sfence  }
0xb7: {  	s30 =	sld [smem:$0x0];
	_ =	sdelay $0x2  }
0xb8: {  	s31 =	sshll.u32 s1, $0xD;
	s1 =	sshrl.u32 s1, $0x2  }
0xb9: {  	s3 =	sand.u32 $0x4000, s31;
	s1 =	sadd.s32 s1, s30  }
0xba: {  	s0 =	sor.u32 s3, s0;
	s1 =	sshll.u32 s1, $0x11  }
0xbb: {  	s0 =	sor.u32 s1, s0  }
0xbc: {  	s0 =	sadd.s32 $0x8F2B, s0  }
0xbd: {  	[sflag:s0] =	ssyncadd.remote.s32 $0x1  }
0xbe: {  	_ =	sfence.sel $0xFFFF  }
0xbf: {  	[dreg:$0x0] =	wrdreg $0xFFFFFFFF;
	(pc) =	sbr.abs _section_cstart, $3  }
0xc0: {  	[dreg:$0x1] =	wrdreg $0xFFFFFFFF  }
0xc1: {  	_ =	task.clear_ibuf [dreg:s6], $0x2FFFF;
	_ =	strace $0x9FFFFFFF  }
0xc2: {  	(tm) =	ssettm $0x7FFFFFFF  }
0xc3: {  	_ =	shalt  }
tec
execute0_lowered:
.L_overlay_start_1:
0x0: {  	(tag) =	ssettag $0x1  }
0x1: {  	s0 =	rddreg [dreg:$0x0]  }
0x2: {  	s2 =	rddreg [dreg:$0x1];
	s1 =	srdreg.scid  }
0x3: {  	s13 =	stileid.u32;
	s3 =	simm.s32 $0x0;
	s14 =	simm.s32 $0x9  }
0x4: {  	s15 =	simm.s32 $0x80;
	s16 =	simm.s32 $0x7000;
	s17 =	simm.s32 $0x8000  }
0x5: {  	s19 =	simm.s32 $0x9000;
	s20 =	simm.s32 $0x1;
	s23 =	simm.s32 $0xA000  }
0x6: {  	s24 =	simm.s32 $0x2;
	s29 =	simm.s32 $0x3;
	s5 =	smul.u32 $0xA00, s13  }
0x7: {  	s31 =	simm.s32 $0x6;
	s18 =	simm.s32 $0x4;
	s7 =	smul.u32 $0x1800, s13  }
0x8: {  	s1 =	sand.u32 $0x1, s1;
	[smem:$0x7FF] =	sst s3;
	s12 =	smul.u32 $0x700, s13  }
0x9: {  	s4 =	sadd.s32 $0x3A00, s0;
	s8 =	sadd.s32 $0x17A00, s0;
	s13 =	smul.u32 $0x14000, s13  }
0xa: {  	s6 =	smul.u32 $0xA000, s1;
	_ =	strace $0x8000004D;
	s25 =	ssub.s32 $0x2, s1  }
0xb: {  	p0 =	seq.s32 s1, $0x0;
	s10 =	sshrl.u32 s25, $0x1;
	s7 =	sshrl.u32 s7, $0x3  }
0xc: {  	s28 =	sshrl.u32 s13, $0x2;
	s5 =	sadd.s32 s5, s6;
	s11 =	sadd.s32 $0x7000, s7  }
0xd: {  	s10 =	ssub.s32 s25, s10;
	s7 =	sadd.s32 s8, s12;
	s25 =	simm.s32 $0x8  }
0xe: {  	s9 =	sadd.s32 s5, s0;
	s5 =	simm.s32 $0x70;
	s26 =	sadd.s32 s8, s11  }
0xf: {  	s0 =	sadd.s32 $0x21A00, s0;
	s8 =	sadd.s32 s28, s2;
	s10 =	smax.u32 s10, $0x1  }
0x10: {  	s5 =	simm.s32 @!p0 $0x30;
	[dreg:$0x4] =	wrdreg s26;
	s9 =	sadd.s32 $0x53A00, s9  }
0x11: {  	p0 =	sne.s32 s1, $0x0;
	s26 =	simm.s32 $0x5;
	s30 =	sshll.u32 s5, $0x9  }
0x12: {  	s1 =	simm.s32 $0x7;
	s11 =	sadd.s32 @p0 s11, s0;
	s13 =	sadd.s32 $0xFFFFF000, s30  }
0x13: {  	v0 =	vimm.f32 $0.0e+00;
	s12 =	sadd.s32 @!p0 s12, s0;
	[dreg:$0x3] =	wrdreg s13;
	s13 =	simm.s32 $0xB000  }
.LBB2_1:
0x14: {  	[tilespmem:$0xB000] =	vst v0  }
0x15: {  	[tilespmem:$0xB010] =	vst v0  }
0x16: {  	[tilespmem:$0xB020] =	vst v0  }
0x17: {  	[tilespmem:$0xB030] =	vst v0  }
0x18: {  	[tilespmem:$0xB040] =	vst v0  }
0x19: {  	[tilespmem:$0xB050] =	vst v0  }
0x1a: {  	[tilespmem:$0xB060] =	vst v0  }
0x1b: {  	[tilespmem:$0xB070] =	vst v0  }
0x1c: {  	[tilespmem:$0xB080] =	vst v0  }
0x1d: {  	[tilespmem:$0xB090] =	vst v0  }
0x1e: {  	[tilespmem:$0xB0A0] =	vst v0  }
0x1f: {  	[tilespmem:$0xB0B0] =	vst v0  }
0x20: {  	[tilespmem:$0xB0C0] =	vst v0  }
0x21: {  	[tilespmem:$0xB0D0] =	vst v0  }
0x22: {  	[tilespmem:$0xB0E0] =	vst v0  }
0x23: {  	[tilespmem:$0xB0F0] =	vst v0  }
0x24: {  	[tilespmem:$0xB100] =	vst v0  }
0x25: {  	[tilespmem:$0xB110] =	vst v0  }
0x26: {  	[tilespmem:$0xB120] =	vst v0  }
0x27: {  	[tilespmem:$0xB130] =	vst v0  }
0x28: {  	[tilespmem:$0xB140] =	vst v0  }
0x29: {  	[tilespmem:$0xB150] =	vst v0  }
0x2a: {  	[tilespmem:$0xB160] =	vst v0  }
0x2b: {  	[tilespmem:$0xB170] =	vst v0  }
0x2c: {  	[tilespmem:$0xB180] =	vst v0  }
0x2d: {  	[tilespmem:$0xB190] =	vst v0  }
0x2e: {  	[tilespmem:$0xB1A0] =	vst v0  }
0x2f: {  	[tilespmem:$0xB1B0] =	vst v0  }
0x30: {  	[tilespmem:$0xB1C0] =	vst v0  }
0x31: {  	[tilespmem:$0xB1D0] =	vst v0  }
0x32: {  	[tilespmem:$0xB1E0] =	vst v0  }
0x33: {  	[tilespmem:$0xB1F0] =	vst v0;
	s28 =	simm.s32 @p0 $0x0;
	s0 =	rddreg [dreg:$0x4];
	s30 =	simm.s32 @p0 $0x9  }
0x34: {  	[tilespmem:s28], [sflag:$0x9] =	stream.linear.gather @p0 [hbm4b:s0+s28], $0x1800, $0x38;
	[tilespmem:$0x10200] =	vst v63  }
0x35: {  	_ =	swait.ge @p0 [sflag:s30], $0x1800  }
0x36: {  	[sflag:s30] =	ssyncset.done @p0 $0x0  }
0x37: {  	s0 =	simm.s32 @p0 $0x3800;
	[sflag:s30] =	ssyncadd.s32 @p0 $0xFFFFE800  }
0x38: {  	[tilespmem:s0], [sflag:$0x9] =	stream.linear.gather @p0 [hbm4b:s11+s28], $0x1800, $0x38;
	[tilespmem:$0x10200] =	vst v63  }
0x39: {  	_ =	swait.ge @p0 [sflag:s30], $0x1800  }
0x3a: {  	[sflag:s30] =	ssyncset.done @p0 $0x0  }
0x3b: {  	s0 =	simm.s32 @!p0 $0x0;
	s28 =	simm.s32 @!p0 $0x9;
	[sflag:s30] =	ssyncadd.s32 @p0 $0xFFFFE800  }
0x3c: {  	[tilespmem:s0], [sflag:$0x9] =	stream.linear.gather @!p0 [hbm4b:s7+s0], $0x3800, $0x38;
	[tilespmem:$0x10200] =	vst v63  }
0x3d: {  	_ =	swait.ge @!p0 [sflag:s28], $0x3800  }
0x3e: {  	[sflag:s28] =	ssyncset.done @!p0 $0x0  }
0x3f: {  	s30 =	simm.s32 @!p0 $0x3800;
	[sflag:s28] =	ssyncadd.s32 @!p0 $0xFFFFC800  }
0x40: {  	[tilespmem:s30], [sflag:$0x9] =	stream.linear.gather @!p0 [hbm4b:s12+s0], $0x3800, $0x38;
	[tilespmem:$0x10200] =	vst v63  }
0x41: {  	_ =	swait.ge @!p0 [sflag:s28], $0x3800  }
0x42: {  	[sflag:s28] =	ssyncset.done @!p0 $0x0  }
0x43: {  	s30 =	sadd.s32 $0x0, s8;
	[sflag:s28] =	ssyncadd.s32 @!p0 $0xFFFFC800  }
0x44: {  	[spmem:s30] =	stream.linear.scatter [tilespmem:s13], [sflag:$0x9], $0x200, $0x38;
	[tilespmem:$0x10200] =	vst v63  }
0x45: {  	s28 =	simm.s32 $0x800;
	_ =	swait.ge [sflag:s14], $0x200  }
.LBB2_2:
0x46: {  	s0 =	sshra.s32 s28, $0x2;
	[sflag:s14] =	ssyncset.done $0x0;
	p1 =	sne.s32 s28, $0x13800  }
.Ltmp0:
0x47: {  	s0 =	sadd.s32 s0, s8;
	[sflag:s14] =	ssyncadd.s32 $0xFFFFFE00;
	(pc) =	sbr.rel @p1 .LBB2_2-.Ltmp0, $3  }
0x48: {  	[spmem:s0] =	stream.linear.scatter [tilespmem:s13], [sflag:$0x9], $0x200, $0x38;
	[tilespmem:$0x10200] =	vst v63  }
0x49: {  	s28 =	sadd.s32 $0x800, s28;
	_ =	sdelay $0x1  }
0x4a: {  	_ =	swait.ge [sflag:s14], $0x200  }
0x4b: {  	[sflag:s14] =	ssyncset.done $0x0  }
0x4c: {  	[sflag:s14] =	ssyncadd.s32 $0xFFFFFE00  }
0x4d: {  	s28 =	simm.s32 $0x0;
	[bflag:$0x0] =	sbarrier.arrive $0xFFFF  }
0x4e: {  	[tilespmem:s16], [sflag:$0x1] =	stream.indirect.gather [hbm4b:s4+s15], $0x20, s28, s15, $0xb8;
	[tilespmem:$0x10200] =	vst v63  }
0x4f: {  	_ = 	snop  }
0x50: {  	[tilespmem:s17], [sflag:$0x2] =	stream.indirect.gather [hbm4b:s4+s15], $0x20, s15, s15, $0xb8;
	[tilespmem:$0x10200] =	vst v63  }
0x51: {  	s0 =	simm.s32 $0x100  }
0x52: {  	[tilespmem:s19], [sflag:$0x3] =	stream.indirect.gather [hbm4b:s4+s15], $0x20, s0, s15, $0xb8;
	[tilespmem:$0x10200] =	vst v63  }
0x53: {  	_ =	swait.ge [sflag:s20], $0x1000  }
0x54: {  	[sflag:s20] =	ssyncset.done $0x0  }
0x55: {  	s21 =	simm.s32 $0x3800;
	[sflag:s20] =	ssyncadd.s32 $0xFFFFF000  }
0x56: {  	[spmem:s2] =	stream.indirect.scatter.add.f32 [tilespmem:s16], [sflag:$0x5], $0x20, s21, s15, $0xb8;
	[tilespmem:$0x10200] =	vst v63  }
0x57: {  	s22 =	simm.s32 $0x180  }
0x58: {  	[tilespmem:s23], [sflag:$0x4] =	stream.indirect.gather [hbm4b:s4+s15], $0x20, s22, s15, $0xb8;
	[tilespmem:$0x10200] =	vst v63  }
0x59: {  	_ =	swait.ge [sflag:s24], $0x1000  }
0x5a: {  	[sflag:s24] =	ssyncset.done $0x0  }
0x5b: {  	s6 =	simm.s32 $0x3880;
	[sflag:s24] =	ssyncadd.s32 $0xFFFFF000  }
0x5c: {  	[spmem:s2] =	stream.indirect.scatter.add.f32 [tilespmem:s17], [sflag:$0x6], $0x20, s6, s15, $0xb8;
	[tilespmem:$0x10200] =	vst v63  }
0x5d: {  	_ =	swait.ge [sflag:s26], $0x1000  }
0x5e: {  	[sflag:s26] =	ssyncset.done $0x0  }
0x5f: {  	s21 =	simm.s32 $0x200;
	[sflag:s26] =	ssyncadd.s32 $0xFFFFF000  }
0x60: {  	[tilespmem:s16], [sflag:$0x1] =	stream.indirect.gather [hbm4b:s4+s15], $0x20, s21, s15, $0xb8;
	[tilespmem:$0x10200] =	vst v63  }
0x61: {  	_ =	swait.ge [sflag:s29], $0x1000  }
0x62: {  	[sflag:s29] =	ssyncset.done $0x0  }
0x63: {  	s22 =	simm.s32 $0x3900;
	[sflag:s29] =	ssyncadd.s32 $0xFFFFF000  }
0x64: {  	[spmem:s2] =	stream.indirect.scatter.add.f32 [tilespmem:s19], [sflag:$0x7], $0x20, s22, s15, $0xb8;
	[tilespmem:$0x10200] =	vst v63  }
0x65: {  	_ =	swait.ge [sflag:s31], $0x1000  }
0x66: {  	[sflag:s31] =	ssyncset.done $0x0  }
0x67: {  	s6 =	simm.s32 $0x280;
	[sflag:s31] =	ssyncadd.s32 $0xFFFFF000  }
0x68: {  	[tilespmem:s17], [sflag:$0x2] =	stream.indirect.gather [hbm4b:s4+s15], $0x20, s6, s15, $0xb8;
	[tilespmem:$0x10200] =	vst v63  }
0x69: {  	_ =	swait.ge [sflag:s18], $0x1000  }
0x6a: {  	[sflag:s18] =	ssyncset.done $0x0  }
0x6b: {  	s21 =	simm.s32 $0x3980;
	[sflag:s18] =	ssyncadd.s32 $0xFFFFF000  }
0x6c: {  	[spmem:s2] =	stream.indirect.scatter.add.f32 [tilespmem:s23], [sflag:$0x8], $0x20, s21, s15, $0xb8;
	[tilespmem:$0x10200] =	vst v63  }
0x6d: {  	_ =	swait.ge [sflag:s1], $0x1000  }
0x6e: {  	[sflag:s1] =	ssyncset.done $0x0  }
0x6f: {  	s30 =	simm.s32 $0xA;
	s22 =	simm.s32 $0x300;
	[sflag:s1] =	ssyncadd.s32 $0xFFFFF000  }
0x70: {  	[tilespmem:s19], [sflag:$0x3] =	stream.indirect.gather [hbm4b:s4+s15], $0x20, s22, s15, $0xb8;
	[tilespmem:$0x10200] =	vst v63  }
.LBB2_4:
0x71: {  	_ =	swait.ge [sflag:s20], $0x1000  }
0x72: {  	s0 =	sshra.s32 s28, $0x2;
	s6 =	sadd.s32 $0xFFFFFFFD, s30;
	[sflag:s20] =	ssyncset.done $0x0  }
0x73: {  	s21 =	sadd.s32 $0x3A00, s0;
	p1 =	sge.u32 s6, s5;
	[sflag:s20] =	ssyncadd.s32 $0xFFFFF000  }
0x74: {  	[spmem:s2] =	stream.indirect.scatter.add.f32 [tilespmem:s16], [sflag:$0x5], $0x20, s21, s15, $0xb8;
	[tilespmem:$0x10200] =	vst v63  }
0x75: {  	s21 =	simm.s32 @!p1 $0x8  }
0x76: {  	_ =	swait.ge @!p1 [sflag:s21], $0x1000  }
0x77: {  	[sflag:s21] =	ssyncset.done @!p1 $0x0  }
0x78: {  	[sflag:s21] =	ssyncadd.s32 @!p1 $0xFFFFF000;
	s21 =	sshra.s32 @!p1 s28, $0x2  }
0x79: {  	s22 =	simm.s32 @!p1 $0x80;
	s6 =	simm.s32 @!p1 $0xA000;
	s21 =	sadd.s32 @!p1 $0x380, s21  }
0x7a: {  	[tilespmem:s6], [sflag:$0x4] =	stream.indirect.gather @!p1 [hbm4b:s4+s22], $0x20, s21, s22, $0xb8;
	[tilespmem:$0x10200] =	vst v63  }
0x7b: {  	s22 =	sadd.s32 $0xFFFFFFFE, s30;
	_ =	swait.ge [sflag:s24], $0x1000  }
0x7c: {  	p1 =	sge.u32 s22, s5;
	[sflag:s24] =	ssyncset.done $0x0  }
0x7d: {  	s21 =	sadd.s32 $0x3A80, s0;
	s6 =	simm.s32 @!p1 $0x5;
	[sflag:s24] =	ssyncadd.s32 $0xFFFFF000  }
0x7e: {  	[spmem:s2] =	stream.indirect.scatter.add.f32 [tilespmem:s17], [sflag:$0x6], $0x20, s21, s15, $0xb8;
	[tilespmem:$0x10200] =	vst v63  }
0x7f: {  	_ =	swait.ge @!p1 [sflag:s6], $0x1000  }
0x80: {  	[sflag:s6] =	ssyncset.done @!p1 $0x0  }
0x81: {  	[sflag:s6] =	ssyncadd.s32 @!p1 $0xFFFFF000;
	s6 =	sshra.s32 @!p1 s28, $0x2  }
0x82: {  	s22 =	simm.s32 @!p1 $0x7000;
	s21 =	simm.s32 @!p1 $0x80;
	s6 =	sadd.s32 @!p1 $0x400, s6  }
0x83: {  	[tilespmem:s22], [sflag:$0x1] =	stream.indirect.gather @!p1 [hbm4b:s4+s21], $0x20, s6, s21, $0xb8;
	[tilespmem:$0x10200] =	vst v63  }
0x84: {  	s22 =	sadd.s32 $0xFFFFFFFF, s30;
	_ =	swait.ge [sflag:s29], $0x1000  }
0x85: {  	p1 =	sge.u32 s22, s5;
	[sflag:s29] =	ssyncset.done $0x0  }
0x86: {  	s21 =	sadd.s32 $0x3B00, s0;
	s6 =	simm.s32 @!p1 $0x6;
	[sflag:s29] =	ssyncadd.s32 $0xFFFFF000  }
0x87: {  	[spmem:s2] =	stream.indirect.scatter.add.f32 [tilespmem:s19], [sflag:$0x7], $0x20, s21, s15, $0xb8;
	[tilespmem:$0x10200] =	vst v63  }
0x88: {  	_ =	swait.ge @!p1 [sflag:s6], $0x1000  }
0x89: {  	[sflag:s6] =	ssyncset.done @!p1 $0x0  }
0x8a: {  	[sflag:s6] =	ssyncadd.s32 @!p1 $0xFFFFF000;
	s6 =	sshra.s32 @!p1 s28, $0x2  }
0x8b: {  	s22 =	simm.s32 @!p1 $0x8000;
	s21 =	simm.s32 @!p1 $0x80;
	s6 =	sadd.s32 @!p1 $0x480, s6  }
0x8c: {  	[tilespmem:s22], [sflag:$0x2] =	stream.indirect.gather @!p1 [hbm4b:s4+s21], $0x20, s6, s21, $0xb8;
	[tilespmem:$0x10200] =	vst v63  }
0x8d: {  	_ =	swait.ge [sflag:s18], $0x1000  }
0x8e: {  	[sflag:s18] =	ssyncset.done $0x0  }
0x8f: {  	s0 =	sadd.s32 $0x3B80, s0;
	p1 =	sge.u32 s30, s5;
	[sflag:s18] =	ssyncadd.s32 $0xFFFFF000  }
0x90: {  	[spmem:s2] =	stream.indirect.scatter.add.f32 [tilespmem:s23], [sflag:$0x8], $0x20, s0, s15, $0xb8;
	[tilespmem:$0x10200] =	vst v63  }
0x91: {  	s0 =	simm.s32 @!p1 $0x7  }
0x92: {  	s6 =	sshra.s32 @!p1 s28, $0x2;
	s21 =	simm.s32 @!p1 $0x9000;
	_ =	swait.ge @!p1 [sflag:s0], $0x1000  }
0x93: {  	s28 =	sadd.s32 $0x800, s28;
	[sflag:s0] =	ssyncset.done @!p1 $0x0;
	s22 =	rddreg [dreg:$0x3]  }
0x94: {  	[sflag:s0] =	ssyncadd.s32 @!p1 $0xFFFFF000;
	s0 =	sadd.s32 @!p1 $0x500, s6;
	s6 =	simm.s32 @!p1 $0x80  }
0x95: {  	[tilespmem:s21], [sflag:$0x3] =	stream.indirect.gather @!p1 [hbm4b:s4+s6], $0x20, s0, s6, $0xb8;
	[tilespmem:$0x10200] =	vst v63  }
0x96: {  	p1 =	sne.s32 s22, s28  }
.Ltmp1:
0x97: {  	_ = 	snop;
	(pc) =	sbr.rel @p1 .LBB2_4-.Ltmp1, $2  }
0x98: {  	_ =	sdelay $0x2  }
0x99: {  	s30 =	sadd.s32 $0x4, s30  }
0x9a: {  	_ =	swait.ge [sflag:s20], $0x1000  }
0x9b: {  	s0 =	sshra.s32 s28, $0x2;
	s22 =	sadd.s32 $0xFFFFFFFD, s30;
	[sflag:s20] =	ssyncset.done $0x0  }
0x9c: {  	s6 =	sadd.s32 $0x3A00, s0;
	p1 =	sge.u32 s22, s5;
	[sflag:s20] =	ssyncadd.s32 $0xFFFFF000  }
0x9d: {  	[spmem:s2] =	stream.indirect.scatter.add.f32 [tilespmem:s16], [sflag:$0x5], $0x20, s6, s15, $0xb8;
	[tilespmem:$0x10200] =	vst v63  }
0x9e: {  	s6 =	simm.s32 @!p1 $0x8  }
0x9f: {  	_ =	swait.ge @!p1 [sflag:s6], $0x1000  }
0xa0: {  	[sflag:s6] =	ssyncset.done @!p1 $0x0  }
0xa1: {  	[sflag:s6] =	ssyncadd.s32 @!p1 $0xFFFFF000;
	s6 =	sshra.s32 @!p1 s28, $0x2  }
0xa2: {  	s21 =	simm.s32 @!p1 $0x80;
	s22 =	simm.s32 @!p1 $0xA000;
	s6 =	sadd.s32 @!p1 $0x380, s6  }
0xa3: {  	[tilespmem:s22], [sflag:$0x4] =	stream.indirect.gather @!p1 [hbm4b:s4+s21], $0x20, s6, s21, $0xb8;
	[tilespmem:$0x10200] =	vst v63  }
0xa4: {  	s22 =	sadd.s32 $0xFFFFFFFE, s30;
	_ =	swait.ge [sflag:s24], $0x1000  }
0xa5: {  	p1 =	sge.u32 s22, s5;
	[sflag:s24] =	ssyncset.done $0x0  }
0xa6: {  	s21 =	sadd.s32 $0x3A80, s0;
	s6 =	simm.s32 @!p1 $0x5;
	[sflag:s24] =	ssyncadd.s32 $0xFFFFF000  }
0xa7: {  	[spmem:s2] =	stream.indirect.scatter.add.f32 [tilespmem:s17], [sflag:$0x6], $0x20, s21, s15, $0xb8;
	[tilespmem:$0x10200] =	vst v63  }
0xa8: {  	_ =	swait.ge @!p1 [sflag:s6], $0x1000  }
0xa9: {  	[sflag:s6] =	ssyncset.done @!p1 $0x0  }
0xaa: {  	[sflag:s6] =	ssyncadd.s32 @!p1 $0xFFFFF000;
	s6 =	sshra.s32 @!p1 s28, $0x2  }
0xab: {  	s22 =	simm.s32 @!p1 $0x7000;
	s21 =	simm.s32 @!p1 $0x80;
	s6 =	sadd.s32 @!p1 $0x400, s6  }
0xac: {  	[tilespmem:s22], [sflag:$0x1] =	stream.indirect.gather @!p1 [hbm4b:s4+s21], $0x20, s6, s21, $0xb8;
	[tilespmem:$0x10200] =	vst v63  }
0xad: {  	s22 =	sadd.s32 $0xFFFFFFFF, s30;
	_ =	swait.ge [sflag:s29], $0x1000  }
0xae: {  	p1 =	sge.u32 s22, s5;
	[sflag:s29] =	ssyncset.done $0x0  }
0xaf: {  	s21 =	sadd.s32 $0x3B00, s0;
	s6 =	simm.s32 @!p1 $0x6;
	[sflag:s29] =	ssyncadd.s32 $0xFFFFF000  }
0xb0: {  	[spmem:s2] =	stream.indirect.scatter.add.f32 [tilespmem:s19], [sflag:$0x7], $0x20, s21, s15, $0xb8;
	[tilespmem:$0x10200] =	vst v63  }
0xb1: {  	_ =	swait.ge @!p1 [sflag:s6], $0x1000  }
0xb2: {  	[sflag:s6] =	ssyncset.done @!p1 $0x0  }
0xb3: {  	[sflag:s6] =	ssyncadd.s32 @!p1 $0xFFFFF000;
	s6 =	sshra.s32 @!p1 s28, $0x2  }
0xb4: {  	s22 =	simm.s32 @!p1 $0x8000;
	s21 =	simm.s32 @!p1 $0x80;
	s6 =	sadd.s32 @!p1 $0x480, s6  }
0xb5: {  	[tilespmem:s22], [sflag:$0x2] =	stream.indirect.gather @!p1 [hbm4b:s4+s21], $0x20, s6, s21, $0xb8;
	[tilespmem:$0x10200] =	vst v63  }
0xb6: {  	_ =	swait.ge [sflag:s18], $0x1000  }
0xb7: {  	[sflag:s18] =	ssyncset.done $0x0  }
0xb8: {  	s0 =	sadd.s32 $0x3B80, s0;
	p1 =	sge.u32 s30, s5;
	[sflag:s18] =	ssyncadd.s32 $0xFFFFF000  }
0xb9: {  	[spmem:s2] =	stream.indirect.scatter.add.f32 [tilespmem:s23], [sflag:$0x8], $0x20, s0, s15, $0xb8;
	[tilespmem:$0x10200] =	vst v63  }
0xba: {  	s0 =	simm.s32 @!p1 $0x7  }
0xbb: {  	_ =	swait.ge @!p1 [sflag:s0], $0x1000  }
0xbc: {  	[sflag:s0] =	ssyncset.done @!p1 $0x0  }
0xbd: {  	[sflag:s0] =	ssyncadd.s32 @!p1 $0xFFFFF000;
	s0 =	sshra.s32 @!p1 s28, $0x2  }
0xbe: {  	s6 =	simm.s32 @!p1 $0x80;
	s21 =	simm.s32 @!p1 $0x9000;
	s0 =	sadd.s32 @!p1 $0x500, s0  }
0xbf: {  	[tilespmem:s21], [sflag:$0x3] =	stream.indirect.gather @!p1 [hbm4b:s4+s6], $0x20, s0, s6, $0xb8;
	[tilespmem:$0x10200] =	vst v63  }
0xc0: {  	_ =	swait.ge [sflag:s26], $0x1000  }
0xc1: {  	[sflag:s26] =	ssyncset.done $0x0  }
0xc2: {  	[sflag:s26] =	ssyncadd.s32 $0xFFFFF000  }
0xc3: {  	_ =	swait.ge [sflag:s31], $0x1000  }
0xc4: {  	[sflag:s31] =	ssyncset.done $0x0  }
0xc5: {  	[sflag:s31] =	ssyncadd.s32 $0xFFFFF000  }
0xc6: {  	_ =	swait.ge [sflag:s1], $0x1000  }
0xc7: {  	[sflag:s1] =	ssyncset.done $0x0  }
0xc8: {  	[sflag:s1] =	ssyncadd.s32 $0xFFFFF000  }
0xc9: {  	s3 =	sadd.s32 $0x1, s3;
	_ =	swait.ge [sflag:s25], $0x1000  }
0xca: {  	s30 =	sshrl.u32 s8, $0x3;
	s28 =	stileid.u32;
	[sflag:s25] =	ssyncset.done $0x0  }
0xcb: {  	s0 =	sshll.u32 s28, $0x6;
	p1 =	sne.s32 s3, s10;
	[sflag:s25] =	ssyncadd.s32 $0xFFFFF000  }
.Ltmp2:
0xcc: {  	s0 =	sor.u32 $0x1C09, s0;
	[bflag:$0x0] =	sbarrier.arrive $0xFFFF;
	(pc) =	sbr.rel @p1 .LBB2_1-.Ltmp2, $4  }
0xcd: {  	[hbm:s9], [sflag:s0] =	dma.local [spmem:s30], $0xA00  }
0xce: {  	_ =	swait.ge [sflag:s14], $0xA00  }
0xcf: {  	[sflag:s14] =	ssyncset.done $0x0  }
0xd0: {  	[sflag:s14] =	ssyncadd.s32 $0xFFFFF600  }
0xd1: {  	_ =	sfence.sel $0x180000  }
0xd2: {  	[bflag:$0x0] =	sbarrier.arrive $0xFFFF  }
0xd3: {  	_ =	strace $0x9000004D  }
0xd4: {  	s0 =	stileid.u32;
	[bflag:$0x2] =	sbarrier.arrive $0xFFFF  }
0xd5: {  	p0 =	sne.s32 s0, $0x0;
	s0 =	rddreg [dreg:$0x2]  }
0xd6: {  	s0 =	sadd.s32 @!p0 $0x100000, s0  }
0xd7: {  	[sflag:s0] =	ssyncadd.tile.s32 @!p0 $0x1;
	_ =	shalt  }
.Lfunc_end2:
_tile_overlayer_lowered:
.L_overlay_start_2:
0xd8: {  	(tag) =	ssettag $0x2  }
0xd9: {  	s0 =	rddreg [dreg:$0x0];
	s2 =	stileid.u32  }
0xda: {  	s1 =	rddreg [dreg:$0x1];
	p0 =	sne.s32 s2, $0x0  }
0xdb: {  	s3 =	rddreg [dreg:$0x2];
	[bflag:$0x3] =	sbarrier.arrive $0xFFFF;
	s2 =	simm.s32 @!p0 $0x1C09  }
0xdc: {  	[timem:s3], [sflag:s2] =	dma.local @!p0 [hbm:s0], s1  }
0xdd: {  	s0 =	simm.s32 @!p0 $0x9  }
0xde: {  	_ =	swait.ge @!p0 [sflag:s0], s1  }
0xdf: {  	s1 =	ssub.s32 @!p0 $0x0, s1;
	[sflag:s0] =	ssyncset.done @!p0 $0x0  }
0xe0: {  	[sflag:s0] =	ssyncadd.s32 @!p0 s1  }
0xe1: {  	[bflag:$0x3] =	sbarrier.arrive $0xFFFF  }
0xe2: {  	_ =	shalt  }

</sc_bundles>
